<compile_context>
chip_gen: v7x
topology: tpu7x:2x2x1
jax: 0.10.2.dev20260603
libtpu: 0.0.44.dev20260713+nightly
codegen_flags: <defaults>
</compile_context>

<pallas_src>
import functools

import jax
import jax.numpy as jnp
from jax import lax
from jax.experimental import pallas as pl
from jax.experimental.pallas import tpu as pltpu
from jax.experimental.pallas import tpu_sc as plsc

N = 10000
E = 320000
DIN = 256
H = 128
C = 18
K = 38

NC = 2
NS = 16
NW = NC * NS
RPT = 80
ICH = 8
EROW = 64
RPT2 = 160
ICH2 = 16
ER = NW * RPT
EP = ER * H
JR = 1024
NPAD = N + JR
NG = N // 16
GPS = NG // NS



def _zero_shared(sh_ref, ztile, s):
    def zbody(g, carry):
        gid = s + NS * g
        pltpu.sync_copy(ztile, sh_ref.at[pl.ds(gid * 16, 16)])
        return carry
    lax.fori_loop(0, GPS, zbody, 0)

    @pl.when(s == 0)
    def _():
        pltpu.sync_copy(ztile, sh_ref.at[pl.ds(GPS * NS * 16, 16)])


def _copy_out_shared(sh_ref, out_ref, c, s, width):
    def obody(g, carry):
        gid = s + NS * g
        pltpu.sync_copy(sh_ref.at[pl.ds(gid * 16, 16)],
                        out_ref.at[pl.ds(c * N + gid * 16, 16)])
        return carry
    lax.fori_loop(0, GPS, obody, 0)

    @pl.when(s == 0)
    def _():
        base = GPS * NS * 16
        pltpu.sync_copy(sh_ref.at[pl.ds(base, 16)],
                        out_ref.at[pl.ds(c * N + base, 16)])


def _sc_degree_body(ei_hbm, out_hbm, dstv, ones_v, ztile, deg_sh):
    c = lax.axis_index("c")
    s = lax.axis_index("s")
    w = c * NS + s
    for i in range(H):
        ones_v[i, :] = jnp.ones((16,), jnp.float32)
    for i in range(16):
        ztile[i, :] = jnp.zeros((16,), jnp.float32)
    _zero_shared(deg_sh, ztile, s)
    plsc.subcore_barrier()

    pltpu.sync_copy(ei_hbm.at[1, pl.ds(w * RPT, RPT)], dstv)

    def ebody(i, carry):
        pltpu.sync_copy(ones_v, deg_sh.at[dstv.at[i]], add=True)
        return carry
    lax.fori_loop(0, RPT, ebody, 0)

    plsc.subcore_barrier()
    _copy_out_shared(deg_sh, out_hbm, c, s, 16)


def _sc_edge_body(ei_hbm, y_hbm, out_hbm, sidx, didx, rows, ztile, sems,
                  y_sh):
    c = lax.axis_index("c")
    s = lax.axis_index("s")
    w = c * NS + s
    NB = 4

    def ybody(g, carry):
        gid = s + NS * g
        pltpu.sync_copy(y_hbm.at[pl.ds(gid * 16, 16)],
                        y_sh.at[pl.ds(gid * 16, 16)])
        return carry
    lax.fori_loop(0, GPS, ybody, 0)

    @pl.when(s == 0)
    def _():
        pltpu.sync_copy(y_hbm.at[pl.ds(GPS * NS * 16, 16)],
                        y_sh.at[pl.ds(GPS * NS * 16, 16)])
    plsc.subcore_barrier()

    def cbody(ch, carry):
        base = w * RPT2 + ch * ICH2
        pltpu.sync_copy(ei_hbm.at[0, pl.ds(base, ICH2)], sidx)
        pltpu.sync_copy(ei_hbm.at[1, pl.ds(base, ICH2)], didx)
        for g in range(NB - 1):
            pltpu.async_copy(y_sh.at[sidx.at[g]], rows.at[g], sems.at[g])
        for g in range(ICH2):
            b = g % NB
            if g + NB - 1 < ICH2:
                bn = (g + NB - 1) % NB
                pltpu.async_copy(y_sh.at[sidx.at[g + NB - 1]], rows.at[bn],
                                 sems.at[bn])
            pltpu.make_async_copy(y_sh.at[sidx.at[g]], rows.at[b],
                                  sems.at[b]).wait()
        return carry
    lax.fori_loop(0, RPT2 // ICH2, cbody, 0)

    plsc.subcore_barrier()
    pltpu.sync_copy(rows.at[0].at[pl.ds(0, 16)], out_hbm.at[pl.ds(w * 16, 16)])


@functools.cache
def _build_sc_kernels():
    mesh = plsc.VectorSubcoreMesh(core_axis_name="c", subcore_axis_name="s",
                                  num_cores=NC, num_subcores=NS)
    deg_k = pl.kernel(
        _sc_degree_body,
        out_type=jax.ShapeDtypeStruct((NC * N, 16), jnp.float32),
        mesh=mesh,
        scratch_types=[
            pltpu.VMEM((RPT, H), jnp.int32),
            pltpu.VMEM((H, 16), jnp.float32),
            pltpu.VMEM((16, 16), jnp.float32),
            pltpu.VMEM_SHARED((NPAD, 16), jnp.float32),
        ],
    )
    edge_k = pl.kernel(
        _sc_edge_body,
        out_type=jax.ShapeDtypeStruct((NC * N, H), jnp.float32),
        mesh=mesh,
        scratch_types=[
            pltpu.VMEM((ICH2, EROW), jnp.int32),
            pltpu.VMEM((ICH2, EROW), jnp.int32),
            pltpu.VMEM((4, EROW, H), jnp.float32),
            pltpu.VMEM((16, H), jnp.float32),
            pltpu.SemaphoreType.DMA((4,)),
            pltpu.VMEM_SHARED((N, H), jnp.float32),
        ],
    )
    return deg_k, edge_k


def _kwta(xw):
    bits = lax.bitcast_convert_type(xw, jnp.int32)
    skey = bits ^ (lax.shift_right_arithmetic(bits, 31) & jnp.int32(0x7FFFFFFF))
    minint = jnp.int32(-(2**31))
    prefix = jnp.zeros((xw.shape[0], 1), jnp.int32)
    for b in range(31, -1, -1):
        bit = minint if b == 31 else jnp.int32(1 << b)
        cand_u = prefix | bit
        cand_s = cand_u ^ minint
        cnt = jnp.sum((skey >= cand_s).astype(jnp.int32), axis=1, keepdims=True)
        prefix = jnp.where(cnt >= K, cand_u, prefix)
    kth_s = prefix ^ minint
    return jnp.where(skey >= kth_s, xw, jnp.float32(0.0))


BR = 1000


def _tc1_body(x_ref, w_ref, b_ref, o_ref):
    xw = jnp.dot(x_ref[...], w_ref[...], preferred_element_type=jnp.float32)
    o_ref[...] = _kwta(xw + b_ref[...])


def _tc2_body(h_ref, w_ref, d0_ref, d1_ref, o_ref):
    deg = 1.0 + d0_ref[...][:, 0:1] + d1_ref[...][:, 0:1]
    dinv = lax.rsqrt(deg)
    xw = jnp.dot(h_ref[...], w_ref[...], preferred_element_type=jnp.float32)
    o_ref[...] = xw * dinv


def _tc3_body(a0_ref, a1_ref, y_ref, d0_ref, d1_ref, b_ref, w_ref, o_ref):
    deg = 1.0 + d0_ref[...][:, 0:1] + d1_ref[...][:, 0:1]
    dinv = lax.rsqrt(deg)
    ssum = (a0_ref[...] + a1_ref[...] + y_ref[...]) * dinv + b_ref[...]
    h = _kwta(ssum)
    o_ref[...] = jnp.dot(h, w_ref[...], preferred_element_type=jnp.float32) * dinv


def _tc4_body(a0_ref, a1_ref, y_ref, d0_ref, d1_ref, b_ref, w_ref, b2_ref,
              o_ref):
    deg = 1.0 + d0_ref[...][:, 0:1] + d1_ref[...][:, 0:1]
    dinv = lax.rsqrt(deg)
    ssum = (a0_ref[...] + a1_ref[...] + y_ref[...]) * dinv + b_ref[...]
    h = _kwta(ssum)
    logits = jnp.dot(h, w_ref[...], preferred_element_type=jnp.float32)
    logits = logits + b2_ref[...]
    m = jnp.max(logits, axis=1, keepdims=True)
    lse = jnp.log(jnp.sum(jnp.exp(logits - m), axis=1, keepdims=True)) + m
    o_ref[...] = logits - lse


def _row_spec(width):
    return pl.BlockSpec((BR, width), lambda i: (i, 0))


def _full_spec(shape):
    return pl.BlockSpec(shape, lambda i: tuple(0 for _ in shape))


def kernel(x, edge_index, edge_weight, W1, b1, Wc0, bc0, Wc1, bc1, W2, b2):
    del edge_weight
    npad = EP - E
    pad = jnp.stack([jnp.zeros((npad,), edge_index.dtype),
                     N + (jnp.arange(npad, dtype=edge_index.dtype) % JR)])
    eip = jnp.concatenate([edge_index, pad], axis=1)
    ei3 = eip.reshape(2, ER, H)
    ei3g = eip.reshape(2, NW * RPT2, EROW)
    b1r = b1.reshape(1, H)
    bc0r = bc0.reshape(1, H)
    bc1r = bc1.reshape(1, H)
    b2r = b2.reshape(1, C)

    grid = (N // BR,)
    sc_degree, sc_edge_pass = _build_sc_kernels()

    h0 = pl.pallas_call(
        _tc1_body,
        grid=grid,
        in_specs=[_row_spec(DIN), _full_spec((DIN, H)), _full_spec((1, H))],
        out_specs=_row_spec(H),
        out_shape=jax.ShapeDtypeStruct((N, H), jnp.float32),
    )(x, W1, b1r)

    degp = sc_degree(ei3)
    d0, d1 = degp[:N], degp[N:]

    y0 = pl.pallas_call(
        _tc2_body,
        grid=grid,
        in_specs=[_row_spec(H), _full_spec((H, H)), _row_spec(16),
                  _row_spec(16)],
        out_specs=_row_spec(H),
        out_shape=jax.ShapeDtypeStruct((N, H), jnp.float32),
    )(h0, Wc0, d0, d1)

    accp0 = sc_edge_pass(ei3g, y0)
    a00, a01 = accp0[:N], accp0[N:]

    y1 = pl.pallas_call(
        _tc3_body,
        grid=grid,
        in_specs=[_row_spec(H), _row_spec(H), _row_spec(H), _row_spec(16),
                  _row_spec(16), _full_spec((1, H)), _full_spec((H, H))],
        out_specs=_row_spec(H),
        out_shape=jax.ShapeDtypeStruct((N, H), jnp.float32),
    )(a00, a01, y0, d0, d1, bc0r, Wc1)

    accp1 = sc_edge_pass(ei3g, y1)
    a10, a11 = accp1[:N], accp1[N:]

    out = pl.pallas_call(
        _tc4_body,
        grid=grid,
        in_specs=[_row_spec(H), _row_spec(H), _row_spec(H), _row_spec(16),
                  _row_spec(16), _full_spec((1, H)), _full_spec((H, C)),
                  _full_spec((1, C))],
        out_specs=_row_spec(C),
        out_shape=jax.ShapeDtypeStruct((N, C), jnp.float32),
    )(a10, a11, y1, d0, d1, bc1r, W2, b2r)

    return out

# --- scband reference (transcript-rebuilt; emitter-appended) ---
"""Pipeline reference for scband-gcn-dev-31104153158273 (READ-ONLY COPY).

The authoritative reference and input builder live on the scoring server;
editing this copy changes nothing except your own understanding.
"""

import jax, jax.numpy as jnp
import numpy as np

N = 10000
E = 320000
DIN = 256
H = 128
C = 18
SR = 0.3


def setup_inputs(seed: int = 0) -> dict:
    key = jax.random.key(seed)
    ks = jax.random.split(key, 12)
    inp = {}
    inp["x"] = jax.random.normal(ks[0], (N, DIN), dtype=jnp.float32)
    inp["edge_index"] = jax.random.randint(ks[1], (2, E), 0, N, dtype=jnp.int32)
    inp["edge_weight"] = jax.random.uniform(ks[2], (E,), dtype=jnp.float32)
    inp["W1"] = jax.random.normal(ks[3], (DIN, H), dtype=jnp.float32) * 0.05
    inp["b1"] = jnp.zeros((H,), dtype=jnp.float32)
    inp["Wc0"] = jax.random.normal(ks[4], (H, H), dtype=jnp.float32) * 0.05
    inp["bc0"] = jnp.zeros((H,), dtype=jnp.float32)
    inp["Wc1"] = jax.random.normal(ks[5], (H, H), dtype=jnp.float32) * 0.05
    inp["bc1"] = jnp.zeros((H,), dtype=jnp.float32)
    inp["W2"] = jax.random.normal(ks[6], (H, C), dtype=jnp.float32) * 0.05
    inp["b2"] = jnp.zeros((C,), dtype=jnp.float32)
    return inp


def kwta(x, sr=SR):
    # kWTA: keep only top-k values per row (k = sr * feature_dim)
    k = int(sr * x.shape[1])
    topval = jax.lax.top_k(x, k)[0][:, -1]
    comp = (x >= topval[:, None]).astype(x.dtype)
    return comp * x


def gcn_conv(x, src, dst, W, b, n):
    # PyG-style GCNConv with self-loops already appended to src/dst
    xw = x @ W
    deg = jnp.zeros((n,), x.dtype).at[dst].add(1.0)
    dinv = jax.lax.rsqrt(deg)
    norm = dinv[src] * dinv[dst]
    msg = xw[src] * norm[:, None]
    out = jnp.zeros_like(xw).at[dst].add(msg)
    return out + b


def reference(x, edge_index, edge_weight, W1, b1, Wc0, bc0, Wc1, bc1, W2, b2):
    # edge_weight is extracted by the torch model but never used in forward
    n = x.shape[0]
    loop = jnp.arange(n, dtype=edge_index.dtype)
    src = jnp.concatenate([edge_index[0], loop])
    dst = jnp.concatenate([edge_index[1], loop])
    h = kwta(x @ W1 + b1)
    # dropout is identity in eval mode
    h = kwta(gcn_conv(h, src, dst, Wc0, bc0, n))
    h = kwta(gcn_conv(h, src, dst, Wc1, bc1, n))
    logits = h @ W2 + b2
    return jax.nn.log_softmax(logits, axis=-1)

if __name__ == "__main__":
    import jax
    _d = setup_inputs()
    print(jax.jit(kernel)(*tuple(_d.values())))

</pallas_src>

<mosaic_0001>
#map = affine_map<(d0, d1) -> (0, 0, 0)>
#map1 = affine_map<(d0, d1) -> (0, 0)>
module attributes {stable_mosaic.version = 14 : i64} {
  func.func @_sc_degree_body(%arg0: i32, %arg1: i32, %arg2: memref<2x2560x128xi32, #tpu.memory_space<hbm>>, %arg3: memref<20000x16xf32, #tpu.memory_space<hbm>>, %arg4: memref<80x128xi32, #tpu.memory_space<vmem>>, %arg5: memref<128x16xf32, #tpu.memory_space<vmem>>, %arg6: memref<16x16xf32, #tpu.memory_space<vmem>>, %arg7: memref<11024x16xf32, #tpu.memory_space<vmem_shared>>) attributes {dimension_semantics = [#tpu.dimension_semantics<core_parallel>, #tpu.dimension_semantics<subcore_parallel>], iteration_bounds = array<i64: 2, 16>, scalar_prefetch = 0 : i64, scratch_operands = 4 : i64, tpu.core_type = #tpu.core_type<sc_vector_subcore>, window_params = [{transform_indices = #map}, {transform_indices = #map1}]} {
    %mul3A = arith.constant 16 : i32
    %mul3A_0 = arith.muli %arg0, %mul3A : i32
    %add3A = arith.addi %mul3A_0, %arg1 : i32
    %broadcast_in_dim3A = arith.constant 1.000000e+00 : f32
    %broadcast_in_dim3A_1 = vector.broadcast %broadcast_in_dim3A : f32 to vector<16xf32>
    %swap3A = arith.constant 0 : i32
    %swap3A_2 = arith.index_cast %swap3A : i32 to index
    %swap3A_3 = arith.constant 0 : index
    %swap3A_4 = tpu.vector_load %arg5[%swap3A_2, %swap3A_3] {strides = array<i32>} : memref<128x16xf32, #tpu.memory_space<vmem>>, vector<1x16xf32>,
    %swap3A_5 = vector.shape_cast %swap3A_4 : vector<1x16xf32> to vector<16xf32>
    %swap3A_6 = vector.shape_cast %broadcast_in_dim3A_1 : vector<16xf32> to vector<1x16xf32>
    tpu.vector_store %arg5[%swap3A_2, %swap3A_3], %swap3A_6 {strides = array<i32>} : memref<128x16xf32, #tpu.memory_space<vmem>>, vector<1x16xf32>,
    %broadcast_in_dim3A_7 = arith.constant 1.000000e+00 : f32
    %broadcast_in_dim3A_8 = vector.broadcast %broadcast_in_dim3A_7 : f32 to vector<16xf32>
    %swap3A_9 = arith.constant 1 : i32
    %swap3A_10 = arith.index_cast %swap3A_9 : i32 to index
    %swap3A_11 = arith.constant 0 : index
    %swap3A_12 = tpu.vector_load %arg5[%swap3A_10, %swap3A_11] {strides = array<i32>} : memref<128x16xf32, #tpu.memory_space<vmem>>, vector<1x16xf32>,
    %swap3A_13 = vector.shape_cast %swap3A_12 : vector<1x16xf32> to vector<16xf32>
    %swap3A_14 = vector.shape_cast %broadcast_in_dim3A_8 : vector<16xf32> to vector<1x16xf32>
    tpu.vector_store %arg5[%swap3A_10, %swap3A_11], %swap3A_14 {strides = array<i32>} : memref<128x16xf32, #tpu.memory_space<vmem>>, vector<1x16xf32>,
    %broadcast_in_dim3A_15 = arith.constant 1.000000e+00 : f32
    %broadcast_in_dim3A_16 = vector.broadcast %broadcast_in_dim3A_15 : f32 to vector<16xf32>
    %swap3A_17 = arith.constant 2 : i32
    %swap3A_18 = arith.index_cast %swap3A_17 : i32 to index
    %swap3A_19 = arith.constant 0 : index
    %swap3A_20 = tpu.vector_load %arg5[%swap3A_18, %swap3A_19] {strides = array<i32>} : memref<128x16xf32, #tpu.memory_space<vmem>>, vector<1x16xf32>,
    %swap3A_21 = vector.shape_cast %swap3A_20 : vector<1x16xf32> to vector<16xf32>
    %swap3A_22 = vector.shape_cast %broadcast_in_dim3A_16 : vector<16xf32> to vector<1x16xf32>
    tpu.vector_store %arg5[%swap3A_18, %swap3A_19], %swap3A_22 {strides = array<i32>} : memref<128x16xf32, #tpu.memory_space<vmem>>, vector<1x16xf32>,
    %broadcast_in_dim3A_23 = arith.constant 1.000000e+00 : f32
    %broadcast_in_dim3A_24 = vector.broadcast %broadcast_in_dim3A_23 : f32 to vector<16xf32>
    %swap3A_25 = arith.constant 3 : i32
    %swap3A_26 = arith.index_cast %swap3A_25 : i32 to index
    %swap3A_27 = arith.constant 0 : index
    %swap3A_28 = tpu.vector_load %arg5[%swap3A_26, %swap3A_27] {strides = array<i32>} : memref<128x16xf32, #tpu.memory_space<vmem>>, vector<1x16xf32>,
    %swap3A_29 = vector.shape_cast %swap3A_28 : vector<1x16xf32> to vector<16xf32>
    %swap3A_30 = vector.shape_cast %broadcast_in_dim3A_24 : vector<16xf32> to vector<1x16xf32>
    tpu.vector_store %arg5[%swap3A_26, %swap3A_27], %swap3A_30 {strides = array<i32>} : memref<128x16xf32, #tpu.memory_space<vmem>>, vector<1x16xf32>,
    %broadcast_in_dim3A_31 = arith.constant 1.000000e+00 : f32
    %broadcast_in_dim3A_32 = vector.broadcast %broadcast_in_dim3A_31 : f32 to vector<16xf32>
    %swap3A_33 = arith.constant 4 : i32
    %swap3A_34 = arith.index_cast %swap3A_33 : i32 to index
    %swap3A_35 = arith.constant 0 : index
    %swap3A_36 = tpu.vector_load %arg5[%swap3A_34, %swap3A_35] {strides = array<i32>} : memref<128x16xf32, #tpu.memory_space<vmem>>, vector<1x16xf32>,
    %swap3A_37 = vector.shape_cast %swap3A_36 : vector<1x16xf32> to vector<16xf32>
    %swap3A_38 = vector.shape_cast %broadcast_in_dim3A_32 : vector<16xf32> to vector<1x16xf32>
    tpu.vector_store %arg5[%swap3A_34, %swap3A_35], %swap3A_38 {strides = array<i32>} : memref<128x16xf32, #tpu.memory_space<vmem>>, vector<1x16xf32>,
    %broadcast_in_dim3A_39 = arith.constant 1.000000e+00 : f32
    %broadcast_in_dim3A_40 = vector.broadcast %broadcast_in_dim3A_39 : f32 to vector<16xf32>
    %swap3A_41 = arith.constant 5 : i32
    %swap3A_42 = arith.index_cast %swap3A_41 : i32 to index
    %swap3A_43 = arith.constant 0 : index
    %swap3A_44 = tpu.vector_load %arg5[%swap3A_42, %swap3A_43] {strides = array<i32>} : memref<128x16xf32, #tpu.memory_space<vmem>>, vector<1x16xf32>,
    %swap3A_45 = vector.shape_cast %swap3A_44 : vector<1x16xf32> to vector<16xf32>
    %swap3A_46 = vector.shape_cast %broadcast_in_dim3A_40 : vector<16xf32> to vector<1x16xf32>
    tpu.vector_store %arg5[%swap3A_42, %swap3A_43], %swap3A_46 {strides = array<i32>} : memref<128x16xf32, #tpu.memory_space<vmem>>, vector<1x16xf32>,
    %broadcast_in_dim3A_47 = arith.constant 1.000000e+00 : f32
    %broadcast_in_dim3A_48 = vector.broadcast %broadcast_in_dim3A_47 : f32 to vector<16xf32>
    %swap3A_49 = arith.constant 6 : i32
    %swap3A_50 = arith.index_cast %swap3A_49 : i32 to index
    %swap3A_51 = arith.constant 0 : index
    %swap3A_52 = tpu.vector_load %arg5[%swap3A_50, %swap3A_51] {strides = array<i32>} : memref<128x16xf32, #tpu.memory_space<vmem>>, vector<1x16xf32>,
    %swap3A_53 = vector.shape_cast %swap3A_52 : vector<1x16xf32> to vector<16xf32>
    %swap3A_54 = vector.shape_cast %broadcast_in_dim3A_48 : vector<16xf32> to vector<1x16xf32>
    tpu.vector_store %arg5[%swap3A_50, %swap3A_51], %swap3A_54 {strides = array<i32>} : memref<128x16xf32, #tpu.memory_space<vmem>>, vector<1x16xf32>,
    %broadcast_in_dim3A_55 = arith.constant 1.000000e+00 : f32
    %broadcast_in_dim3A_56 = vector.broadcast %broadcast_in_dim3A_55 : f32 to vector<16xf32>
    %swap3A_57 = arith.constant 7 : i32
    %swap3A_58 = arith.index_cast %swap3A_57 : i32 to index
    %swap3A_59 = arith.constant 0 : index
    %swap3A_60 = tpu.vector_load %arg5[%swap3A_58, %swap3A_59] {strides = array<i32>} : memref<128x16xf32, #tpu.memory_space<vmem>>, vector<1x16xf32>,
    %swap3A_61 = vector.shape_cast %swap3A_60 : vector<1x16xf32> to vector<16xf32>
    %swap3A_62 = vector.shape_cast %broadcast_in_dim3A_56 : vector<16xf32> to vector<1x16xf32>
    tpu.vector_store %arg5[%swap3A_58, %swap3A_59], %swap3A_62 {strides = array<i32>} : memref<128x16xf32, #tpu.memory_space<vmem>>, vector<1x16xf32>,
    %broadcast_in_dim3A_63 = arith.constant 1.000000e+00 : f32
    %broadcast_in_dim3A_64 = vector.broadcast %broadcast_in_dim3A_63 : f32 to vector<16xf32>
    %swap3A_65 = arith.constant 8 : i32
    %swap3A_66 = arith.index_cast %swap3A_65 : i32 to index
    %swap3A_67 = arith.constant 0 : index
    %swap3A_68 = tpu.vector_load %arg5[%swap3A_66, %swap3A_67] {strides = array<i32>} : memref<128x16xf32, #tpu.memory_space<vmem>>, vector<1x16xf32>,
    %swap3A_69 = vector.shape_cast %swap3A_68 : vector<1x16xf32> to vector<16xf32>
    %swap3A_70 = vector.shape_cast %broadcast_in_dim3A_64 : vector<16xf32> to vector<1x16xf32>
    tpu.vector_store %arg5[%swap3A_66, %swap3A_67], %swap3A_70 {strides = array<i32>} : memref<128x16xf32, #tpu.memory_space<vmem>>, vector<1x16xf32>,
    %broadcast_in_dim3A_71 = arith.constant 1.000000e+00 : f32
    %broadcast_in_dim3A_72 = vector.broadcast %broadcast_in_dim3A_71 : f32 to vector<16xf32>
    %swap3A_73 = arith.constant 9 : i32
    %swap3A_74 = arith.index_cast %swap3A_73 : i32 to index
    %swap3A_75 = arith.constant 0 : index
    %swap3A_76 = tpu.vector_load %arg5[%swap3A_74, %swap3A_75] {strides = array<i32>} : memref<128x16xf32, #tpu.memory_space<vmem>>, vector<1x16xf32>,
    %swap3A_77 = vector.shape_cast %swap3A_76 : vector<1x16xf32> to vector<16xf32>
    %swap3A_78 = vector.shape_cast %broadcast_in_dim3A_72 : vector<16xf32> to vector<1x16xf32>
    tpu.vector_store %arg5[%swap3A_74, %swap3A_75], %swap3A_78 {strides = array<i32>} : memref<128x16xf32, #tpu.memory_space<vmem>>, vector<1x16xf32>,
    %broadcast_in_dim3A_79 = arith.constant 1.000000e+00 : f32
    %broadcast_in_dim3A_80 = vector.broadcast %broadcast_in_dim3A_79 : f32 to vector<16xf32>
    %swap3A_81 = arith.constant 10 : i32
    %swap3A_82 = arith.index_cast %swap3A_81 : i32 to index
    %swap3A_83 = arith.constant 0 : index
    %swap3A_84 = tpu.vector_load %arg5[%swap3A_82, %swap3A_83] {strides = array<i32>} : memref<128x16xf32, #tpu.memory_space<vmem>>, vector<1x16xf32>,
    %swap3A_85 = vector.shape_cast %swap3A_84 : vector<1x16xf32> to vector<16xf32>
    %swap3A_86 = vector.shape_cast %broadcast_in_dim3A_80 : vector<16xf32> to vector<1x16xf32>
    tpu.vector_store %arg5[%swap3A_82, %swap3A_83], %swap3A_86 {strides = array<i32>} : memref<128x16xf32, #tpu.memory_space<vmem>>, vector<1x16xf32>,
    %broadcast_in_dim3A_87 = arith.constant 1.000000e+00 : f32
    %broadcast_in_dim3A_88 = vector.broadcast %broadcast_in_dim3A_87 : f32 to vector<16xf32>
    %swap3A_89 = arith.constant 11 : i32
    %swap3A_90 = arith.index_cast %swap3A_89 : i32 to index
    %swap3A_91 = arith.constant 0 : index
    %swap3A_92 = tpu.vector_load %arg5[%swap3A_90, %swap3A_91] {strides = array<i32>} : memref<128x16xf32, #tpu.memory_space<vmem>>, vector<1x16xf32>,
    %swap3A_93 = vector.shape_cast %swap3A_92 : vector<1x16xf32> to vector<16xf32>
    %swap3A_94 = vector.shape_cast %broadcast_in_dim3A_88 : vector<16xf32> to vector<1x16xf32>
    tpu.vector_store %arg5[%swap3A_90, %swap3A_91], %swap3A_94 {strides = array<i32>} : memref<128x16xf32, #tpu.memory_space<vmem>>, vector<1x16xf32>,
    %broadcast_in_dim3A_95 = arith.constant 1.000000e+00 : f32
    %broadcast_in_dim3A_96 = vector.broadcast %broadcast_in_dim3A_95 : f32 to vector<16xf32>
    %swap3A_97 = arith.constant 12 : i32
    %swap3A_98 = arith.index_cast %swap3A_97 : i32 to index
    %swap3A_99 = arith.constant 0 : index
    %swap3A_100 = tpu.vector_load %arg5[%swap3A_98, %swap3A_99] {strides = array<i32>} : memref<128x16xf32, #tpu.memory_space<vmem>>, vector<1x16xf32>,
    %swap3A_101 = vector.shape_cast %swap3A_100 : vector<1x16xf32> to vector<16xf32>
    %swap3A_102 = vector.shape_cast %broadcast_in_dim3A_96 : vector<16xf32> to vector<1x16xf32>
    tpu.vector_store %arg5[%swap3A_98, %swap3A_99], %swap3A_102 {strides = array<i32>} : memref<128x16xf32, #tpu.memory_space<vmem>>, vector<1x16xf32>,
    %broadcast_in_dim3A_103 = arith.constant 1.000000e+00 : f32
    %broadcast_in_dim3A_104 = vector.broadcast %broadcast_in_dim3A_103 : f32 to vector<16xf32>
    %swap3A_105 = arith.constant 13 : i32
    %swap3A_106 = arith.index_cast %swap3A_105 : i32 to index
    %swap3A_107 = arith.constant 0 : index
    %swap3A_108 = tpu.vector_load %arg5[%swap3A_106, %swap3A_107] {strides = array<i32>} : memref<128x16xf32, #tpu.memory_space<vmem>>, vector<1x16xf32>,
    %swap3A_109 = vector.shape_cast %swap3A_108 : vector<1x16xf32> to vector<16xf32>
    %swap3A_110 = vector.shape_cast %broadcast_in_dim3A_104 : vector<16xf32> to vector<1x16xf32>
    tpu.vector_store %arg5[%swap3A_106, %swap3A_107], %swap3A_110 {strides = array<i32>} : memref<128x16xf32, #tpu.memory_space<vmem>>, vector<1x16xf32>,
    %broadcast_in_dim3A_111 = arith.constant 1.000000e+00 : f32
    %broadcast_in_dim3A_112 = vector.broadcast %broadcast_in_dim3A_111 : f32 to vector<16xf32>
    %swap3A_113 = arith.constant 14 : i32
    %swap3A_114 = arith.index_cast %swap3A_113 : i32 to index
    %swap3A_115 = arith.constant 0 : index
    %swap3A_116 = tpu.vector_load %arg5[%swap3A_114, %swap3A_115] {strides = array<i32>} : memref<128x16xf32, #tpu.memory_space<vmem>>, vector<1x16xf32>,
    %swap3A_117 = vector.shape_cast %swap3A_116 : vector<1x16xf32> to vector<16xf32>
    %swap3A_118 = vector.shape_cast %broadcast_in_dim3A_112 : vector<16xf32> to vector<1x16xf32>
    tpu.vector_store %arg5[%swap3A_114, %swap3A_115], %swap3A_118 {strides = array<i32>} : memref<128x16xf32, #tpu.memory_space<vmem>>, vector<1x16xf32>,
    %broadcast_in_dim3A_119 = arith.constant 1.000000e+00 : f32
    %broadcast_in_dim3A_120 = vector.broadcast %broadcast_in_dim3A_119 : f32 to vector<16xf32>
    %swap3A_121 = arith.constant 15 : i32
    %swap3A_122 = arith.index_cast %swap3A_121 : i32 to index
    %swap3A_123 = arith.constant 0 : index
    %swap3A_124 = tpu.vector_load %arg5[%swap3A_122, %swap3A_123] {strides = array<i32>} : memref<128x16xf32, #tpu.memory_space<vmem>>, vector<1x16xf32>,
    %swap3A_125 = vector.shape_cast %swap3A_124 : vector<1x16xf32> to vector<16xf32>
    %swap3A_126 = vector.shape_cast %broadcast_in_dim3A_120 : vector<16xf32> to vector<1x16xf32>
    tpu.vector_store %arg5[%swap3A_122, %swap3A_123], %swap3A_126 {strides = array<i32>} : memref<128x16xf32, #tpu.memory_space<vmem>>, vector<1x16xf32>,
    %broadcast_in_dim3A_127 = arith.constant 1.000000e+00 : f32
    %broadcast_in_dim3A_128 = vector.broadcast %broadcast_in_dim3A_127 : f32 to vector<16xf32>
    %swap3A_129 = arith.constant 16 : i32
    %swap3A_130 = arith.index_cast %swap3A_129 : i32 to index
    %swap3A_131 = arith.constant 0 : index
    %swap3A_132 = tpu.vector_load %arg5[%swap3A_130, %swap3A_131] {strides = array<i32>} : memref<128x16xf32, #tpu.memory_space<vmem>>, vector<1x16xf32>,
    %swap3A_133 = vector.shape_cast %swap3A_132 : vector<1x16xf32> to vector<16xf32>
    %swap3A_134 = vector.shape_cast %broadcast_in_dim3A_128 : vector<16xf32> to vector<1x16xf32>
    tpu.vector_store %arg5[%swap3A_130, %swap3A_131], %swap3A_134 {strides = array<i32>} : memref<128x16xf32, #tpu.memory_space<vmem>>, vector<1x16xf32>,
    %broadcast_in_dim3A_135 = arith.constant 1.000000e+00 : f32
    %broadcast_in_dim3A_136 = vector.broadcast %broadcast_in_dim3A_135 : f32 to vector<16xf32>
    %swap3A_137 = arith.constant 17 : i32
    %swap3A_138 = arith.index_cast %swap3A_137 : i32 to index
    %swap3A_139 = arith.constant 0 : index
    %swap3A_140 = tpu.vector_load %arg5[%swap3A_138, %swap3A_139] {strides = array<i32>} : memref<128x16xf32, #tpu.memory_space<vmem>>, vector<1x16xf32>,
    %swap3A_141 = vector.shape_cast %swap3A_140 : vector<1x16xf32> to vector<16xf32>
    %swap3A_142 = vector.shape_cast %broadcast_in_dim3A_136 : vector<16xf32> to vector<1x16xf32>
    tpu.vector_store %arg5[%swap3A_138, %swap3A_139], %swap3A_142 {strides = array<i32>} : memref<128x16xf32, #tpu.memory_space<vmem>>, vector<1x16xf32>,
    %broadcast_in_dim3A_143 = arith.constant 1.000000e+00 : f32
    %broadcast_in_dim3A_144 = vector.broadcast %broadcast_in_dim3A_143 : f32 to vector<16xf32>
    %swap3A_145 = arith.constant 18 : i32
    %swap3A_146 = arith.index_cast %swap3A_145 : i32 to index
    %swap3A_147 = arith.constant 0 : index
    %swap3A_148 = tpu.vector_load %arg5[%swap3A_146, %swap3A_147] {strides = array<i32>} : memref<128x16xf32, #tpu.memory_space<vmem>>, vector<1x16xf32>,
    %swap3A_149 = vector.shape_cast %swap3A_148 : vector<1x16xf32> to vector<16xf32>
    %swap3A_150 = vector.shape_cast %broadcast_in_dim3A_144 : vector<16xf32> to vector<1x16xf32>
    tpu.vector_store %arg5[%swap3A_146, %swap3A_147], %swap3A_150 {strides = array<i32>} : memref<128x16xf32, #tpu.memory_space<vmem>>, vector<1x16xf32>,
    %broadcast_in_dim3A_151 = arith.constant 1.000000e+00 : f32
    %broadcast_in_dim3A_152 = vector.broadcast %broadcast_in_dim3A_151 : f32 to vector<16xf32>
    %swap3A_153 = arith.constant 19 : i32
    %swap3A_154 = arith.index_cast %swap3A_153 : i32 to index
    %swap3A_155 = arith.constant 0 : index
    %swap3A_156 = tpu.vector_load %arg5[%swap3A_154, %swap3A_155] {strides = array<i32>} : memref<128x16xf32, #tpu.memory_space<vmem>>, vector<1x16xf32>,
    %swap3A_157 = vector.shape_cast %swap3A_156 : vector<1x16xf32> to vector<16xf32>
    %swap3A_158 = vector.shape_cast %broadcast_in_dim3A_152 : vector<16xf32> to vector<1x16xf32>
    tpu.vector_store %arg5[%swap3A_154, %swap3A_155], %swap3A_158 {strides = array<i32>} : memref<128x16xf32, #tpu.memory_space<vmem>>, vector<1x16xf32>,
    %broadcast_in_dim3A_159 = arith.constant 1.000000e+00 : f32
    %broadcast_in_dim3A_160 = vector.broadcast %broadcast_in_dim3A_159 : f32 to vector<16xf32>
    %swap3A_161 = arith.constant 20 : i32
    %swap3A_162 = arith.index_cast %swap3A_161 : i32 to index
    %swap3A_163 = arith.constant 0 : index
    %swap3A_164 = tpu.vector_load %arg5[%swap3A_162, %swap3A_163] {strides = array<i32>} : memref<128x16xf32, #tpu.memory_space<vmem>>, vector<1x16xf32>,
    %swap3A_165 = vector.shape_cast %swap3A_164 : vector<1x16xf32> to vector<16xf32>
    %swap3A_166 = vector.shape_cast %broadcast_in_dim3A_160 : vector<16xf32> to vector<1x16xf32>
    tpu.vector_store %arg5[%swap3A_162, %swap3A_163], %swap3A_166 {strides = array<i32>} : memref<128x16xf32, #tpu.memory_space<vmem>>, vector<1x16xf32>,
    %broadcast_in_dim3A_167 = arith.constant 1.000000e+00 : f32
    %broadcast_in_dim3A_168 = vector.broadcast %broadcast_in_dim3A_167 : f32 to vector<16xf32>
    %swap3A_169 = arith.constant 21 : i32
    %swap3A_170 = arith.index_cast %swap3A_169 : i32 to index
    %swap3A_171 = arith.constant 0 : index
    %swap3A_172 = tpu.vector_load %arg5[%swap3A_170, %swap3A_171] {strides = array<i32>} : memref<128x16xf32, #tpu.memory_space<vmem>>, vector<1x16xf32>,
    %swap3A_173 = vector.shape_cast %swap3A_172 : vector<1x16xf32> to vector<16xf32>
    %swap3A_174 = vector.shape_cast %broadcast_in_dim3A_168 : vector<16xf32> to vector<1x16xf32>
    tpu.vector_store %arg5[%swap3A_170, %swap3A_171], %swap3A_174 {strides = array<i32>} : memref<128x16xf32, #tpu.memory_space<vmem>>, vector<1x16xf32>,
    %broadcast_in_dim3A_175 = arith.constant 1.000000e+00 : f32
    %broadcast_in_dim3A_176 = vector.broadcast %broadcast_in_dim3A_175 : f32 to vector<16xf32>
    %swap3A_177 = arith.constant 22 : i32
    %swap3A_178 = arith.index_cast %swap3A_177 : i32 to index
    %swap3A_179 = arith.constant 0 : index
    %swap3A_180 = tpu.vector_load %arg5[%swap3A_178, %swap3A_179] {strides = array<i32>} : memref<128x16xf32, #tpu.memory_space<vmem>>, vector<1x16xf32>,
    %swap3A_181 = vector.shape_cast %swap3A_180 : vector<1x16xf32> to vector<16xf32>
    %swap3A_182 = vector.shape_cast %broadcast_in_dim3A_176 : vector<16xf32> to vector<1x16xf32>
    tpu.vector_store %arg5[%swap3A_178, %swap3A_179], %swap3A_182 {strides = array<i32>} : memref<128x16xf32, #tpu.memory_space<vmem>>, vector<1x16xf32>,
    %broadcast_in_dim3A_183 = arith.constant 1.000000e+00 : f32
    %broadcast_in_dim3A_184 = vector.broadcast %broadcast_in_dim3A_183 : f32 to vector<16xf32>
    %swap3A_185 = arith.constant 23 : i32
    %swap3A_186 = arith.index_cast %swap3A_185 : i32 to index
    %swap3A_187 = arith.constant 0 : index
    %swap3A_188 = tpu.vector_load %arg5[%swap3A_186, %swap3A_187] {strides = array<i32>} : memref<128x16xf32, #tpu.memory_space<vmem>>, vector<1x16xf32>,
    %swap3A_189 = vector.shape_cast %swap3A_188 : vector<1x16xf32> to vector<16xf32>
    %swap3A_190 = vector.shape_cast %broadcast_in_dim3A_184 : vector<16xf32> to vector<1x16xf32>
    tpu.vector_store %arg5[%swap3A_186, %swap3A_187], %swap3A_190 {strides = array<i32>} : memref<128x16xf32, #tpu.memory_space<vmem>>, vector<1x16xf32>,
    %broadcast_in_dim3A_191 = arith.constant 1.000000e+00 : f32
    %broadcast_in_dim3A_192 = vector.broadcast %broadcast_in_dim3A_191 : f32 to vector<16xf32>
    %swap3A_193 = arith.constant 24 : i32
    %swap3A_194 = arith.index_cast %swap3A_193 : i32 to index
    %swap3A_195 = arith.constant 0 : index
    %swap3A_196 = tpu.vector_load %arg5[%swap3A_194, %swap3A_195] {strides = array<i32>} : memref<128x16xf32, #tpu.memory_space<vmem>>, vector<1x16xf32>,
    %swap3A_197 = vector.shape_cast %swap3A_196 : vector<1x16xf32> to vector<16xf32>
    %swap3A_198 = vector.shape_cast %broadcast_in_dim3A_192 : vector<16xf32> to vector<1x16xf32>
    tpu.vector_store %arg5[%swap3A_194, %swap3A_195], %swap3A_198 {strides = array<i32>} : memref<128x16xf32, #tpu.memory_space<vmem>>, vector<1x16xf32>,
    %broadcast_in_dim3A_199 = arith.constant 1.000000e+00 : f32
    %broadcast_in_dim3A_200 = vector.broadcast %broadcast_in_dim3A_199 : f32 to vector<16xf32>
    %swap3A_201 = arith.constant 25 : i32
    %swap3A_202 = arith.index_cast %swap3A_201 : i32 to index
    %swap3A_203 = arith.constant 0 : index
    %swap3A_204 = tpu.vector_load %arg5[%swap3A_202, %swap3A_203] {strides = array<i32>} : memref<128x16xf32, #tpu.memory_space<vmem>>, vector<1x16xf32>,
    %swap3A_205 = vector.shape_cast %swap3A_204 : vector<1x16xf32> to vector<16xf32>
    %swap3A_206 = vector.shape_cast %broadcast_in_dim3A_200 : vector<16xf32> to vector<1x16xf32>
    tpu.vector_store %arg5[%swap3A_202, %swap3A_203], %swap3A_206 {strides = array<i32>} : memref<128x16xf32, #tpu.memory_space<vmem>>, vector<1x16xf32>,
    %broadcast_in_dim3A_207 = arith.constant 1.000000e+00 : f32
    %broadcast_in_dim3A_208 = vector.broadcast %broadcast_in_dim3A_207 : f32 to vector<16xf32>
    %swap3A_209 = arith.constant 26 : i32
    %swap3A_210 = arith.index_cast %swap3A_209 : i32 to index
    %swap3A_211 = arith.constant 0 : index
    %swap3A_212 = tpu.vector_load %arg5[%swap3A_210, %swap3A_211] {strides = array<i32>} : memref<128x16xf32, #tpu.memory_space<vmem>>, vector<1x16xf32>,
    %swap3A_213 = vector.shape_cast %swap3A_212 : vector<1x16xf32> to vector<16xf32>
    %swap3A_214 = vector.shape_cast %broadcast_in_dim3A_208 : vector<16xf32> to vector<1x16xf32>
    tpu.vector_store %arg5[%swap3A_210, %swap3A_211], %swap3A_214 {strides = array<i32>} : memref<128x16xf32, #tpu.memory_space<vmem>>, vector<1x16xf32>,
    %broadcast_in_dim3A_215 = arith.constant 1.000000e+00 : f32
    %broadcast_in_dim3A_216 = vector.broadcast %broadcast_in_dim3A_215 : f32 to vector<16xf32>
    %swap3A_217 = arith.constant 27 : i32
    %swap3A_218 = arith.index_cast %swap3A_217 : i32 to index
    %swap3A_219 = arith.constant 0 : index
    %swap3A_220 = tpu.vector_load %arg5[%swap3A_218, %swap3A_219] {strides = array<i32>} : memref<128x16xf32, #tpu.memory_space<vmem>>, vector<1x16xf32>,
    %swap3A_221 = vector.shape_cast %swap3A_220 : vector<1x16xf32> to vector<16xf32>
    %swap3A_222 = vector.shape_cast %broadcast_in_dim3A_216 : vector<16xf32> to vector<1x16xf32>
    tpu.vector_store %arg5[%swap3A_218, %swap3A_219], %swap3A_222 {strides = array<i32>} : memref<128x16xf32, #tpu.memory_space<vmem>>, vector<1x16xf32>,
    %broadcast_in_dim3A_223 = arith.constant 1.000000e+00 : f32
    %broadcast_in_dim3A_224 = vector.broadcast %broadcast_in_dim3A_223 : f32 to vector<16xf32>
    %swap3A_225 = arith.constant 28 : i32
    %swap3A_226 = arith.index_cast %swap3A_225 : i32 to index
    %swap3A_227 = arith.constant 0 : index
    %swap3A_228 = tpu.vector_load %arg5[%swap3A_226, %swap3A_227] {strides = array<i32>} : memref<128x16xf32, #tpu.memory_space<vmem>>, vector<1x16xf32>,
    %swap3A_229 = vector.shape_cast %swap3A_228 : vector<1x16xf32> to vector<16xf32>
    %swap3A_230 = vector.shape_cast %broadcast_in_dim3A_224 : vector<16xf32> to vector<1x16xf32>
    tpu.vector_store %arg5[%swap3A_226, %swap3A_227], %swap3A_230 {strides = array<i32>} : memref<128x16xf32, #tpu.memory_space<vmem>>, vector<1x16xf32>,
    %broadcast_in_dim3A_231 = arith.constant 1.000000e+00 : f32
    %broadcast_in_dim3A_232 = vector.broadcast %broadcast_in_dim3A_231 : f32 to vector<16xf32>
    %swap3A_233 = arith.constant 29 : i32
    %swap3A_234 = arith.index_cast %swap3A_233 : i32 to index
    %swap3A_235 = arith.constant 0 : index
    %swap3A_236 = tpu.vector_load %arg5[%swap3A_234, %swap3A_235] {strides = array<i32>} : memref<128x16xf32, #tpu.memory_space<vmem>>, vector<1x16xf32>,
    %swap3A_237 = vector.shape_cast %swap3A_236 : vector<1x16xf32> to vector<16xf32>
    %swap3A_238 = vector.shape_cast %broadcast_in_dim3A_232 : vector<16xf32> to vector<1x16xf32>
    tpu.vector_store %arg5[%swap3A_234, %swap3A_235], %swap3A_238 {strides = array<i32>} : memref<128x16xf32, #tpu.memory_space<vmem>>, vector<1x16xf32>,
    %broadcast_in_dim3A_239 = arith.constant 1.000000e+00 : f32
    %broadcast_in_dim3A_240 = vector.broadcast %broadcast_in_dim3A_239 : f32 to vector<16xf32>
    %swap3A_241 = arith.constant 30 : i32
    %swap3A_242 = arith.index_cast %swap3A_241 : i32 to index
    %swap3A_243 = arith.constant 0 : index
    %swap3A_244 = tpu.vector_load %arg5[%swap3A_242, %swap3A_243] {strides = array<i32>} : memref<128x16xf32, #tpu.memory_space<vmem>>, vector<1x16xf32>,
    %swap3A_245 = vector.shape_cast %swap3A_244 : vector<1x16xf32> to vector<16xf32>
    %swap3A_246 = vector.shape_cast %broadcast_in_dim3A_240 : vector<16xf32> to vector<1x16xf32>
    tpu.vector_store %arg5[%swap3A_242, %swap3A_243], %swap3A_246 {strides = array<i32>} : memref<128x16xf32, #tpu.memory_space<vmem>>, vector<1x16xf32>,
    %broadcast_in_dim3A_247 = arith.constant 1.000000e+00 : f32
    %broadcast_in_dim3A_248 = vector.broadcast %broadcast_in_dim3A_247 : f32 to vector<16xf32>
    %swap3A_249 = arith.constant 31 : i32
    %swap3A_250 = arith.index_cast %swap3A_249 : i32 to index
    %swap3A_251 = arith.constant 0 : index
    %swap3A_252 = tpu.vector_load %arg5[%swap3A_250, %swap3A_251] {strides = array<i32>} : memref<128x16xf32, #tpu.memory_space<vmem>>, vector<1x16xf32>,
    %swap3A_253 = vector.shape_cast %swap3A_252 : vector<1x16xf32> to vector<16xf32>
    %swap3A_254 = vector.shape_cast %broadcast_in_dim3A_248 : vector<16xf32> to vector<1x16xf32>
    tpu.vector_store %arg5[%swap3A_250, %swap3A_251], %swap3A_254 {strides = array<i32>} : memref<128x16xf32, #tpu.memory_space<vmem>>, vector<1x16xf32>,
    %broadcast_in_dim3A_255 = arith.constant 1.000000e+00 : f32
    %broadcast_in_dim3A_256 = vector.broadcast %broadcast_in_dim3A_255 : f32 to vector<16xf32>
    %swap3A_257 = arith.constant 32 : i32
    %swap3A_258 = arith.index_cast %swap3A_257 : i32 to index
    %swap3A_259 = arith.constant 0 : index
    %swap3A_260 = tpu.vector_load %arg5[%swap3A_258, %swap3A_259] {strides = array<i32>} : memref<128x16xf32, #tpu.memory_space<vmem>>, vector<1x16xf32>,
    %swap3A_261 = vector.shape_cast %swap3A_260 : vector<1x16xf32> to vector<16xf32>
    %swap3A_262 = vector.shape_cast %broadcast_in_dim3A_256 : vector<16xf32> to vector<1x16xf32>
    tpu.vector_store %arg5[%swap3A_258, %swap3A_259], %swap3A_262 {strides = array<i32>} : memref<128x16xf32, #tpu.memory_space<vmem>>, vector<1x16xf32>,
    %broadcast_in_dim3A_263 = arith.constant 1.000000e+00 : f32
    %broadcast_in_dim3A_264 = vector.broadcast %broadcast_in_dim3A_263 : f32 to vector<16xf32>
    %swap3A_265 = arith.constant 33 : i32
    %swap3A_266 = arith.index_cast %swap3A_265 : i32 to index
    %swap3A_267 = arith.constant 0 : index
    %swap3A_268 = tpu.vector_load %arg5[%swap3A_266, %swap3A_267] {strides = array<i32>} : memref<128x16xf32, #tpu.memory_space<vmem>>, vector<1x16xf32>,
    %swap3A_269 = vector.shape_cast %swap3A_268 : vector<1x16xf32> to vector<16xf32>
    %swap3A_270 = vector.shape_cast %broadcast_in_dim3A_264 : vector<16xf32> to vector<1x16xf32>
    tpu.vector_store %arg5[%swap3A_266, %swap3A_267], %swap3A_270 {strides = array<i32>} : memref<128x16xf32, #tpu.memory_space<vmem>>, vector<1x16xf32>,
    %broadcast_in_dim3A_271 = arith.constant 1.000000e+00 : f32
    %broadcast_in_dim3A_272 = vector.broadcast %broadcast_in_dim3A_271 : f32 to vector<16xf32>
    %swap3A_273 = arith.constant 34 : i32
    %swap3A_274 = arith.index_cast %swap3A_273 : i32 to index
    %swap3A_275 = arith.constant 0 : index
    %swap3A_276 = tpu.vector_load %arg5[%swap3A_274, %swap3A_275] {strides = array<i32>} : memref<128x16xf32, #tpu.memory_space<vmem>>, vector<1x16xf32>,
    %swap3A_277 = vector.shape_cast %swap3A_276 : vector<1x16xf32> to vector<16xf32>
    %swap3A_278 = vector.shape_cast %broadcast_in_dim3A_272 : vector<16xf32> to vector<1x16xf32>
    tpu.vector_store %arg5[%swap3A_274, %swap3A_275], %swap3A_278 {strides = array<i32>} : memref<128x16xf32, #tpu.memory_space<vmem>>, vector<1x16xf32>,
    %broadcast_in_dim3A_279 = arith.constant 1.000000e+00 : f32
    %broadcast_in_dim3A_280 = vector.broadcast %broadcast_in_dim3A_279 : f32 to vector<16xf32>
    %swap3A_281 = arith.constant 35 : i32
    %swap3A_282 = arith.index_cast %swap3A_281 : i32 to index
    %swap3A_283 = arith.constant 0 : index
    %swap3A_284 = tpu.vector_load %arg5[%swap3A_282, %swap3A_283] {strides = array<i32>} : memref<128x16xf32, #tpu.memory_space<vmem>>, vector<1x16xf32>,
    %swap3A_285 = vector.shape_cast %swap3A_284 : vector<1x16xf32> to vector<16xf32>
    %swap3A_286 = vector.shape_cast %broadcast_in_dim3A_280 : vector<16xf32> to vector<1x16xf32>
    tpu.vector_store %arg5[%swap3A_282, %swap3A_283], %swap3A_286 {strides = array<i32>} : memref<128x16xf32, #tpu.memory_space<vmem>>, vector<1x16xf32>,
    %broadcast_in_dim3A_287 = arith.constant 1.000000e+00 : f32
    %broadcast_in_dim3A_288 = vector.broadcast %broadcast_in_dim3A_287 : f32 to vector<16xf32>
    %swap3A_289 = arith.constant 36 : i32
    %swap3A_290 = arith.index_cast %swap3A_289 : i32 to index
    %swap3A_291 = arith.constant 0 : index
    %swap3A_292 = tpu.vector_load %arg5[%swap3A_290, %swap3A_291] {strides = array<i32>} : memref<128x16xf32, #tpu.memory_space<vmem>>, vector<1x16xf32>,
    %swap3A_293 = vector.shape_cast %swap3A_292 : vector<1x16xf32> to vector<16xf32>
    %swap3A_294 = vector.shape_cast %broadcast_in_dim3A_288 : vector<16xf32> to vector<1x16xf32>
    tpu.vector_store %arg5[%swap3A_290, %swap3A_291], %swap3A_294 {strides = array<i32>} : memref<128x16xf32, #tpu.memory_space<vmem>>, vector<1x16xf32>,
    %broadcast_in_dim3A_295 = arith.constant 1.000000e+00 : f32
    %broadcast_in_dim3A_296 = vector.broadcast %broadcast_in_dim3A_295 : f32 to vector<16xf32>
    %swap3A_297 = arith.constant 37 : i32
    %swap3A_298 = arith.index_cast %swap3A_297 : i32 to index
    %swap3A_299 = arith.constant 0 : index
    %swap3A_300 = tpu.vector_load %arg5[%swap3A_298, %swap3A_299] {strides = array<i32>} : memref<128x16xf32, #tpu.memory_space<vmem>>, vector<1x16xf32>,
    %swap3A_301 = vector.shape_cast %swap3A_300 : vector<1x16xf32> to vector<16xf32>
    %swap3A_302 = vector.shape_cast %broadcast_in_dim3A_296 : vector<16xf32> to vector<1x16xf32>
    tpu.vector_store %arg5[%swap3A_298, %swap3A_299], %swap3A_302 {strides = array<i32>} : memref<128x16xf32, #tpu.memory_space<vmem>>, vector<1x16xf32>,
    %broadcast_in_dim3A_303 = arith.constant 1.000000e+00 : f32
    %broadcast_in_dim3A_304 = vector.broadcast %broadcast_in_dim3A_303 : f32 to vector<16xf32>
    %swap3A_305 = arith.constant 38 : i32
    %swap3A_306 = arith.index_cast %swap3A_305 : i32 to index
    %swap3A_307 = arith.constant 0 : index
    %swap3A_308 = tpu.vector_load %arg5[%swap3A_306, %swap3A_307] {strides = array<i32>} : memref<128x16xf32, #tpu.memory_space<vmem>>, vector<1x16xf32>,
    %swap3A_309 = vector.shape_cast %swap3A_308 : vector<1x16xf32> to vector<16xf32>
    %swap3A_310 = vector.shape_cast %broadcast_in_dim3A_304 : vector<16xf32> to vector<1x16xf32>
    tpu.vector_store %arg5[%swap3A_306, %swap3A_307], %swap3A_310 {strides = array<i32>} : memref<128x16xf32, #tpu.memory_space<vmem>>, vector<1x16xf32>,
    %broadcast_in_dim3A_311 = arith.constant 1.000000e+00 : f32
    %broadcast_in_dim3A_312 = vector.broadcast %broadcast_in_dim3A_311 : f32 to vector<16xf32>
    %swap3A_313 = arith.constant 39 : i32
    %swap3A_314 = arith.index_cast %swap3A_313 : i32 to index
    %swap3A_315 = arith.constant 0 : index
    %swap3A_316 = tpu.vector_load %arg5[%swap3A_314, %swap3A_315] {strides = array<i32>} : memref<128x16xf32, #tpu.memory_space<vmem>>, vector<1x16xf32>,
    %swap3A_317 = vector.shape_cast %swap3A_316 : vector<1x16xf32> to vector<16xf32>
    %swap3A_318 = vector.shape_cast %broadcast_in_dim3A_312 : vector<16xf32> to vector<1x16xf32>
    tpu.vector_store %arg5[%swap3A_314, %swap3A_315], %swap3A_318 {strides = array<i32>} : memref<128x16xf32, #tpu.memory_space<vmem>>, vector<1x16xf32>,
    %broadcast_in_dim3A_319 = arith.constant 1.000000e+00 : f32
    %broadcast_in_dim3A_320 = vector.broadcast %broadcast_in_dim3A_319 : f32 to vector<16xf32>
    %swap3A_321 = arith.constant 40 : i32
    %swap3A_322 = arith.index_cast %swap3A_321 : i32 to index
    %swap3A_323 = arith.constant 0 : index
    %swap3A_324 = tpu.vector_load %arg5[%swap3A_322, %swap3A_323] {strides = array<i32>} : memref<128x16xf32, #tpu.memory_space<vmem>>, vector<1x16xf32>,
    %swap3A_325 = vector.shape_cast %swap3A_324 : vector<1x16xf32> to vector<16xf32>
    %swap3A_326 = vector.shape_cast %broadcast_in_dim3A_320 : vector<16xf32> to vector<1x16xf32>
    tpu.vector_store %arg5[%swap3A_322, %swap3A_323], %swap3A_326 {strides = array<i32>} : memref<128x16xf32, #tpu.memory_space<vmem>>, vector<1x16xf32>,
    %broadcast_in_dim3A_327 = arith.constant 1.000000e+00 : f32
    %broadcast_in_dim3A_328 = vector.broadcast %broadcast_in_dim3A_327 : f32 to vector<16xf32>
    %swap3A_329 = arith.constant 41 : i32
    %swap3A_330 = arith.index_cast %swap3A_329 : i32 to index
    %swap3A_331 = arith.constant 0 : index
    %swap3A_332 = tpu.vector_load %arg5[%swap3A_330, %swap3A_331] {strides = array<i32>} : memref<128x16xf32, #tpu.memory_space<vmem>>, vector<1x16xf32>,
    %swap3A_333 = vector.shape_cast %swap3A_332 : vector<1x16xf32> to vector<16xf32>
    %swap3A_334 = vector.shape_cast %broadcast_in_dim3A_328 : vector<16xf32> to vector<1x16xf32>
    tpu.vector_store %arg5[%swap3A_330, %swap3A_331], %swap3A_334 {strides = array<i32>} : memref<128x16xf32, #tpu.memory_space<vmem>>, vector<1x16xf32>,
    %broadcast_in_dim3A_335 = arith.constant 1.000000e+00 : f32
    %broadcast_in_dim3A_336 = vector.broadcast %broadcast_in_dim3A_335 : f32 to vector<16xf32>
    %swap3A_337 = arith.constant 42 : i32
    %swap3A_338 = arith.index_cast %swap3A_337 : i32 to index
    %swap3A_339 = arith.constant 0 : index
    %swap3A_340 = tpu.vector_load %arg5[%swap3A_338, %swap3A_339] {strides = array<i32>} : memref<128x16xf32, #tpu.memory_space<vmem>>, vector<1x16xf32>,
    %swap3A_341 = vector.shape_cast %swap3A_340 : vector<1x16xf32> to vector<16xf32>
    %swap3A_342 = vector.shape_cast %broadcast_in_dim3A_336 : vector<16xf32> to vector<1x16xf32>
    tpu.vector_store %arg5[%swap3A_338, %swap3A_339], %swap3A_342 {strides = array<i32>} : memref<128x16xf32, #tpu.memory_space<vmem>>, vector<1x16xf32>,
    %broadcast_in_dim3A_343 = arith.constant 1.000000e+00 : f32
    %broadcast_in_dim3A_344 = vector.broadcast %broadcast_in_dim3A_343 : f32 to vector<16xf32>
    %swap3A_345 = arith.constant 43 : i32
    %swap3A_346 = arith.index_cast %swap3A_345 : i32 to index
    %swap3A_347 = arith.constant 0 : index
    %swap3A_348 = tpu.vector_load %arg5[%swap3A_346, %swap3A_347] {strides = array<i32>} : memref<128x16xf32, #tpu.memory_space<vmem>>, vector<1x16xf32>,
    %swap3A_349 = vector.shape_cast %swap3A_348 : vector<1x16xf32> to vector<16xf32>
    %swap3A_350 = vector.shape_cast %broadcast_in_dim3A_344 : vector<16xf32> to vector<1x16xf32>
    tpu.vector_store %arg5[%swap3A_346, %swap3A_347], %swap3A_350 {strides = array<i32>} : memref<128x16xf32, #tpu.memory_space<vmem>>, vector<1x16xf32>,
    %broadcast_in_dim3A_351 = arith.constant 1.000000e+00 : f32
    %broadcast_in_dim3A_352 = vector.broadcast %broadcast_in_dim3A_351 : f32 to vector<16xf32>
    %swap3A_353 = arith.constant 44 : i32
    %swap3A_354 = arith.index_cast %swap3A_353 : i32 to index
    %swap3A_355 = arith.constant 0 : index
    %swap3A_356 = tpu.vector_load %arg5[%swap3A_354, %swap3A_355] {strides = array<i32>} : memref<128x16xf32, #tpu.memory_space<vmem>>, vector<1x16xf32>,
    %swap3A_357 = vector.shape_cast %swap3A_356 : vector<1x16xf32> to vector<16xf32>
    %swap3A_358 = vector.shape_cast %broadcast_in_dim3A_352 : vector<16xf32> to vector<1x16xf32>
    tpu.vector_store %arg5[%swap3A_354, %swap3A_355], %swap3A_358 {strides = array<i32>} : memref<128x16xf32, #tpu.memory_space<vmem>>, vector<1x16xf32>,
    %broadcast_in_dim3A_359 = arith.constant 1.000000e+00 : f32
    %broadcast_in_dim3A_360 = vector.broadcast %broadcast_in_dim3A_359 : f32 to vector<16xf32>
    %swap3A_361 = arith.constant 45 : i32
    %swap3A_362 = arith.index_cast %swap3A_361 : i32 to index
    %swap3A_363 = arith.constant 0 : index
    %swap3A_364 = tpu.vector_load %arg5[%swap3A_362, %swap3A_363] {strides = array<i32>} : memref<128x16xf32, #tpu.memory_space<vmem>>, vector<1x16xf32>,
    %swap3A_365 = vector.shape_cast %swap3A_364 : vector<1x16xf32> to vector<16xf32>
    %swap3A_366 = vector.shape_cast %broadcast_in_dim3A_360 : vector<16xf32> to vector<1x16xf32>
    tpu.vector_store %arg5[%swap3A_362, %swap3A_363], %swap3A_366 {strides = array<i32>} : memref<128x16xf32, #tpu.memory_space<vmem>>, vector<1x16xf32>,
    %broadcast_in_dim3A_367 = arith.constant 1.000000e+00 : f32
    %broadcast_in_dim3A_368 = vector.broadcast %broadcast_in_dim3A_367 : f32 to vector<16xf32>
    %swap3A_369 = arith.constant 46 : i32
    %swap3A_370 = arith.index_cast %swap3A_369 : i32 to index
    %swap3A_371 = arith.constant 0 : index
    %swap3A_372 = tpu.vector_load %arg5[%swap3A_370, %swap3A_371] {strides = array<i32>} : memref<128x16xf32, #tpu.memory_space<vmem>>, vector<1x16xf32>,
    %swap3A_373 = vector.shape_cast %swap3A_372 : vector<1x16xf32> to vector<16xf32>
    %swap3A_374 = vector.shape_cast %broadcast_in_dim3A_368 : vector<16xf32> to vector<1x16xf32>
    tpu.vector_store %arg5[%swap3A_370, %swap3A_371], %swap3A_374 {strides = array<i32>} : memref<128x16xf32, #tpu.memory_space<vmem>>, vector<1x16xf32>,
    %broadcast_in_dim3A_375 = arith.constant 1.000000e+00 : f32
    %broadcast_in_dim3A_376 = vector.broadcast %broadcast_in_dim3A_375 : f32 to vector<16xf32>
    %swap3A_377 = arith.constant 47 : i32
    %swap3A_378 = arith.index_cast %swap3A_377 : i32 to index
    %swap3A_379 = arith.constant 0 : index
    %swap3A_380 = tpu.vector_load %arg5[%swap3A_378, %swap3A_379] {strides = array<i32>} : memref<128x16xf32, #tpu.memory_space<vmem>>, vector<1x16xf32>,
    %swap3A_381 = vector.shape_cast %swap3A_380 : vector<1x16xf32> to vector<16xf32>
    %swap3A_382 = vector.shape_cast %broadcast_in_dim3A_376 : vector<16xf32> to vector<1x16xf32>
    tpu.vector_store %arg5[%swap3A_378, %swap3A_379], %swap3A_382 {strides = array<i32>} : memref<128x16xf32, #tpu.memory_space<vmem>>, vector<1x16xf32>,
    %broadcast_in_dim3A_383 = arith.constant 1.000000e+00 : f32
    %broadcast_in_dim3A_384 = vector.broadcast %broadcast_in_dim3A_383 : f32 to vector<16xf32>
    %swap3A_385 = arith.constant 48 : i32
    %swap3A_386 = arith.index_cast %swap3A_385 : i32 to index
    %swap3A_387 = arith.constant 0 : index
    %swap3A_388 = tpu.vector_load %arg5[%swap3A_386, %swap3A_387] {strides = array<i32>} : memref<128x16xf32, #tpu.memory_space<vmem>>, vector<1x16xf32>,
    %swap3A_389 = vector.shape_cast %swap3A_388 : vector<1x16xf32> to vector<16xf32>
    %swap3A_390 = vector.shape_cast %broadcast_in_dim3A_384 : vector<16xf32> to vector<1x16xf32>
    tpu.vector_store %arg5[%swap3A_386, %swap3A_387], %swap3A_390 {strides = array<i32>} : memref<128x16xf32, #tpu.memory_space<vmem>>, vector<1x16xf32>,
    %broadcast_in_dim3A_391 = arith.constant 1.000000e+00 : f32
    %broadcast_in_dim3A_392 = vector.broadcast %broadcast_in_dim3A_391 : f32 to vector<16xf32>
    %swap3A_393 = arith.constant 49 : i32
    %swap3A_394 = arith.index_cast %swap3A_393 : i32 to index
    %swap3A_395 = arith.constant 0 : index
    %swap3A_396 = tpu.vector_load %arg5[%swap3A_394, %swap3A_395] {strides = array<i32>} : memref<128x16xf32, #tpu.memory_space<vmem>>, vector<1x16xf32>,
    %swap3A_397 = vector.shape_cast %swap3A_396 : vector<1x16xf32> to vector<16xf32>
    %swap3A_398 = vector.shape_cast %broadcast_in_dim3A_392 : vector<16xf32> to vector<1x16xf32>
    tpu.vector_store %arg5[%swap3A_394, %swap3A_395], %swap3A_398 {strides = array<i32>} : memref<128x16xf32, #tpu.memory_space<vmem>>, vector<1x16xf32>,
    %broadcast_in_dim3A_399 = arith.constant 1.000000e+00 : f32
    %broadcast_in_dim3A_400 = vector.broadcast %broadcast_in_dim3A_399 : f32 to vector<16xf32>
    %swap3A_401 = arith.constant 50 : i32
    %swap3A_402 = arith.index_cast %swap3A_401 : i32 to index
    %swap3A_403 = arith.constant 0 : index
    %swap3A_404 = tpu.vector_load %arg5[%swap3A_402, %swap3A_403] {strides = array<i32>} : memref<128x16xf32, #tpu.memory_space<vmem>>, vector<1x16xf32>,
    %swap3A_405 = vector.shape_cast %swap3A_404 : vector<1x16xf32> to vector<16xf32>
    %swap3A_406 = vector.shape_cast %broadcast_in_dim3A_400 : vector<16xf32> to vector<1x16xf32>
    tpu.vector_store %arg5[%swap3A_402, %swap3A_403], %swap3A_406 {strides = array<i32>} : memref<128x16xf32, #tpu.memory_space<vmem>>, vector<1x16xf32>,
    %broadcast_in_dim3A_407 = arith.constant 1.000000e+00 : f32
    %broadcast_in_dim3A_408 = vector.broadcast %broadcast_in_dim3A_407 : f32 to vector<16xf32>
    %swap3A_409 = arith.constant 51 : i32
    %swap3A_410 = arith.index_cast %swap3A_409 : i32 to index
    %swap3A_411 = arith.constant 0 : index
    %swap3A_412 = tpu.vector_load %arg5[%swap3A_410, %swap3A_411] {strides = array<i32>} : memref<128x16xf32, #tpu.memory_space<vmem>>, vector<1x16xf32>,
    %swap3A_413 = vector.shape_cast %swap3A_412 : vector<1x16xf32> to vector<16xf32>
    %swap3A_414 = vector.shape_cast %broadcast_in_dim3A_408 : vector<16xf32> to vector<1x16xf32>
    tpu.vector_store %arg5[%swap3A_410, %swap3A_411], %swap3A_414 {strides = array<i32>} : memref<128x16xf32, #tpu.memory_space<vmem>>, vector<1x16xf32>,
    %broadcast_in_dim3A_415 = arith.constant 1.000000e+00 : f32
    %broadcast_in_dim3A_416 = vector.broadcast %broadcast_in_dim3A_415 : f32 to vector<16xf32>
    %swap3A_417 = arith.constant 52 : i32
    %swap3A_418 = arith.index_cast %swap3A_417 : i32 to index
    %swap3A_419 = arith.constant 0 : index
    %swap3A_420 = tpu.vector_load %arg5[%swap3A_418, %swap3A_419] {strides = array<i32>} : memref<128x16xf32, #tpu.memory_space<vmem>>, vector<1x16xf32>,
    %swap3A_421 = vector.shape_cast %swap3A_420 : vector<1x16xf32> to vector<16xf32>
    %swap3A_422 = vector.shape_cast %broadcast_in_dim3A_416 : vector<16xf32> to vector<1x16xf32>
    tpu.vector_store %arg5[%swap3A_418, %swap3A_419], %swap3A_422 {strides = array<i32>} : memref<128x16xf32, #tpu.memory_space<vmem>>, vector<1x16xf32>,
    %broadcast_in_dim3A_423 = arith.constant 1.000000e+00 : f32
    %broadcast_in_dim3A_424 = vector.broadcast %broadcast_in_dim3A_423 : f32 to vector<16xf32>
    %swap3A_425 = arith.constant 53 : i32
    %swap3A_426 = arith.index_cast %swap3A_425 : i32 to index
    %swap3A_427 = arith.constant 0 : index
    %swap3A_428 = tpu.vector_load %arg5[%swap3A_426, %swap3A_427] {strides = array<i32>} : memref<128x16xf32, #tpu.memory_space<vmem>>, vector<1x16xf32>,
    %swap3A_429 = vector.shape_cast %swap3A_428 : vector<1x16xf32> to vector<16xf32>
    %swap3A_430 = vector.shape_cast %broadcast_in_dim3A_424 : vector<16xf32> to vector<1x16xf32>
    tpu.vector_store %arg5[%swap3A_426, %swap3A_427], %swap3A_430 {strides = array<i32>} : memref<128x16xf32, #tpu.memory_space<vmem>>, vector<1x16xf32>,
    %broadcast_in_dim3A_431 = arith.constant 1.000000e+00 : f32
    %broadcast_in_dim3A_432 = vector.broadcast %broadcast_in_dim3A_431 : f32 to vector<16xf32>
    %swap3A_433 = arith.constant 54 : i32
    %swap3A_434 = arith.index_cast %swap3A_433 : i32 to index
    %swap3A_435 = arith.constant 0 : index
    %swap3A_436 = tpu.vector_load %arg5[%swap3A_434, %swap3A_435] {strides = array<i32>} : memref<128x16xf32, #tpu.memory_space<vmem>>, vector<1x16xf32>,
    %swap3A_437 = vector.shape_cast %swap3A_436 : vector<1x16xf32> to vector<16xf32>
    %swap3A_438 = vector.shape_cast %broadcast_in_dim3A_432 : vector<16xf32> to vector<1x16xf32>
    tpu.vector_store %arg5[%swap3A_434, %swap3A_435], %swap3A_438 {strides = array<i32>} : memref<128x16xf32, #tpu.memory_space<vmem>>, vector<1x16xf32>,
    %broadcast_in_dim3A_439 = arith.constant 1.000000e+00 : f32
    %broadcast_in_dim3A_440 = vector.broadcast %broadcast_in_dim3A_439 : f32 to vector<16xf32>
    %swap3A_441 = arith.constant 55 : i32
    %swap3A_442 = arith.index_cast %swap3A_441 : i32 to index
    %swap3A_443 = arith.constant 0 : index
    %swap3A_444 = tpu.vector_load %arg5[%swap3A_442, %swap3A_443] {strides = array<i32>} : memref<128x16xf32, #tpu.memory_space<vmem>>, vector<1x16xf32>,
    %swap3A_445 = vector.shape_cast %swap3A_444 : vector<1x16xf32> to vector<16xf32>
    %swap3A_446 = vector.shape_cast %broadcast_in_dim3A_440 : vector<16xf32> to vector<1x16xf32>
    tpu.vector_store %arg5[%swap3A_442, %swap3A_443], %swap3A_446 {strides = array<i32>} : memref<128x16xf32, #tpu.memory_space<vmem>>, vector<1x16xf32>,
    %broadcast_in_dim3A_447 = arith.constant 1.000000e+00 : f32
    %broadcast_in_dim3A_448 = vector.broadcast %broadcast_in_dim3A_447 : f32 to vector<16xf32>
    %swap3A_449 = arith.constant 56 : i32
    %swap3A_450 = arith.index_cast %swap3A_449 : i32 to index
    %swap3A_451 = arith.constant 0 : index
    %swap3A_452 = tpu.vector_load %arg5[%swap3A_450, %swap3A_451] {strides = array<i32>} : memref<128x16xf32, #tpu.memory_space<vmem>>, vector<1x16xf32>,
    %swap3A_453 = vector.shape_cast %swap3A_452 : vector<1x16xf32> to vector<16xf32>
    %swap3A_454 = vector.shape_cast %broadcast_in_dim3A_448 : vector<16xf32> to vector<1x16xf32>
    tpu.vector_store %arg5[%swap3A_450, %swap3A_451], %swap3A_454 {strides = array<i32>} : memref<128x16xf32, #tpu.memory_space<vmem>>, vector<1x16xf32>,
    %broadcast_in_dim3A_455 = arith.constant 1.000000e+00 : f32
    %broadcast_in_dim3A_456 = vector.broadcast %broadcast_in_dim3A_455 : f32 to vector<16xf32>
    %swap3A_457 = arith.constant 57 : i32
    %swap3A_458 = arith.index_cast %swap3A_457 : i32 to index
    %swap3A_459 = arith.constant 0 : index
    %swap3A_460 = tpu.vector_load %arg5[%swap3A_458, %swap3A_459] {strides = array<i32>} : memref<128x16xf32, #tpu.memory_space<vmem>>, vector<1x16xf32>,
    %swap3A_461 = vector.shape_cast %swap3A_460 : vector<1x16xf32> to vector<16xf32>
    %swap3A_462 = vector.shape_cast %broadcast_in_dim3A_456 : vector<16xf32> to vector<1x16xf32>
    tpu.vector_store %arg5[%swap3A_458, %swap3A_459], %swap3A_462 {strides = array<i32>} : memref<128x16xf32, #tpu.memory_space<vmem>>, vector<1x16xf32>,
    %broadcast_in_dim3A_463 = arith.constant 1.000000e+00 : f32
    %broadcast_in_dim3A_464 = vector.broadcast %broadcast_in_dim3A_463 : f32 to vector<16xf32>
    %swap3A_465 = arith.constant 58 : i32
    %swap3A_466 = arith.index_cast %swap3A_465 : i32 to index
    %swap3A_467 = arith.constant 0 : index
    %swap3A_468 = tpu.vector_load %arg5[%swap3A_466, %swap3A_467] {strides = array<i32>} : memref<128x16xf32, #tpu.memory_space<vmem>>, vector<1x16xf32>,
    %swap3A_469 = vector.shape_cast %swap3A_468 : vector<1x16xf32> to vector<16xf32>
    %swap3A_470 = vector.shape_cast %broadcast_in_dim3A_464 : vector<16xf32> to vector<1x16xf32>
    tpu.vector_store %arg5[%swap3A_466, %swap3A_467], %swap3A_470 {strides = array<i32>} : memref<128x16xf32, #tpu.memory_space<vmem>>, vector<1x16xf32>,
    %broadcast_in_dim3A_471 = arith.constant 1.000000e+00 : f32
    %broadcast_in_dim3A_472 = vector.broadcast %broadcast_in_dim3A_471 : f32 to vector<16xf32>
    %swap3A_473 = arith.constant 59 : i32
    %swap3A_474 = arith.index_cast %swap3A_473 : i32 to index
    %swap3A_475 = arith.constant 0 : index
    %swap3A_476 = tpu.vector_load %arg5[%swap3A_474, %swap3A_475] {strides = array<i32>} : memref<128x16xf32, #tpu.memory_space<vmem>>, vector<1x16xf32>,
    %swap3A_477 = vector.shape_cast %swap3A_476 : vector<1x16xf32> to vector<16xf32>
    %swap3A_478 = vector.shape_cast %broadcast_in_dim3A_472 : vector<16xf32> to vector<1x16xf32>
    tpu.vector_store %arg5[%swap3A_474, %swap3A_475], %swap3A_478 {strides = array<i32>} : memref<128x16xf32, #tpu.memory_space<vmem>>, vector<1x16xf32>,
    %broadcast_in_dim3A_479 = arith.constant 1.000000e+00 : f32
    %broadcast_in_dim3A_480 = vector.broadcast %broadcast_in_dim3A_479 : f32 to vector<16xf32>
    %swap3A_481 = arith.constant 60 : i32
    %swap3A_482 = arith.index_cast %swap3A_481 : i32 to index
    %swap3A_483 = arith.constant 0 : index
    %swap3A_484 = tpu.vector_load %arg5[%swap3A_482, %swap3A_483] {strides = array<i32>} : memref<128x16xf32, #tpu.memory_space<vmem>>, vector<1x16xf32>,
    %swap3A_485 = vector.shape_cast %swap3A_484 : vector<1x16xf32> to vector<16xf32>
    %swap3A_486 = vector.shape_cast %broadcast_in_dim3A_480 : vector<16xf32> to vector<1x16xf32>
    tpu.vector_store %arg5[%swap3A_482, %swap3A_483], %swap3A_486 {strides = array<i32>} : memref<128x16xf32, #tpu.memory_space<vmem>>, vector<1x16xf32>,
    %broadcast_in_dim3A_487 = arith.constant 1.000000e+00 : f32
    %broadcast_in_dim3A_488 = vector.broadcast %broadcast_in_dim3A_487 : f32 to vector<16xf32>
    %swap3A_489 = arith.constant 61 : i32
    %swap3A_490 = arith.index_cast %swap3A_489 : i32 to index
    %swap3A_491 = arith.constant 0 : index
    %swap3A_492 = tpu.vector_load %arg5[%swap3A_490, %swap3A_491] {strides = array<i32>} : memref<128x16xf32, #tpu.memory_space<vmem>>, vector<1x16xf32>,
    %swap3A_493 = vector.shape_cast %swap3A_492 : vector<1x16xf32> to vector<16xf32>
    %swap3A_494 = vector.shape_cast %broadcast_in_dim3A_488 : vector<16xf32> to vector<1x16xf32>
    tpu.vector_store %arg5[%swap3A_490, %swap3A_491], %swap3A_494 {strides = array<i32>} : memref<128x16xf32, #tpu.memory_space<vmem>>, vector<1x16xf32>,
    %broadcast_in_dim3A_495 = arith.constant 1.000000e+00 : f32
    %broadcast_in_dim3A_496 = vector.broadcast %broadcast_in_dim3A_495 : f32 to vector<16xf32>
    %swap3A_497 = arith.constant 62 : i32
    %swap3A_498 = arith.index_cast %swap3A_497 : i32 to index
    %swap3A_499 = arith.constant 0 : index
    %swap3A_500 = tpu.vector_load %arg5[%swap3A_498, %swap3A_499] {strides = array<i32>} : memref<128x16xf32, #tpu.memory_space<vmem>>, vector<1x16xf32>,
    %swap3A_501 = vector.shape_cast %swap3A_500 : vector<1x16xf32> to vector<16xf32>
    %swap3A_502 = vector.shape_cast %broadcast_in_dim3A_496 : vector<16xf32> to vector<1x16xf32>
    tpu.vector_store %arg5[%swap3A_498, %swap3A_499], %swap3A_502 {strides = array<i32>} : memref<128x16xf32, #tpu.memory_space<vmem>>, vector<1x16xf32>,
    %broadcast_in_dim3A_503 = arith.constant 1.000000e+00 : f32
    %broadcast_in_dim3A_504 = vector.broadcast %broadcast_in_dim3A_503 : f32 to vector<16xf32>
    %swap3A_505 = arith.constant 63 : i32
    %swap3A_506 = arith.index_cast %swap3A_505 : i32 to index
    %swap3A_507 = arith.constant 0 : index
    %swap3A_508 = tpu.vector_load %arg5[%swap3A_506, %swap3A_507] {strides = array<i32>} : memref<128x16xf32, #tpu.memory_space<vmem>>, vector<1x16xf32>,
    %swap3A_509 = vector.shape_cast %swap3A_508 : vector<1x16xf32> to vector<16xf32>
    %swap3A_510 = vector.shape_cast %broadcast_in_dim3A_504 : vector<16xf32> to vector<1x16xf32>
    tpu.vector_store %arg5[%swap3A_506, %swap3A_507], %swap3A_510 {strides = array<i32>} : memref<128x16xf32, #tpu.memory_space<vmem>>, vector<1x16xf32>,
    %broadcast_in_dim3A_511 = arith.constant 1.000000e+00 : f32
    %broadcast_in_dim3A_512 = vector.broadcast %broadcast_in_dim3A_511 : f32 to vector<16xf32>
    %swap3A_513 = arith.constant 64 : i32
    %swap3A_514 = arith.index_cast %swap3A_513 : i32 to index
    %swap3A_515 = arith.constant 0 : index
    %swap3A_516 = tpu.vector_load %arg5[%swap3A_514, %swap3A_515] {strides = array<i32>} : memref<128x16xf32, #tpu.memory_space<vmem>>, vector<1x16xf32>,
    %swap3A_517 = vector.shape_cast %swap3A_516 : vector<1x16xf32> to vector<16xf32>
    %swap3A_518 = vector.shape_cast %broadcast_in_dim3A_512 : vector<16xf32> to vector<1x16xf32>
    tpu.vector_store %arg5[%swap3A_514, %swap3A_515], %swap3A_518 {strides = array<i32>} : memref<128x16xf32, #tpu.memory_space<vmem>>, vector<1x16xf32>,
    %broadcast_in_dim3A_519 = arith.constant 1.000000e+00 : f32
    %broadcast_in_dim3A_520 = vector.broadcast %broadcast_in_dim3A_519 : f32 to vector<16xf32>
    %swap3A_521 = arith.constant 65 : i32
    %swap3A_522 = arith.index_cast %swap3A_521 : i32 to index
    %swap3A_523 = arith.constant 0 : index
    %swap3A_524 = tpu.vector_load %arg5[%swap3A_522, %swap3A_523] {strides = array<i32>} : memref<128x16xf32, #tpu.memory_space<vmem>>, vector<1x16xf32>,
    %swap3A_525 = vector.shape_cast %swap3A_524 : vector<1x16xf32> to vector<16xf32>
    %swap3A_526 = vector.shape_cast %broadcast_in_dim3A_520 : vector<16xf32> to vector<1x16xf32>
    tpu.vector_store %arg5[%swap3A_522, %swap3A_523], %swap3A_526 {strides = array<i32>} : memref<128x16xf32, #tpu.memory_space<vmem>>, vector<1x16xf32>,
    %broadcast_in_dim3A_527 = arith.constant 1.000000e+00 : f32
    %broadcast_in_dim3A_528 = vector.broadcast %broadcast_in_dim3A_527 : f32 to vector<16xf32>
    %swap3A_529 = arith.constant 66 : i32
    %swap3A_530 = arith.index_cast %swap3A_529 : i32 to index
    %swap3A_531 = arith.constant 0 : index
    %swap3A_532 = tpu.vector_load %arg5[%swap3A_530, %swap3A_531] {strides = array<i32>} : memref<128x16xf32, #tpu.memory_space<vmem>>, vector<1x16xf32>,
    %swap3A_533 = vector.shape_cast %swap3A_532 : vector<1x16xf32> to vector<16xf32>
    %swap3A_534 = vector.shape_cast %broadcast_in_dim3A_528 : vector<16xf32> to vector<1x16xf32>
    tpu.vector_store %arg5[%swap3A_530, %swap3A_531], %swap3A_534 {strides = array<i32>} : memref<128x16xf32, #tpu.memory_space<vmem>>, vector<1x16xf32>,
    %broadcast_in_dim3A_535 = arith.constant 1.000000e+00 : f32
    %broadcast_in_dim3A_536 = vector.broadcast %broadcast_in_dim3A_535 : f32 to vector<16xf32>
    %swap3A_537 = arith.constant 67 : i32
    %swap3A_538 = arith.index_cast %swap3A_537 : i32 to index
    %swap3A_539 = arith.constant 0 : index
    %swap3A_540 = tpu.vector_load %arg5[%swap3A_538, %swap3A_539] {strides = array<i32>} : memref<128x16xf32, #tpu.memory_space<vmem>>, vector<1x16xf32>,
    %swap3A_541 = vector.shape_cast %swap3A_540 : vector<1x16xf32> to vector<16xf32>
    %swap3A_542 = vector.shape_cast %broadcast_in_dim3A_536 : vector<16xf32> to vector<1x16xf32>
    tpu.vector_store %arg5[%swap3A_538, %swap3A_539], %swap3A_542 {strides = array<i32>} : memref<128x16xf32, #tpu.memory_space<vmem>>, vector<1x16xf32>,
    %broadcast_in_dim3A_543 = arith.constant 1.000000e+00 : f32
    %broadcast_in_dim3A_544 = vector.broadcast %broadcast_in_dim3A_543 : f32 to vector<16xf32>
    %swap3A_545 = arith.constant 68 : i32
    %swap3A_546 = arith.index_cast %swap3A_545 : i32 to index
    %swap3A_547 = arith.constant 0 : index
    %swap3A_548 = tpu.vector_load %arg5[%swap3A_546, %swap3A_547] {strides = array<i32>} : memref<128x16xf32, #tpu.memory_space<vmem>>, vector<1x16xf32>,
    %swap3A_549 = vector.shape_cast %swap3A_548 : vector<1x16xf32> to vector<16xf32>
    %swap3A_550 = vector.shape_cast %broadcast_in_dim3A_544 : vector<16xf32> to vector<1x16xf32>
    tpu.vector_store %arg5[%swap3A_546, %swap3A_547], %swap3A_550 {strides = array<i32>} : memref<128x16xf32, #tpu.memory_space<vmem>>, vector<1x16xf32>,
    %broadcast_in_dim3A_551 = arith.constant 1.000000e+00 : f32
    %broadcast_in_dim3A_552 = vector.broadcast %broadcast_in_dim3A_551 : f32 to vector<16xf32>
    %swap3A_553 = arith.constant 69 : i32
    %swap3A_554 = arith.index_cast %swap3A_553 : i32 to index
    %swap3A_555 = arith.constant 0 : index
    %swap3A_556 = tpu.vector_load %arg5[%swap3A_554, %swap3A_555] {strides = array<i32>} : memref<128x16xf32, #tpu.memory_space<vmem>>, vector<1x16xf32>,
    %swap3A_557 = vector.shape_cast %swap3A_556 : vector<1x16xf32> to vector<16xf32>
    %swap3A_558 = vector.shape_cast %broadcast_in_dim3A_552 : vector<16xf32> to vector<1x16xf32>
    tpu.vector_store %arg5[%swap3A_554, %swap3A_555], %swap3A_558 {strides = array<i32>} : memref<128x16xf32, #tpu.memory_space<vmem>>, vector<1x16xf32>,
    %broadcast_in_dim3A_559 = arith.constant 1.000000e+00 : f32
    %broadcast_in_dim3A_560 = vector.broadcast %broadcast_in_dim3A_559 : f32 to vector<16xf32>
    %swap3A_561 = arith.constant 70 : i32
    %swap3A_562 = arith.index_cast %swap3A_561 : i32 to index
    %swap3A_563 = arith.constant 0 : index
    %swap3A_564 = tpu.vector_load %arg5[%swap3A_562, %swap3A_563] {strides = array<i32>} : memref<128x16xf32, #tpu.memory_space<vmem>>, vector<1x16xf32>,
    %swap3A_565 = vector.shape_cast %swap3A_564 : vector<1x16xf32> to vector<16xf32>
    %swap3A_566 = vector.shape_cast %broadcast_in_dim3A_560 : vector<16xf32> to vector<1x16xf32>
    tpu.vector_store %arg5[%swap3A_562, %swap3A_563], %swap3A_566 {strides = array<i32>} : memref<128x16xf32, #tpu.memory_space<vmem>>, vector<1x16xf32>,
    %broadcast_in_dim3A_567 = arith.constant 1.000000e+00 : f32
    %broadcast_in_dim3A_568 = vector.broadcast %broadcast_in_dim3A_567 : f32 to vector<16xf32>
    %swap3A_569 = arith.constant 71 : i32
    %swap3A_570 = arith.index_cast %swap3A_569 : i32 to index
    %swap3A_571 = arith.constant 0 : index
    %swap3A_572 = tpu.vector_load %arg5[%swap3A_570, %swap3A_571] {strides = array<i32>} : memref<128x16xf32, #tpu.memory_space<vmem>>, vector<1x16xf32>,
    %swap3A_573 = vector.shape_cast %swap3A_572 : vector<1x16xf32> to vector<16xf32>
    %swap3A_574 = vector.shape_cast %broadcast_in_dim3A_568 : vector<16xf32> to vector<1x16xf32>
    tpu.vector_store %arg5[%swap3A_570, %swap3A_571], %swap3A_574 {strides = array<i32>} : memref<128x16xf32, #tpu.memory_space<vmem>>, vector<1x16xf32>,
    %broadcast_in_dim3A_575 = arith.constant 1.000000e+00 : f32
    %broadcast_in_dim3A_576 = vector.broadcast %broadcast_in_dim3A_575 : f32 to vector<16xf32>
    %swap3A_577 = arith.constant 72 : i32
    %swap3A_578 = arith.index_cast %swap3A_577 : i32 to index
    %swap3A_579 = arith.constant 0 : index
    %swap3A_580 = tpu.vector_load %arg5[%swap3A_578, %swap3A_579] {strides = array<i32>} : memref<128x16xf32, #tpu.memory_space<vmem>>, vector<1x16xf32>,
    %swap3A_581 = vector.shape_cast %swap3A_580 : vector<1x16xf32> to vector<16xf32>
    %swap3A_582 = vector.shape_cast %broadcast_in_dim3A_576 : vector<16xf32> to vector<1x16xf32>
    tpu.vector_store %arg5[%swap3A_578, %swap3A_579], %swap3A_582 {strides = array<i32>} : memref<128x16xf32, #tpu.memory_space<vmem>>, vector<1x16xf32>,
    %broadcast_in_dim3A_583 = arith.constant 1.000000e+00 : f32
    %broadcast_in_dim3A_584 = vector.broadcast %broadcast_in_dim3A_583 : f32 to vector<16xf32>
    %swap3A_585 = arith.constant 73 : i32
    %swap3A_586 = arith.index_cast %swap3A_585 : i32 to index
    %swap3A_587 = arith.constant 0 : index
    %swap3A_588 = tpu.vector_load %arg5[%swap3A_586, %swap3A_587] {strides = array<i32>} : memref<128x16xf32, #tpu.memory_space<vmem>>, vector<1x16xf32>,
    %swap3A_589 = vector.shape_cast %swap3A_588 : vector<1x16xf32> to vector<16xf32>
    %swap3A_590 = vector.shape_cast %broadcast_in_dim3A_584 : vector<16xf32> to vector<1x16xf32>
    tpu.vector_store %arg5[%swap3A_586, %swap3A_587], %swap3A_590 {strides = array<i32>} : memref<128x16xf32, #tpu.memory_space<vmem>>, vector<1x16xf32>,
    %broadcast_in_dim3A_591 = arith.constant 1.000000e+00 : f32
    %broadcast_in_dim3A_592 = vector.broadcast %broadcast_in_dim3A_591 : f32 to vector<16xf32>
    %swap3A_593 = arith.constant 74 : i32
    %swap3A_594 = arith.index_cast %swap3A_593 : i32 to index
    %swap3A_595 = arith.constant 0 : index
    %swap3A_596 = tpu.vector_load %arg5[%swap3A_594, %swap3A_595] {strides = array<i32>} : memref<128x16xf32, #tpu.memory_space<vmem>>, vector<1x16xf32>,
    %swap3A_597 = vector.shape_cast %swap3A_596 : vector<1x16xf32> to vector<16xf32>
    %swap3A_598 = vector.shape_cast %broadcast_in_dim3A_592 : vector<16xf32> to vector<1x16xf32>
    tpu.vector_store %arg5[%swap3A_594, %swap3A_595], %swap3A_598 {strides = array<i32>} : memref<128x16xf32, #tpu.memory_space<vmem>>, vector<1x16xf32>,
    %broadcast_in_dim3A_599 = arith.constant 1.000000e+00 : f32
    %broadcast_in_dim3A_600 = vector.broadcast %broadcast_in_dim3A_599 : f32 to vector<16xf32>
    %swap3A_601 = arith.constant 75 : i32
    %swap3A_602 = arith.index_cast %swap3A_601 : i32 to index
    %swap3A_603 = arith.constant 0 : index
    %swap3A_604 = tpu.vector_load %arg5[%swap3A_602, %swap3A_603] {strides = array<i32>} : memref<128x16xf32, #tpu.memory_space<vmem>>, vector<1x16xf32>,
    %swap3A_605 = vector.shape_cast %swap3A_604 : vector<1x16xf32> to vector<16xf32>
    %swap3A_606 = vector.shape_cast %broadcast_in_dim3A_600 : vector<16xf32> to vector<1x16xf32>
    tpu.vector_store %arg5[%swap3A_602, %swap3A_603], %swap3A_606 {strides = array<i32>} : memref<128x16xf32, #tpu.memory_space<vmem>>, vector<1x16xf32>,
    %broadcast_in_dim3A_607 = arith.constant 1.000000e+00 : f32
    %broadcast_in_dim3A_608 = vector.broadcast %broadcast_in_dim3A_607 : f32 to vector<16xf32>
    %swap3A_609 = arith.constant 76 : i32
    %swap3A_610 = arith.index_cast %swap3A_609 : i32 to index
    %swap3A_611 = arith.constant 0 : index
    %swap3A_612 = tpu.vector_load %arg5[%swap3A_610, %swap3A_611] {strides = array<i32>} : memref<128x16xf32, #tpu.memory_space<vmem>>, vector<1x16xf32>,
    %swap3A_613 = vector.shape_cast %swap3A_612 : vector<1x16xf32> to vector<16xf32>
    %swap3A_614 = vector.shape_cast %broadcast_in_dim3A_608 : vector<16xf32> to vector<1x16xf32>
    tpu.vector_store %arg5[%swap3A_610, %swap3A_611], %swap3A_614 {strides = array<i32>} : memref<128x16xf32, #tpu.memory_space<vmem>>, vector<1x16xf32>,
    %broadcast_in_dim3A_615 = arith.constant 1.000000e+00 : f32
    %broadcast_in_dim3A_616 = vector.broadcast %broadcast_in_dim3A_615 : f32 to vector<16xf32>
    %swap3A_617 = arith.constant 77 : i32
    %swap3A_618 = arith.index_cast %swap3A_617 : i32 to index
    %swap3A_619 = arith.constant 0 : index
    %swap3A_620 = tpu.vector_load %arg5[%swap3A_618, %swap3A_619] {strides = array<i32>} : memref<128x16xf32, #tpu.memory_space<vmem>>, vector<1x16xf32>,
    %swap3A_621 = vector.shape_cast %swap3A_620 : vector<1x16xf32> to vector<16xf32>
    %swap3A_622 = vector.shape_cast %broadcast_in_dim3A_616 : vector<16xf32> to vector<1x16xf32>
    tpu.vector_store %arg5[%swap3A_618, %swap3A_619], %swap3A_622 {strides = array<i32>} : memref<128x16xf32, #tpu.memory_space<vmem>>, vector<1x16xf32>,
    %broadcast_in_dim3A_623 = arith.constant 1.000000e+00 : f32
    %broadcast_in_dim3A_624 = vector.broadcast %broadcast_in_dim3A_623 : f32 to vector<16xf32>
    %swap3A_625 = arith.constant 78 : i32
    %swap3A_626 = arith.index_cast %swap3A_625 : i32 to index
    %swap3A_627 = arith.constant 0 : index
    %swap3A_628 = tpu.vector_load %arg5[%swap3A_626, %swap3A_627] {strides = array<i32>} : memref<128x16xf32, #tpu.memory_space<vmem>>, vector<1x16xf32>,
    %swap3A_629 = vector.shape_cast %swap3A_628 : vector<1x16xf32> to vector<16xf32>
    %swap3A_630 = vector.shape_cast %broadcast_in_dim3A_624 : vector<16xf32> to vector<1x16xf32>
    tpu.vector_store %arg5[%swap3A_626, %swap3A_627], %swap3A_630 {strides = array<i32>} : memref<128x16xf32, #tpu.memory_space<vmem>>, vector<1x16xf32>,
    %broadcast_in_dim3A_631 = arith.constant 1.000000e+00 : f32
    %broadcast_in_dim3A_632 = vector.broadcast %broadcast_in_dim3A_631 : f32 to vector<16xf32>
    %swap3A_633 = arith.constant 79 : i32
    %swap3A_634 = arith.index_cast %swap3A_633 : i32 to index
    %swap3A_635 = arith.constant 0 : index
    %swap3A_636 = tpu.vector_load %arg5[%swap3A_634, %swap3A_635] {strides = array<i32>} : memref<128x16xf32, #tpu.memory_space<vmem>>, vector<1x16xf32>,
    %swap3A_637 = vector.shape_cast %swap3A_636 : vector<1x16xf32> to vector<16xf32>
    %swap3A_638 = vector.shape_cast %broadcast_in_dim3A_632 : vector<16xf32> to vector<1x16xf32>
    tpu.vector_store %arg5[%swap3A_634, %swap3A_635], %swap3A_638 {strides = array<i32>} : memref<128x16xf32, #tpu.memory_space<vmem>>, vector<1x16xf32>,
    %broadcast_in_dim3A_639 = arith.constant 1.000000e+00 : f32
    %broadcast_in_dim3A_640 = vector.broadcast %broadcast_in_dim3A_639 : f32 to vector<16xf32>
    %swap3A_641 = arith.constant 80 : i32
    %swap3A_642 = arith.index_cast %swap3A_641 : i32 to index
    %swap3A_643 = arith.constant 0 : index
    %swap3A_644 = tpu.vector_load %arg5[%swap3A_642, %swap3A_643] {strides = array<i32>} : memref<128x16xf32, #tpu.memory_space<vmem>>, vector<1x16xf32>,
    %swap3A_645 = vector.shape_cast %swap3A_644 : vector<1x16xf32> to vector<16xf32>
    %swap3A_646 = vector.shape_cast %broadcast_in_dim3A_640 : vector<16xf32> to vector<1x16xf32>
    tpu.vector_store %arg5[%swap3A_642, %swap3A_643], %swap3A_646 {strides = array<i32>} : memref<128x16xf32, #tpu.memory_space<vmem>>, vector<1x16xf32>,
    %broadcast_in_dim3A_647 = arith.constant 1.000000e+00 : f32
    %broadcast_in_dim3A_648 = vector.broadcast %broadcast_in_dim3A_647 : f32 to vector<16xf32>
    %swap3A_649 = arith.constant 81 : i32
    %swap3A_650 = arith.index_cast %swap3A_649 : i32 to index
    %swap3A_651 = arith.constant 0 : index
    %swap3A_652 = tpu.vector_load %arg5[%swap3A_650, %swap3A_651] {strides = array<i32>} : memref<128x16xf32, #tpu.memory_space<vmem>>, vector<1x16xf32>,
    %swap3A_653 = vector.shape_cast %swap3A_652 : vector<1x16xf32> to vector<16xf32>
    %swap3A_654 = vector.shape_cast %broadcast_in_dim3A_648 : vector<16xf32> to vector<1x16xf32>
    tpu.vector_store %arg5[%swap3A_650, %swap3A_651], %swap3A_654 {strides = array<i32>} : memref<128x16xf32, #tpu.memory_space<vmem>>, vector<1x16xf32>,
    %broadcast_in_dim3A_655 = arith.constant 1.000000e+00 : f32
    %broadcast_in_dim3A_656 = vector.broadcast %broadcast_in_dim3A_655 : f32 to vector<16xf32>
    %swap3A_657 = arith.constant 82 : i32
    %swap3A_658 = arith.index_cast %swap3A_657 : i32 to index
    %swap3A_659 = arith.constant 0 : index
    %swap3A_660 = tpu.vector_load %arg5[%swap3A_658, %swap3A_659] {strides = array<i32>} : memref<128x16xf32, #tpu.memory_space<vmem>>, vector<1x16xf32>,
    %swap3A_661 = vector.shape_cast %swap3A_660 : vector<1x16xf32> to vector<16xf32>
    %swap3A_662 = vector.shape_cast %broadcast_in_dim3A_656 : vector<16xf32> to vector<1x16xf32>
    tpu.vector_store %arg5[%swap3A_658, %swap3A_659], %swap3A_662 {strides = array<i32>} : memref<128x16xf32, #tpu.memory_space<vmem>>, vector<1x16xf32>,
    %broadcast_in_dim3A_663 = arith.constant 1.000000e+00 : f32
    %broadcast_in_dim3A_664 = vector.broadcast %broadcast_in_dim3A_663 : f32 to vector<16xf32>
    %swap3A_665 = arith.constant 83 : i32
    %swap3A_666 = arith.index_cast %swap3A_665 : i32 to index
    %swap3A_667 = arith.constant 0 : index
    %swap3A_668 = tpu.vector_load %arg5[%swap3A_666, %swap3A_667] {strides = array<i32>} : memref<128x16xf32, #tpu.memory_space<vmem>>, vector<1x16xf32>,
    %swap3A_669 = vector.shape_cast %swap3A_668 : vector<1x16xf32> to vector<16xf32>
    %swap3A_670 = vector.shape_cast %broadcast_in_dim3A_664 : vector<16xf32> to vector<1x16xf32>
    tpu.vector_store %arg5[%swap3A_666, %swap3A_667], %swap3A_670 {strides = array<i32>} : memref<128x16xf32, #tpu.memory_space<vmem>>, vector<1x16xf32>,
    %broadcast_in_dim3A_671 = arith.constant 1.000000e+00 : f32
    %broadcast_in_dim3A_672 = vector.broadcast %broadcast_in_dim3A_671 : f32 to vector<16xf32>
    %swap3A_673 = arith.constant 84 : i32
    %swap3A_674 = arith.index_cast %swap3A_673 : i32 to index
    %swap3A_675 = arith.constant 0 : index
    %swap3A_676 = tpu.vector_load %arg5[%swap3A_674, %swap3A_675] {strides = array<i32>} : memref<128x16xf32, #tpu.memory_space<vmem>>, vector<1x16xf32>,
    %swap3A_677 = vector.shape_cast %swap3A_676 : vector<1x16xf32> to vector<16xf32>
    %swap3A_678 = vector.shape_cast %broadcast_in_dim3A_672 : vector<16xf32> to vector<1x16xf32>
    tpu.vector_store %arg5[%swap3A_674, %swap3A_675], %swap3A_678 {strides = array<i32>} : memref<128x16xf32, #tpu.memory_space<vmem>>, vector<1x16xf32>,
    %broadcast_in_dim3A_679 = arith.constant 1.000000e+00 : f32
    %broadcast_in_dim3A_680 = vector.broadcast %broadcast_in_dim3A_679 : f32 to vector<16xf32>
    %swap3A_681 = arith.constant 85 : i32
    %swap3A_682 = arith.index_cast %swap3A_681 : i32 to index
    %swap3A_683 = arith.constant 0 : index
    %swap3A_684 = tpu.vector_load %arg5[%swap3A_682, %swap3A_683] {strides = array<i32>} : memref<128x16xf32, #tpu.memory_space<vmem>>, vector<1x16xf32>,
    %swap3A_685 = vector.shape_cast %swap3A_684 : vector<1x16xf32> to vector<16xf32>
    %swap3A_686 = vector.shape_cast %broadcast_in_dim3A_680 : vector<16xf32> to vector<1x16xf32>
    tpu.vector_store %arg5[%swap3A_682, %swap3A_683], %swap3A_686 {strides = array<i32>} : memref<128x16xf32, #tpu.memory_space<vmem>>, vector<1x16xf32>,
    %broadcast_in_dim3A_687 = arith.constant 1.000000e+00 : f32
    %broadcast_in_dim3A_688 = vector.broadcast %broadcast_in_dim3A_687 : f32 to vector<16xf32>
    %swap3A_689 = arith.constant 86 : i32
    %swap3A_690 = arith.index_cast %swap3A_689 : i32 to index
    %swap3A_691 = arith.constant 0 : index
    %swap3A_692 = tpu.vector_load %arg5[%swap3A_690, %swap3A_691] {strides = array<i32>} : memref<128x16xf32, #tpu.memory_space<vmem>>, vector<1x16xf32>,
    %swap3A_693 = vector.shape_cast %swap3A_692 : vector<1x16xf32> to vector<16xf32>
    %swap3A_694 = vector.shape_cast %broadcast_in_dim3A_688 : vector<16xf32> to vector<1x16xf32>
    tpu.vector_store %arg5[%swap3A_690, %swap3A_691], %swap3A_694 {strides = array<i32>} : memref<128x16xf32, #tpu.memory_space<vmem>>, vector<1x16xf32>,
    %broadcast_in_dim3A_695 = arith.constant 1.000000e+00 : f32
    %broadcast_in_dim3A_696 = vector.broadcast %broadcast_in_dim3A_695 : f32 to vector<16xf32>
    %swap3A_697 = arith.constant 87 : i32
    %swap3A_698 = arith.index_cast %swap3A_697 : i32 to index
    %swap3A_699 = arith.constant 0 : index
    %swap3A_700 = tpu.vector_load %arg5[%swap3A_698, %swap3A_699] {strides = array<i32>} : memref<128x16xf32, #tpu.memory_space<vmem>>, vector<1x16xf32>,
    %swap3A_701 = vector.shape_cast %swap3A_700 : vector<1x16xf32> to vector<16xf32>
    %swap3A_702 = vector.shape_cast %broadcast_in_dim3A_696 : vector<16xf32> to vector<1x16xf32>
    tpu.vector_store %arg5[%swap3A_698, %swap3A_699], %swap3A_702 {strides = array<i32>} : memref<128x16xf32, #tpu.memory_space<vmem>>, vector<1x16xf32>,
    %broadcast_in_dim3A_703 = arith.constant 1.000000e+00 : f32
    %broadcast_in_dim3A_704 = vector.broadcast %broadcast_in_dim3A_703 : f32 to vector<16xf32>
    %swap3A_705 = arith.constant 88 : i32
    %swap3A_706 = arith.index_cast %swap3A_705 : i32 to index
    %swap3A_707 = arith.constant 0 : index
    %swap3A_708 = tpu.vector_load %arg5[%swap3A_706, %swap3A_707] {strides = array<i32>} : memref<128x16xf32, #tpu.memory_space<vmem>>, vector<1x16xf32>,
    %swap3A_709 = vector.shape_cast %swap3A_708 : vector<1x16xf32> to vector<16xf32>
    %swap3A_710 = vector.shape_cast %broadcast_in_dim3A_704 : vector<16xf32> to vector<1x16xf32>
    tpu.vector_store %arg5[%swap3A_706, %swap3A_707], %swap3A_710 {strides = array<i32>} : memref<128x16xf32, #tpu.memory_space<vmem>>, vector<1x16xf32>,
    %broadcast_in_dim3A_711 = arith.constant 1.000000e+00 : f32
    %broadcast_in_dim3A_712 = vector.broadcast %broadcast_in_dim3A_711 : f32 to vector<16xf32>
    %swap3A_713 = arith.constant 89 : i32
    %swap3A_714 = arith.index_cast %swap3A_713 : i32 to index
    %swap3A_715 = arith.constant 0 : index
    %swap3A_716 = tpu.vector_load %arg5[%swap3A_714, %swap3A_715] {strides = array<i32>} : memref<128x16xf32, #tpu.memory_space<vmem>>, vector<1x16xf32>,
    %swap3A_717 = vector.shape_cast %swap3A_716 : vector<1x16xf32> to vector<16xf32>
    %swap3A_718 = vector.shape_cast %broadcast_in_dim3A_712 : vector<16xf32> to vector<1x16xf32>
    tpu.vector_store %arg5[%swap3A_714, %swap3A_715], %swap3A_718 {strides = array<i32>} : memref<128x16xf32, #tpu.memory_space<vmem>>, vector<1x16xf32>,
    %broadcast_in_dim3A_719 = arith.constant 1.000000e+00 : f32
    %broadcast_in_dim3A_720 = vector.broadcast %broadcast_in_dim3A_719 : f32 to vector<16xf32>
    %swap3A_721 = arith.constant 90 : i32
    %swap3A_722 = arith.index_cast %swap3A_721 : i32 to index
    %swap3A_723 = arith.constant 0 : index
    %swap3A_724 = tpu.vector_load %arg5[%swap3A_722, %swap3A_723] {strides = array<i32>} : memref<128x16xf32, #tpu.memory_space<vmem>>, vector<1x16xf32>,
    %swap3A_725 = vector.shape_cast %swap3A_724 : vector<1x16xf32> to vector<16xf32>
    %swap3A_726 = vector.shape_cast %broadcast_in_dim3A_720 : vector<16xf32> to vector<1x16xf32>
    tpu.vector_store %arg5[%swap3A_722, %swap3A_723], %swap3A_726 {strides = array<i32>} : memref<128x16xf32, #tpu.memory_space<vmem>>, vector<1x16xf32>,
    %broadcast_in_dim3A_727 = arith.constant 1.000000e+00 : f32
    %broadcast_in_dim3A_728 = vector.broadcast %broadcast_in_dim3A_727 : f32 to vector<16xf32>
    %swap3A_729 = arith.constant 91 : i32
    %swap3A_730 = arith.index_cast %swap3A_729 : i32 to index
    %swap3A_731 = arith.constant 0 : index
    %swap3A_732 = tpu.vector_load %arg5[%swap3A_730, %swap3A_731] {strides = array<i32>} : memref<128x16xf32, #tpu.memory_space<vmem>>, vector<1x16xf32>,
    %swap3A_733 = vector.shape_cast %swap3A_732 : vector<1x16xf32> to vector<16xf32>
    %swap3A_734 = vector.shape_cast %broadcast_in_dim3A_728 : vector<16xf32> to vector<1x16xf32>
    tpu.vector_store %arg5[%swap3A_730, %swap3A_731], %swap3A_734 {strides = array<i32>} : memref<128x16xf32, #tpu.memory_space<vmem>>, vector<1x16xf32>,
    %broadcast_in_dim3A_735 = arith.constant 1.000000e+00 : f32
    %broadcast_in_dim3A_736 = vector.broadcast %broadcast_in_dim3A_735 : f32 to vector<16xf32>
    %swap3A_737 = arith.constant 92 : i32
    %swap3A_738 = arith.index_cast %swap3A_737 : i32 to index
    %swap3A_739 = arith.constant 0 : index
    %swap3A_740 = tpu.vector_load %arg5[%swap3A_738, %swap3A_739] {strides = array<i32>} : memref<128x16xf32, #tpu.memory_space<vmem>>, vector<1x16xf32>,
    %swap3A_741 = vector.shape_cast %swap3A_740 : vector<1x16xf32> to vector<16xf32>
    %swap3A_742 = vector.shape_cast %broadcast_in_dim3A_736 : vector<16xf32> to vector<1x16xf32>
    tpu.vector_store %arg5[%swap3A_738, %swap3A_739], %swap3A_742 {strides = array<i32>} : memref<128x16xf32, #tpu.memory_space<vmem>>, vector<1x16xf32>,
    %broadcast_in_dim3A_743 = arith.constant 1.000000e+00 : f32
    %broadcast_in_dim3A_744 = vector.broadcast %broadcast_in_dim3A_743 : f32 to vector<16xf32>
    %swap3A_745 = arith.constant 93 : i32
    %swap3A_746 = arith.index_cast %swap3A_745 : i32 to index
    %swap3A_747 = arith.constant 0 : index
    %swap3A_748 = tpu.vector_load %arg5[%swap3A_746, %swap3A_747] {strides = array<i32>} : memref<128x16xf32, #tpu.memory_space<vmem>>, vector<1x16xf32>,
    %swap3A_749 = vector.shape_cast %swap3A_748 : vector<1x16xf32> to vector<16xf32>
    %swap3A_750 = vector.shape_cast %broadcast_in_dim3A_744 : vector<16xf32> to vector<1x16xf32>
    tpu.vector_store %arg5[%swap3A_746, %swap3A_747], %swap3A_750 {strides = array<i32>} : memref<128x16xf32, #tpu.memory_space<vmem>>, vector<1x16xf32>,
    %broadcast_in_dim3A_751 = arith.constant 1.000000e+00 : f32
    %broadcast_in_dim3A_752 = vector.broadcast %broadcast_in_dim3A_751 : f32 to vector<16xf32>
    %swap3A_753 = arith.constant 94 : i32
    %swap3A_754 = arith.index_cast %swap3A_753 : i32 to index
    %swap3A_755 = arith.constant 0 : index
    %swap3A_756 = tpu.vector_load %arg5[%swap3A_754, %swap3A_755] {strides = array<i32>} : memref<128x16xf32, #tpu.memory_space<vmem>>, vector<1x16xf32>,
    %swap3A_757 = vector.shape_cast %swap3A_756 : vector<1x16xf32> to vector<16xf32>
    %swap3A_758 = vector.shape_cast %broadcast_in_dim3A_752 : vector<16xf32> to vector<1x16xf32>
    tpu.vector_store %arg5[%swap3A_754, %swap3A_755], %swap3A_758 {strides = array<i32>} : memref<128x16xf32, #tpu.memory_space<vmem>>, vector<1x16xf32>,
    %broadcast_in_dim3A_759 = arith.constant 1.000000e+00 : f32
    %broadcast_in_dim3A_760 = vector.broadcast %broadcast_in_dim3A_759 : f32 to vector<16xf32>
    %swap3A_761 = arith.constant 95 : i32
    %swap3A_762 = arith.index_cast %swap3A_761 : i32 to index
    %swap3A_763 = arith.constant 0 : index
    %swap3A_764 = tpu.vector_load %arg5[%swap3A_762, %swap3A_763] {strides = array<i32>} : memref<128x16xf32, #tpu.memory_space<vmem>>, vector<1x16xf32>,
    %swap3A_765 = vector.shape_cast %swap3A_764 : vector<1x16xf32> to vector<16xf32>
    %swap3A_766 = vector.shape_cast %broadcast_in_dim3A_760 : vector<16xf32> to vector<1x16xf32>
    tpu.vector_store %arg5[%swap3A_762, %swap3A_763], %swap3A_766 {strides = array<i32>} : memref<128x16xf32, #tpu.memory_space<vmem>>, vector<1x16xf32>,
    %broadcast_in_dim3A_767 = arith.constant 1.000000e+00 : f32
    %broadcast_in_dim3A_768 = vector.broadcast %broadcast_in_dim3A_767 : f32 to vector<16xf32>
    %swap3A_769 = arith.constant 96 : i32
    %swap3A_770 = arith.index_cast %swap3A_769 : i32 to index
    %swap3A_771 = arith.constant 0 : index
    %swap3A_772 = tpu.vector_load %arg5[%swap3A_770, %swap3A_771] {strides = array<i32>} : memref<128x16xf32, #tpu.memory_space<vmem>>, vector<1x16xf32>,
    %swap3A_773 = vector.shape_cast %swap3A_772 : vector<1x16xf32> to vector<16xf32>
    %swap3A_774 = vector.shape_cast %broadcast_in_dim3A_768 : vector<16xf32> to vector<1x16xf32>
    tpu.vector_store %arg5[%swap3A_770, %swap3A_771], %swap3A_774 {strides = array<i32>} : memref<128x16xf32, #tpu.memory_space<vmem>>, vector<1x16xf32>,
    %broadcast_in_dim3A_775 = arith.constant 1.000000e+00 : f32
    %broadcast_in_dim3A_776 = vector.broadcast %broadcast_in_dim3A_775 : f32 to vector<16xf32>
    %swap3A_777 = arith.constant 97 : i32
    %swap3A_778 = arith.index_cast %swap3A_777 : i32 to index
    %swap3A_779 = arith.constant 0 : index
    %swap3A_780 = tpu.vector_load %arg5[%swap3A_778, %swap3A_779] {strides = array<i32>} : memref<128x16xf32, #tpu.memory_space<vmem>>, vector<1x16xf32>,
    %swap3A_781 = vector.shape_cast %swap3A_780 : vector<1x16xf32> to vector<16xf32>
    %swap3A_782 = vector.shape_cast %broadcast_in_dim3A_776 : vector<16xf32> to vector<1x16xf32>
    tpu.vector_store %arg5[%swap3A_778, %swap3A_779], %swap3A_782 {strides = array<i32>} : memref<128x16xf32, #tpu.memory_space<vmem>>, vector<1x16xf32>,
    %broadcast_in_dim3A_783 = arith.constant 1.000000e+00 : f32
    %broadcast_in_dim3A_784 = vector.broadcast %broadcast_in_dim3A_783 : f32 to vector<16xf32>
    %swap3A_785 = arith.constant 98 : i32
    %swap3A_786 = arith.index_cast %swap3A_785 : i32 to index
    %swap3A_787 = arith.constant 0 : index
    %swap3A_788 = tpu.vector_load %arg5[%swap3A_786, %swap3A_787] {strides = array<i32>} : memref<128x16xf32, #tpu.memory_space<vmem>>, vector<1x16xf32>,
    %swap3A_789 = vector.shape_cast %swap3A_788 : vector<1x16xf32> to vector<16xf32>
    %swap3A_790 = vector.shape_cast %broadcast_in_dim3A_784 : vector<16xf32> to vector<1x16xf32>
    tpu.vector_store %arg5[%swap3A_786, %swap3A_787], %swap3A_790 {strides = array<i32>} : memref<128x16xf32, #tpu.memory_space<vmem>>, vector<1x16xf32>,
    %broadcast_in_dim3A_791 = arith.constant 1.000000e+00 : f32
    %broadcast_in_dim3A_792 = vector.broadcast %broadcast_in_dim3A_791 : f32 to vector<16xf32>
    %swap3A_793 = arith.constant 99 : i32
    %swap3A_794 = arith.index_cast %swap3A_793 : i32 to index
    %swap3A_795 = arith.constant 0 : index
    %swap3A_796 = tpu.vector_load %arg5[%swap3A_794, %swap3A_795] {strides = array<i32>} : memref<128x16xf32, #tpu.memory_space<vmem>>, vector<1x16xf32>,
    %swap3A_797 = vector.shape_cast %swap3A_796 : vector<1x16xf32> to vector<16xf32>
    %swap3A_798 = vector.shape_cast %broadcast_in_dim3A_792 : vector<16xf32> to vector<1x16xf32>
    tpu.vector_store %arg5[%swap3A_794, %swap3A_795], %swap3A_798 {strides = array<i32>} : memref<128x16xf32, #tpu.memory_space<vmem>>, vector<1x16xf32>,
    %broadcast_in_dim3A_799 = arith.constant 1.000000e+00 : f32
    %broadcast_in_dim3A_800 = vector.broadcast %broadcast_in_dim3A_799 : f32 to vector<16xf32>
    %swap3A_801 = arith.constant 100 : i32
    %swap3A_802 = arith.index_cast %swap3A_801 : i32 to index
    %swap3A_803 = arith.constant 0 : index
    %swap3A_804 = tpu.vector_load %arg5[%swap3A_802, %swap3A_803] {strides = array<i32>} : memref<128x16xf32, #tpu.memory_space<vmem>>, vector<1x16xf32>,
    %swap3A_805 = vector.shape_cast %swap3A_804 : vector<1x16xf32> to vector<16xf32>
    %swap3A_806 = vector.shape_cast %broadcast_in_dim3A_800 : vector<16xf32> to vector<1x16xf32>
    tpu.vector_store %arg5[%swap3A_802, %swap3A_803], %swap3A_806 {strides = array<i32>} : memref<128x16xf32, #tpu.memory_space<vmem>>, vector<1x16xf32>,
    %broadcast_in_dim3A_807 = arith.constant 1.000000e+00 : f32
    %broadcast_in_dim3A_808 = vector.broadcast %broadcast_in_dim3A_807 : f32 to vector<16xf32>
    %swap3A_809 = arith.constant 101 : i32
    %swap3A_810 = arith.index_cast %swap3A_809 : i32 to index
    %swap3A_811 = arith.constant 0 : index
    %swap3A_812 = tpu.vector_load %arg5[%swap3A_810, %swap3A_811] {strides = array<i32>} : memref<128x16xf32, #tpu.memory_space<vmem>>, vector<1x16xf32>,
    %swap3A_813 = vector.shape_cast %swap3A_812 : vector<1x16xf32> to vector<16xf32>
    %swap3A_814 = vector.shape_cast %broadcast_in_dim3A_808 : vector<16xf32> to vector<1x16xf32>
    tpu.vector_store %arg5[%swap3A_810, %swap3A_811], %swap3A_814 {strides = array<i32>} : memref<128x16xf32, #tpu.memory_space<vmem>>, vector<1x16xf32>,
    %broadcast_in_dim3A_815 = arith.constant 1.000000e+00 : f32
    %broadcast_in_dim3A_816 = vector.broadcast %broadcast_in_dim3A_815 : f32 to vector<16xf32>
    %swap3A_817 = arith.constant 102 : i32
    %swap3A_818 = arith.index_cast %swap3A_817 : i32 to index
    %swap3A_819 = arith.constant 0 : index
    %swap3A_820 = tpu.vector_load %arg5[%swap3A_818, %swap3A_819] {strides = array<i32>} : memref<128x16xf32, #tpu.memory_space<vmem>>, vector<1x16xf32>,
    %swap3A_821 = vector.shape_cast %swap3A_820 : vector<1x16xf32> to vector<16xf32>
    %swap3A_822 = vector.shape_cast %broadcast_in_dim3A_816 : vector<16xf32> to vector<1x16xf32>
    tpu.vector_store %arg5[%swap3A_818, %swap3A_819], %swap3A_822 {strides = array<i32>} : memref<128x16xf32, #tpu.memory_space<vmem>>, vector<1x16xf32>,
    %broadcast_in_dim3A_823 = arith.constant 1.000000e+00 : f32
    %broadcast_in_dim3A_824 = vector.broadcast %broadcast_in_dim3A_823 : f32 to vector<16xf32>
    %swap3A_825 = arith.constant 103 : i32
    %swap3A_826 = arith.index_cast %swap3A_825 : i32 to index
    %swap3A_827 = arith.constant 0 : index
    %swap3A_828 = tpu.vector_load %arg5[%swap3A_826, %swap3A_827] {strides = array<i32>} : memref<128x16xf32, #tpu.memory_space<vmem>>, vector<1x16xf32>,
    %swap3A_829 = vector.shape_cast %swap3A_828 : vector<1x16xf32> to vector<16xf32>
    %swap3A_830 = vector.shape_cast %broadcast_in_dim3A_824 : vector<16xf32> to vector<1x16xf32>
    tpu.vector_store %arg5[%swap3A_826, %swap3A_827], %swap3A_830 {strides = array<i32>} : memref<128x16xf32, #tpu.memory_space<vmem>>, vector<1x16xf32>,
    %broadcast_in_dim3A_831 = arith.constant 1.000000e+00 : f32
    %broadcast_in_dim3A_832 = vector.broadcast %broadcast_in_dim3A_831 : f32 to vector<16xf32>
    %swap3A_833 = arith.constant 104 : i32
    %swap3A_834 = arith.index_cast %swap3A_833 : i32 to index
    %swap3A_835 = arith.constant 0 : index
    %swap3A_836 = tpu.vector_load %arg5[%swap3A_834, %swap3A_835] {strides = array<i32>} : memref<128x16xf32, #tpu.memory_space<vmem>>, vector<1x16xf32>,
    %swap3A_837 = vector.shape_cast %swap3A_836 : vector<1x16xf32> to vector<16xf32>
    %swap3A_838 = vector.shape_cast %broadcast_in_dim3A_832 : vector<16xf32> to vector<1x16xf32>
    tpu.vector_store %arg5[%swap3A_834, %swap3A_835], %swap3A_838 {strides = array<i32>} : memref<128x16xf32, #tpu.memory_space<vmem>>, vector<1x16xf32>,
    %broadcast_in_dim3A_839 = arith.constant 1.000000e+00 : f32
    %broadcast_in_dim3A_840 = vector.broadcast %broadcast_in_dim3A_839 : f32 to vector<16xf32>
    %swap3A_841 = arith.constant 105 : i32
    %swap3A_842 = arith.index_cast %swap3A_841 : i32 to index
    %swap3A_843 = arith.constant 0 : index
    %swap3A_844 = tpu.vector_load %arg5[%swap3A_842, %swap3A_843] {strides = array<i32>} : memref<128x16xf32, #tpu.memory_space<vmem>>, vector<1x16xf32>,
    %swap3A_845 = vector.shape_cast %swap3A_844 : vector<1x16xf32> to vector<16xf32>
    %swap3A_846 = vector.shape_cast %broadcast_in_dim3A_840 : vector<16xf32> to vector<1x16xf32>
    tpu.vector_store %arg5[%swap3A_842, %swap3A_843], %swap3A_846 {strides = array<i32>} : memref<128x16xf32, #tpu.memory_space<vmem>>, vector<1x16xf32>,
    %broadcast_in_dim3A_847 = arith.constant 1.000000e+00 : f32
    %broadcast_in_dim3A_848 = vector.broadcast %broadcast_in_dim3A_847 : f32 to vector<16xf32>
    %swap3A_849 = arith.constant 106 : i32
    %swap3A_850 = arith.index_cast %swap3A_849 : i32 to index
    %swap3A_851 = arith.constant 0 : index
    %swap3A_852 = tpu.vector_load %arg5[%swap3A_850, %swap3A_851] {strides = array<i32>} : memref<128x16xf32, #tpu.memory_space<vmem>>, vector<1x16xf32>,
    %swap3A_853 = vector.shape_cast %swap3A_852 : vector<1x16xf32> to vector<16xf32>
    %swap3A_854 = vector.shape_cast %broadcast_in_dim3A_848 : vector<16xf32> to vector<1x16xf32>
    tpu.vector_store %arg5[%swap3A_850, %swap3A_851], %swap3A_854 {strides = array<i32>} : memref<128x16xf32, #tpu.memory_space<vmem>>, vector<1x16xf32>,
    %broadcast_in_dim3A_855 = arith.constant 1.000000e+00 : f32
    %broadcast_in_dim3A_856 = vector.broadcast %broadcast_in_dim3A_855 : f32 to vector<16xf32>
    %swap3A_857 = arith.constant 107 : i32
    %swap3A_858 = arith.index_cast %swap3A_857 : i32 to index
    %swap3A_859 = arith.constant 0 : index
    %swap3A_860 = tpu.vector_load %arg5[%swap3A_858, %swap3A_859] {strides = array<i32>} : memref<128x16xf32, #tpu.memory_space<vmem>>, vector<1x16xf32>,
    %swap3A_861 = vector.shape_cast %swap3A_860 : vector<1x16xf32> to vector<16xf32>
    %swap3A_862 = vector.shape_cast %broadcast_in_dim3A_856 : vector<16xf32> to vector<1x16xf32>
    tpu.vector_store %arg5[%swap3A_858, %swap3A_859], %swap3A_862 {strides = array<i32>} : memref<128x16xf32, #tpu.memory_space<vmem>>, vector<1x16xf32>,
    %broadcast_in_dim3A_863 = arith.constant 1.000000e+00 : f32
    %broadcast_in_dim3A_864 = vector.broadcast %broadcast_in_dim3A_863 : f32 to vector<16xf32>
    %swap3A_865 = arith.constant 108 : i32
    %swap3A_866 = arith.index_cast %swap3A_865 : i32 to index
    %swap3A_867 = arith.constant 0 : index
    %swap3A_868 = tpu.vector_load %arg5[%swap3A_866, %swap3A_867] {strides = array<i32>} : memref<128x16xf32, #tpu.memory_space<vmem>>, vector<1x16xf32>,
    %swap3A_869 = vector.shape_cast %swap3A_868 : vector<1x16xf32> to vector<16xf32>
    %swap3A_870 = vector.shape_cast %broadcast_in_dim3A_864 : vector<16xf32> to vector<1x16xf32>
    tpu.vector_store %arg5[%swap3A_866, %swap3A_867], %swap3A_870 {strides = array<i32>} : memref<128x16xf32, #tpu.memory_space<vmem>>, vector<1x16xf32>,
    %broadcast_in_dim3A_871 = arith.constant 1.000000e+00 : f32
    %broadcast_in_dim3A_872 = vector.broadcast %broadcast_in_dim3A_871 : f32 to vector<16xf32>
    %swap3A_873 = arith.constant 109 : i32
    %swap3A_874 = arith.index_cast %swap3A_873 : i32 to index
    %swap3A_875 = arith.constant 0 : index
    %swap3A_876 = tpu.vector_load %arg5[%swap3A_874, %swap3A_875] {strides = array<i32>} : memref<128x16xf32, #tpu.memory_space<vmem>>, vector<1x16xf32>,
    %swap3A_877 = vector.shape_cast %swap3A_876 : vector<1x16xf32> to vector<16xf32>
    %swap3A_878 = vector.shape_cast %broadcast_in_dim3A_872 : vector<16xf32> to vector<1x16xf32>
    tpu.vector_store %arg5[%swap3A_874, %swap3A_875], %swap3A_878 {strides = array<i32>} : memref<128x16xf32, #tpu.memory_space<vmem>>, vector<1x16xf32>,
    %broadcast_in_dim3A_879 = arith.constant 1.000000e+00 : f32
    %broadcast_in_dim3A_880 = vector.broadcast %broadcast_in_dim3A_879 : f32 to vector<16xf32>
    %swap3A_881 = arith.constant 110 : i32
    %swap3A_882 = arith.index_cast %swap3A_881 : i32 to index
    %swap3A_883 = arith.constant 0 : index
    %swap3A_884 = tpu.vector_load %arg5[%swap3A_882, %swap3A_883] {strides = array<i32>} : memref<128x16xf32, #tpu.memory_space<vmem>>, vector<1x16xf32>,
    %swap3A_885 = vector.shape_cast %swap3A_884 : vector<1x16xf32> to vector<16xf32>
    %swap3A_886 = vector.shape_cast %broadcast_in_dim3A_880 : vector<16xf32> to vector<1x16xf32>
    tpu.vector_store %arg5[%swap3A_882, %swap3A_883], %swap3A_886 {strides = array<i32>} : memref<128x16xf32, #tpu.memory_space<vmem>>, vector<1x16xf32>,
    %broadcast_in_dim3A_887 = arith.constant 1.000000e+00 : f32
    %broadcast_in_dim3A_888 = vector.broadcast %broadcast_in_dim3A_887 : f32 to vector<16xf32>
    %swap3A_889 = arith.constant 111 : i32
    %swap3A_890 = arith.index_cast %swap3A_889 : i32 to index
    %swap3A_891 = arith.constant 0 : index
    %swap3A_892 = tpu.vector_load %arg5[%swap3A_890, %swap3A_891] {strides = array<i32>} : memref<128x16xf32, #tpu.memory_space<vmem>>, vector<1x16xf32>,
    %swap3A_893 = vector.shape_cast %swap3A_892 : vector<1x16xf32> to vector<16xf32>
    %swap3A_894 = vector.shape_cast %broadcast_in_dim3A_888 : vector<16xf32> to vector<1x16xf32>
    tpu.vector_store %arg5[%swap3A_890, %swap3A_891], %swap3A_894 {strides = array<i32>} : memref<128x16xf32, #tpu.memory_space<vmem>>, vector<1x16xf32>,
    %broadcast_in_dim3A_895 = arith.constant 1.000000e+00 : f32
    %broadcast_in_dim3A_896 = vector.broadcast %broadcast_in_dim3A_895 : f32 to vector<16xf32>
    %swap3A_897 = arith.constant 112 : i32
    %swap3A_898 = arith.index_cast %swap3A_897 : i32 to index
    %swap3A_899 = arith.constant 0 : index
    %swap3A_900 = tpu.vector_load %arg5[%swap3A_898, %swap3A_899] {strides = array<i32>} : memref<128x16xf32, #tpu.memory_space<vmem>>, vector<1x16xf32>,
    %swap3A_901 = vector.shape_cast %swap3A_900 : vector<1x16xf32> to vector<16xf32>
    %swap3A_902 = vector.shape_cast %broadcast_in_dim3A_896 : vector<16xf32> to vector<1x16xf32>
    tpu.vector_store %arg5[%swap3A_898, %swap3A_899], %swap3A_902 {strides = array<i32>} : memref<128x16xf32, #tpu.memory_space<vmem>>, vector<1x16xf32>,
    %broadcast_in_dim3A_903 = arith.constant 1.000000e+00 : f32
    %broadcast_in_dim3A_904 = vector.broadcast %broadcast_in_dim3A_903 : f32 to vector<16xf32>
    %swap3A_905 = arith.constant 113 : i32
    %swap3A_906 = arith.index_cast %swap3A_905 : i32 to index
    %swap3A_907 = arith.constant 0 : index
    %swap3A_908 = tpu.vector_load %arg5[%swap3A_906, %swap3A_907] {strides = array<i32>} : memref<128x16xf32, #tpu.memory_space<vmem>>, vector<1x16xf32>,
    %swap3A_909 = vector.shape_cast %swap3A_908 : vector<1x16xf32> to vector<16xf32>
    %swap3A_910 = vector.shape_cast %broadcast_in_dim3A_904 : vector<16xf32> to vector<1x16xf32>
    tpu.vector_store %arg5[%swap3A_906, %swap3A_907], %swap3A_910 {strides = array<i32>} : memref<128x16xf32, #tpu.memory_space<vmem>>, vector<1x16xf32>,
    %broadcast_in_dim3A_911 = arith.constant 1.000000e+00 : f32
    %broadcast_in_dim3A_912 = vector.broadcast %broadcast_in_dim3A_911 : f32 to vector<16xf32>
    %swap3A_913 = arith.constant 114 : i32
    %swap3A_914 = arith.index_cast %swap3A_913 : i32 to index
    %swap3A_915 = arith.constant 0 : index
    %swap3A_916 = tpu.vector_load %arg5[%swap3A_914, %swap3A_915] {strides = array<i32>} : memref<128x16xf32, #tpu.memory_space<vmem>>, vector<1x16xf32>,
    %swap3A_917 = vector.shape_cast %swap3A_916 : vector<1x16xf32> to vector<16xf32>
    %swap3A_918 = vector.shape_cast %broadcast_in_dim3A_912 : vector<16xf32> to vector<1x16xf32>
    tpu.vector_store %arg5[%swap3A_914, %swap3A_915], %swap3A_918 {strides = array<i32>} : memref<128x16xf32, #tpu.memory_space<vmem>>, vector<1x16xf32>,
    %broadcast_in_dim3A_919 = arith.constant 1.000000e+00 : f32
    %broadcast_in_dim3A_920 = vector.broadcast %broadcast_in_dim3A_919 : f32 to vector<16xf32>
    %swap3A_921 = arith.constant 115 : i32
    %swap3A_922 = arith.index_cast %swap3A_921 : i32 to index
    %swap3A_923 = arith.constant 0 : index
    %swap3A_924 = tpu.vector_load %arg5[%swap3A_922, %swap3A_923] {strides = array<i32>} : memref<128x16xf32, #tpu.memory_space<vmem>>, vector<1x16xf32>,
    %swap3A_925 = vector.shape_cast %swap3A_924 : vector<1x16xf32> to vector<16xf32>
    %swap3A_926 = vector.shape_cast %broadcast_in_dim3A_920 : vector<16xf32> to vector<1x16xf32>
    tpu.vector_store %arg5[%swap3A_922, %swap3A_923], %swap3A_926 {strides = array<i32>} : memref<128x16xf32, #tpu.memory_space<vmem>>, vector<1x16xf32>,
    %broadcast_in_dim3A_927 = arith.constant 1.000000e+00 : f32
    %broadcast_in_dim3A_928 = vector.broadcast %broadcast_in_dim3A_927 : f32 to vector<16xf32>
    %swap3A_929 = arith.constant 116 : i32
    %swap3A_930 = arith.index_cast %swap3A_929 : i32 to index
    %swap3A_931 = arith.constant 0 : index
    %swap3A_932 = tpu.vector_load %arg5[%swap3A_930, %swap3A_931] {strides = array<i32>} : memref<128x16xf32, #tpu.memory_space<vmem>>, vector<1x16xf32>,
    %swap3A_933 = vector.shape_cast %swap3A_932 : vector<1x16xf32> to vector<16xf32>
    %swap3A_934 = vector.shape_cast %broadcast_in_dim3A_928 : vector<16xf32> to vector<1x16xf32>
    tpu.vector_store %arg5[%swap3A_930, %swap3A_931], %swap3A_934 {strides = array<i32>} : memref<128x16xf32, #tpu.memory_space<vmem>>, vector<1x16xf32>,
    %broadcast_in_dim3A_935 = arith.constant 1.000000e+00 : f32
    %broadcast_in_dim3A_936 = vector.broadcast %broadcast_in_dim3A_935 : f32 to vector<16xf32>
    %swap3A_937 = arith.constant 117 : i32
    %swap3A_938 = arith.index_cast %swap3A_937 : i32 to index
    %swap3A_939 = arith.constant 0 : index
    %swap3A_940 = tpu.vector_load %arg5[%swap3A_938, %swap3A_939] {strides = array<i32>} : memref<128x16xf32, #tpu.memory_space<vmem>>, vector<1x16xf32>,
    %swap3A_941 = vector.shape_cast %swap3A_940 : vector<1x16xf32> to vector<16xf32>
    %swap3A_942 = vector.shape_cast %broadcast_in_dim3A_936 : vector<16xf32> to vector<1x16xf32>
    tpu.vector_store %arg5[%swap3A_938, %swap3A_939], %swap3A_942 {strides = array<i32>} : memref<128x16xf32, #tpu.memory_space<vmem>>, vector<1x16xf32>,
    %broadcast_in_dim3A_943 = arith.constant 1.000000e+00 : f32
    %broadcast_in_dim3A_944 = vector.broadcast %broadcast_in_dim3A_943 : f32 to vector<16xf32>
    %swap3A_945 = arith.constant 118 : i32
    %swap3A_946 = arith.index_cast %swap3A_945 : i32 to index
    %swap3A_947 = arith.constant 0 : index
    %swap3A_948 = tpu.vector_load %arg5[%swap3A_946, %swap3A_947] {strides = array<i32>} : memref<128x16xf32, #tpu.memory_space<vmem>>, vector<1x16xf32>,
    %swap3A_949 = vector.shape_cast %swap3A_948 : vector<1x16xf32> to vector<16xf32>
    %swap3A_950 = vector.shape_cast %broadcast_in_dim3A_944 : vector<16xf32> to vector<1x16xf32>
    tpu.vector_store %arg5[%swap3A_946, %swap3A_947], %swap3A_950 {strides = array<i32>} : memref<128x16xf32, #tpu.memory_space<vmem>>, vector<1x16xf32>,
    %broadcast_in_dim3A_951 = arith.constant 1.000000e+00 : f32
    %broadcast_in_dim3A_952 = vector.broadcast %broadcast_in_dim3A_951 : f32 to vector<16xf32>
    %swap3A_953 = arith.constant 119 : i32
    %swap3A_954 = arith.index_cast %swap3A_953 : i32 to index
    %swap3A_955 = arith.constant 0 : index
    %swap3A_956 = tpu.vector_load %arg5[%swap3A_954, %swap3A_955] {strides = array<i32>} : memref<128x16xf32, #tpu.memory_space<vmem>>, vector<1x16xf32>,
    %swap3A_957 = vector.shape_cast %swap3A_956 : vector<1x16xf32> to vector<16xf32>
    %swap3A_958 = vector.shape_cast %broadcast_in_dim3A_952 : vector<16xf32> to vector<1x16xf32>
    tpu.vector_store %arg5[%swap3A_954, %swap3A_955], %swap3A_958 {strides = array<i32>} : memref<128x16xf32, #tpu.memory_space<vmem>>, vector<1x16xf32>,
    %broadcast_in_dim3A_959 = arith.constant 1.000000e+00 : f32
    %broadcast_in_dim3A_960 = vector.broadcast %broadcast_in_dim3A_959 : f32 to vector<16xf32>
    %swap3A_961 = arith.constant 120 : i32
    %swap3A_962 = arith.index_cast %swap3A_961 : i32 to index
    %swap3A_963 = arith.constant 0 : index
    %swap3A_964 = tpu.vector_load %arg5[%swap3A_962, %swap3A_963] {strides = array<i32>} : memref<128x16xf32, #tpu.memory_space<vmem>>, vector<1x16xf32>,
    %swap3A_965 = vector.shape_cast %swap3A_964 : vector<1x16xf32> to vector<16xf32>
    %swap3A_966 = vector.shape_cast %broadcast_in_dim3A_960 : vector<16xf32> to vector<1x16xf32>
    tpu.vector_store %arg5[%swap3A_962, %swap3A_963], %swap3A_966 {strides = array<i32>} : memref<128x16xf32, #tpu.memory_space<vmem>>, vector<1x16xf32>,
    %broadcast_in_dim3A_967 = arith.constant 1.000000e+00 : f32
    %broadcast_in_dim3A_968 = vector.broadcast %broadcast_in_dim3A_967 : f32 to vector<16xf32>
    %swap3A_969 = arith.constant 121 : i32
    %swap3A_970 = arith.index_cast %swap3A_969 : i32 to index
    %swap3A_971 = arith.constant 0 : index
    %swap3A_972 = tpu.vector_load %arg5[%swap3A_970, %swap3A_971] {strides = array<i32>} : memref<128x16xf32, #tpu.memory_space<vmem>>, vector<1x16xf32>,
    %swap3A_973 = vector.shape_cast %swap3A_972 : vector<1x16xf32> to vector<16xf32>
    %swap3A_974 = vector.shape_cast %broadcast_in_dim3A_968 : vector<16xf32> to vector<1x16xf32>
    tpu.vector_store %arg5[%swap3A_970, %swap3A_971], %swap3A_974 {strides = array<i32>} : memref<128x16xf32, #tpu.memory_space<vmem>>, vector<1x16xf32>,
    %broadcast_in_dim3A_975 = arith.constant 1.000000e+00 : f32
    %broadcast_in_dim3A_976 = vector.broadcast %broadcast_in_dim3A_975 : f32 to vector<16xf32>
    %swap3A_977 = arith.constant 122 : i32
    %swap3A_978 = arith.index_cast %swap3A_977 : i32 to index
    %swap3A_979 = arith.constant 0 : index
    %swap3A_980 = tpu.vector_load %arg5[%swap3A_978, %swap3A_979] {strides = array<i32>} : memref<128x16xf32, #tpu.memory_space<vmem>>, vector<1x16xf32>,
    %swap3A_981 = vector.shape_cast %swap3A_980 : vector<1x16xf32> to vector<16xf32>
    %swap3A_982 = vector.shape_cast %broadcast_in_dim3A_976 : vector<16xf32> to vector<1x16xf32>
    tpu.vector_store %arg5[%swap3A_978, %swap3A_979], %swap3A_982 {strides = array<i32>} : memref<128x16xf32, #tpu.memory_space<vmem>>, vector<1x16xf32>,
    %broadcast_in_dim3A_983 = arith.constant 1.000000e+00 : f32
    %broadcast_in_dim3A_984 = vector.broadcast %broadcast_in_dim3A_983 : f32 to vector<16xf32>
    %swap3A_985 = arith.constant 123 : i32
    %swap3A_986 = arith.index_cast %swap3A_985 : i32 to index
    %swap3A_987 = arith.constant 0 : index
    %swap3A_988 = tpu.vector_load %arg5[%swap3A_986, %swap3A_987] {strides = array<i32>} : memref<128x16xf32, #tpu.memory_space<vmem>>, vector<1x16xf32>,
    %swap3A_989 = vector.shape_cast %swap3A_988 : vector<1x16xf32> to vector<16xf32>
    %swap3A_990 = vector.shape_cast %broadcast_in_dim3A_984 : vector<16xf32> to vector<1x16xf32>
    tpu.vector_store %arg5[%swap3A_986, %swap3A_987], %swap3A_990 {strides = array<i32>} : memref<128x16xf32, #tpu.memory_space<vmem>>, vector<1x16xf32>,
    %broadcast_in_dim3A_991 = arith.constant 1.000000e+00 : f32
    %broadcast_in_dim3A_992 = vector.broadcast %broadcast_in_dim3A_991 : f32 to vector<16xf32>
    %swap3A_993 = arith.constant 124 : i32
    %swap3A_994 = arith.index_cast %swap3A_993 : i32 to index
    %swap3A_995 = arith.constant 0 : index
    %swap3A_996 = tpu.vector_load %arg5[%swap3A_994, %swap3A_995] {strides = array<i32>} : memref<128x16xf32, #tpu.memory_space<vmem>>, vector<1x16xf32>,
    %swap3A_997 = vector.shape_cast %swap3A_996 : vector<1x16xf32> to vector<16xf32>
    %swap3A_998 = vector.shape_cast %broadcast_in_dim3A_992 : vector<16xf32> to vector<1x16xf32>
    tpu.vector_store %arg5[%swap3A_994, %swap3A_995], %swap3A_998 {strides = array<i32>} : memref<128x16xf32, #tpu.memory_space<vmem>>, vector<1x16xf32>,
    %broadcast_in_dim3A_999 = arith.constant 1.000000e+00 : f32
    %broadcast_in_dim3A_1000 = vector.broadcast %broadcast_in_dim3A_999 : f32 to vector<16xf32>
    %swap3A_1001 = arith.constant 125 : i32
    %swap3A_1002 = arith.index_cast %swap3A_1001 : i32 to index
    %swap3A_1003 = arith.constant 0 : index
    %swap3A_1004 = tpu.vector_load %arg5[%swap3A_1002, %swap3A_1003] {strides = array<i32>} : memref<128x16xf32, #tpu.memory_space<vmem>>, vector<1x16xf32>,
    %swap3A_1005 = vector.shape_cast %swap3A_1004 : vector<1x16xf32> to vector<16xf32>
    %swap3A_1006 = vector.shape_cast %broadcast_in_dim3A_1000 : vector<16xf32> to vector<1x16xf32>
    tpu.vector_store %arg5[%swap3A_1002, %swap3A_1003], %swap3A_1006 {strides = array<i32>} : memref<128x16xf32, #tpu.memory_space<vmem>>, vector<1x16xf32>,
    %broadcast_in_dim3A_1007 = arith.constant 1.000000e+00 : f32
    %broadcast_in_dim3A_1008 = vector.broadcast %broadcast_in_dim3A_1007 : f32 to vector<16xf32>
    %swap3A_1009 = arith.constant 126 : i32
    %swap3A_1010 = arith.index_cast %swap3A_1009 : i32 to index
    %swap3A_1011 = arith.constant 0 : index
    %swap3A_1012 = tpu.vector_load %arg5[%swap3A_1010, %swap3A_1011] {strides = array<i32>} : memref<128x16xf32, #tpu.memory_space<vmem>>, vector<1x16xf32>,
    %swap3A_1013 = vector.shape_cast %swap3A_1012 : vector<1x16xf32> to vector<16xf32>
    %swap3A_1014 = vector.shape_cast %broadcast_in_dim3A_1008 : vector<16xf32> to vector<1x16xf32>
    tpu.vector_store %arg5[%swap3A_1010, %swap3A_1011], %swap3A_1014 {strides = array<i32>} : memref<128x16xf32, #tpu.memory_space<vmem>>, vector<1x16xf32>,
    %broadcast_in_dim3A_1015 = arith.constant 1.000000e+00 : f32
    %broadcast_in_dim3A_1016 = vector.broadcast %broadcast_in_dim3A_1015 : f32 to vector<16xf32>
    %swap3A_1017 = arith.constant 127 : i32
    %swap3A_1018 = arith.index_cast %swap3A_1017 : i32 to index
    %swap3A_1019 = arith.constant 0 : index
    %swap3A_1020 = tpu.vector_load %arg5[%swap3A_1018, %swap3A_1019] {strides = array<i32>} : memref<128x16xf32, #tpu.memory_space<vmem>>, vector<1x16xf32>,
    %swap3A_1021 = vector.shape_cast %swap3A_1020 : vector<1x16xf32> to vector<16xf32>
    %swap3A_1022 = vector.shape_cast %broadcast_in_dim3A_1016 : vector<16xf32> to vector<1x16xf32>
    tpu.vector_store %arg5[%swap3A_1018, %swap3A_1019], %swap3A_1022 {strides = array<i32>} : memref<128x16xf32, #tpu.memory_space<vmem>>, vector<1x16xf32>,
    %broadcast_in_dim3A_1023 = arith.constant 0.000000e+00 : f32
    %broadcast_in_dim3A_1024 = vector.broadcast %broadcast_in_dim3A_1023 : f32 to vector<16xf32>
    %swap3A_1025 = arith.constant 0 : i32
    %swap3A_1026 = arith.index_cast %swap3A_1025 : i32 to index
    %swap3A_1027 = arith.constant 0 : index
    %swap3A_1028 = tpu.vector_load %arg6[%swap3A_1026, %swap3A_1027] {strides = array<i32>} : memref<16x16xf32, #tpu.memory_space<vmem>>, vector<1x16xf32>,
    %swap3A_1029 = vector.shape_cast %swap3A_1028 : vector<1x16xf32> to vector<16xf32>
    %swap3A_1030 = vector.shape_cast %broadcast_in_dim3A_1024 : vector<16xf32> to vector<1x16xf32>
    tpu.vector_store %arg6[%swap3A_1026, %swap3A_1027], %swap3A_1030 {strides = array<i32>} : memref<16x16xf32, #tpu.memory_space<vmem>>, vector<1x16xf32>,
    %broadcast_in_dim3A_1031 = arith.constant 0.000000e+00 : f32
    %broadcast_in_dim3A_1032 = vector.broadcast %broadcast_in_dim3A_1031 : f32 to vector<16xf32>
    %swap3A_1033 = arith.constant 1 : i32
    %swap3A_1034 = arith.index_cast %swap3A_1033 : i32 to index
    %swap3A_1035 = arith.constant 0 : index
    %swap3A_1036 = tpu.vector_load %arg6[%swap3A_1034, %swap3A_1035] {strides = array<i32>} : memref<16x16xf32, #tpu.memory_space<vmem>>, vector<1x16xf32>,
    %swap3A_1037 = vector.shape_cast %swap3A_1036 : vector<1x16xf32> to vector<16xf32>
    %swap3A_1038 = vector.shape_cast %broadcast_in_dim3A_1032 : vector<16xf32> to vector<1x16xf32>
    tpu.vector_store %arg6[%swap3A_1034, %swap3A_1035], %swap3A_1038 {strides = array<i32>} : memref<16x16xf32, #tpu.memory_space<vmem>>, vector<1x16xf32>,
    %broadcast_in_dim3A_1039 = arith.constant 0.000000e+00 : f32
    %broadcast_in_dim3A_1040 = vector.broadcast %broadcast_in_dim3A_1039 : f32 to vector<16xf32>
    %swap3A_1041 = arith.constant 2 : i32
    %swap3A_1042 = arith.index_cast %swap3A_1041 : i32 to index
    %swap3A_1043 = arith.constant 0 : index
    %swap3A_1044 = tpu.vector_load %arg6[%swap3A_1042, %swap3A_1043] {strides = array<i32>} : memref<16x16xf32, #tpu.memory_space<vmem>>, vector<1x16xf32>,
    %swap3A_1045 = vector.shape_cast %swap3A_1044 : vector<1x16xf32> to vector<16xf32>
    %swap3A_1046 = vector.shape_cast %broadcast_in_dim3A_1040 : vector<16xf32> to vector<1x16xf32>
    tpu.vector_store %arg6[%swap3A_1042, %swap3A_1043], %swap3A_1046 {strides = array<i32>} : memref<16x16xf32, #tpu.memory_space<vmem>>, vector<1x16xf32>,
    %broadcast_in_dim3A_1047 = arith.constant 0.000000e+00 : f32
    %broadcast_in_dim3A_1048 = vector.broadcast %broadcast_in_dim3A_1047 : f32 to vector<16xf32>
    %swap3A_1049 = arith.constant 3 : i32
    %swap3A_1050 = arith.index_cast %swap3A_1049 : i32 to index
    %swap3A_1051 = arith.constant 0 : index
    %swap3A_1052 = tpu.vector_load %arg6[%swap3A_1050, %swap3A_1051] {strides = array<i32>} : memref<16x16xf32, #tpu.memory_space<vmem>>, vector<1x16xf32>,
    %swap3A_1053 = vector.shape_cast %swap3A_1052 : vector<1x16xf32> to vector<16xf32>
    %swap3A_1054 = vector.shape_cast %broadcast_in_dim3A_1048 : vector<16xf32> to vector<1x16xf32>
    tpu.vector_store %arg6[%swap3A_1050, %swap3A_1051], %swap3A_1054 {strides = array<i32>} : memref<16x16xf32, #tpu.memory_space<vmem>>, vector<1x16xf32>,
    %broadcast_in_dim3A_1055 = arith.constant 0.000000e+00 : f32
    %broadcast_in_dim3A_1056 = vector.broadcast %broadcast_in_dim3A_1055 : f32 to vector<16xf32>
    %swap3A_1057 = arith.constant 4 : i32
    %swap3A_1058 = arith.index_cast %swap3A_1057 : i32 to index
    %swap3A_1059 = arith.constant 0 : index
    %swap3A_1060 = tpu.vector_load %arg6[%swap3A_1058, %swap3A_1059] {strides = array<i32>} : memref<16x16xf32, #tpu.memory_space<vmem>>, vector<1x16xf32>,
    %swap3A_1061 = vector.shape_cast %swap3A_1060 : vector<1x16xf32> to vector<16xf32>
    %swap3A_1062 = vector.shape_cast %broadcast_in_dim3A_1056 : vector<16xf32> to vector<1x16xf32>
    tpu.vector_store %arg6[%swap3A_1058, %swap3A_1059], %swap3A_1062 {strides = array<i32>} : memref<16x16xf32, #tpu.memory_space<vmem>>, vector<1x16xf32>,
    %broadcast_in_dim3A_1063 = arith.constant 0.000000e+00 : f32
    %broadcast_in_dim3A_1064 = vector.broadcast %broadcast_in_dim3A_1063 : f32 to vector<16xf32>
    %swap3A_1065 = arith.constant 5 : i32
    %swap3A_1066 = arith.index_cast %swap3A_1065 : i32 to index
    %swap3A_1067 = arith.constant 0 : index
    %swap3A_1068 = tpu.vector_load %arg6[%swap3A_1066, %swap3A_1067] {strides = array<i32>} : memref<16x16xf32, #tpu.memory_space<vmem>>, vector<1x16xf32>,
    %swap3A_1069 = vector.shape_cast %swap3A_1068 : vector<1x16xf32> to vector<16xf32>
    %swap3A_1070 = vector.shape_cast %broadcast_in_dim3A_1064 : vector<16xf32> to vector<1x16xf32>
    tpu.vector_store %arg6[%swap3A_1066, %swap3A_1067], %swap3A_1070 {strides = array<i32>} : memref<16x16xf32, #tpu.memory_space<vmem>>, vector<1x16xf32>,
    %broadcast_in_dim3A_1071 = arith.constant 0.000000e+00 : f32
    %broadcast_in_dim3A_1072 = vector.broadcast %broadcast_in_dim3A_1071 : f32 to vector<16xf32>
    %swap3A_1073 = arith.constant 6 : i32
    %swap3A_1074 = arith.index_cast %swap3A_1073 : i32 to index
    %swap3A_1075 = arith.constant 0 : index
    %swap3A_1076 = tpu.vector_load %arg6[%swap3A_1074, %swap3A_1075] {strides = array<i32>} : memref<16x16xf32, #tpu.memory_space<vmem>>, vector<1x16xf32>,
    %swap3A_1077 = vector.shape_cast %swap3A_1076 : vector<1x16xf32> to vector<16xf32>
    %swap3A_1078 = vector.shape_cast %broadcast_in_dim3A_1072 : vector<16xf32> to vector<1x16xf32>
    tpu.vector_store %arg6[%swap3A_1074, %swap3A_1075], %swap3A_1078 {strides = array<i32>} : memref<16x16xf32, #tpu.memory_space<vmem>>, vector<1x16xf32>,
    %broadcast_in_dim3A_1079 = arith.constant 0.000000e+00 : f32
    %broadcast_in_dim3A_1080 = vector.broadcast %broadcast_in_dim3A_1079 : f32 to vector<16xf32>
    %swap3A_1081 = arith.constant 7 : i32
    %swap3A_1082 = arith.index_cast %swap3A_1081 : i32 to index
    %swap3A_1083 = arith.constant 0 : index
    %swap3A_1084 = tpu.vector_load %arg6[%swap3A_1082, %swap3A_1083] {strides = array<i32>} : memref<16x16xf32, #tpu.memory_space<vmem>>, vector<1x16xf32>,
    %swap3A_1085 = vector.shape_cast %swap3A_1084 : vector<1x16xf32> to vector<16xf32>
    %swap3A_1086 = vector.shape_cast %broadcast_in_dim3A_1080 : vector<16xf32> to vector<1x16xf32>
    tpu.vector_store %arg6[%swap3A_1082, %swap3A_1083], %swap3A_1086 {strides = array<i32>} : memref<16x16xf32, #tpu.memory_space<vmem>>, vector<1x16xf32>,
    %broadcast_in_dim3A_1087 = arith.constant 0.000000e+00 : f32
    %broadcast_in_dim3A_1088 = vector.broadcast %broadcast_in_dim3A_1087 : f32 to vector<16xf32>
    %swap3A_1089 = arith.constant 8 : i32
    %swap3A_1090 = arith.index_cast %swap3A_1089 : i32 to index
    %swap3A_1091 = arith.constant 0 : index
    %swap3A_1092 = tpu.vector_load %arg6[%swap3A_1090, %swap3A_1091] {strides = array<i32>} : memref<16x16xf32, #tpu.memory_space<vmem>>, vector<1x16xf32>,
    %swap3A_1093 = vector.shape_cast %swap3A_1092 : vector<1x16xf32> to vector<16xf32>
    %swap3A_1094 = vector.shape_cast %broadcast_in_dim3A_1088 : vector<16xf32> to vector<1x16xf32>
    tpu.vector_store %arg6[%swap3A_1090, %swap3A_1091], %swap3A_1094 {strides = array<i32>} : memref<16x16xf32, #tpu.memory_space<vmem>>, vector<1x16xf32>,
    %broadcast_in_dim3A_1095 = arith.constant 0.000000e+00 : f32
    %broadcast_in_dim3A_1096 = vector.broadcast %broadcast_in_dim3A_1095 : f32 to vector<16xf32>
    %swap3A_1097 = arith.constant 9 : i32
    %swap3A_1098 = arith.index_cast %swap3A_1097 : i32 to index
    %swap3A_1099 = arith.constant 0 : index
    %swap3A_1100 = tpu.vector_load %arg6[%swap3A_1098, %swap3A_1099] {strides = array<i32>} : memref<16x16xf32, #tpu.memory_space<vmem>>, vector<1x16xf32>,
    %swap3A_1101 = vector.shape_cast %swap3A_1100 : vector<1x16xf32> to vector<16xf32>
    %swap3A_1102 = vector.shape_cast %broadcast_in_dim3A_1096 : vector<16xf32> to vector<1x16xf32>
    tpu.vector_store %arg6[%swap3A_1098, %swap3A_1099], %swap3A_1102 {strides = array<i32>} : memref<16x16xf32, #tpu.memory_space<vmem>>, vector<1x16xf32>,
    %broadcast_in_dim3A_1103 = arith.constant 0.000000e+00 : f32
    %broadcast_in_dim3A_1104 = vector.broadcast %broadcast_in_dim3A_1103 : f32 to vector<16xf32>
    %swap3A_1105 = arith.constant 10 : i32
    %swap3A_1106 = arith.index_cast %swap3A_1105 : i32 to index
    %swap3A_1107 = arith.constant 0 : index
    %swap3A_1108 = tpu.vector_load %arg6[%swap3A_1106, %swap3A_1107] {strides = array<i32>} : memref<16x16xf32, #tpu.memory_space<vmem>>, vector<1x16xf32>,
    %swap3A_1109 = vector.shape_cast %swap3A_1108 : vector<1x16xf32> to vector<16xf32>
    %swap3A_1110 = vector.shape_cast %broadcast_in_dim3A_1104 : vector<16xf32> to vector<1x16xf32>
    tpu.vector_store %arg6[%swap3A_1106, %swap3A_1107], %swap3A_1110 {strides = array<i32>} : memref<16x16xf32, #tpu.memory_space<vmem>>, vector<1x16xf32>,
    %broadcast_in_dim3A_1111 = arith.constant 0.000000e+00 : f32
    %broadcast_in_dim3A_1112 = vector.broadcast %broadcast_in_dim3A_1111 : f32 to vector<16xf32>
    %swap3A_1113 = arith.constant 11 : i32
    %swap3A_1114 = arith.index_cast %swap3A_1113 : i32 to index
    %swap3A_1115 = arith.constant 0 : index
    %swap3A_1116 = tpu.vector_load %arg6[%swap3A_1114, %swap3A_1115] {strides = array<i32>} : memref<16x16xf32, #tpu.memory_space<vmem>>, vector<1x16xf32>,
    %swap3A_1117 = vector.shape_cast %swap3A_1116 : vector<1x16xf32> to vector<16xf32>
    %swap3A_1118 = vector.shape_cast %broadcast_in_dim3A_1112 : vector<16xf32> to vector<1x16xf32>
    tpu.vector_store %arg6[%swap3A_1114, %swap3A_1115], %swap3A_1118 {strides = array<i32>} : memref<16x16xf32, #tpu.memory_space<vmem>>, vector<1x16xf32>,
    %broadcast_in_dim3A_1119 = arith.constant 0.000000e+00 : f32
    %broadcast_in_dim3A_1120 = vector.broadcast %broadcast_in_dim3A_1119 : f32 to vector<16xf32>
    %swap3A_1121 = arith.constant 12 : i32
    %swap3A_1122 = arith.index_cast %swap3A_1121 : i32 to index
    %swap3A_1123 = arith.constant 0 : index
    %swap3A_1124 = tpu.vector_load %arg6[%swap3A_1122, %swap3A_1123] {strides = array<i32>} : memref<16x16xf32, #tpu.memory_space<vmem>>, vector<1x16xf32>,
    %swap3A_1125 = vector.shape_cast %swap3A_1124 : vector<1x16xf32> to vector<16xf32>
    %swap3A_1126 = vector.shape_cast %broadcast_in_dim3A_1120 : vector<16xf32> to vector<1x16xf32>
    tpu.vector_store %arg6[%swap3A_1122, %swap3A_1123], %swap3A_1126 {strides = array<i32>} : memref<16x16xf32, #tpu.memory_space<vmem>>, vector<1x16xf32>,
    %broadcast_in_dim3A_1127 = arith.constant 0.000000e+00 : f32
    %broadcast_in_dim3A_1128 = vector.broadcast %broadcast_in_dim3A_1127 : f32 to vector<16xf32>
    %swap3A_1129 = arith.constant 13 : i32
    %swap3A_1130 = arith.index_cast %swap3A_1129 : i32 to index
    %swap3A_1131 = arith.constant 0 : index
    %swap3A_1132 = tpu.vector_load %arg6[%swap3A_1130, %swap3A_1131] {strides = array<i32>} : memref<16x16xf32, #tpu.memory_space<vmem>>, vector<1x16xf32>,
    %swap3A_1133 = vector.shape_cast %swap3A_1132 : vector<1x16xf32> to vector<16xf32>
    %swap3A_1134 = vector.shape_cast %broadcast_in_dim3A_1128 : vector<16xf32> to vector<1x16xf32>
    tpu.vector_store %arg6[%swap3A_1130, %swap3A_1131], %swap3A_1134 {strides = array<i32>} : memref<16x16xf32, #tpu.memory_space<vmem>>, vector<1x16xf32>,
    %broadcast_in_dim3A_1135 = arith.constant 0.000000e+00 : f32
    %broadcast_in_dim3A_1136 = vector.broadcast %broadcast_in_dim3A_1135 : f32 to vector<16xf32>
    %swap3A_1137 = arith.constant 14 : i32
    %swap3A_1138 = arith.index_cast %swap3A_1137 : i32 to index
    %swap3A_1139 = arith.constant 0 : index
    %swap3A_1140 = tpu.vector_load %arg6[%swap3A_1138, %swap3A_1139] {strides = array<i32>} : memref<16x16xf32, #tpu.memory_space<vmem>>, vector<1x16xf32>,
    %swap3A_1141 = vector.shape_cast %swap3A_1140 : vector<1x16xf32> to vector<16xf32>
    %swap3A_1142 = vector.shape_cast %broadcast_in_dim3A_1136 : vector<16xf32> to vector<1x16xf32>
    tpu.vector_store %arg6[%swap3A_1138, %swap3A_1139], %swap3A_1142 {strides = array<i32>} : memref<16x16xf32, #tpu.memory_space<vmem>>, vector<1x16xf32>,
    %broadcast_in_dim3A_1143 = arith.constant 0.000000e+00 : f32
    %broadcast_in_dim3A_1144 = vector.broadcast %broadcast_in_dim3A_1143 : f32 to vector<16xf32>
    %swap3A_1145 = arith.constant 15 : i32
    %swap3A_1146 = arith.index_cast %swap3A_1145 : i32 to index
    %swap3A_1147 = arith.constant 0 : index
    %swap3A_1148 = tpu.vector_load %arg6[%swap3A_1146, %swap3A_1147] {strides = array<i32>} : memref<16x16xf32, #tpu.memory_space<vmem>>, vector<1x16xf32>,
    %swap3A_1149 = vector.shape_cast %swap3A_1148 : vector<1x16xf32> to vector<16xf32>
    %swap3A_1150 = vector.shape_cast %broadcast_in_dim3A_1144 : vector<16xf32> to vector<1x16xf32>
    tpu.vector_store %arg6[%swap3A_1146, %swap3A_1147], %swap3A_1150 {strides = array<i32>} : memref<16x16xf32, #tpu.memory_space<vmem>>, vector<1x16xf32>,
    %scan3A = arith.constant 0 : i32
    %scan3A_1151 = arith.constant 0 : i32
    %scan3A_1152 = arith.constant 39 : i32
    %scan3A_1153 = arith.addi %scan3A_1151, %scan3A_1152 : i32
    %scan3A_1154 = arith.constant 1 : i32
    scf.for %scan3A_1178 = %scan3A_1151 to %scan3A_1153 step %scan3A_1154  : i32 {
      %mul3A_1179 = arith.constant 16 : i32
      %mul3A_1180 = arith.muli %mul3A_1179, %scan3A_1178 : i32
      %add3A_1181 = arith.addi %arg1, %mul3A_1180 : i32
      %mul3A_1182 = arith.constant 16 : i32
      %mul3A_1183 = arith.muli %add3A_1181, %mul3A_1182 : i32
      "tpu.region"() ({
        %run_scoped3A_1184 = tpu.sem_alloc : memref<!tpu.dma_semaphore, #tpu.memory_space<semaphore_mem>>
        %dma_start3A = arith.constant 0 : i32
        %dma_start3A_1185 = tpu.memref_slice %arg7[%mul3A_1183, %dma_start3A] : memref<11024x16xf32, #tpu.memory_space<vmem_shared>> -> memref<16x16xf32, #tpu.memory_space<vmem_shared>>
        %dma_start3A_1186 = arith.constant 0 : i32
        %dma_start3A_1187 = tpu.memref_slice %arg7[%mul3A_1183, %dma_start3A_1186] : memref<11024x16xf32, #tpu.memory_space<vmem_shared>> -> memref<16x16xf32, #tpu.memory_space<vmem_shared>>
        tpu.enqueue_dma source(%arg6 : memref<16x16xf32, #tpu.memory_space<vmem>>) target(%dma_start3A_1187 : memref<16x16xf32, #tpu.memory_space<vmem_shared>>) target_semaphore(%run_scoped3A_1184 : memref<!tpu.dma_semaphore, #tpu.memory_space<semaphore_mem>>)
        %dma_wait3A = arith.constant 0 : i32
        %dma_wait3A_1188 = tpu.memref_slice %arg7[%mul3A_1183, %dma_wait3A] : memref<11024x16xf32, #tpu.memory_space<vmem_shared>> -> memref<16x16xf32, #tpu.memory_space<vmem_shared>>
        %dma_wait3A_1189 = arith.constant 0 : i32
        %dma_wait3A_1190 = tpu.memref_slice %arg7[%mul3A_1183, %dma_wait3A_1189] : memref<11024x16xf32, #tpu.memory_space<vmem_shared>> -> memref<16x16xf32, #tpu.memory_space<vmem_shared>>
        tpu.wait_dma2 semaphore(%run_scoped3A_1184 : memref<!tpu.dma_semaphore, #tpu.memory_space<semaphore_mem>>) src(%arg6 : memref<16x16xf32, #tpu.memory_space<vmem>>) dst(%dma_wait3A_1190 : memref<16x16xf32, #tpu.memory_space<vmem_shared>>)
        tpu.yield
      }) : () -> ()
    }
    %scan3A_1155 = arith.constant 39 : i32
    %eq3A = arith.constant 0 : i32
    %eq3A_1156 = arith.cmpi eq, %arg1, %eq3A : i32
    %convert_element_type3A = arith.extui %eq3A_1156 : i1 to i32
    %cond3A = arith.constant 0 : i32
    %cond3A_1157 = arith.cmpi ne, %convert_element_type3A, %cond3A : i32
    scf.if %cond3A_1157 {
      "tpu.region"() ({
        %run_scoped3A_1178 = tpu.sem_alloc : memref<!tpu.dma_semaphore, #tpu.memory_space<semaphore_mem>>
        %dma_start3A = arith.constant 9984 : i32
        %dma_start3A_1179 = arith.constant 0 : i32
        %dma_start3A_1180 = tpu.memref_slice %arg7[%dma_start3A, %dma_start3A_1179] : memref<11024x16xf32, #tpu.memory_space<vmem_shared>> -> memref<16x16xf32, #tpu.memory_space<vmem_shared>>
        %dma_start3A_1181 = arith.constant 9984 : i32
        %dma_start3A_1182 = arith.constant 0 : i32
        %dma_start3A_1183 = tpu.memref_slice %arg7[%dma_start3A_1181, %dma_start3A_1182] : memref<11024x16xf32, #tpu.memory_space<vmem_shared>> -> memref<16x16xf32, #tpu.memory_space<vmem_shared>>
        tpu.enqueue_dma source(%arg6 : memref<16x16xf32, #tpu.memory_space<vmem>>) target(%dma_start3A_1183 : memref<16x16xf32, #tpu.memory_space<vmem_shared>>) target_semaphore(%run_scoped3A_1178 : memref<!tpu.dma_semaphore, #tpu.memory_space<semaphore_mem>>)
        %dma_wait3A = arith.constant 9984 : i32
        %dma_wait3A_1184 = arith.constant 0 : i32
        %dma_wait3A_1185 = tpu.memref_slice %arg7[%dma_wait3A, %dma_wait3A_1184] : memref<11024x16xf32, #tpu.memory_space<vmem_shared>> -> memref<16x16xf32, #tpu.memory_space<vmem_shared>>
        %dma_wait3A_1186 = arith.constant 9984 : i32
        %dma_wait3A_1187 = arith.constant 0 : i32
        %dma_wait3A_1188 = tpu.memref_slice %arg7[%dma_wait3A_1186, %dma_wait3A_1187] : memref<11024x16xf32, #tpu.memory_space<vmem_shared>> -> memref<16x16xf32, #tpu.memory_space<vmem_shared>>
        tpu.wait_dma2 semaphore(%run_scoped3A_1178 : memref<!tpu.dma_semaphore, #tpu.memory_space<semaphore_mem>>) src(%arg6 : memref<16x16xf32, #tpu.memory_space<vmem>>) dst(%dma_wait3A_1188 : memref<16x16xf32, #tpu.memory_space<vmem_shared>>)
        tpu.yield
      }) : () -> ()
    } else {
    }
    %barrier3A = arith.constant 0 : index
    tpu.barrier barrier_id(%barrier3A)
    %mul3A_1158 = arith.constant 80 : i32
    %mul3A_1159 = arith.muli %add3A, %mul3A_1158 : i32
    %run_scoped3A = arith.constant 1 : i32
    "tpu.region"() ({
      %run_scoped3A_1178 = tpu.sem_alloc : memref<!tpu.dma_semaphore, #tpu.memory_space<semaphore_mem>>
      %dma_start3A = arith.constant 0 : i32
      %dma_start3A_1179 = tpu.memref_slice %arg2[%run_scoped3A, %mul3A_1159, %dma_start3A] : memref<2x2560x128xi32, #tpu.memory_space<hbm>> -> memref<1x80x128xi32, #tpu.memory_space<hbm>>
      %dma_start3A_1180 = tpu.memref_squeeze %dma_start3A_1179 : memref<1x80x128xi32, #tpu.memory_space<hbm>> -> memref<80x128xi32, #tpu.memory_space<hbm>>
      %dma_start3A_1181 = arith.constant 0 : i32
      %dma_start3A_1182 = tpu.memref_slice %arg2[%run_scoped3A, %mul3A_1159, %dma_start3A_1181] : memref<2x2560x128xi32, #tpu.memory_space<hbm>> -> memref<1x80x128xi32, #tpu.memory_space<hbm>>
      %dma_start3A_1183 = tpu.memref_squeeze %dma_start3A_1182 : memref<1x80x128xi32, #tpu.memory_space<hbm>> -> memref<80x128xi32, #tpu.memory_space<hbm>>
      tpu.enqueue_dma source(%dma_start3A_1183 : memref<80x128xi32, #tpu.memory_space<hbm>>) target(%arg4 : memref<80x128xi32, #tpu.memory_space<vmem>>) target_semaphore(%run_scoped3A_1178 : memref<!tpu.dma_semaphore, #tpu.memory_space<semaphore_mem>>)
      %dma_wait3A = arith.constant 0 : i32
      %dma_wait3A_1184 = tpu.memref_slice %arg2[%run_scoped3A, %mul3A_1159, %dma_wait3A] : memref<2x2560x128xi32, #tpu.memory_space<hbm>> -> memref<1x80x128xi32, #tpu.memory_space<hbm>>
      %dma_wait3A_1185 = tpu.memref_squeeze %dma_wait3A_1184 : memref<1x80x128xi32, #tpu.memory_space<hbm>> -> memref<80x128xi32, #tpu.memory_space<hbm>>
      %dma_wait3A_1186 = arith.constant 0 : i32
      %dma_wait3A_1187 = tpu.memref_slice %arg2[%run_scoped3A, %mul3A_1159, %dma_wait3A_1186] : memref<2x2560x128xi32, #tpu.memory_space<hbm>> -> memref<1x80x128xi32, #tpu.memory_space<hbm>>
      %dma_wait3A_1188 = tpu.memref_squeeze %dma_wait3A_1187 : memref<1x80x128xi32, #tpu.memory_space<hbm>> -> memref<80x128xi32, #tpu.memory_space<hbm>>
      tpu.wait_dma2 semaphore(%run_scoped3A_1178 : memref<!tpu.dma_semaphore, #tpu.memory_space<semaphore_mem>>) src(%dma_wait3A_1188 : memref<80x128xi32, #tpu.memory_space<hbm>>) dst(%arg4 : memref<80x128xi32, #tpu.memory_space<vmem>>)
      tpu.yield
    }) : () -> ()
    %scan3A_1160 = arith.constant 0 : i32
    %scan3A_1161 = arith.constant 0 : i32
    %scan3A_1162 = arith.constant 80 : i32
    %scan3A_1163 = arith.addi %scan3A_1161, %scan3A_1162 : i32
    %scan3A_1164 = arith.constant 1 : i32
    scf.for %scan3A_1178 = %scan3A_1161 to %scan3A_1163 step %scan3A_1164  : i32 {
      "tpu.region"() ({
        %run_scoped3A_1179 = tpu.sem_alloc : memref<!tpu.dma_semaphore, #tpu.memory_space<semaphore_mem>>
        %dma_start3A = arith.constant 0 : i32
        %dma_start3A_1180 = tpu.memref_slice %arg4[%scan3A_1178, %dma_start3A] : memref<80x128xi32, #tpu.memory_space<vmem>> -> memref<1x128xi32, #tpu.memory_space<vmem>>
        %dma_start3A_1181 = tpu.memref_squeeze %dma_start3A_1180 : memref<1x128xi32, #tpu.memory_space<vmem>> -> memref<128xi32, #tpu.memory_space<vmem>>
        %dma_start3A_1182 = arith.constant 0 : i32
        %dma_start3A_1183 = arith.constant 0 : i32
        %dma_start3A_1184 = tpu.memref_slice %arg7[%dma_start3A_1182, %dma_start3A_1183] : memref<11024x16xf32, #tpu.memory_space<vmem_shared>> -> memref<11024x16xf32, #tpu.memory_space<vmem_shared>>
        tpu.enqueue_indirect_dma source(%arg5 : memref<128x16xf32, #tpu.memory_space<vmem>>) target(%dma_start3A_1184 : memref<11024x16xf32, #tpu.memory_space<vmem_shared>>) offsets(%dma_start3A_1181 : memref<128xi32, #tpu.memory_space<vmem>>) semaphore(%run_scoped3A_1179 : memref<!tpu.dma_semaphore, #tpu.memory_space<semaphore_mem>>) {add = true}
        %dma_wait3A = arith.constant 0 : i32
        %dma_wait3A_1185 = tpu.memref_slice %arg4[%scan3A_1178, %dma_wait3A] : memref<80x128xi32, #tpu.memory_space<vmem>> -> memref<1x128xi32, #tpu.memory_space<vmem>>
        %dma_wait3A_1186 = tpu.memref_squeeze %dma_wait3A_1185 : memref<1x128xi32, #tpu.memory_space<vmem>> -> memref<128xi32, #tpu.memory_space<vmem>>
        %dma_wait3A_1187 = arith.constant 0 : i32
        %dma_wait3A_1188 = arith.constant 0 : i32
        %dma_wait3A_1189 = tpu.memref_slice %arg7[%dma_wait3A_1187, %dma_wait3A_1188] : memref<11024x16xf32, #tpu.memory_space<vmem_shared>> -> memref<11024x16xf32, #tpu.memory_space<vmem_shared>>
        tpu.wait_indirect_dma semaphore(%run_scoped3A_1179 : memref<!tpu.dma_semaphore, #tpu.memory_space<semaphore_mem>>) src(%arg5 : memref<128x16xf32, #tpu.memory_space<vmem>>) dst(%dma_wait3A_1189 : memref<11024x16xf32, #tpu.memory_space<vmem_shared>>)
        tpu.yield
      }) : () -> ()
    }
    %scan3A_1165 = arith.constant 80 : i32
    %barrier3A_1166 = arith.constant 0 : index
    tpu.barrier barrier_id(%barrier3A_1166)
    %scan3A_1167 = arith.constant 0 : i32
    %scan3A_1168 = arith.constant 0 : i32
    %scan3A_1169 = arith.constant 39 : i32
    %scan3A_1170 = arith.addi %scan3A_1168, %scan3A_1169 : i32
    %scan3A_1171 = arith.constant 1 : i32
    scf.for %scan3A_1178 = %scan3A_1168 to %scan3A_1170 step %scan3A_1171  : i32 {
      %mul3A_1179 = arith.constant 16 : i32
      %mul3A_1180 = arith.muli %mul3A_1179, %scan3A_1178 : i32
      %add3A_1181 = arith.addi %arg1, %mul3A_1180 : i32
      %mul3A_1182 = arith.constant 16 : i32
      %mul3A_1183 = arith.muli %add3A_1181, %mul3A_1182 : i32
      %mul3A_1184 = arith.constant 10000 : i32
      %mul3A_1185 = arith.muli %arg0, %mul3A_1184 : i32
      %mul3A_1186 = arith.constant 16 : i32
      %mul3A_1187 = arith.muli %add3A_1181, %mul3A_1186 : i32
      %add3A_1188 = arith.addi %mul3A_1185, %mul3A_1187 : i32
      "tpu.region"() ({
        %run_scoped3A_1189 = tpu.sem_alloc : memref<!tpu.dma_semaphore, #tpu.memory_space<semaphore_mem>>
        %dma_start3A = arith.constant 0 : i32
        %dma_start3A_1190 = tpu.memref_slice %arg3[%add3A_1188, %dma_start3A] : memref<20000x16xf32, #tpu.memory_space<hbm>> -> memref<16x16xf32, #tpu.memory_space<hbm>>
        %dma_start3A_1191 = arith.constant 0 : i32
        %dma_start3A_1192 = tpu.memref_slice %arg7[%mul3A_1183, %dma_start3A_1191] : memref<11024x16xf32, #tpu.memory_space<vmem_shared>> -> memref<16x16xf32, #tpu.memory_space<vmem_shared>>
        tpu.enqueue_dma source(%dma_start3A_1192 : memref<16x16xf32, #tpu.memory_space<vmem_shared>>) target(%dma_start3A_1190 : memref<16x16xf32, #tpu.memory_space<hbm>>) target_semaphore(%run_scoped3A_1189 : memref<!tpu.dma_semaphore, #tpu.memory_space<semaphore_mem>>)
        %dma_wait3A = arith.constant 0 : i32
        %dma_wait3A_1193 = tpu.memref_slice %arg3[%add3A_1188, %dma_wait3A] : memref<20000x16xf32, #tpu.memory_space<hbm>> -> memref<16x16xf32, #tpu.memory_space<hbm>>
        %dma_wait3A_1194 = arith.constant 0 : i32
        %dma_wait3A_1195 = tpu.memref_slice %arg7[%mul3A_1183, %dma_wait3A_1194] : memref<11024x16xf32, #tpu.memory_space<vmem_shared>> -> memref<16x16xf32, #tpu.memory_space<vmem_shared>>
        tpu.wait_dma2 semaphore(%run_scoped3A_1189 : memref<!tpu.dma_semaphore, #tpu.memory_space<semaphore_mem>>) src(%dma_wait3A_1195 : memref<16x16xf32, #tpu.memory_space<vmem_shared>>) dst(%dma_wait3A_1193 : memref<16x16xf32, #tpu.memory_space<hbm>>)
        tpu.yield
      }) : () -> ()
    }
    %scan3A_1172 = arith.constant 39 : i32
    %eq3A_1173 = arith.constant 0 : i32
    %eq3A_1174 = arith.cmpi eq, %arg1, %eq3A_1173 : i32
    %convert_element_type3A_1175 = arith.extui %eq3A_1174 : i1 to i32
    %cond3A_1176 = arith.constant 0 : i32
    %cond3A_1177 = arith.cmpi ne, %convert_element_type3A_1175, %cond3A_1176 : i32
    scf.if %cond3A_1177 {
      %mul3A_1178 = arith.constant 10000 : i32
      %mul3A_1179 = arith.muli %arg0, %mul3A_1178 : i32
      %add3A_1180 = arith.constant 9984 : i32
      %add3A_1181 = arith.addi %mul3A_1179, %add3A_1180 : i32
      "tpu.region"() ({
        %run_scoped3A_1182 = tpu.sem_alloc : memref<!tpu.dma_semaphore, #tpu.memory_space<semaphore_mem>>
        %dma_start3A = arith.constant 0 : i32
        %dma_start3A_1183 = tpu.memref_slice %arg3[%add3A_1181, %dma_start3A] : memref<20000x16xf32, #tpu.memory_space<hbm>> -> memref<16x16xf32, #tpu.memory_space<hbm>>
        %dma_start3A_1184 = arith.constant 9984 : i32
        %dma_start3A_1185 = arith.constant 0 : i32
        %dma_start3A_1186 = tpu.memref_slice %arg7[%dma_start3A_1184, %dma_start3A_1185] : memref<11024x16xf32, #tpu.memory_space<vmem_shared>> -> memref<16x16xf32, #tpu.memory_space<vmem_shared>>
        tpu.enqueue_dma source(%dma_start3A_1186 : memref<16x16xf32, #tpu.memory_space<vmem_shared>>) target(%dma_start3A_1183 : memref<16x16xf32, #tpu.memory_space<hbm>>) target_semaphore(%run_scoped3A_1182 : memref<!tpu.dma_semaphore, #tpu.memory_space<semaphore_mem>>)
        %dma_wait3A = arith.constant 0 : i32
        %dma_wait3A_1187 = tpu.memref_slice %arg3[%add3A_1181, %dma_wait3A] : memref<20000x16xf32, #tpu.memory_space<hbm>> -> memref<16x16xf32, #tpu.memory_space<hbm>>
        %dma_wait3A_1188 = arith.constant 9984 : i32
        %dma_wait3A_1189 = arith.constant 0 : i32
        %dma_wait3A_1190 = tpu.memref_slice %arg7[%dma_wait3A_1188, %dma_wait3A_1189] : memref<11024x16xf32, #tpu.memory_space<vmem_shared>> -> memref<16x16xf32, #tpu.memory_space<vmem_shared>>
        tpu.wait_dma2 semaphore(%run_scoped3A_1182 : memref<!tpu.dma_semaphore, #tpu.memory_space<semaphore_mem>>) src(%dma_wait3A_1190 : memref<16x16xf32, #tpu.memory_space<vmem_shared>>) dst(%dma_wait3A_1187 : memref<16x16xf32, #tpu.memory_space<hbm>>)
        tpu.yield
      }) : () -> ()
    } else {
    }
    return
  }
}

#map = affine_map<(d0, d1) -> (0, 0, 0)>
#map1 = affine_map<(d0, d1) -> (0, 0)>
module attributes {stable_mosaic.version = 14 : i64} {
  func.func @_sc_edge_body(%arg0: i32, %arg1: i32, %arg2: memref<2x5120x64xi32, #tpu.memory_space<hbm>>, %arg3: memref<10000x128xf32, #tpu.memory_space<hbm>>, %arg4: memref<20000x128xf32, #tpu.memory_space<hbm>>, %arg5: memref<16x64xi32, #tpu.memory_space<vmem>>, %arg6: memref<16x64xi32, #tpu.memory_space<vmem>>, %arg7: memref<4x64x128xf32, #tpu.memory_space<vmem>>, %arg8: memref<16x128xf32, #tpu.memory_space<vmem>>, %arg9: memref<4x!tpu.dma_semaphore, #tpu.memory_space<semaphore_mem>>, %arg10: memref<10000x128xf32, #tpu.memory_space<vmem_shared>>) attributes {dimension_semantics = [#tpu.dimension_semantics<core_parallel>, #tpu.dimension_semantics<subcore_parallel>], iteration_bounds = array<i64: 2, 16>, scalar_prefetch = 0 : i64, scratch_operands = 6 : i64, tpu.core_type = #tpu.core_type<sc_vector_subcore>, window_params = [{transform_indices = #map}, {transform_indices = #map1}, {transform_indices = #map1}]} {
    %mul3A = arith.constant 16 : i32
    %mul3A_0 = arith.muli %arg0, %mul3A : i32
    %add3A = arith.addi %mul3A_0, %arg1 : i32
    %scan3A = arith.constant 0 : i32
    %scan3A_1 = arith.constant 0 : i32
    %scan3A_2 = arith.constant 39 : i32
    %scan3A_3 = arith.addi %scan3A_1, %scan3A_2 : i32
    %scan3A_4 = arith.constant 1 : i32
    scf.for %scan3A_17 = %scan3A_1 to %scan3A_3 step %scan3A_4  : i32 {
      %mul3A_18 = arith.constant 16 : i32
      %mul3A_19 = arith.muli %mul3A_18, %scan3A_17 : i32
      %add3A_20 = arith.addi %arg1, %mul3A_19 : i32
      %mul3A_21 = arith.constant 16 : i32
      %mul3A_22 = arith.muli %add3A_20, %mul3A_21 : i32
      %mul3A_23 = arith.constant 16 : i32
      %mul3A_24 = arith.muli %add3A_20, %mul3A_23 : i32
      "tpu.region"() ({
        %run_scoped3A_25 = tpu.sem_alloc : memref<!tpu.dma_semaphore, #tpu.memory_space<semaphore_mem>>
        %dma_start3A = arith.constant 0 : i32
        %dma_start3A_26 = tpu.memref_slice %arg10[%mul3A_24, %dma_start3A] : memref<10000x128xf32, #tpu.memory_space<vmem_shared>> -> memref<16x128xf32, #tpu.memory_space<vmem_shared>>
        %dma_start3A_27 = arith.constant 0 : i32
        %dma_start3A_28 = tpu.memref_slice %arg3[%mul3A_22, %dma_start3A_27] : memref<10000x128xf32, #tpu.memory_space<hbm>> -> memref<16x128xf32, #tpu.memory_space<hbm>>
        tpu.enqueue_dma source(%dma_start3A_28 : memref<16x128xf32, #tpu.memory_space<hbm>>) target(%dma_start3A_26 : memref<16x128xf32, #tpu.memory_space<vmem_shared>>) target_semaphore(%run_scoped3A_25 : memref<!tpu.dma_semaphore, #tpu.memory_space<semaphore_mem>>)
        %dma_wait3A = arith.constant 0 : i32
        %dma_wait3A_29 = tpu.memref_slice %arg10[%mul3A_24, %dma_wait3A] : memref<10000x128xf32, #tpu.memory_space<vmem_shared>> -> memref<16x128xf32, #tpu.memory_space<vmem_shared>>
        %dma_wait3A_30 = arith.constant 0 : i32
        %dma_wait3A_31 = tpu.memref_slice %arg3[%mul3A_22, %dma_wait3A_30] : memref<10000x128xf32, #tpu.memory_space<hbm>> -> memref<16x128xf32, #tpu.memory_space<hbm>>
        tpu.wait_dma2 semaphore(%run_scoped3A_25 : memref<!tpu.dma_semaphore, #tpu.memory_space<semaphore_mem>>) src(%dma_wait3A_31 : memref<16x128xf32, #tpu.memory_space<hbm>>) dst(%dma_wait3A_29 : memref<16x128xf32, #tpu.memory_space<vmem_shared>>)
        tpu.yield
      }) : () -> ()
    }
    %scan3A_5 = arith.constant 39 : i32
    %eq3A = arith.constant 0 : i32
    %eq3A_6 = arith.cmpi eq, %arg1, %eq3A : i32
    %convert_element_type3A = arith.extui %eq3A_6 : i1 to i32
    %cond3A = arith.constant 0 : i32
    %cond3A_7 = arith.cmpi ne, %convert_element_type3A, %cond3A : i32
    scf.if %cond3A_7 {
      "tpu.region"() ({
        %run_scoped3A_17 = tpu.sem_alloc : memref<!tpu.dma_semaphore, #tpu.memory_space<semaphore_mem>>
        %dma_start3A = arith.constant 9984 : i32
        %dma_start3A_18 = arith.constant 0 : i32
        %dma_start3A_19 = tpu.memref_slice %arg10[%dma_start3A, %dma_start3A_18] : memref<10000x128xf32, #tpu.memory_space<vmem_shared>> -> memref<16x128xf32, #tpu.memory_space<vmem_shared>>
        %dma_start3A_20 = arith.constant 9984 : i32
        %dma_start3A_21 = arith.constant 0 : i32
        %dma_start3A_22 = tpu.memref_slice %arg3[%dma_start3A_20, %dma_start3A_21] : memref<10000x128xf32, #tpu.memory_space<hbm>> -> memref<16x128xf32, #tpu.memory_space<hbm>>
        tpu.enqueue_dma source(%dma_start3A_22 : memref<16x128xf32, #tpu.memory_space<hbm>>) target(%dma_start3A_19 : memref<16x128xf32, #tpu.memory_space<vmem_shared>>) target_semaphore(%run_scoped3A_17 : memref<!tpu.dma_semaphore, #tpu.memory_space<semaphore_mem>>)
        %dma_wait3A = arith.constant 9984 : i32
        %dma_wait3A_23 = arith.constant 0 : i32
        %dma_wait3A_24 = tpu.memref_slice %arg10[%dma_wait3A, %dma_wait3A_23] : memref<10000x128xf32, #tpu.memory_space<vmem_shared>> -> memref<16x128xf32, #tpu.memory_space<vmem_shared>>
        %dma_wait3A_25 = arith.constant 9984 : i32
        %dma_wait3A_26 = arith.constant 0 : i32
        %dma_wait3A_27 = tpu.memref_slice %arg3[%dma_wait3A_25, %dma_wait3A_26] : memref<10000x128xf32, #tpu.memory_space<hbm>> -> memref<16x128xf32, #tpu.memory_space<hbm>>
        tpu.wait_dma2 semaphore(%run_scoped3A_17 : memref<!tpu.dma_semaphore, #tpu.memory_space<semaphore_mem>>) src(%dma_wait3A_27 : memref<16x128xf32, #tpu.memory_space<hbm>>) dst(%dma_wait3A_24 : memref<16x128xf32, #tpu.memory_space<vmem_shared>>)
        tpu.yield
      }) : () -> ()
    } else {
    }
    %barrier3A = arith.constant 0 : index
    tpu.barrier barrier_id(%barrier3A)
    %scan3A_8 = arith.constant 0 : i32
    %scan3A_9 = arith.constant 0 : i32
    %scan3A_10 = arith.constant 10 : i32
    %scan3A_11 = arith.addi %scan3A_9, %scan3A_10 : i32
    %scan3A_12 = arith.constant 1 : i32
    scf.for %scan3A_17 = %scan3A_9 to %scan3A_11 step %scan3A_12  : i32 {
      %mul3A_18 = arith.constant 160 : i32
      %mul3A_19 = arith.muli %add3A, %mul3A_18 : i32
      %mul3A_20 = arith.constant 16 : i32
      %mul3A_21 = arith.muli %scan3A_17, %mul3A_20 : i32
      %add3A_22 = arith.addi %mul3A_19, %mul3A_21 : i32
      %run_scoped3A_23 = arith.constant 0 : i32
      "tpu.region"() ({
        %run_scoped3A_503 = tpu.sem_alloc : memref<!tpu.dma_semaphore, #tpu.memory_space<semaphore_mem>>
        %dma_start3A_504 = arith.constant 0 : i32
        %dma_start3A_505 = tpu.memref_slice %arg2[%run_scoped3A_23, %add3A_22, %dma_start3A_504] : memref<2x5120x64xi32, #tpu.memory_space<hbm>> -> memref<1x16x64xi32, #tpu.memory_space<hbm>>
        %dma_start3A_506 = tpu.memref_squeeze %dma_start3A_505 : memref<1x16x64xi32, #tpu.memory_space<hbm>> -> memref<16x64xi32, #tpu.memory_space<hbm>>
        %dma_start3A_507 = arith.constant 0 : i32
        %dma_start3A_508 = tpu.memref_slice %arg2[%run_scoped3A_23, %add3A_22, %dma_start3A_507] : memref<2x5120x64xi32, #tpu.memory_space<hbm>> -> memref<1x16x64xi32, #tpu.memory_space<hbm>>
        %dma_start3A_509 = tpu.memref_squeeze %dma_start3A_508 : memref<1x16x64xi32, #tpu.memory_space<hbm>> -> memref<16x64xi32, #tpu.memory_space<hbm>>
        tpu.enqueue_dma source(%dma_start3A_509 : memref<16x64xi32, #tpu.memory_space<hbm>>) target(%arg5 : memref<16x64xi32, #tpu.memory_space<vmem>>) target_semaphore(%run_scoped3A_503 : memref<!tpu.dma_semaphore, #tpu.memory_space<semaphore_mem>>)
        %dma_wait3A_510 = arith.constant 0 : i32
        %dma_wait3A_511 = tpu.memref_slice %arg2[%run_scoped3A_23, %add3A_22, %dma_wait3A_510] : memref<2x5120x64xi32, #tpu.memory_space<hbm>> -> memref<1x16x64xi32, #tpu.memory_space<hbm>>
        %dma_wait3A_512 = tpu.memref_squeeze %dma_wait3A_511 : memref<1x16x64xi32, #tpu.memory_space<hbm>> -> memref<16x64xi32, #tpu.memory_space<hbm>>
        %dma_wait3A_513 = arith.constant 0 : i32
        %dma_wait3A_514 = tpu.memref_slice %arg2[%run_scoped3A_23, %add3A_22, %dma_wait3A_513] : memref<2x5120x64xi32, #tpu.memory_space<hbm>> -> memref<1x16x64xi32, #tpu.memory_space<hbm>>
        %dma_wait3A_515 = tpu.memref_squeeze %dma_wait3A_514 : memref<1x16x64xi32, #tpu.memory_space<hbm>> -> memref<16x64xi32, #tpu.memory_space<hbm>>
        tpu.wait_dma2 semaphore(%run_scoped3A_503 : memref<!tpu.dma_semaphore, #tpu.memory_space<semaphore_mem>>) src(%dma_wait3A_515 : memref<16x64xi32, #tpu.memory_space<hbm>>) dst(%arg5 : memref<16x64xi32, #tpu.memory_space<vmem>>)
        tpu.yield
      }) : () -> ()
      %run_scoped3A_24 = arith.constant 1 : i32
      "tpu.region"() ({
        %run_scoped3A_503 = tpu.sem_alloc : memref<!tpu.dma_semaphore, #tpu.memory_space<semaphore_mem>>
        %dma_start3A_504 = arith.constant 0 : i32
        %dma_start3A_505 = tpu.memref_slice %arg2[%run_scoped3A_24, %add3A_22, %dma_start3A_504] : memref<2x5120x64xi32, #tpu.memory_space<hbm>> -> memref<1x16x64xi32, #tpu.memory_space<hbm>>
        %dma_start3A_506 = tpu.memref_squeeze %dma_start3A_505 : memref<1x16x64xi32, #tpu.memory_space<hbm>> -> memref<16x64xi32, #tpu.memory_space<hbm>>
        %dma_start3A_507 = arith.constant 0 : i32
        %dma_start3A_508 = tpu.memref_slice %arg2[%run_scoped3A_24, %add3A_22, %dma_start3A_507] : memref<2x5120x64xi32, #tpu.memory_space<hbm>> -> memref<1x16x64xi32, #tpu.memory_space<hbm>>
        %dma_start3A_509 = tpu.memref_squeeze %dma_start3A_508 : memref<1x16x64xi32, #tpu.memory_space<hbm>> -> memref<16x64xi32, #tpu.memory_space<hbm>>
        tpu.enqueue_dma source(%dma_start3A_509 : memref<16x64xi32, #tpu.memory_space<hbm>>) target(%arg6 : memref<16x64xi32, #tpu.memory_space<vmem>>) target_semaphore(%run_scoped3A_503 : memref<!tpu.dma_semaphore, #tpu.memory_space<semaphore_mem>>)
        %dma_wait3A_510 = arith.constant 0 : i32
        %dma_wait3A_511 = tpu.memref_slice %arg2[%run_scoped3A_24, %add3A_22, %dma_wait3A_510] : memref<2x5120x64xi32, #tpu.memory_space<hbm>> -> memref<1x16x64xi32, #tpu.memory_space<hbm>>
        %dma_wait3A_512 = tpu.memref_squeeze %dma_wait3A_511 : memref<1x16x64xi32, #tpu.memory_space<hbm>> -> memref<16x64xi32, #tpu.memory_space<hbm>>
        %dma_wait3A_513 = arith.constant 0 : i32
        %dma_wait3A_514 = tpu.memref_slice %arg2[%run_scoped3A_24, %add3A_22, %dma_wait3A_513] : memref<2x5120x64xi32, #tpu.memory_space<hbm>> -> memref<1x16x64xi32, #tpu.memory_space<hbm>>
        %dma_wait3A_515 = tpu.memref_squeeze %dma_wait3A_514 : memref<1x16x64xi32, #tpu.memory_space<hbm>> -> memref<16x64xi32, #tpu.memory_space<hbm>>
        tpu.wait_dma2 semaphore(%run_scoped3A_503 : memref<!tpu.dma_semaphore, #tpu.memory_space<semaphore_mem>>) src(%dma_wait3A_515 : memref<16x64xi32, #tpu.memory_space<hbm>>) dst(%arg6 : memref<16x64xi32, #tpu.memory_space<vmem>>)
        tpu.yield
      }) : () -> ()
      %dma_start3A = arith.constant 0 : i32
      %dma_start3A_25 = arith.constant 0 : i32
      %dma_start3A_26 = arith.constant 0 : i32
      %dma_start3A_27 = arith.constant 0 : i32
      %dma_start3A_28 = arith.constant 0 : i32
      %dma_start3A_29 = tpu.memref_slice %arg7[%dma_start3A_25, %dma_start3A_27, %dma_start3A_28] : memref<4x64x128xf32, #tpu.memory_space<vmem>> -> memref<1x64x128xf32, #tpu.memory_space<vmem>>
      %dma_start3A_30 = tpu.memref_squeeze %dma_start3A_29 : memref<1x64x128xf32, #tpu.memory_space<vmem>> -> memref<64x128xf32, #tpu.memory_space<vmem>>
      %dma_start3A_31 = arith.constant 0 : i32
      %dma_start3A_32 = tpu.memref_slice %arg5[%dma_start3A, %dma_start3A_31] : memref<16x64xi32, #tpu.memory_space<vmem>> -> memref<1x64xi32, #tpu.memory_space<vmem>>
      %dma_start3A_33 = tpu.memref_squeeze %dma_start3A_32 : memref<1x64xi32, #tpu.memory_space<vmem>> -> memref<64xi32, #tpu.memory_space<vmem>>
      %dma_start3A_34 = arith.constant 0 : i32
      %dma_start3A_35 = arith.constant 0 : i32
      %dma_start3A_36 = tpu.memref_slice %arg10[%dma_start3A_34, %dma_start3A_35] : memref<10000x128xf32, #tpu.memory_space<vmem_shared>> -> memref<10000x128xf32, #tpu.memory_space<vmem_shared>>
      %dma_start3A_37 = tpu.memref_slice %arg9[%dma_start3A_26] : memref<4x!tpu.dma_semaphore, #tpu.memory_space<semaphore_mem>> -> memref<1x!tpu.dma_semaphore, #tpu.memory_space<semaphore_mem>>
      %dma_start3A_38 = tpu.memref_squeeze %dma_start3A_37 : memref<1x!tpu.dma_semaphore, #tpu.memory_space<semaphore_mem>> -> memref<!tpu.dma_semaphore, #tpu.memory_space<semaphore_mem>>
      tpu.enqueue_indirect_dma source(%dma_start3A_36 : memref<10000x128xf32, #tpu.memory_space<vmem_shared>>) target(%dma_start3A_30 : memref<64x128xf32, #tpu.memory_space<vmem>>) offsets(%dma_start3A_33 : memref<64xi32, #tpu.memory_space<vmem>>) semaphore(%dma_start3A_38 : memref<!tpu.dma_semaphore, #tpu.memory_space<semaphore_mem>>)
      %dma_start3A_39 = arith.constant 1 : i32
      %dma_start3A_40 = arith.constant 1 : i32
      %dma_start3A_41 = arith.constant 1 : i32
      %dma_start3A_42 = arith.constant 0 : i32
      %dma_start3A_43 = arith.constant 0 : i32
      %dma_start3A_44 = tpu.memref_slice %arg7[%dma_start3A_40, %dma_start3A_42, %dma_start3A_43] : memref<4x64x128xf32, #tpu.memory_space<vmem>> -> memref<1x64x128xf32, #tpu.memory_space<vmem>>
      %dma_start3A_45 = tpu.memref_squeeze %dma_start3A_44 : memref<1x64x128xf32, #tpu.memory_space<vmem>> -> memref<64x128xf32, #tpu.memory_space<vmem>>
      %dma_start3A_46 = arith.constant 0 : i32
      %dma_start3A_47 = tpu.memref_slice %arg5[%dma_start3A_39, %dma_start3A_46] : memref<16x64xi32, #tpu.memory_space<vmem>> -> memref<1x64xi32, #tpu.memory_space<vmem>>
      %dma_start3A_48 = tpu.memref_squeeze %dma_start3A_47 : memref<1x64xi32, #tpu.memory_space<vmem>> -> memref<64xi32, #tpu.memory_space<vmem>>
      %dma_start3A_49 = arith.constant 0 : i32
      %dma_start3A_50 = arith.constant 0 : i32
      %dma_start3A_51 = tpu.memref_slice %arg10[%dma_start3A_49, %dma_start3A_50] : memref<10000x128xf32, #tpu.memory_space<vmem_shared>> -> memref<10000x128xf32, #tpu.memory_space<vmem_shared>>
      %dma_start3A_52 = tpu.memref_slice %arg9[%dma_start3A_41] : memref<4x!tpu.dma_semaphore, #tpu.memory_space<semaphore_mem>> -> memref<1x!tpu.dma_semaphore, #tpu.memory_space<semaphore_mem>>
      %dma_start3A_53 = tpu.memref_squeeze %dma_start3A_52 : memref<1x!tpu.dma_semaphore, #tpu.memory_space<semaphore_mem>> -> memref<!tpu.dma_semaphore, #tpu.memory_space<semaphore_mem>>
      tpu.enqueue_indirect_dma source(%dma_start3A_51 : memref<10000x128xf32, #tpu.memory_space<vmem_shared>>) target(%dma_start3A_45 : memref<64x128xf32, #tpu.memory_space<vmem>>) offsets(%dma_start3A_48 : memref<64xi32, #tpu.memory_space<vmem>>) semaphore(%dma_start3A_53 : memref<!tpu.dma_semaphore, #tpu.memory_space<semaphore_mem>>)
      %dma_start3A_54 = arith.constant 2 : i32
      %dma_start3A_55 = arith.constant 2 : i32
      %dma_start3A_56 = arith.constant 2 : i32
      %dma_start3A_57 = arith.constant 0 : i32
      %dma_start3A_58 = arith.constant 0 : i32
      %dma_start3A_59 = tpu.memref_slice %arg7[%dma_start3A_55, %dma_start3A_57, %dma_start3A_58] : memref<4x64x128xf32, #tpu.memory_space<vmem>> -> memref<1x64x128xf32, #tpu.memory_space<vmem>>
      %dma_start3A_60 = tpu.memref_squeeze %dma_start3A_59 : memref<1x64x128xf32, #tpu.memory_space<vmem>> -> memref<64x128xf32, #tpu.memory_space<vmem>>
      %dma_start3A_61 = arith.constant 0 : i32
      %dma_start3A_62 = tpu.memref_slice %arg5[%dma_start3A_54, %dma_start3A_61] : memref<16x64xi32, #tpu.memory_space<vmem>> -> memref<1x64xi32, #tpu.memory_space<vmem>>
      %dma_start3A_63 = tpu.memref_squeeze %dma_start3A_62 : memref<1x64xi32, #tpu.memory_space<vmem>> -> memref<64xi32, #tpu.memory_space<vmem>>
      %dma_start3A_64 = arith.constant 0 : i32
      %dma_start3A_65 = arith.constant 0 : i32
      %dma_start3A_66 = tpu.memref_slice %arg10[%dma_start3A_64, %dma_start3A_65] : memref<10000x128xf32, #tpu.memory_space<vmem_shared>> -> memref<10000x128xf32, #tpu.memory_space<vmem_shared>>
      %dma_start3A_67 = tpu.memref_slice %arg9[%dma_start3A_56] : memref<4x!tpu.dma_semaphore, #tpu.memory_space<semaphore_mem>> -> memref<1x!tpu.dma_semaphore, #tpu.memory_space<semaphore_mem>>
      %dma_start3A_68 = tpu.memref_squeeze %dma_start3A_67 : memref<1x!tpu.dma_semaphore, #tpu.memory_space<semaphore_mem>> -> memref<!tpu.dma_semaphore, #tpu.memory_space<semaphore_mem>>
      tpu.enqueue_indirect_dma source(%dma_start3A_66 : memref<10000x128xf32, #tpu.memory_space<vmem_shared>>) target(%dma_start3A_60 : memref<64x128xf32, #tpu.memory_space<vmem>>) offsets(%dma_start3A_63 : memref<64xi32, #tpu.memory_space<vmem>>) semaphore(%dma_start3A_68 : memref<!tpu.dma_semaphore, #tpu.memory_space<semaphore_mem>>)
      %dma_start3A_69 = arith.constant 3 : i32
      %dma_start3A_70 = arith.constant 3 : i32
      %dma_start3A_71 = arith.constant 3 : i32
      %dma_start3A_72 = arith.constant 0 : i32
      %dma_start3A_73 = arith.constant 0 : i32
      %dma_start3A_74 = tpu.memref_slice %arg7[%dma_start3A_70, %dma_start3A_72, %dma_start3A_73] : memref<4x64x128xf32, #tpu.memory_space<vmem>> -> memref<1x64x128xf32, #tpu.memory_space<vmem>>
      %dma_start3A_75 = tpu.memref_squeeze %dma_start3A_74 : memref<1x64x128xf32, #tpu.memory_space<vmem>> -> memref<64x128xf32, #tpu.memory_space<vmem>>
      %dma_start3A_76 = arith.constant 0 : i32
      %dma_start3A_77 = tpu.memref_slice %arg5[%dma_start3A_69, %dma_start3A_76] : memref<16x64xi32, #tpu.memory_space<vmem>> -> memref<1x64xi32, #tpu.memory_space<vmem>>
      %dma_start3A_78 = tpu.memref_squeeze %dma_start3A_77 : memref<1x64xi32, #tpu.memory_space<vmem>> -> memref<64xi32, #tpu.memory_space<vmem>>
      %dma_start3A_79 = arith.constant 0 : i32
      %dma_start3A_80 = arith.constant 0 : i32
      %dma_start3A_81 = tpu.memref_slice %arg10[%dma_start3A_79, %dma_start3A_80] : memref<10000x128xf32, #tpu.memory_space<vmem_shared>> -> memref<10000x128xf32, #tpu.memory_space<vmem_shared>>
      %dma_start3A_82 = tpu.memref_slice %arg9[%dma_start3A_71] : memref<4x!tpu.dma_semaphore, #tpu.memory_space<semaphore_mem>> -> memref<1x!tpu.dma_semaphore, #tpu.memory_space<semaphore_mem>>
      %dma_start3A_83 = tpu.memref_squeeze %dma_start3A_82 : memref<1x!tpu.dma_semaphore, #tpu.memory_space<semaphore_mem>> -> memref<!tpu.dma_semaphore, #tpu.memory_space<semaphore_mem>>
      tpu.enqueue_indirect_dma source(%dma_start3A_81 : memref<10000x128xf32, #tpu.memory_space<vmem_shared>>) target(%dma_start3A_75 : memref<64x128xf32, #tpu.memory_space<vmem>>) offsets(%dma_start3A_78 : memref<64xi32, #tpu.memory_space<vmem>>) semaphore(%dma_start3A_83 : memref<!tpu.dma_semaphore, #tpu.memory_space<semaphore_mem>>)
      %dma_wait3A = arith.constant 0 : i32
      %dma_wait3A_84 = arith.constant 0 : i32
      %dma_wait3A_85 = arith.constant 0 : i32
      %dma_wait3A_86 = arith.constant 0 : i32
      %dma_wait3A_87 = arith.constant 0 : i32
      %dma_wait3A_88 = tpu.memref_slice %arg7[%dma_wait3A_84, %dma_wait3A_86, %dma_wait3A_87] : memref<4x64x128xf32, #tpu.memory_space<vmem>> -> memref<1x64x128xf32, #tpu.memory_space<vmem>>
      %dma_wait3A_89 = tpu.memref_squeeze %dma_wait3A_88 : memref<1x64x128xf32, #tpu.memory_space<vmem>> -> memref<64x128xf32, #tpu.memory_space<vmem>>
      %dma_wait3A_90 = arith.constant 0 : i32
      %dma_wait3A_91 = tpu.memref_slice %arg5[%dma_wait3A, %dma_wait3A_90] : memref<16x64xi32, #tpu.memory_space<vmem>> -> memref<1x64xi32, #tpu.memory_space<vmem>>
      %dma_wait3A_92 = tpu.memref_squeeze %dma_wait3A_91 : memref<1x64xi32, #tpu.memory_space<vmem>> -> memref<64xi32, #tpu.memory_space<vmem>>
      %dma_wait3A_93 = arith.constant 0 : i32
      %dma_wait3A_94 = arith.constant 0 : i32
      %dma_wait3A_95 = tpu.memref_slice %arg10[%dma_wait3A_93, %dma_wait3A_94] : memref<10000x128xf32, #tpu.memory_space<vmem_shared>> -> memref<10000x128xf32, #tpu.memory_space<vmem_shared>>
      %dma_wait3A_96 = tpu.memref_slice %arg9[%dma_wait3A_85] : memref<4x!tpu.dma_semaphore, #tpu.memory_space<semaphore_mem>> -> memref<1x!tpu.dma_semaphore, #tpu.memory_space<semaphore_mem>>
      %dma_wait3A_97 = tpu.memref_squeeze %dma_wait3A_96 : memref<1x!tpu.dma_semaphore, #tpu.memory_space<semaphore_mem>> -> memref<!tpu.dma_semaphore, #tpu.memory_space<semaphore_mem>>
      tpu.wait_indirect_dma semaphore(%dma_wait3A_97 : memref<!tpu.dma_semaphore, #tpu.memory_space<semaphore_mem>>) src(%dma_wait3A_95 : memref<10000x128xf32, #tpu.memory_space<vmem_shared>>) dst(%dma_wait3A_89 : memref<64x128xf32, #tpu.memory_space<vmem>>)
      %dma_start3A_98 = arith.constant 4 : i32
      %dma_start3A_99 = arith.constant 0 : i32
      %dma_start3A_100 = arith.constant 0 : i32
      %dma_start3A_101 = arith.constant 0 : i32
      %dma_start3A_102 = arith.constant 0 : i32
      %dma_start3A_103 = tpu.memref_slice %arg7[%dma_start3A_99, %dma_start3A_101, %dma_start3A_102] : memref<4x64x128xf32, #tpu.memory_space<vmem>> -> memref<1x64x128xf32, #tpu.memory_space<vmem>>
      %dma_start3A_104 = tpu.memref_squeeze %dma_start3A_103 : memref<1x64x128xf32, #tpu.memory_space<vmem>> -> memref<64x128xf32, #tpu.memory_space<vmem>>
      %dma_start3A_105 = arith.constant 0 : i32
      %dma_start3A_106 = tpu.memref_slice %arg5[%dma_start3A_98, %dma_start3A_105] : memref<16x64xi32, #tpu.memory_space<vmem>> -> memref<1x64xi32, #tpu.memory_space<vmem>>
      %dma_start3A_107 = tpu.memref_squeeze %dma_start3A_106 : memref<1x64xi32, #tpu.memory_space<vmem>> -> memref<64xi32, #tpu.memory_space<vmem>>
      %dma_start3A_108 = arith.constant 0 : i32
      %dma_start3A_109 = arith.constant 0 : i32
      %dma_start3A_110 = tpu.memref_slice %arg10[%dma_start3A_108, %dma_start3A_109] : memref<10000x128xf32, #tpu.memory_space<vmem_shared>> -> memref<10000x128xf32, #tpu.memory_space<vmem_shared>>
      %dma_start3A_111 = tpu.memref_slice %arg9[%dma_start3A_100] : memref<4x!tpu.dma_semaphore, #tpu.memory_space<semaphore_mem>> -> memref<1x!tpu.dma_semaphore, #tpu.memory_space<semaphore_mem>>
      %dma_start3A_112 = tpu.memref_squeeze %dma_start3A_111 : memref<1x!tpu.dma_semaphore, #tpu.memory_space<semaphore_mem>> -> memref<!tpu.dma_semaphore, #tpu.memory_space<semaphore_mem>>
      tpu.enqueue_indirect_dma source(%dma_start3A_110 : memref<10000x128xf32, #tpu.memory_space<vmem_shared>>) target(%dma_start3A_104 : memref<64x128xf32, #tpu.memory_space<vmem>>) offsets(%dma_start3A_107 : memref<64xi32, #tpu.memory_space<vmem>>) semaphore(%dma_start3A_112 : memref<!tpu.dma_semaphore, #tpu.memory_space<semaphore_mem>>)
      %dma_wait3A_113 = arith.constant 1 : i32
      %dma_wait3A_114 = arith.constant 1 : i32
      %dma_wait3A_115 = arith.constant 1 : i32
      %dma_wait3A_116 = arith.constant 0 : i32
      %dma_wait3A_117 = arith.constant 0 : i32
      %dma_wait3A_118 = tpu.memref_slice %arg7[%dma_wait3A_114, %dma_wait3A_116, %dma_wait3A_117] : memref<4x64x128xf32, #tpu.memory_space<vmem>> -> memref<1x64x128xf32, #tpu.memory_space<vmem>>
      %dma_wait3A_119 = tpu.memref_squeeze %dma_wait3A_118 : memref<1x64x128xf32, #tpu.memory_space<vmem>> -> memref<64x128xf32, #tpu.memory_space<vmem>>
      %dma_wait3A_120 = arith.constant 0 : i32
      %dma_wait3A_121 = tpu.memref_slice %arg5[%dma_wait3A_113, %dma_wait3A_120] : memref<16x64xi32, #tpu.memory_space<vmem>> -> memref<1x64xi32, #tpu.memory_space<vmem>>
      %dma_wait3A_122 = tpu.memref_squeeze %dma_wait3A_121 : memref<1x64xi32, #tpu.memory_space<vmem>> -> memref<64xi32, #tpu.memory_space<vmem>>
      %dma_wait3A_123 = arith.constant 0 : i32
      %dma_wait3A_124 = arith.constant 0 : i32
      %dma_wait3A_125 = tpu.memref_slice %arg10[%dma_wait3A_123, %dma_wait3A_124] : memref<10000x128xf32, #tpu.memory_space<vmem_shared>> -> memref<10000x128xf32, #tpu.memory_space<vmem_shared>>
      %dma_wait3A_126 = tpu.memref_slice %arg9[%dma_wait3A_115] : memref<4x!tpu.dma_semaphore, #tpu.memory_space<semaphore_mem>> -> memref<1x!tpu.dma_semaphore, #tpu.memory_space<semaphore_mem>>
      %dma_wait3A_127 = tpu.memref_squeeze %dma_wait3A_126 : memref<1x!tpu.dma_semaphore, #tpu.memory_space<semaphore_mem>> -> memref<!tpu.dma_semaphore, #tpu.memory_space<semaphore_mem>>
      tpu.wait_indirect_dma semaphore(%dma_wait3A_127 : memref<!tpu.dma_semaphore, #tpu.memory_space<semaphore_mem>>) src(%dma_wait3A_125 : memref<10000x128xf32, #tpu.memory_space<vmem_shared>>) dst(%dma_wait3A_119 : memref<64x128xf32, #tpu.memory_space<vmem>>)
      %dma_start3A_128 = arith.constant 5 : i32
      %dma_start3A_129 = arith.constant 1 : i32
      %dma_start3A_130 = arith.constant 1 : i32
      %dma_start3A_131 = arith.constant 0 : i32
      %dma_start3A_132 = arith.constant 0 : i32
      %dma_start3A_133 = tpu.memref_slice %arg7[%dma_start3A_129, %dma_start3A_131, %dma_start3A_132] : memref<4x64x128xf32, #tpu.memory_space<vmem>> -> memref<1x64x128xf32, #tpu.memory_space<vmem>>
      %dma_start3A_134 = tpu.memref_squeeze %dma_start3A_133 : memref<1x64x128xf32, #tpu.memory_space<vmem>> -> memref<64x128xf32, #tpu.memory_space<vmem>>
      %dma_start3A_135 = arith.constant 0 : i32
      %dma_start3A_136 = tpu.memref_slice %arg5[%dma_start3A_128, %dma_start3A_135] : memref<16x64xi32, #tpu.memory_space<vmem>> -> memref<1x64xi32, #tpu.memory_space<vmem>>
      %dma_start3A_137 = tpu.memref_squeeze %dma_start3A_136 : memref<1x64xi32, #tpu.memory_space<vmem>> -> memref<64xi32, #tpu.memory_space<vmem>>
      %dma_start3A_138 = arith.constant 0 : i32
      %dma_start3A_139 = arith.constant 0 : i32
      %dma_start3A_140 = tpu.memref_slice %arg10[%dma_start3A_138, %dma_start3A_139] : memref<10000x128xf32, #tpu.memory_space<vmem_shared>> -> memref<10000x128xf32, #tpu.memory_space<vmem_shared>>
      %dma_start3A_141 = tpu.memref_slice %arg9[%dma_start3A_130] : memref<4x!tpu.dma_semaphore, #tpu.memory_space<semaphore_mem>> -> memref<1x!tpu.dma_semaphore, #tpu.memory_space<semaphore_mem>>
      %dma_start3A_142 = tpu.memref_squeeze %dma_start3A_141 : memref<1x!tpu.dma_semaphore, #tpu.memory_space<semaphore_mem>> -> memref<!tpu.dma_semaphore, #tpu.memory_space<semaphore_mem>>
      tpu.enqueue_indirect_dma source(%dma_start3A_140 : memref<10000x128xf32, #tpu.memory_space<vmem_shared>>) target(%dma_start3A_134 : memref<64x128xf32, #tpu.memory_space<vmem>>) offsets(%dma_start3A_137 : memref<64xi32, #tpu.memory_space<vmem>>) semaphore(%dma_start3A_142 : memref<!tpu.dma_semaphore, #tpu.memory_space<semaphore_mem>>)
      %dma_wait3A_143 = arith.constant 2 : i32
      %dma_wait3A_144 = arith.constant 2 : i32
      %dma_wait3A_145 = arith.constant 2 : i32
      %dma_wait3A_146 = arith.constant 0 : i32
      %dma_wait3A_147 = arith.constant 0 : i32
      %dma_wait3A_148 = tpu.memref_slice %arg7[%dma_wait3A_144, %dma_wait3A_146, %dma_wait3A_147] : memref<4x64x128xf32, #tpu.memory_space<vmem>> -> memref<1x64x128xf32, #tpu.memory_space<vmem>>
      %dma_wait3A_149 = tpu.memref_squeeze %dma_wait3A_148 : memref<1x64x128xf32, #tpu.memory_space<vmem>> -> memref<64x128xf32, #tpu.memory_space<vmem>>
      %dma_wait3A_150 = arith.constant 0 : i32
      %dma_wait3A_151 = tpu.memref_slice %arg5[%dma_wait3A_143, %dma_wait3A_150] : memref<16x64xi32, #tpu.memory_space<vmem>> -> memref<1x64xi32, #tpu.memory_space<vmem>>
      %dma_wait3A_152 = tpu.memref_squeeze %dma_wait3A_151 : memref<1x64xi32, #tpu.memory_space<vmem>> -> memref<64xi32, #tpu.memory_space<vmem>>
      %dma_wait3A_153 = arith.constant 0 : i32
      %dma_wait3A_154 = arith.constant 0 : i32
      %dma_wait3A_155 = tpu.memref_slice %arg10[%dma_wait3A_153, %dma_wait3A_154] : memref<10000x128xf32, #tpu.memory_space<vmem_shared>> -> memref<10000x128xf32, #tpu.memory_space<vmem_shared>>
      %dma_wait3A_156 = tpu.memref_slice %arg9[%dma_wait3A_145] : memref<4x!tpu.dma_semaphore, #tpu.memory_space<semaphore_mem>> -> memref<1x!tpu.dma_semaphore, #tpu.memory_space<semaphore_mem>>
      %dma_wait3A_157 = tpu.memref_squeeze %dma_wait3A_156 : memref<1x!tpu.dma_semaphore, #tpu.memory_space<semaphore_mem>> -> memref<!tpu.dma_semaphore, #tpu.memory_space<semaphore_mem>>
      tpu.wait_indirect_dma semaphore(%dma_wait3A_157 : memref<!tpu.dma_semaphore, #tpu.memory_space<semaphore_mem>>) src(%dma_wait3A_155 : memref<10000x128xf32, #tpu.memory_space<vmem_shared>>) dst(%dma_wait3A_149 : memref<64x128xf32, #tpu.memory_space<vmem>>)
      %dma_start3A_158 = arith.constant 6 : i32
      %dma_start3A_159 = arith.constant 2 : i32
      %dma_start3A_160 = arith.constant 2 : i32
      %dma_start3A_161 = arith.constant 0 : i32
      %dma_start3A_162 = arith.constant 0 : i32
      %dma_start3A_163 = tpu.memref_slice %arg7[%dma_start3A_159, %dma_start3A_161, %dma_start3A_162] : memref<4x64x128xf32, #tpu.memory_space<vmem>> -> memref<1x64x128xf32, #tpu.memory_space<vmem>>
      %dma_start3A_164 = tpu.memref_squeeze %dma_start3A_163 : memref<1x64x128xf32, #tpu.memory_space<vmem>> -> memref<64x128xf32, #tpu.memory_space<vmem>>
      %dma_start3A_165 = arith.constant 0 : i32
      %dma_start3A_166 = tpu.memref_slice %arg5[%dma_start3A_158, %dma_start3A_165] : memref<16x64xi32, #tpu.memory_space<vmem>> -> memref<1x64xi32, #tpu.memory_space<vmem>>
      %dma_start3A_167 = tpu.memref_squeeze %dma_start3A_166 : memref<1x64xi32, #tpu.memory_space<vmem>> -> memref<64xi32, #tpu.memory_space<vmem>>
      %dma_start3A_168 = arith.constant 0 : i32
      %dma_start3A_169 = arith.constant 0 : i32
      %dma_start3A_170 = tpu.memref_slice %arg10[%dma_start3A_168, %dma_start3A_169] : memref<10000x128xf32, #tpu.memory_space<vmem_shared>> -> memref<10000x128xf32, #tpu.memory_space<vmem_shared>>
      %dma_start3A_171 = tpu.memref_slice %arg9[%dma_start3A_160] : memref<4x!tpu.dma_semaphore, #tpu.memory_space<semaphore_mem>> -> memref<1x!tpu.dma_semaphore, #tpu.memory_space<semaphore_mem>>
      %dma_start3A_172 = tpu.memref_squeeze %dma_start3A_171 : memref<1x!tpu.dma_semaphore, #tpu.memory_space<semaphore_mem>> -> memref<!tpu.dma_semaphore, #tpu.memory_space<semaphore_mem>>
      tpu.enqueue_indirect_dma source(%dma_start3A_170 : memref<10000x128xf32, #tpu.memory_space<vmem_shared>>) target(%dma_start3A_164 : memref<64x128xf32, #tpu.memory_space<vmem>>) offsets(%dma_start3A_167 : memref<64xi32, #tpu.memory_space<vmem>>) semaphore(%dma_start3A_172 : memref<!tpu.dma_semaphore, #tpu.memory_space<semaphore_mem>>)
      %dma_wait3A_173 = arith.constant 3 : i32
      %dma_wait3A_174 = arith.constant 3 : i32
      %dma_wait3A_175 = arith.constant 3 : i32
      %dma_wait3A_176 = arith.constant 0 : i32
      %dma_wait3A_177 = arith.constant 0 : i32
      %dma_wait3A_178 = tpu.memref_slice %arg7[%dma_wait3A_174, %dma_wait3A_176, %dma_wait3A_177] : memref<4x64x128xf32, #tpu.memory_space<vmem>> -> memref<1x64x128xf32, #tpu.memory_space<vmem>>
      %dma_wait3A_179 = tpu.memref_squeeze %dma_wait3A_178 : memref<1x64x128xf32, #tpu.memory_space<vmem>> -> memref<64x128xf32, #tpu.memory_space<vmem>>
      %dma_wait3A_180 = arith.constant 0 : i32
      %dma_wait3A_181 = tpu.memref_slice %arg5[%dma_wait3A_173, %dma_wait3A_180] : memref<16x64xi32, #tpu.memory_space<vmem>> -> memref<1x64xi32, #tpu.memory_space<vmem>>
      %dma_wait3A_182 = tpu.memref_squeeze %dma_wait3A_181 : memref<1x64xi32, #tpu.memory_space<vmem>> -> memref<64xi32, #tpu.memory_space<vmem>>
      %dma_wait3A_183 = arith.constant 0 : i32
      %dma_wait3A_184 = arith.constant 0 : i32
      %dma_wait3A_185 = tpu.memref_slice %arg10[%dma_wait3A_183, %dma_wait3A_184] : memref<10000x128xf32, #tpu.memory_space<vmem_shared>> -> memref<10000x128xf32, #tpu.memory_space<vmem_shared>>
      %dma_wait3A_186 = tpu.memref_slice %arg9[%dma_wait3A_175] : memref<4x!tpu.dma_semaphore, #tpu.memory_space<semaphore_mem>> -> memref<1x!tpu.dma_semaphore, #tpu.memory_space<semaphore_mem>>
      %dma_wait3A_187 = tpu.memref_squeeze %dma_wait3A_186 : memref<1x!tpu.dma_semaphore, #tpu.memory_space<semaphore_mem>> -> memref<!tpu.dma_semaphore, #tpu.memory_space<semaphore_mem>>
      tpu.wait_indirect_dma semaphore(%dma_wait3A_187 : memref<!tpu.dma_semaphore, #tpu.memory_space<semaphore_mem>>) src(%dma_wait3A_185 : memref<10000x128xf32, #tpu.memory_space<vmem_shared>>) dst(%dma_wait3A_179 : memref<64x128xf32, #tpu.memory_space<vmem>>)
      %dma_start3A_188 = arith.constant 7 : i32
      %dma_start3A_189 = arith.constant 3 : i32
      %dma_start3A_190 = arith.constant 3 : i32
      %dma_start3A_191 = arith.constant 0 : i32
      %dma_start3A_192 = arith.constant 0 : i32
      %dma_start3A_193 = tpu.memref_slice %arg7[%dma_start3A_189, %dma_start3A_191, %dma_start3A_192] : memref<4x64x128xf32, #tpu.memory_space<vmem>> -> memref<1x64x128xf32, #tpu.memory_space<vmem>>
      %dma_start3A_194 = tpu.memref_squeeze %dma_start3A_193 : memref<1x64x128xf32, #tpu.memory_space<vmem>> -> memref<64x128xf32, #tpu.memory_space<vmem>>
      %dma_start3A_195 = arith.constant 0 : i32
      %dma_start3A_196 = tpu.memref_slice %arg5[%dma_start3A_188, %dma_start3A_195] : memref<16x64xi32, #tpu.memory_space<vmem>> -> memref<1x64xi32, #tpu.memory_space<vmem>>
      %dma_start3A_197 = tpu.memref_squeeze %dma_start3A_196 : memref<1x64xi32, #tpu.memory_space<vmem>> -> memref<64xi32, #tpu.memory_space<vmem>>
      %dma_start3A_198 = arith.constant 0 : i32
      %dma_start3A_199 = arith.constant 0 : i32
      %dma_start3A_200 = tpu.memref_slice %arg10[%dma_start3A_198, %dma_start3A_199] : memref<10000x128xf32, #tpu.memory_space<vmem_shared>> -> memref<10000x128xf32, #tpu.memory_space<vmem_shared>>
      %dma_start3A_201 = tpu.memref_slice %arg9[%dma_start3A_190] : memref<4x!tpu.dma_semaphore, #tpu.memory_space<semaphore_mem>> -> memref<1x!tpu.dma_semaphore, #tpu.memory_space<semaphore_mem>>
      %dma_start3A_202 = tpu.memref_squeeze %dma_start3A_201 : memref<1x!tpu.dma_semaphore, #tpu.memory_space<semaphore_mem>> -> memref<!tpu.dma_semaphore, #tpu.memory_space<semaphore_mem>>
      tpu.enqueue_indirect_dma source(%dma_start3A_200 : memref<10000x128xf32, #tpu.memory_space<vmem_shared>>) target(%dma_start3A_194 : memref<64x128xf32, #tpu.memory_space<vmem>>) offsets(%dma_start3A_197 : memref<64xi32, #tpu.memory_space<vmem>>) semaphore(%dma_start3A_202 : memref<!tpu.dma_semaphore, #tpu.memory_space<semaphore_mem>>)
      %dma_wait3A_203 = arith.constant 4 : i32
      %dma_wait3A_204 = arith.constant 0 : i32
      %dma_wait3A_205 = arith.constant 0 : i32
      %dma_wait3A_206 = arith.constant 0 : i32
      %dma_wait3A_207 = arith.constant 0 : i32
      %dma_wait3A_208 = tpu.memref_slice %arg7[%dma_wait3A_204, %dma_wait3A_206, %dma_wait3A_207] : memref<4x64x128xf32, #tpu.memory_space<vmem>> -> memref<1x64x128xf32, #tpu.memory_space<vmem>>
      %dma_wait3A_209 = tpu.memref_squeeze %dma_wait3A_208 : memref<1x64x128xf32, #tpu.memory_space<vmem>> -> memref<64x128xf32, #tpu.memory_space<vmem>>
      %dma_wait3A_210 = arith.constant 0 : i32
      %dma_wait3A_211 = tpu.memref_slice %arg5[%dma_wait3A_203, %dma_wait3A_210] : memref<16x64xi32, #tpu.memory_space<vmem>> -> memref<1x64xi32, #tpu.memory_space<vmem>>
      %dma_wait3A_212 = tpu.memref_squeeze %dma_wait3A_211 : memref<1x64xi32, #tpu.memory_space<vmem>> -> memref<64xi32, #tpu.memory_space<vmem>>
      %dma_wait3A_213 = arith.constant 0 : i32
      %dma_wait3A_214 = arith.constant 0 : i32
      %dma_wait3A_215 = tpu.memref_slice %arg10[%dma_wait3A_213, %dma_wait3A_214] : memref<10000x128xf32, #tpu.memory_space<vmem_shared>> -> memref<10000x128xf32, #tpu.memory_space<vmem_shared>>
      %dma_wait3A_216 = tpu.memref_slice %arg9[%dma_wait3A_205] : memref<4x!tpu.dma_semaphore, #tpu.memory_space<semaphore_mem>> -> memref<1x!tpu.dma_semaphore, #tpu.memory_space<semaphore_mem>>
      %dma_wait3A_217 = tpu.memref_squeeze %dma_wait3A_216 : memref<1x!tpu.dma_semaphore, #tpu.memory_space<semaphore_mem>> -> memref<!tpu.dma_semaphore, #tpu.memory_space<semaphore_mem>>
      tpu.wait_indirect_dma semaphore(%dma_wait3A_217 : memref<!tpu.dma_semaphore, #tpu.memory_space<semaphore_mem>>) src(%dma_wait3A_215 : memref<10000x128xf32, #tpu.memory_space<vmem_shared>>) dst(%dma_wait3A_209 : memref<64x128xf32, #tpu.memory_space<vmem>>)
      %dma_start3A_218 = arith.constant 8 : i32
      %dma_start3A_219 = arith.constant 0 : i32
      %dma_start3A_220 = arith.constant 0 : i32
      %dma_start3A_221 = arith.constant 0 : i32
      %dma_start3A_222 = arith.constant 0 : i32
      %dma_start3A_223 = tpu.memref_slice %arg7[%dma_start3A_219, %dma_start3A_221, %dma_start3A_222] : memref<4x64x128xf32, #tpu.memory_space<vmem>> -> memref<1x64x128xf32, #tpu.memory_space<vmem>>
      %dma_start3A_224 = tpu.memref_squeeze %dma_start3A_223 : memref<1x64x128xf32, #tpu.memory_space<vmem>> -> memref<64x128xf32, #tpu.memory_space<vmem>>
      %dma_start3A_225 = arith.constant 0 : i32
      %dma_start3A_226 = tpu.memref_slice %arg5[%dma_start3A_218, %dma_start3A_225] : memref<16x64xi32, #tpu.memory_space<vmem>> -> memref<1x64xi32, #tpu.memory_space<vmem>>
      %dma_start3A_227 = tpu.memref_squeeze %dma_start3A_226 : memref<1x64xi32, #tpu.memory_space<vmem>> -> memref<64xi32, #tpu.memory_space<vmem>>
      %dma_start3A_228 = arith.constant 0 : i32
      %dma_start3A_229 = arith.constant 0 : i32
      %dma_start3A_230 = tpu.memref_slice %arg10[%dma_start3A_228, %dma_start3A_229] : memref<10000x128xf32, #tpu.memory_space<vmem_shared>> -> memref<10000x128xf32, #tpu.memory_space<vmem_shared>>
      %dma_start3A_231 = tpu.memref_slice %arg9[%dma_start3A_220] : memref<4x!tpu.dma_semaphore, #tpu.memory_space<semaphore_mem>> -> memref<1x!tpu.dma_semaphore, #tpu.memory_space<semaphore_mem>>
      %dma_start3A_232 = tpu.memref_squeeze %dma_start3A_231 : memref<1x!tpu.dma_semaphore, #tpu.memory_space<semaphore_mem>> -> memref<!tpu.dma_semaphore, #tpu.memory_space<semaphore_mem>>
      tpu.enqueue_indirect_dma source(%dma_start3A_230 : memref<10000x128xf32, #tpu.memory_space<vmem_shared>>) target(%dma_start3A_224 : memref<64x128xf32, #tpu.memory_space<vmem>>) offsets(%dma_start3A_227 : memref<64xi32, #tpu.memory_space<vmem>>) semaphore(%dma_start3A_232 : memref<!tpu.dma_semaphore, #tpu.memory_space<semaphore_mem>>)
      %dma_wait3A_233 = arith.constant 5 : i32
      %dma_wait3A_234 = arith.constant 1 : i32
      %dma_wait3A_235 = arith.constant 1 : i32
      %dma_wait3A_236 = arith.constant 0 : i32
      %dma_wait3A_237 = arith.constant 0 : i32
      %dma_wait3A_238 = tpu.memref_slice %arg7[%dma_wait3A_234, %dma_wait3A_236, %dma_wait3A_237] : memref<4x64x128xf32, #tpu.memory_space<vmem>> -> memref<1x64x128xf32, #tpu.memory_space<vmem>>
      %dma_wait3A_239 = tpu.memref_squeeze %dma_wait3A_238 : memref<1x64x128xf32, #tpu.memory_space<vmem>> -> memref<64x128xf32, #tpu.memory_space<vmem>>
      %dma_wait3A_240 = arith.constant 0 : i32
      %dma_wait3A_241 = tpu.memref_slice %arg5[%dma_wait3A_233, %dma_wait3A_240] : memref<16x64xi32, #tpu.memory_space<vmem>> -> memref<1x64xi32, #tpu.memory_space<vmem>>
      %dma_wait3A_242 = tpu.memref_squeeze %dma_wait3A_241 : memref<1x64xi32, #tpu.memory_space<vmem>> -> memref<64xi32, #tpu.memory_space<vmem>>
      %dma_wait3A_243 = arith.constant 0 : i32
      %dma_wait3A_244 = arith.constant 0 : i32
      %dma_wait3A_245 = tpu.memref_slice %arg10[%dma_wait3A_243, %dma_wait3A_244] : memref<10000x128xf32, #tpu.memory_space<vmem_shared>> -> memref<10000x128xf32, #tpu.memory_space<vmem_shared>>
      %dma_wait3A_246 = tpu.memref_slice %arg9[%dma_wait3A_235] : memref<4x!tpu.dma_semaphore, #tpu.memory_space<semaphore_mem>> -> memref<1x!tpu.dma_semaphore, #tpu.memory_space<semaphore_mem>>
      %dma_wait3A_247 = tpu.memref_squeeze %dma_wait3A_246 : memref<1x!tpu.dma_semaphore, #tpu.memory_space<semaphore_mem>> -> memref<!tpu.dma_semaphore, #tpu.memory_space<semaphore_mem>>
      tpu.wait_indirect_dma semaphore(%dma_wait3A_247 : memref<!tpu.dma_semaphore, #tpu.memory_space<semaphore_mem>>) src(%dma_wait3A_245 : memref<10000x128xf32, #tpu.memory_space<vmem_shared>>) dst(%dma_wait3A_239 : memref<64x128xf32, #tpu.memory_space<vmem>>)
      %dma_start3A_248 = arith.constant 9 : i32
      %dma_start3A_249 = arith.constant 1 : i32
      %dma_start3A_250 = arith.constant 1 : i32
      %dma_start3A_251 = arith.constant 0 : i32
      %dma_start3A_252 = arith.constant 0 : i32
      %dma_start3A_253 = tpu.memref_slice %arg7[%dma_start3A_249, %dma_start3A_251, %dma_start3A_252] : memref<4x64x128xf32, #tpu.memory_space<vmem>> -> memref<1x64x128xf32, #tpu.memory_space<vmem>>
      %dma_start3A_254 = tpu.memref_squeeze %dma_start3A_253 : memref<1x64x128xf32, #tpu.memory_space<vmem>> -> memref<64x128xf32, #tpu.memory_space<vmem>>
      %dma_start3A_255 = arith.constant 0 : i32
      %dma_start3A_256 = tpu.memref_slice %arg5[%dma_start3A_248, %dma_start3A_255] : memref<16x64xi32, #tpu.memory_space<vmem>> -> memref<1x64xi32, #tpu.memory_space<vmem>>
      %dma_start3A_257 = tpu.memref_squeeze %dma_start3A_256 : memref<1x64xi32, #tpu.memory_space<vmem>> -> memref<64xi32, #tpu.memory_space<vmem>>
      %dma_start3A_258 = arith.constant 0 : i32
      %dma_start3A_259 = arith.constant 0 : i32
      %dma_start3A_260 = tpu.memref_slice %arg10[%dma_start3A_258, %dma_start3A_259] : memref<10000x128xf32, #tpu.memory_space<vmem_shared>> -> memref<10000x128xf32, #tpu.memory_space<vmem_shared>>
      %dma_start3A_261 = tpu.memref_slice %arg9[%dma_start3A_250] : memref<4x!tpu.dma_semaphore, #tpu.memory_space<semaphore_mem>> -> memref<1x!tpu.dma_semaphore, #tpu.memory_space<semaphore_mem>>
      %dma_start3A_262 = tpu.memref_squeeze %dma_start3A_261 : memref<1x!tpu.dma_semaphore, #tpu.memory_space<semaphore_mem>> -> memref<!tpu.dma_semaphore, #tpu.memory_space<semaphore_mem>>
      tpu.enqueue_indirect_dma source(%dma_start3A_260 : memref<10000x128xf32, #tpu.memory_space<vmem_shared>>) target(%dma_start3A_254 : memref<64x128xf32, #tpu.memory_space<vmem>>) offsets(%dma_start3A_257 : memref<64xi32, #tpu.memory_space<vmem>>) semaphore(%dma_start3A_262 : memref<!tpu.dma_semaphore, #tpu.memory_space<semaphore_mem>>)
      %dma_wait3A_263 = arith.constant 6 : i32
      %dma_wait3A_264 = arith.constant 2 : i32
      %dma_wait3A_265 = arith.constant 2 : i32
      %dma_wait3A_266 = arith.constant 0 : i32
      %dma_wait3A_267 = arith.constant 0 : i32
      %dma_wait3A_268 = tpu.memref_slice %arg7[%dma_wait3A_264, %dma_wait3A_266, %dma_wait3A_267] : memref<4x64x128xf32, #tpu.memory_space<vmem>> -> memref<1x64x128xf32, #tpu.memory_space<vmem>>
      %dma_wait3A_269 = tpu.memref_squeeze %dma_wait3A_268 : memref<1x64x128xf32, #tpu.memory_space<vmem>> -> memref<64x128xf32, #tpu.memory_space<vmem>>
      %dma_wait3A_270 = arith.constant 0 : i32
      %dma_wait3A_271 = tpu.memref_slice %arg5[%dma_wait3A_263, %dma_wait3A_270] : memref<16x64xi32, #tpu.memory_space<vmem>> -> memref<1x64xi32, #tpu.memory_space<vmem>>
      %dma_wait3A_272 = tpu.memref_squeeze %dma_wait3A_271 : memref<1x64xi32, #tpu.memory_space<vmem>> -> memref<64xi32, #tpu.memory_space<vmem>>
      %dma_wait3A_273 = arith.constant 0 : i32
      %dma_wait3A_274 = arith.constant 0 : i32
      %dma_wait3A_275 = tpu.memref_slice %arg10[%dma_wait3A_273, %dma_wait3A_274] : memref<10000x128xf32, #tpu.memory_space<vmem_shared>> -> memref<10000x128xf32, #tpu.memory_space<vmem_shared>>
      %dma_wait3A_276 = tpu.memref_slice %arg9[%dma_wait3A_265] : memref<4x!tpu.dma_semaphore, #tpu.memory_space<semaphore_mem>> -> memref<1x!tpu.dma_semaphore, #tpu.memory_space<semaphore_mem>>
      %dma_wait3A_277 = tpu.memref_squeeze %dma_wait3A_276 : memref<1x!tpu.dma_semaphore, #tpu.memory_space<semaphore_mem>> -> memref<!tpu.dma_semaphore, #tpu.memory_space<semaphore_mem>>
      tpu.wait_indirect_dma semaphore(%dma_wait3A_277 : memref<!tpu.dma_semaphore, #tpu.memory_space<semaphore_mem>>) src(%dma_wait3A_275 : memref<10000x128xf32, #tpu.memory_space<vmem_shared>>) dst(%dma_wait3A_269 : memref<64x128xf32, #tpu.memory_space<vmem>>)
      %dma_start3A_278 = arith.constant 10 : i32
      %dma_start3A_279 = arith.constant 2 : i32
      %dma_start3A_280 = arith.constant 2 : i32
      %dma_start3A_281 = arith.constant 0 : i32
      %dma_start3A_282 = arith.constant 0 : i32
      %dma_start3A_283 = tpu.memref_slice %arg7[%dma_start3A_279, %dma_start3A_281, %dma_start3A_282] : memref<4x64x128xf32, #tpu.memory_space<vmem>> -> memref<1x64x128xf32, #tpu.memory_space<vmem>>
      %dma_start3A_284 = tpu.memref_squeeze %dma_start3A_283 : memref<1x64x128xf32, #tpu.memory_space<vmem>> -> memref<64x128xf32, #tpu.memory_space<vmem>>
      %dma_start3A_285 = arith.constant 0 : i32
      %dma_start3A_286 = tpu.memref_slice %arg5[%dma_start3A_278, %dma_start3A_285] : memref<16x64xi32, #tpu.memory_space<vmem>> -> memref<1x64xi32, #tpu.memory_space<vmem>>
      %dma_start3A_287 = tpu.memref_squeeze %dma_start3A_286 : memref<1x64xi32, #tpu.memory_space<vmem>> -> memref<64xi32, #tpu.memory_space<vmem>>
      %dma_start3A_288 = arith.constant 0 : i32
      %dma_start3A_289 = arith.constant 0 : i32
      %dma_start3A_290 = tpu.memref_slice %arg10[%dma_start3A_288, %dma_start3A_289] : memref<10000x128xf32, #tpu.memory_space<vmem_shared>> -> memref<10000x128xf32, #tpu.memory_space<vmem_shared>>
      %dma_start3A_291 = tpu.memref_slice %arg9[%dma_start3A_280] : memref<4x!tpu.dma_semaphore, #tpu.memory_space<semaphore_mem>> -> memref<1x!tpu.dma_semaphore, #tpu.memory_space<semaphore_mem>>
      %dma_start3A_292 = tpu.memref_squeeze %dma_start3A_291 : memref<1x!tpu.dma_semaphore, #tpu.memory_space<semaphore_mem>> -> memref<!tpu.dma_semaphore, #tpu.memory_space<semaphore_mem>>
      tpu.enqueue_indirect_dma source(%dma_start3A_290 : memref<10000x128xf32, #tpu.memory_space<vmem_shared>>) target(%dma_start3A_284 : memref<64x128xf32, #tpu.memory_space<vmem>>) offsets(%dma_start3A_287 : memref<64xi32, #tpu.memory_space<vmem>>) semaphore(%dma_start3A_292 : memref<!tpu.dma_semaphore, #tpu.memory_space<semaphore_mem>>)
      %dma_wait3A_293 = arith.constant 7 : i32
      %dma_wait3A_294 = arith.constant 3 : i32
      %dma_wait3A_295 = arith.constant 3 : i32
      %dma_wait3A_296 = arith.constant 0 : i32
      %dma_wait3A_297 = arith.constant 0 : i32
      %dma_wait3A_298 = tpu.memref_slice %arg7[%dma_wait3A_294, %dma_wait3A_296, %dma_wait3A_297] : memref<4x64x128xf32, #tpu.memory_space<vmem>> -> memref<1x64x128xf32, #tpu.memory_space<vmem>>
      %dma_wait3A_299 = tpu.memref_squeeze %dma_wait3A_298 : memref<1x64x128xf32, #tpu.memory_space<vmem>> -> memref<64x128xf32, #tpu.memory_space<vmem>>
      %dma_wait3A_300 = arith.constant 0 : i32
      %dma_wait3A_301 = tpu.memref_slice %arg5[%dma_wait3A_293, %dma_wait3A_300] : memref<16x64xi32, #tpu.memory_space<vmem>> -> memref<1x64xi32, #tpu.memory_space<vmem>>
      %dma_wait3A_302 = tpu.memref_squeeze %dma_wait3A_301 : memref<1x64xi32, #tpu.memory_space<vmem>> -> memref<64xi32, #tpu.memory_space<vmem>>
      %dma_wait3A_303 = arith.constant 0 : i32
      %dma_wait3A_304 = arith.constant 0 : i32
      %dma_wait3A_305 = tpu.memref_slice %arg10[%dma_wait3A_303, %dma_wait3A_304] : memref<10000x128xf32, #tpu.memory_space<vmem_shared>> -> memref<10000x128xf32, #tpu.memory_space<vmem_shared>>
      %dma_wait3A_306 = tpu.memref_slice %arg9[%dma_wait3A_295] : memref<4x!tpu.dma_semaphore, #tpu.memory_space<semaphore_mem>> -> memref<1x!tpu.dma_semaphore, #tpu.memory_space<semaphore_mem>>
      %dma_wait3A_307 = tpu.memref_squeeze %dma_wait3A_306 : memref<1x!tpu.dma_semaphore, #tpu.memory_space<semaphore_mem>> -> memref<!tpu.dma_semaphore, #tpu.memory_space<semaphore_mem>>
      tpu.wait_indirect_dma semaphore(%dma_wait3A_307 : memref<!tpu.dma_semaphore, #tpu.memory_space<semaphore_mem>>) src(%dma_wait3A_305 : memref<10000x128xf32, #tpu.memory_space<vmem_shared>>) dst(%dma_wait3A_299 : memref<64x128xf32, #tpu.memory_space<vmem>>)
      %dma_start3A_308 = arith.constant 11 : i32
      %dma_start3A_309 = arith.constant 3 : i32
      %dma_start3A_310 = arith.constant 3 : i32
      %dma_start3A_311 = arith.constant 0 : i32
      %dma_start3A_312 = arith.constant 0 : i32
      %dma_start3A_313 = tpu.memref_slice %arg7[%dma_start3A_309, %dma_start3A_311, %dma_start3A_312] : memref<4x64x128xf32, #tpu.memory_space<vmem>> -> memref<1x64x128xf32, #tpu.memory_space<vmem>>
      %dma_start3A_314 = tpu.memref_squeeze %dma_start3A_313 : memref<1x64x128xf32, #tpu.memory_space<vmem>> -> memref<64x128xf32, #tpu.memory_space<vmem>>
      %dma_start3A_315 = arith.constant 0 : i32
      %dma_start3A_316 = tpu.memref_slice %arg5[%dma_start3A_308, %dma_start3A_315] : memref<16x64xi32, #tpu.memory_space<vmem>> -> memref<1x64xi32, #tpu.memory_space<vmem>>
      %dma_start3A_317 = tpu.memref_squeeze %dma_start3A_316 : memref<1x64xi32, #tpu.memory_space<vmem>> -> memref<64xi32, #tpu.memory_space<vmem>>
      %dma_start3A_318 = arith.constant 0 : i32
      %dma_start3A_319 = arith.constant 0 : i32
      %dma_start3A_320 = tpu.memref_slice %arg10[%dma_start3A_318, %dma_start3A_319] : memref<10000x128xf32, #tpu.memory_space<vmem_shared>> -> memref<10000x128xf32, #tpu.memory_space<vmem_shared>>
      %dma_start3A_321 = tpu.memref_slice %arg9[%dma_start3A_310] : memref<4x!tpu.dma_semaphore, #tpu.memory_space<semaphore_mem>> -> memref<1x!tpu.dma_semaphore, #tpu.memory_space<semaphore_mem>>
      %dma_start3A_322 = tpu.memref_squeeze %dma_start3A_321 : memref<1x!tpu.dma_semaphore, #tpu.memory_space<semaphore_mem>> -> memref<!tpu.dma_semaphore, #tpu.memory_space<semaphore_mem>>
      tpu.enqueue_indirect_dma source(%dma_start3A_320 : memref<10000x128xf32, #tpu.memory_space<vmem_shared>>) target(%dma_start3A_314 : memref<64x128xf32, #tpu.memory_space<vmem>>) offsets(%dma_start3A_317 : memref<64xi32, #tpu.memory_space<vmem>>) semaphore(%dma_start3A_322 : memref<!tpu.dma_semaphore, #tpu.memory_space<semaphore_mem>>)
      %dma_wait3A_323 = arith.constant 8 : i32
      %dma_wait3A_324 = arith.constant 0 : i32
      %dma_wait3A_325 = arith.constant 0 : i32
      %dma_wait3A_326 = arith.constant 0 : i32
      %dma_wait3A_327 = arith.constant 0 : i32
      %dma_wait3A_328 = tpu.memref_slice %arg7[%dma_wait3A_324, %dma_wait3A_326, %dma_wait3A_327] : memref<4x64x128xf32, #tpu.memory_space<vmem>> -> memref<1x64x128xf32, #tpu.memory_space<vmem>>
      %dma_wait3A_329 = tpu.memref_squeeze %dma_wait3A_328 : memref<1x64x128xf32, #tpu.memory_space<vmem>> -> memref<64x128xf32, #tpu.memory_space<vmem>>
      %dma_wait3A_330 = arith.constant 0 : i32
      %dma_wait3A_331 = tpu.memref_slice %arg5[%dma_wait3A_323, %dma_wait3A_330] : memref<16x64xi32, #tpu.memory_space<vmem>> -> memref<1x64xi32, #tpu.memory_space<vmem>>
      %dma_wait3A_332 = tpu.memref_squeeze %dma_wait3A_331 : memref<1x64xi32, #tpu.memory_space<vmem>> -> memref<64xi32, #tpu.memory_space<vmem>>
      %dma_wait3A_333 = arith.constant 0 : i32
      %dma_wait3A_334 = arith.constant 0 : i32
      %dma_wait3A_335 = tpu.memref_slice %arg10[%dma_wait3A_333, %dma_wait3A_334] : memref<10000x128xf32, #tpu.memory_space<vmem_shared>> -> memref<10000x128xf32, #tpu.memory_space<vmem_shared>>
      %dma_wait3A_336 = tpu.memref_slice %arg9[%dma_wait3A_325] : memref<4x!tpu.dma_semaphore, #tpu.memory_space<semaphore_mem>> -> memref<1x!tpu.dma_semaphore, #tpu.memory_space<semaphore_mem>>
      %dma_wait3A_337 = tpu.memref_squeeze %dma_wait3A_336 : memref<1x!tpu.dma_semaphore, #tpu.memory_space<semaphore_mem>> -> memref<!tpu.dma_semaphore, #tpu.memory_space<semaphore_mem>>
      tpu.wait_indirect_dma semaphore(%dma_wait3A_337 : memref<!tpu.dma_semaphore, #tpu.memory_space<semaphore_mem>>) src(%dma_wait3A_335 : memref<10000x128xf32, #tpu.memory_space<vmem_shared>>) dst(%dma_wait3A_329 : memref<64x128xf32, #tpu.memory_space<vmem>>)
      %dma_start3A_338 = arith.constant 12 : i32
      %dma_start3A_339 = arith.constant 0 : i32
      %dma_start3A_340 = arith.constant 0 : i32
      %dma_start3A_341 = arith.constant 0 : i32
      %dma_start3A_342 = arith.constant 0 : i32
      %dma_start3A_343 = tpu.memref_slice %arg7[%dma_start3A_339, %dma_start3A_341, %dma_start3A_342] : memref<4x64x128xf32, #tpu.memory_space<vmem>> -> memref<1x64x128xf32, #tpu.memory_space<vmem>>
      %dma_start3A_344 = tpu.memref_squeeze %dma_start3A_343 : memref<1x64x128xf32, #tpu.memory_space<vmem>> -> memref<64x128xf32, #tpu.memory_space<vmem>>
      %dma_start3A_345 = arith.constant 0 : i32
      %dma_start3A_346 = tpu.memref_slice %arg5[%dma_start3A_338, %dma_start3A_345] : memref<16x64xi32, #tpu.memory_space<vmem>> -> memref<1x64xi32, #tpu.memory_space<vmem>>
      %dma_start3A_347 = tpu.memref_squeeze %dma_start3A_346 : memref<1x64xi32, #tpu.memory_space<vmem>> -> memref<64xi32, #tpu.memory_space<vmem>>
      %dma_start3A_348 = arith.constant 0 : i32
      %dma_start3A_349 = arith.constant 0 : i32
      %dma_start3A_350 = tpu.memref_slice %arg10[%dma_start3A_348, %dma_start3A_349] : memref<10000x128xf32, #tpu.memory_space<vmem_shared>> -> memref<10000x128xf32, #tpu.memory_space<vmem_shared>>
      %dma_start3A_351 = tpu.memref_slice %arg9[%dma_start3A_340] : memref<4x!tpu.dma_semaphore, #tpu.memory_space<semaphore_mem>> -> memref<1x!tpu.dma_semaphore, #tpu.memory_space<semaphore_mem>>
      %dma_start3A_352 = tpu.memref_squeeze %dma_start3A_351 : memref<1x!tpu.dma_semaphore, #tpu.memory_space<semaphore_mem>> -> memref<!tpu.dma_semaphore, #tpu.memory_space<semaphore_mem>>
      tpu.enqueue_indirect_dma source(%dma_start3A_350 : memref<10000x128xf32, #tpu.memory_space<vmem_shared>>) target(%dma_start3A_344 : memref<64x128xf32, #tpu.memory_space<vmem>>) offsets(%dma_start3A_347 : memref<64xi32, #tpu.memory_space<vmem>>) semaphore(%dma_start3A_352 : memref<!tpu.dma_semaphore, #tpu.memory_space<semaphore_mem>>)
      %dma_wait3A_353 = arith.constant 9 : i32
      %dma_wait3A_354 = arith.constant 1 : i32
      %dma_wait3A_355 = arith.constant 1 : i32
      %dma_wait3A_356 = arith.constant 0 : i32
      %dma_wait3A_357 = arith.constant 0 : i32
      %dma_wait3A_358 = tpu.memref_slice %arg7[%dma_wait3A_354, %dma_wait3A_356, %dma_wait3A_357] : memref<4x64x128xf32, #tpu.memory_space<vmem>> -> memref<1x64x128xf32, #tpu.memory_space<vmem>>
      %dma_wait3A_359 = tpu.memref_squeeze %dma_wait3A_358 : memref<1x64x128xf32, #tpu.memory_space<vmem>> -> memref<64x128xf32, #tpu.memory_space<vmem>>
      %dma_wait3A_360 = arith.constant 0 : i32
      %dma_wait3A_361 = tpu.memref_slice %arg5[%dma_wait3A_353, %dma_wait3A_360] : memref<16x64xi32, #tpu.memory_space<vmem>> -> memref<1x64xi32, #tpu.memory_space<vmem>>
      %dma_wait3A_362 = tpu.memref_squeeze %dma_wait3A_361 : memref<1x64xi32, #tpu.memory_space<vmem>> -> memref<64xi32, #tpu.memory_space<vmem>>
      %dma_wait3A_363 = arith.constant 0 : i32
      %dma_wait3A_364 = arith.constant 0 : i32
      %dma_wait3A_365 = tpu.memref_slice %arg10[%dma_wait3A_363, %dma_wait3A_364] : memref<10000x128xf32, #tpu.memory_space<vmem_shared>> -> memref<10000x128xf32, #tpu.memory_space<vmem_shared>>
      %dma_wait3A_366 = tpu.memref_slice %arg9[%dma_wait3A_355] : memref<4x!tpu.dma_semaphore, #tpu.memory_space<semaphore_mem>> -> memref<1x!tpu.dma_semaphore, #tpu.memory_space<semaphore_mem>>
      %dma_wait3A_367 = tpu.memref_squeeze %dma_wait3A_366 : memref<1x!tpu.dma_semaphore, #tpu.memory_space<semaphore_mem>> -> memref<!tpu.dma_semaphore, #tpu.memory_space<semaphore_mem>>
      tpu.wait_indirect_dma semaphore(%dma_wait3A_367 : memref<!tpu.dma_semaphore, #tpu.memory_space<semaphore_mem>>) src(%dma_wait3A_365 : memref<10000x128xf32, #tpu.memory_space<vmem_shared>>) dst(%dma_wait3A_359 : memref<64x128xf32, #tpu.memory_space<vmem>>)
      %dma_start3A_368 = arith.constant 13 : i32
      %dma_start3A_369 = arith.constant 1 : i32
      %dma_start3A_370 = arith.constant 1 : i32
      %dma_start3A_371 = arith.constant 0 : i32
      %dma_start3A_372 = arith.constant 0 : i32
      %dma_start3A_373 = tpu.memref_slice %arg7[%dma_start3A_369, %dma_start3A_371, %dma_start3A_372] : memref<4x64x128xf32, #tpu.memory_space<vmem>> -> memref<1x64x128xf32, #tpu.memory_space<vmem>>
      %dma_start3A_374 = tpu.memref_squeeze %dma_start3A_373 : memref<1x64x128xf32, #tpu.memory_space<vmem>> -> memref<64x128xf32, #tpu.memory_space<vmem>>
      %dma_start3A_375 = arith.constant 0 : i32
      %dma_start3A_376 = tpu.memref_slice %arg5[%dma_start3A_368, %dma_start3A_375] : memref<16x64xi32, #tpu.memory_space<vmem>> -> memref<1x64xi32, #tpu.memory_space<vmem>>
      %dma_start3A_377 = tpu.memref_squeeze %dma_start3A_376 : memref<1x64xi32, #tpu.memory_space<vmem>> -> memref<64xi32, #tpu.memory_space<vmem>>
      %dma_start3A_378 = arith.constant 0 : i32
      %dma_start3A_379 = arith.constant 0 : i32
      %dma_start3A_380 = tpu.memref_slice %arg10[%dma_start3A_378, %dma_start3A_379] : memref<10000x128xf32, #tpu.memory_space<vmem_shared>> -> memref<10000x128xf32, #tpu.memory_space<vmem_shared>>
      %dma_start3A_381 = tpu.memref_slice %arg9[%dma_start3A_370] : memref<4x!tpu.dma_semaphore, #tpu.memory_space<semaphore_mem>> -> memref<1x!tpu.dma_semaphore, #tpu.memory_space<semaphore_mem>>
      %dma_start3A_382 = tpu.memref_squeeze %dma_start3A_381 : memref<1x!tpu.dma_semaphore, #tpu.memory_space<semaphore_mem>> -> memref<!tpu.dma_semaphore, #tpu.memory_space<semaphore_mem>>
      tpu.enqueue_indirect_dma source(%dma_start3A_380 : memref<10000x128xf32, #tpu.memory_space<vmem_shared>>) target(%dma_start3A_374 : memref<64x128xf32, #tpu.memory_space<vmem>>) offsets(%dma_start3A_377 : memref<64xi32, #tpu.memory_space<vmem>>) semaphore(%dma_start3A_382 : memref<!tpu.dma_semaphore, #tpu.memory_space<semaphore_mem>>)
      %dma_wait3A_383 = arith.constant 10 : i32
      %dma_wait3A_384 = arith.constant 2 : i32
      %dma_wait3A_385 = arith.constant 2 : i32
      %dma_wait3A_386 = arith.constant 0 : i32
      %dma_wait3A_387 = arith.constant 0 : i32
      %dma_wait3A_388 = tpu.memref_slice %arg7[%dma_wait3A_384, %dma_wait3A_386, %dma_wait3A_387] : memref<4x64x128xf32, #tpu.memory_space<vmem>> -> memref<1x64x128xf32, #tpu.memory_space<vmem>>
      %dma_wait3A_389 = tpu.memref_squeeze %dma_wait3A_388 : memref<1x64x128xf32, #tpu.memory_space<vmem>> -> memref<64x128xf32, #tpu.memory_space<vmem>>
      %dma_wait3A_390 = arith.constant 0 : i32
      %dma_wait3A_391 = tpu.memref_slice %arg5[%dma_wait3A_383, %dma_wait3A_390] : memref<16x64xi32, #tpu.memory_space<vmem>> -> memref<1x64xi32, #tpu.memory_space<vmem>>
      %dma_wait3A_392 = tpu.memref_squeeze %dma_wait3A_391 : memref<1x64xi32, #tpu.memory_space<vmem>> -> memref<64xi32, #tpu.memory_space<vmem>>
      %dma_wait3A_393 = arith.constant 0 : i32
      %dma_wait3A_394 = arith.constant 0 : i32
      %dma_wait3A_395 = tpu.memref_slice %arg10[%dma_wait3A_393, %dma_wait3A_394] : memref<10000x128xf32, #tpu.memory_space<vmem_shared>> -> memref<10000x128xf32, #tpu.memory_space<vmem_shared>>
      %dma_wait3A_396 = tpu.memref_slice %arg9[%dma_wait3A_385] : memref<4x!tpu.dma_semaphore, #tpu.memory_space<semaphore_mem>> -> memref<1x!tpu.dma_semaphore, #tpu.memory_space<semaphore_mem>>
      %dma_wait3A_397 = tpu.memref_squeeze %dma_wait3A_396 : memref<1x!tpu.dma_semaphore, #tpu.memory_space<semaphore_mem>> -> memref<!tpu.dma_semaphore, #tpu.memory_space<semaphore_mem>>
      tpu.wait_indirect_dma semaphore(%dma_wait3A_397 : memref<!tpu.dma_semaphore, #tpu.memory_space<semaphore_mem>>) src(%dma_wait3A_395 : memref<10000x128xf32, #tpu.memory_space<vmem_shared>>) dst(%dma_wait3A_389 : memref<64x128xf32, #tpu.memory_space<vmem>>)
      %dma_start3A_398 = arith.constant 14 : i32
      %dma_start3A_399 = arith.constant 2 : i32
      %dma_start3A_400 = arith.constant 2 : i32
      %dma_start3A_401 = arith.constant 0 : i32
      %dma_start3A_402 = arith.constant 0 : i32
      %dma_start3A_403 = tpu.memref_slice %arg7[%dma_start3A_399, %dma_start3A_401, %dma_start3A_402] : memref<4x64x128xf32, #tpu.memory_space<vmem>> -> memref<1x64x128xf32, #tpu.memory_space<vmem>>
      %dma_start3A_404 = tpu.memref_squeeze %dma_start3A_403 : memref<1x64x128xf32, #tpu.memory_space<vmem>> -> memref<64x128xf32, #tpu.memory_space<vmem>>
      %dma_start3A_405 = arith.constant 0 : i32
      %dma_start3A_406 = tpu.memref_slice %arg5[%dma_start3A_398, %dma_start3A_405] : memref<16x64xi32, #tpu.memory_space<vmem>> -> memref<1x64xi32, #tpu.memory_space<vmem>>
      %dma_start3A_407 = tpu.memref_squeeze %dma_start3A_406 : memref<1x64xi32, #tpu.memory_space<vmem>> -> memref<64xi32, #tpu.memory_space<vmem>>
      %dma_start3A_408 = arith.constant 0 : i32
      %dma_start3A_409 = arith.constant 0 : i32
      %dma_start3A_410 = tpu.memref_slice %arg10[%dma_start3A_408, %dma_start3A_409] : memref<10000x128xf32, #tpu.memory_space<vmem_shared>> -> memref<10000x128xf32, #tpu.memory_space<vmem_shared>>
      %dma_start3A_411 = tpu.memref_slice %arg9[%dma_start3A_400] : memref<4x!tpu.dma_semaphore, #tpu.memory_space<semaphore_mem>> -> memref<1x!tpu.dma_semaphore, #tpu.memory_space<semaphore_mem>>
      %dma_start3A_412 = tpu.memref_squeeze %dma_start3A_411 : memref<1x!tpu.dma_semaphore, #tpu.memory_space<semaphore_mem>> -> memref<!tpu.dma_semaphore, #tpu.memory_space<semaphore_mem>>
      tpu.enqueue_indirect_dma source(%dma_start3A_410 : memref<10000x128xf32, #tpu.memory_space<vmem_shared>>) target(%dma_start3A_404 : memref<64x128xf32, #tpu.memory_space<vmem>>) offsets(%dma_start3A_407 : memref<64xi32, #tpu.memory_space<vmem>>) semaphore(%dma_start3A_412 : memref<!tpu.dma_semaphore, #tpu.memory_space<semaphore_mem>>)
      %dma_wait3A_413 = arith.constant 11 : i32
      %dma_wait3A_414 = arith.constant 3 : i32
      %dma_wait3A_415 = arith.constant 3 : i32
      %dma_wait3A_416 = arith.constant 0 : i32
      %dma_wait3A_417 = arith.constant 0 : i32
      %dma_wait3A_418 = tpu.memref_slice %arg7[%dma_wait3A_414, %dma_wait3A_416, %dma_wait3A_417] : memref<4x64x128xf32, #tpu.memory_space<vmem>> -> memref<1x64x128xf32, #tpu.memory_space<vmem>>
      %dma_wait3A_419 = tpu.memref_squeeze %dma_wait3A_418 : memref<1x64x128xf32, #tpu.memory_space<vmem>> -> memref<64x128xf32, #tpu.memory_space<vmem>>
      %dma_wait3A_420 = arith.constant 0 : i32
      %dma_wait3A_421 = tpu.memref_slice %arg5[%dma_wait3A_413, %dma_wait3A_420] : memref<16x64xi32, #tpu.memory_space<vmem>> -> memref<1x64xi32, #tpu.memory_space<vmem>>
      %dma_wait3A_422 = tpu.memref_squeeze %dma_wait3A_421 : memref<1x64xi32, #tpu.memory_space<vmem>> -> memref<64xi32, #tpu.memory_space<vmem>>
      %dma_wait3A_423 = arith.constant 0 : i32
      %dma_wait3A_424 = arith.constant 0 : i32
      %dma_wait3A_425 = tpu.memref_slice %arg10[%dma_wait3A_423, %dma_wait3A_424] : memref<10000x128xf32, #tpu.memory_space<vmem_shared>> -> memref<10000x128xf32, #tpu.memory_space<vmem_shared>>
      %dma_wait3A_426 = tpu.memref_slice %arg9[%dma_wait3A_415] : memref<4x!tpu.dma_semaphore, #tpu.memory_space<semaphore_mem>> -> memref<1x!tpu.dma_semaphore, #tpu.memory_space<semaphore_mem>>
      %dma_wait3A_427 = tpu.memref_squeeze %dma_wait3A_426 : memref<1x!tpu.dma_semaphore, #tpu.memory_space<semaphore_mem>> -> memref<!tpu.dma_semaphore, #tpu.memory_space<semaphore_mem>>
      tpu.wait_indirect_dma semaphore(%dma_wait3A_427 : memref<!tpu.dma_semaphore, #tpu.memory_space<semaphore_mem>>) src(%dma_wait3A_425 : memref<10000x128xf32, #tpu.memory_space<vmem_shared>>) dst(%dma_wait3A_419 : memref<64x128xf32, #tpu.memory_space<vmem>>)
      %dma_start3A_428 = arith.constant 15 : i32
      %dma_start3A_429 = arith.constant 3 : i32
      %dma_start3A_430 = arith.constant 3 : i32
      %dma_start3A_431 = arith.constant 0 : i32
      %dma_start3A_432 = arith.constant 0 : i32
      %dma_start3A_433 = tpu.memref_slice %arg7[%dma_start3A_429, %dma_start3A_431, %dma_start3A_432] : memref<4x64x128xf32, #tpu.memory_space<vmem>> -> memref<1x64x128xf32, #tpu.memory_space<vmem>>
      %dma_start3A_434 = tpu.memref_squeeze %dma_start3A_433 : memref<1x64x128xf32, #tpu.memory_space<vmem>> -> memref<64x128xf32, #tpu.memory_space<vmem>>
      %dma_start3A_435 = arith.constant 0 : i32
      %dma_start3A_436 = tpu.memref_slice %arg5[%dma_start3A_428, %dma_start3A_435] : memref<16x64xi32, #tpu.memory_space<vmem>> -> memref<1x64xi32, #tpu.memory_space<vmem>>
      %dma_start3A_437 = tpu.memref_squeeze %dma_start3A_436 : memref<1x64xi32, #tpu.memory_space<vmem>> -> memref<64xi32, #tpu.memory_space<vmem>>
      %dma_start3A_438 = arith.constant 0 : i32
      %dma_start3A_439 = arith.constant 0 : i32
      %dma_start3A_440 = tpu.memref_slice %arg10[%dma_start3A_438, %dma_start3A_439] : memref<10000x128xf32, #tpu.memory_space<vmem_shared>> -> memref<10000x128xf32, #tpu.memory_space<vmem_shared>>
      %dma_start3A_441 = tpu.memref_slice %arg9[%dma_start3A_430] : memref<4x!tpu.dma_semaphore, #tpu.memory_space<semaphore_mem>> -> memref<1x!tpu.dma_semaphore, #tpu.memory_space<semaphore_mem>>
      %dma_start3A_442 = tpu.memref_squeeze %dma_start3A_441 : memref<1x!tpu.dma_semaphore, #tpu.memory_space<semaphore_mem>> -> memref<!tpu.dma_semaphore, #tpu.memory_space<semaphore_mem>>
      tpu.enqueue_indirect_dma source(%dma_start3A_440 : memref<10000x128xf32, #tpu.memory_space<vmem_shared>>) target(%dma_start3A_434 : memref<64x128xf32, #tpu.memory_space<vmem>>) offsets(%dma_start3A_437 : memref<64xi32, #tpu.memory_space<vmem>>) semaphore(%dma_start3A_442 : memref<!tpu.dma_semaphore, #tpu.memory_space<semaphore_mem>>)
      %dma_wait3A_443 = arith.constant 12 : i32
      %dma_wait3A_444 = arith.constant 0 : i32
      %dma_wait3A_445 = arith.constant 0 : i32
      %dma_wait3A_446 = arith.constant 0 : i32
      %dma_wait3A_447 = arith.constant 0 : i32
      %dma_wait3A_448 = tpu.memref_slice %arg7[%dma_wait3A_444, %dma_wait3A_446, %dma_wait3A_447] : memref<4x64x128xf32, #tpu.memory_space<vmem>> -> memref<1x64x128xf32, #tpu.memory_space<vmem>>
      %dma_wait3A_449 = tpu.memref_squeeze %dma_wait3A_448 : memref<1x64x128xf32, #tpu.memory_space<vmem>> -> memref<64x128xf32, #tpu.memory_space<vmem>>
      %dma_wait3A_450 = arith.constant 0 : i32
      %dma_wait3A_451 = tpu.memref_slice %arg5[%dma_wait3A_443, %dma_wait3A_450] : memref<16x64xi32, #tpu.memory_space<vmem>> -> memref<1x64xi32, #tpu.memory_space<vmem>>
      %dma_wait3A_452 = tpu.memref_squeeze %dma_wait3A_451 : memref<1x64xi32, #tpu.memory_space<vmem>> -> memref<64xi32, #tpu.memory_space<vmem>>
      %dma_wait3A_453 = arith.constant 0 : i32
      %dma_wait3A_454 = arith.constant 0 : i32
      %dma_wait3A_455 = tpu.memref_slice %arg10[%dma_wait3A_453, %dma_wait3A_454] : memref<10000x128xf32, #tpu.memory_space<vmem_shared>> -> memref<10000x128xf32, #tpu.memory_space<vmem_shared>>
      %dma_wait3A_456 = tpu.memref_slice %arg9[%dma_wait3A_445] : memref<4x!tpu.dma_semaphore, #tpu.memory_space<semaphore_mem>> -> memref<1x!tpu.dma_semaphore, #tpu.memory_space<semaphore_mem>>
      %dma_wait3A_457 = tpu.memref_squeeze %dma_wait3A_456 : memref<1x!tpu.dma_semaphore, #tpu.memory_space<semaphore_mem>> -> memref<!tpu.dma_semaphore, #tpu.memory_space<semaphore_mem>>
      tpu.wait_indirect_dma semaphore(%dma_wait3A_457 : memref<!tpu.dma_semaphore, #tpu.memory_space<semaphore_mem>>) src(%dma_wait3A_455 : memref<10000x128xf32, #tpu.memory_space<vmem_shared>>) dst(%dma_wait3A_449 : memref<64x128xf32, #tpu.memory_space<vmem>>)
      %dma_wait3A_458 = arith.constant 13 : i32
      %dma_wait3A_459 = arith.constant 1 : i32
      %dma_wait3A_460 = arith.constant 1 : i32
      %dma_wait3A_461 = arith.constant 0 : i32
      %dma_wait3A_462 = arith.constant 0 : i32
      %dma_wait3A_463 = tpu.memref_slice %arg7[%dma_wait3A_459, %dma_wait3A_461, %dma_wait3A_462] : memref<4x64x128xf32, #tpu.memory_space<vmem>> -> memref<1x64x128xf32, #tpu.memory_space<vmem>>
      %dma_wait3A_464 = tpu.memref_squeeze %dma_wait3A_463 : memref<1x64x128xf32, #tpu.memory_space<vmem>> -> memref<64x128xf32, #tpu.memory_space<vmem>>
      %dma_wait3A_465 = arith.constant 0 : i32
      %dma_wait3A_466 = tpu.memref_slice %arg5[%dma_wait3A_458, %dma_wait3A_465] : memref<16x64xi32, #tpu.memory_space<vmem>> -> memref<1x64xi32, #tpu.memory_space<vmem>>
      %dma_wait3A_467 = tpu.memref_squeeze %dma_wait3A_466 : memref<1x64xi32, #tpu.memory_space<vmem>> -> memref<64xi32, #tpu.memory_space<vmem>>
      %dma_wait3A_468 = arith.constant 0 : i32
      %dma_wait3A_469 = arith.constant 0 : i32
      %dma_wait3A_470 = tpu.memref_slice %arg10[%dma_wait3A_468, %dma_wait3A_469] : memref<10000x128xf32, #tpu.memory_space<vmem_shared>> -> memref<10000x128xf32, #tpu.memory_space<vmem_shared>>
      %dma_wait3A_471 = tpu.memref_slice %arg9[%dma_wait3A_460] : memref<4x!tpu.dma_semaphore, #tpu.memory_space<semaphore_mem>> -> memref<1x!tpu.dma_semaphore, #tpu.memory_space<semaphore_mem>>
      %dma_wait3A_472 = tpu.memref_squeeze %dma_wait3A_471 : memref<1x!tpu.dma_semaphore, #tpu.memory_space<semaphore_mem>> -> memref<!tpu.dma_semaphore, #tpu.memory_space<semaphore_mem>>
      tpu.wait_indirect_dma semaphore(%dma_wait3A_472 : memref<!tpu.dma_semaphore, #tpu.memory_space<semaphore_mem>>) src(%dma_wait3A_470 : memref<10000x128xf32, #tpu.memory_space<vmem_shared>>) dst(%dma_wait3A_464 : memref<64x128xf32, #tpu.memory_space<vmem>>)
      %dma_wait3A_473 = arith.constant 14 : i32
      %dma_wait3A_474 = arith.constant 2 : i32
      %dma_wait3A_475 = arith.constant 2 : i32
      %dma_wait3A_476 = arith.constant 0 : i32
      %dma_wait3A_477 = arith.constant 0 : i32
      %dma_wait3A_478 = tpu.memref_slice %arg7[%dma_wait3A_474, %dma_wait3A_476, %dma_wait3A_477] : memref<4x64x128xf32, #tpu.memory_space<vmem>> -> memref<1x64x128xf32, #tpu.memory_space<vmem>>
      %dma_wait3A_479 = tpu.memref_squeeze %dma_wait3A_478 : memref<1x64x128xf32, #tpu.memory_space<vmem>> -> memref<64x128xf32, #tpu.memory_space<vmem>>
      %dma_wait3A_480 = arith.constant 0 : i32
      %dma_wait3A_481 = tpu.memref_slice %arg5[%dma_wait3A_473, %dma_wait3A_480] : memref<16x64xi32, #tpu.memory_space<vmem>> -> memref<1x64xi32, #tpu.memory_space<vmem>>
      %dma_wait3A_482 = tpu.memref_squeeze %dma_wait3A_481 : memref<1x64xi32, #tpu.memory_space<vmem>> -> memref<64xi32, #tpu.memory_space<vmem>>
      %dma_wait3A_483 = arith.constant 0 : i32
      %dma_wait3A_484 = arith.constant 0 : i32
      %dma_wait3A_485 = tpu.memref_slice %arg10[%dma_wait3A_483, %dma_wait3A_484] : memref<10000x128xf32, #tpu.memory_space<vmem_shared>> -> memref<10000x128xf32, #tpu.memory_space<vmem_shared>>
      %dma_wait3A_486 = tpu.memref_slice %arg9[%dma_wait3A_475] : memref<4x!tpu.dma_semaphore, #tpu.memory_space<semaphore_mem>> -> memref<1x!tpu.dma_semaphore, #tpu.memory_space<semaphore_mem>>
      %dma_wait3A_487 = tpu.memref_squeeze %dma_wait3A_486 : memref<1x!tpu.dma_semaphore, #tpu.memory_space<semaphore_mem>> -> memref<!tpu.dma_semaphore, #tpu.memory_space<semaphore_mem>>
      tpu.wait_indirect_dma semaphore(%dma_wait3A_487 : memref<!tpu.dma_semaphore, #tpu.memory_space<semaphore_mem>>) src(%dma_wait3A_485 : memref<10000x128xf32, #tpu.memory_space<vmem_shared>>) dst(%dma_wait3A_479 : memref<64x128xf32, #tpu.memory_space<vmem>>)
      %dma_wait3A_488 = arith.constant 15 : i32
      %dma_wait3A_489 = arith.constant 3 : i32
      %dma_wait3A_490 = arith.constant 3 : i32
      %dma_wait3A_491 = arith.constant 0 : i32
      %dma_wait3A_492 = arith.constant 0 : i32
      %dma_wait3A_493 = tpu.memref_slice %arg7[%dma_wait3A_489, %dma_wait3A_491, %dma_wait3A_492] : memref<4x64x128xf32, #tpu.memory_space<vmem>> -> memref<1x64x128xf32, #tpu.memory_space<vmem>>
      %dma_wait3A_494 = tpu.memref_squeeze %dma_wait3A_493 : memref<1x64x128xf32, #tpu.memory_space<vmem>> -> memref<64x128xf32, #tpu.memory_space<vmem>>
      %dma_wait3A_495 = arith.constant 0 : i32
      %dma_wait3A_496 = tpu.memref_slice %arg5[%dma_wait3A_488, %dma_wait3A_495] : memref<16x64xi32, #tpu.memory_space<vmem>> -> memref<1x64xi32, #tpu.memory_space<vmem>>
      %dma_wait3A_497 = tpu.memref_squeeze %dma_wait3A_496 : memref<1x64xi32, #tpu.memory_space<vmem>> -> memref<64xi32, #tpu.memory_space<vmem>>
      %dma_wait3A_498 = arith.constant 0 : i32
      %dma_wait3A_499 = arith.constant 0 : i32
      %dma_wait3A_500 = tpu.memref_slice %arg10[%dma_wait3A_498, %dma_wait3A_499] : memref<10000x128xf32, #tpu.memory_space<vmem_shared>> -> memref<10000x128xf32, #tpu.memory_space<vmem_shared>>
      %dma_wait3A_501 = tpu.memref_slice %arg9[%dma_wait3A_490] : memref<4x!tpu.dma_semaphore, #tpu.memory_space<semaphore_mem>> -> memref<1x!tpu.dma_semaphore, #tpu.memory_space<semaphore_mem>>
      %dma_wait3A_502 = tpu.memref_squeeze %dma_wait3A_501 : memref<1x!tpu.dma_semaphore, #tpu.memory_space<semaphore_mem>> -> memref<!tpu.dma_semaphore, #tpu.memory_space<semaphore_mem>>
      tpu.wait_indirect_dma semaphore(%dma_wait3A_502 : memref<!tpu.dma_semaphore, #tpu.memory_space<semaphore_mem>>) src(%dma_wait3A_500 : memref<10000x128xf32, #tpu.memory_space<vmem_shared>>) dst(%dma_wait3A_494 : memref<64x128xf32, #tpu.memory_space<vmem>>)
    }
    %scan3A_13 = arith.constant 10 : i32
    %barrier3A_14 = arith.constant 0 : index
    tpu.barrier barrier_id(%barrier3A_14)
    %mul3A_15 = arith.constant 16 : i32
    %mul3A_16 = arith.muli %add3A, %mul3A_15 : i32
    %run_scoped3A = arith.constant 0 : i32
    "tpu.region"() ({
      %run_scoped3A_17 = tpu.sem_alloc : memref<!tpu.dma_semaphore, #tpu.memory_space<semaphore_mem>>
      %dma_start3A = arith.constant 0 : i32
      %dma_start3A_18 = arith.constant 0 : i32
      %dma_start3A_19 = tpu.memref_slice %arg7[%run_scoped3A, %dma_start3A, %dma_start3A_18] : memref<4x64x128xf32, #tpu.memory_space<vmem>> -> memref<1x64x128xf32, #tpu.memory_space<vmem>>
      %dma_start3A_20 = tpu.memref_squeeze %dma_start3A_19 : memref<1x64x128xf32, #tpu.memory_space<vmem>> -> memref<64x128xf32, #tpu.memory_space<vmem>>
      %dma_start3A_21 = arith.constant 0 : i32
      %dma_start3A_22 = arith.constant 0 : i32
      %dma_start3A_23 = tpu.memref_slice %dma_start3A_20[%dma_start3A_21, %dma_start3A_22] : memref<64x128xf32, #tpu.memory_space<vmem>> -> memref<16x128xf32, #tpu.memory_space<vmem>>
      %dma_start3A_24 = arith.constant 0 : i32
      %dma_start3A_25 = tpu.memref_slice %arg4[%mul3A_16, %dma_start3A_24] : memref<20000x128xf32, #tpu.memory_space<hbm>> -> memref<16x128xf32, #tpu.memory_space<hbm>>
      %dma_start3A_26 = arith.constant 0 : i32
      %dma_start3A_27 = tpu.memref_slice %arg4[%mul3A_16, %dma_start3A_26] : memref<20000x128xf32, #tpu.memory_space<hbm>> -> memref<16x128xf32, #tpu.memory_space<hbm>>
      %dma_start3A_28 = arith.constant 0 : i32
      %dma_start3A_29 = arith.constant 0 : i32
      %dma_start3A_30 = tpu.memref_slice %arg7[%run_scoped3A, %dma_start3A_28, %dma_start3A_29] : memref<4x64x128xf32, #tpu.memory_space<vmem>> -> memref<1x64x128xf32, #tpu.memory_space<vmem>>
      %dma_start3A_31 = tpu.memref_squeeze %dma_start3A_30 : memref<1x64x128xf32, #tpu.memory_space<vmem>> -> memref<64x128xf32, #tpu.memory_space<vmem>>
      %dma_start3A_32 = arith.constant 0 : i32
      %dma_start3A_33 = arith.constant 0 : i32
      %dma_start3A_34 = tpu.memref_slice %dma_start3A_31[%dma_start3A_32, %dma_start3A_33] : memref<64x128xf32, #tpu.memory_space<vmem>> -> memref<16x128xf32, #tpu.memory_space<vmem>>
      tpu.enqueue_dma source(%dma_start3A_34 : memref<16x128xf32, #tpu.memory_space<vmem>>) target(%dma_start3A_27 : memref<16x128xf32, #tpu.memory_space<hbm>>) target_semaphore(%run_scoped3A_17 : memref<!tpu.dma_semaphore, #tpu.memory_space<semaphore_mem>>)
      %dma_wait3A = arith.constant 0 : i32
      %dma_wait3A_35 = arith.constant 0 : i32
      %dma_wait3A_36 = tpu.memref_slice %arg7[%run_scoped3A, %dma_wait3A, %dma_wait3A_35] : memref<4x64x128xf32, #tpu.memory_space<vmem>> -> memref<1x64x128xf32, #tpu.memory_space<vmem>>
      %dma_wait3A_37 = tpu.memref_squeeze %dma_wait3A_36 : memref<1x64x128xf32, #tpu.memory_space<vmem>> -> memref<64x128xf32, #tpu.memory_space<vmem>>
      %dma_wait3A_38 = arith.constant 0 : i32
      %dma_wait3A_39 = arith.constant 0 : i32
      %dma_wait3A_40 = tpu.memref_slice %dma_wait3A_37[%dma_wait3A_38, %dma_wait3A_39] : memref<64x128xf32, #tpu.memory_space<vmem>> -> memref<16x128xf32, #tpu.memory_space<vmem>>
      %dma_wait3A_41 = arith.constant 0 : i32
      %dma_wait3A_42 = tpu.memref_slice %arg4[%mul3A_16, %dma_wait3A_41] : memref<20000x128xf32, #tpu.memory_space<hbm>> -> memref<16x128xf32, #tpu.memory_space<hbm>>
      %dma_wait3A_43 = arith.constant 0 : i32
      %dma_wait3A_44 = tpu.memref_slice %arg4[%mul3A_16, %dma_wait3A_43] : memref<20000x128xf32, #tpu.memory_space<hbm>> -> memref<16x128xf32, #tpu.memory_space<hbm>>
      %dma_wait3A_45 = arith.constant 0 : i32
      %dma_wait3A_46 = arith.constant 0 : i32
      %dma_wait3A_47 = tpu.memref_slice %arg7[%run_scoped3A, %dma_wait3A_45, %dma_wait3A_46] : memref<4x64x128xf32, #tpu.memory_space<vmem>> -> memref<1x64x128xf32, #tpu.memory_space<vmem>>
      %dma_wait3A_48 = tpu.memref_squeeze %dma_wait3A_47 : memref<1x64x128xf32, #tpu.memory_space<vmem>> -> memref<64x128xf32, #tpu.memory_space<vmem>>
      %dma_wait3A_49 = arith.constant 0 : i32
      %dma_wait3A_50 = arith.constant 0 : i32
      %dma_wait3A_51 = tpu.memref_slice %dma_wait3A_48[%dma_wait3A_49, %dma_wait3A_50] : memref<64x128xf32, #tpu.memory_space<vmem>> -> memref<16x128xf32, #tpu.memory_space<vmem>>
      tpu.wait_dma2 semaphore(%run_scoped3A_17 : memref<!tpu.dma_semaphore, #tpu.memory_space<semaphore_mem>>) src(%dma_wait3A_51 : memref<16x128xf32, #tpu.memory_space<vmem>>) dst(%dma_wait3A_44 : memref<16x128xf32, #tpu.memory_space<hbm>>)
      tpu.yield
    }) : () -> ()
    return
  }
}

#map = affine_map<(d0, d1) -> (0, 0, 0)>
#map1 = affine_map<(d0, d1) -> (0, 0)>
module attributes {stable_mosaic.version = 14 : i64} {
  func.func @_sc_edge_body(%arg0: i32, %arg1: i32, %arg2: memref<2x5120x64xi32, #tpu.memory_space<hbm>>, %arg3: memref<10000x128xf32, #tpu.memory_space<hbm>>, %arg4: memref<20000x128xf32, #tpu.memory_space<hbm>>, %arg5: memref<16x64xi32, #tpu.memory_space<vmem>>, %arg6: memref<16x64xi32, #tpu.memory_space<vmem>>, %arg7: memref<4x64x128xf32, #tpu.memory_space<vmem>>, %arg8: memref<16x128xf32, #tpu.memory_space<vmem>>, %arg9: memref<4x!tpu.dma_semaphore, #tpu.memory_space<semaphore_mem>>, %arg10: memref<10000x128xf32, #tpu.memory_space<vmem_shared>>) attributes {dimension_semantics = [#tpu.dimension_semantics<core_parallel>, #tpu.dimension_semantics<subcore_parallel>], iteration_bounds = array<i64: 2, 16>, scalar_prefetch = 0 : i64, scratch_operands = 6 : i64, tpu.core_type = #tpu.core_type<sc_vector_subcore>, window_params = [{transform_indices = #map}, {transform_indices = #map1}, {transform_indices = #map1}]} {
    %mul3A = arith.constant 16 : i32
    %mul3A_0 = arith.muli %arg0, %mul3A : i32
    %add3A = arith.addi %mul3A_0, %arg1 : i32
    %scan3A = arith.constant 0 : i32
    %scan3A_1 = arith.constant 0 : i32
    %scan3A_2 = arith.constant 39 : i32
    %scan3A_3 = arith.addi %scan3A_1, %scan3A_2 : i32
    %scan3A_4 = arith.constant 1 : i32
    scf.for %scan3A_17 = %scan3A_1 to %scan3A_3 step %scan3A_4  : i32 {
      %mul3A_18 = arith.constant 16 : i32
      %mul3A_19 = arith.muli %mul3A_18, %scan3A_17 : i32
      %add3A_20 = arith.addi %arg1, %mul3A_19 : i32
      %mul3A_21 = arith.constant 16 : i32
      %mul3A_22 = arith.muli %add3A_20, %mul3A_21 : i32
      %mul3A_23 = arith.constant 16 : i32
      %mul3A_24 = arith.muli %add3A_20, %mul3A_23 : i32
      "tpu.region"() ({
        %run_scoped3A_25 = tpu.sem_alloc : memref<!tpu.dma_semaphore, #tpu.memory_space<semaphore_mem>>
        %dma_start3A = arith.constant 0 : i32
        %dma_start3A_26 = tpu.memref_slice %arg10[%mul3A_24, %dma_start3A] : memref<10000x128xf32, #tpu.memory_space<vmem_shared>> -> memref<16x128xf32, #tpu.memory_space<vmem_shared>>
        %dma_start3A_27 = arith.constant 0 : i32
        %dma_start3A_28 = tpu.memref_slice %arg3[%mul3A_22, %dma_start3A_27] : memref<10000x128xf32, #tpu.memory_space<hbm>> -> memref<16x128xf32, #tpu.memory_space<hbm>>
        tpu.enqueue_dma source(%dma_start3A_28 : memref<16x128xf32, #tpu.memory_space<hbm>>) target(%dma_start3A_26 : memref<16x128xf32, #tpu.memory_space<vmem_shared>>) target_semaphore(%run_scoped3A_25 : memref<!tpu.dma_semaphore, #tpu.memory_space<semaphore_mem>>)
        %dma_wait3A = arith.constant 0 : i32
        %dma_wait3A_29 = tpu.memref_slice %arg10[%mul3A_24, %dma_wait3A] : memref<10000x128xf32, #tpu.memory_space<vmem_shared>> -> memref<16x128xf32, #tpu.memory_space<vmem_shared>>
        %dma_wait3A_30 = arith.constant 0 : i32
        %dma_wait3A_31 = tpu.memref_slice %arg3[%mul3A_22, %dma_wait3A_30] : memref<10000x128xf32, #tpu.memory_space<hbm>> -> memref<16x128xf32, #tpu.memory_space<hbm>>
        tpu.wait_dma2 semaphore(%run_scoped3A_25 : memref<!tpu.dma_semaphore, #tpu.memory_space<semaphore_mem>>) src(%dma_wait3A_31 : memref<16x128xf32, #tpu.memory_space<hbm>>) dst(%dma_wait3A_29 : memref<16x128xf32, #tpu.memory_space<vmem_shared>>)
        tpu.yield
      }) : () -> ()
    }
    %scan3A_5 = arith.constant 39 : i32
    %eq3A = arith.constant 0 : i32
    %eq3A_6 = arith.cmpi eq, %arg1, %eq3A : i32
    %convert_element_type3A = arith.extui %eq3A_6 : i1 to i32
    %cond3A = arith.constant 0 : i32
    %cond3A_7 = arith.cmpi ne, %convert_element_type3A, %cond3A : i32
    scf.if %cond3A_7 {
      "tpu.region"() ({
        %run_scoped3A_17 = tpu.sem_alloc : memref<!tpu.dma_semaphore, #tpu.memory_space<semaphore_mem>>
        %dma_start3A = arith.constant 9984 : i32
        %dma_start3A_18 = arith.constant 0 : i32
        %dma_start3A_19 = tpu.memref_slice %arg10[%dma_start3A, %dma_start3A_18] : memref<10000x128xf32, #tpu.memory_space<vmem_shared>> -> memref<16x128xf32, #tpu.memory_space<vmem_shared>>
        %dma_start3A_20 = arith.constant 9984 : i32
        %dma_start3A_21 = arith.constant 0 : i32
        %dma_start3A_22 = tpu.memref_slice %arg3[%dma_start3A_20, %dma_start3A_21] : memref<10000x128xf32, #tpu.memory_space<hbm>> -> memref<16x128xf32, #tpu.memory_space<hbm>>
        tpu.enqueue_dma source(%dma_start3A_22 : memref<16x128xf32, #tpu.memory_space<hbm>>) target(%dma_start3A_19 : memref<16x128xf32, #tpu.memory_space<vmem_shared>>) target_semaphore(%run_scoped3A_17 : memref<!tpu.dma_semaphore, #tpu.memory_space<semaphore_mem>>)
        %dma_wait3A = arith.constant 9984 : i32
        %dma_wait3A_23 = arith.constant 0 : i32
        %dma_wait3A_24 = tpu.memref_slice %arg10[%dma_wait3A, %dma_wait3A_23] : memref<10000x128xf32, #tpu.memory_space<vmem_shared>> -> memref<16x128xf32, #tpu.memory_space<vmem_shared>>
        %dma_wait3A_25 = arith.constant 9984 : i32
        %dma_wait3A_26 = arith.constant 0 : i32
        %dma_wait3A_27 = tpu.memref_slice %arg3[%dma_wait3A_25, %dma_wait3A_26] : memref<10000x128xf32, #tpu.memory_space<hbm>> -> memref<16x128xf32, #tpu.memory_space<hbm>>
        tpu.wait_dma2 semaphore(%run_scoped3A_17 : memref<!tpu.dma_semaphore, #tpu.memory_space<semaphore_mem>>) src(%dma_wait3A_27 : memref<16x128xf32, #tpu.memory_space<hbm>>) dst(%dma_wait3A_24 : memref<16x128xf32, #tpu.memory_space<vmem_shared>>)
        tpu.yield
      }) : () -> ()
    } else {
    }
    %barrier3A = arith.constant 0 : index
    tpu.barrier barrier_id(%barrier3A)
    %scan3A_8 = arith.constant 0 : i32
    %scan3A_9 = arith.constant 0 : i32
    %scan3A_10 = arith.constant 10 : i32
    %scan3A_11 = arith.addi %scan3A_9, %scan3A_10 : i32
    %scan3A_12 = arith.constant 1 : i32
    scf.for %scan3A_17 = %scan3A_9 to %scan3A_11 step %scan3A_12  : i32 {
      %mul3A_18 = arith.constant 160 : i32
      %mul3A_19 = arith.muli %add3A, %mul3A_18 : i32
      %mul3A_20 = arith.constant 16 : i32
      %mul3A_21 = arith.muli %scan3A_17, %mul3A_20 : i32
      %add3A_22 = arith.addi %mul3A_19, %mul3A_21 : i32
      %run_scoped3A_23 = arith.constant 0 : i32
      "tpu.region"() ({
        %run_scoped3A_503 = tpu.sem_alloc : memref<!tpu.dma_semaphore, #tpu.memory_space<semaphore_mem>>
        %dma_start3A_504 = arith.constant 0 : i32
        %dma_start3A_505 = tpu.memref_slice %arg2[%run_scoped3A_23, %add3A_22, %dma_start3A_504] : memref<2x5120x64xi32, #tpu.memory_space<hbm>> -> memref<1x16x64xi32, #tpu.memory_space<hbm>>
        %dma_start3A_506 = tpu.memref_squeeze %dma_start3A_505 : memref<1x16x64xi32, #tpu.memory_space<hbm>> -> memref<16x64xi32, #tpu.memory_space<hbm>>
        %dma_start3A_507 = arith.constant 0 : i32
        %dma_start3A_508 = tpu.memref_slice %arg2[%run_scoped3A_23, %add3A_22, %dma_start3A_507] : memref<2x5120x64xi32, #tpu.memory_space<hbm>> -> memref<1x16x64xi32, #tpu.memory_space<hbm>>
        %dma_start3A_509 = tpu.memref_squeeze %dma_start3A_508 : memref<1x16x64xi32, #tpu.memory_space<hbm>> -> memref<16x64xi32, #tpu.memory_space<hbm>>
        tpu.enqueue_dma source(%dma_start3A_509 : memref<16x64xi32, #tpu.memory_space<hbm>>) target(%arg5 : memref<16x64xi32, #tpu.memory_space<vmem>>) target_semaphore(%run_scoped3A_503 : memref<!tpu.dma_semaphore, #tpu.memory_space<semaphore_mem>>)
        %dma_wait3A_510 = arith.constant 0 : i32
        %dma_wait3A_511 = tpu.memref_slice %arg2[%run_scoped3A_23, %add3A_22, %dma_wait3A_510] : memref<2x5120x64xi32, #tpu.memory_space<hbm>> -> memref<1x16x64xi32, #tpu.memory_space<hbm>>
        %dma_wait3A_512 = tpu.memref_squeeze %dma_wait3A_511 : memref<1x16x64xi32, #tpu.memory_space<hbm>> -> memref<16x64xi32, #tpu.memory_space<hbm>>
        %dma_wait3A_513 = arith.constant 0 : i32
        %dma_wait3A_514 = tpu.memref_slice %arg2[%run_scoped3A_23, %add3A_22, %dma_wait3A_513] : memref<2x5120x64xi32, #tpu.memory_space<hbm>> -> memref<1x16x64xi32, #tpu.memory_space<hbm>>
        %dma_wait3A_515 = tpu.memref_squeeze %dma_wait3A_514 : memref<1x16x64xi32, #tpu.memory_space<hbm>> -> memref<16x64xi32, #tpu.memory_space<hbm>>
        tpu.wait_dma2 semaphore(%run_scoped3A_503 : memref<!tpu.dma_semaphore, #tpu.memory_space<semaphore_mem>>) src(%dma_wait3A_515 : memref<16x64xi32, #tpu.memory_space<hbm>>) dst(%arg5 : memref<16x64xi32, #tpu.memory_space<vmem>>)
        tpu.yield
      }) : () -> ()
      %run_scoped3A_24 = arith.constant 1 : i32
      "tpu.region"() ({
        %run_scoped3A_503 = tpu.sem_alloc : memref<!tpu.dma_semaphore, #tpu.memory_space<semaphore_mem>>
        %dma_start3A_504 = arith.constant 0 : i32
        %dma_start3A_505 = tpu.memref_slice %arg2[%run_scoped3A_24, %add3A_22, %dma_start3A_504] : memref<2x5120x64xi32, #tpu.memory_space<hbm>> -> memref<1x16x64xi32, #tpu.memory_space<hbm>>
        %dma_start3A_506 = tpu.memref_squeeze %dma_start3A_505 : memref<1x16x64xi32, #tpu.memory_space<hbm>> -> memref<16x64xi32, #tpu.memory_space<hbm>>
        %dma_start3A_507 = arith.constant 0 : i32
        %dma_start3A_508 = tpu.memref_slice %arg2[%run_scoped3A_24, %add3A_22, %dma_start3A_507] : memref<2x5120x64xi32, #tpu.memory_space<hbm>> -> memref<1x16x64xi32, #tpu.memory_space<hbm>>
        %dma_start3A_509 = tpu.memref_squeeze %dma_start3A_508 : memref<1x16x64xi32, #tpu.memory_space<hbm>> -> memref<16x64xi32, #tpu.memory_space<hbm>>
        tpu.enqueue_dma source(%dma_start3A_509 : memref<16x64xi32, #tpu.memory_space<hbm>>) target(%arg6 : memref<16x64xi32, #tpu.memory_space<vmem>>) target_semaphore(%run_scoped3A_503 : memref<!tpu.dma_semaphore, #tpu.memory_space<semaphore_mem>>)
        %dma_wait3A_510 = arith.constant 0 : i32
        %dma_wait3A_511 = tpu.memref_slice %arg2[%run_scoped3A_24, %add3A_22, %dma_wait3A_510] : memref<2x5120x64xi32, #tpu.memory_space<hbm>> -> memref<1x16x64xi32, #tpu.memory_space<hbm>>
        %dma_wait3A_512 = tpu.memref_squeeze %dma_wait3A_511 : memref<1x16x64xi32, #tpu.memory_space<hbm>> -> memref<16x64xi32, #tpu.memory_space<hbm>>
        %dma_wait3A_513 = arith.constant 0 : i32
        %dma_wait3A_514 = tpu.memref_slice %arg2[%run_scoped3A_24, %add3A_22, %dma_wait3A_513] : memref<2x5120x64xi32, #tpu.memory_space<hbm>> -> memref<1x16x64xi32, #tpu.memory_space<hbm>>
        %dma_wait3A_515 = tpu.memref_squeeze %dma_wait3A_514 : memref<1x16x64xi32, #tpu.memory_space<hbm>> -> memref<16x64xi32, #tpu.memory_space<hbm>>
        tpu.wait_dma2 semaphore(%run_scoped3A_503 : memref<!tpu.dma_semaphore, #tpu.memory_space<semaphore_mem>>) src(%dma_wait3A_515 : memref<16x64xi32, #tpu.memory_space<hbm>>) dst(%arg6 : memref<16x64xi32, #tpu.memory_space<vmem>>)
        tpu.yield
      }) : () -> ()
      %dma_start3A = arith.constant 0 : i32
      %dma_start3A_25 = arith.constant 0 : i32
      %dma_start3A_26 = arith.constant 0 : i32
      %dma_start3A_27 = arith.constant 0 : i32
      %dma_start3A_28 = arith.constant 0 : i32
      %dma_start3A_29 = tpu.memref_slice %arg7[%dma_start3A_25, %dma_start3A_27, %dma_start3A_28] : memref<4x64x128xf32, #tpu.memory_space<vmem>> -> memref<1x64x128xf32, #tpu.memory_space<vmem>>
      %dma_start3A_30 = tpu.memref_squeeze %dma_start3A_29 : memref<1x64x128xf32, #tpu.memory_space<vmem>> -> memref<64x128xf32, #tpu.memory_space<vmem>>
      %dma_start3A_31 = arith.constant 0 : i32
      %dma_start3A_32 = tpu.memref_slice %arg5[%dma_start3A, %dma_start3A_31] : memref<16x64xi32, #tpu.memory_space<vmem>> -> memref<1x64xi32, #tpu.memory_space<vmem>>
      %dma_start3A_33 = tpu.memref_squeeze %dma_start3A_32 : memref<1x64xi32, #tpu.memory_space<vmem>> -> memref<64xi32, #tpu.memory_space<vmem>>
      %dma_start3A_34 = arith.constant 0 : i32
      %dma_start3A_35 = arith.constant 0 : i32
      %dma_start3A_36 = tpu.memref_slice %arg10[%dma_start3A_34, %dma_start3A_35] : memref<10000x128xf32, #tpu.memory_space<vmem_shared>> -> memref<10000x128xf32, #tpu.memory_space<vmem_shared>>
      %dma_start3A_37 = tpu.memref_slice %arg9[%dma_start3A_26] : memref<4x!tpu.dma_semaphore, #tpu.memory_space<semaphore_mem>> -> memref<1x!tpu.dma_semaphore, #tpu.memory_space<semaphore_mem>>
      %dma_start3A_38 = tpu.memref_squeeze %dma_start3A_37 : memref<1x!tpu.dma_semaphore, #tpu.memory_space<semaphore_mem>> -> memref<!tpu.dma_semaphore, #tpu.memory_space<semaphore_mem>>
      tpu.enqueue_indirect_dma source(%dma_start3A_36 : memref<10000x128xf32, #tpu.memory_space<vmem_shared>>) target(%dma_start3A_30 : memref<64x128xf32, #tpu.memory_space<vmem>>) offsets(%dma_start3A_33 : memref<64xi32, #tpu.memory_space<vmem>>) semaphore(%dma_start3A_38 : memref<!tpu.dma_semaphore, #tpu.memory_space<semaphore_mem>>)
      %dma_start3A_39 = arith.constant 1 : i32
      %dma_start3A_40 = arith.constant 1 : i32
      %dma_start3A_41 = arith.constant 1 : i32
      %dma_start3A_42 = arith.constant 0 : i32
      %dma_start3A_43 = arith.constant 0 : i32
      %dma_start3A_44 = tpu.memref_slice %arg7[%dma_start3A_40, %dma_start3A_42, %dma_start3A_43] : memref<4x64x128xf32, #tpu.memory_space<vmem>> -> memref<1x64x128xf32, #tpu.memory_space<vmem>>
      %dma_start3A_45 = tpu.memref_squeeze %dma_start3A_44 : memref<1x64x128xf32, #tpu.memory_space<vmem>> -> memref<64x128xf32, #tpu.memory_space<vmem>>
      %dma_start3A_46 = arith.constant 0 : i32
      %dma_start3A_47 = tpu.memref_slice %arg5[%dma_start3A_39, %dma_start3A_46] : memref<16x64xi32, #tpu.memory_space<vmem>> -> memref<1x64xi32, #tpu.memory_space<vmem>>
      %dma_start3A_48 = tpu.memref_squeeze %dma_start3A_47 : memref<1x64xi32, #tpu.memory_space<vmem>> -> memref<64xi32, #tpu.memory_space<vmem>>
      %dma_start3A_49 = arith.constant 0 : i32
      %dma_start3A_50 = arith.constant 0 : i32
      %dma_start3A_51 = tpu.memref_slice %arg10[%dma_start3A_49, %dma_start3A_50] : memref<10000x128xf32, #tpu.memory_space<vmem_shared>> -> memref<10000x128xf32, #tpu.memory_space<vmem_shared>>
      %dma_start3A_52 = tpu.memref_slice %arg9[%dma_start3A_41] : memref<4x!tpu.dma_semaphore, #tpu.memory_space<semaphore_mem>> -> memref<1x!tpu.dma_semaphore, #tpu.memory_space<semaphore_mem>>
      %dma_start3A_53 = tpu.memref_squeeze %dma_start3A_52 : memref<1x!tpu.dma_semaphore, #tpu.memory_space<semaphore_mem>> -> memref<!tpu.dma_semaphore, #tpu.memory_space<semaphore_mem>>
      tpu.enqueue_indirect_dma source(%dma_start3A_51 : memref<10000x128xf32, #tpu.memory_space<vmem_shared>>) target(%dma_start3A_45 : memref<64x128xf32, #tpu.memory_space<vmem>>) offsets(%dma_start3A_48 : memref<64xi32, #tpu.memory_space<vmem>>) semaphore(%dma_start3A_53 : memref<!tpu.dma_semaphore, #tpu.memory_space<semaphore_mem>>)
      %dma_start3A_54 = arith.constant 2 : i32
      %dma_start3A_55 = arith.constant 2 : i32
      %dma_start3A_56 = arith.constant 2 : i32
      %dma_start3A_57 = arith.constant 0 : i32
      %dma_start3A_58 = arith.constant 0 : i32
      %dma_start3A_59 = tpu.memref_slice %arg7[%dma_start3A_55, %dma_start3A_57, %dma_start3A_58] : memref<4x64x128xf32, #tpu.memory_space<vmem>> -> memref<1x64x128xf32, #tpu.memory_space<vmem>>
      %dma_start3A_60 = tpu.memref_squeeze %dma_start3A_59 : memref<1x64x128xf32, #tpu.memory_space<vmem>> -> memref<64x128xf32, #tpu.memory_space<vmem>>
      %dma_start3A_61 = arith.constant 0 : i32
      %dma_start3A_62 = tpu.memref_slice %arg5[%dma_start3A_54, %dma_start3A_61] : memref<16x64xi32, #tpu.memory_space<vmem>> -> memref<1x64xi32, #tpu.memory_space<vmem>>
      %dma_start3A_63 = tpu.memref_squeeze %dma_start3A_62 : memref<1x64xi32, #tpu.memory_space<vmem>> -> memref<64xi32, #tpu.memory_space<vmem>>
      %dma_start3A_64 = arith.constant 0 : i32
      %dma_start3A_65 = arith.constant 0 : i32
      %dma_start3A_66 = tpu.memref_slice %arg10[%dma_start3A_64, %dma_start3A_65] : memref<10000x128xf32, #tpu.memory_space<vmem_shared>> -> memref<10000x128xf32, #tpu.memory_space<vmem_shared>>
      %dma_start3A_67 = tpu.memref_slice %arg9[%dma_start3A_56] : memref<4x!tpu.dma_semaphore, #tpu.memory_space<semaphore_mem>> -> memref<1x!tpu.dma_semaphore, #tpu.memory_space<semaphore_mem>>
      %dma_start3A_68 = tpu.memref_squeeze %dma_start3A_67 : memref<1x!tpu.dma_semaphore, #tpu.memory_space<semaphore_mem>> -> memref<!tpu.dma_semaphore, #tpu.memory_space<semaphore_mem>>
      tpu.enqueue_indirect_dma source(%dma_start3A_66 : memref<10000x128xf32, #tpu.memory_space<vmem_shared>>) target(%dma_start3A_60 : memref<64x128xf32, #tpu.memory_space<vmem>>) offsets(%dma_start3A_63 : memref<64xi32, #tpu.memory_space<vmem>>) semaphore(%dma_start3A_68 : memref<!tpu.dma_semaphore, #tpu.memory_space<semaphore_mem>>)
      %dma_start3A_69 = arith.constant 3 : i32
      %dma_start3A_70 = arith.constant 3 : i32
      %dma_start3A_71 = arith.constant 3 : i32
      %dma_start3A_72 = arith.constant 0 : i32
      %dma_start3A_73 = arith.constant 0 : i32
      %dma_start3A_74 = tpu.memref_slice %arg7[%dma_start3A_70, %dma_start3A_72, %dma_start3A_73] : memref<4x64x128xf32, #tpu.memory_space<vmem>> -> memref<1x64x128xf32, #tpu.memory_space<vmem>>
      %dma_start3A_75 = tpu.memref_squeeze %dma_start3A_74 : memref<1x64x128xf32, #tpu.memory_space<vmem>> -> memref<64x128xf32, #tpu.memory_space<vmem>>
      %dma_start3A_76 = arith.constant 0 : i32
      %dma_start3A_77 = tpu.memref_slice %arg5[%dma_start3A_69, %dma_start3A_76] : memref<16x64xi32, #tpu.memory_space<vmem>> -> memref<1x64xi32, #tpu.memory_space<vmem>>
      %dma_start3A_78 = tpu.memref_squeeze %dma_start3A_77 : memref<1x64xi32, #tpu.memory_space<vmem>> -> memref<64xi32, #tpu.memory_space<vmem>>
      %dma_start3A_79 = arith.constant 0 : i32
      %dma_start3A_80 = arith.constant 0 : i32
      %dma_start3A_81 = tpu.memref_slice %arg10[%dma_start3A_79, %dma_start3A_80] : memref<10000x128xf32, #tpu.memory_space<vmem_shared>> -> memref<10000x128xf32, #tpu.memory_space<vmem_shared>>
      %dma_start3A_82 = tpu.memref_slice %arg9[%dma_start3A_71] : memref<4x!tpu.dma_semaphore, #tpu.memory_space<semaphore_mem>> -> memref<1x!tpu.dma_semaphore, #tpu.memory_space<semaphore_mem>>
      %dma_start3A_83 = tpu.memref_squeeze %dma_start3A_82 : memref<1x!tpu.dma_semaphore, #tpu.memory_space<semaphore_mem>> -> memref<!tpu.dma_semaphore, #tpu.memory_space<semaphore_mem>>
      tpu.enqueue_indirect_dma source(%dma_start3A_81 : memref<10000x128xf32, #tpu.memory_space<vmem_shared>>) target(%dma_start3A_75 : memref<64x128xf32, #tpu.memory_space<vmem>>) offsets(%dma_start3A_78 : memref<64xi32, #tpu.memory_space<vmem>>) semaphore(%dma_start3A_83 : memref<!tpu.dma_semaphore, #tpu.memory_space<semaphore_mem>>)
      %dma_wait3A = arith.constant 0 : i32
      %dma_wait3A_84 = arith.constant 0 : i32
      %dma_wait3A_85 = arith.constant 0 : i32
      %dma_wait3A_86 = arith.constant 0 : i32
      %dma_wait3A_87 = arith.constant 0 : i32
      %dma_wait3A_88 = tpu.memref_slice %arg7[%dma_wait3A_84, %dma_wait3A_86, %dma_wait3A_87] : memref<4x64x128xf32, #tpu.memory_space<vmem>> -> memref<1x64x128xf32, #tpu.memory_space<vmem>>
      %dma_wait3A_89 = tpu.memref_squeeze %dma_wait3A_88 : memref<1x64x128xf32, #tpu.memory_space<vmem>> -> memref<64x128xf32, #tpu.memory_space<vmem>>
      %dma_wait3A_90 = arith.constant 0 : i32
      %dma_wait3A_91 = tpu.memref_slice %arg5[%dma_wait3A, %dma_wait3A_90] : memref<16x64xi32, #tpu.memory_space<vmem>> -> memref<1x64xi32, #tpu.memory_space<vmem>>
      %dma_wait3A_92 = tpu.memref_squeeze %dma_wait3A_91 : memref<1x64xi32, #tpu.memory_space<vmem>> -> memref<64xi32, #tpu.memory_space<vmem>>
      %dma_wait3A_93 = arith.constant 0 : i32
      %dma_wait3A_94 = arith.constant 0 : i32
      %dma_wait3A_95 = tpu.memref_slice %arg10[%dma_wait3A_93, %dma_wait3A_94] : memref<10000x128xf32, #tpu.memory_space<vmem_shared>> -> memref<10000x128xf32, #tpu.memory_space<vmem_shared>>
      %dma_wait3A_96 = tpu.memref_slice %arg9[%dma_wait3A_85] : memref<4x!tpu.dma_semaphore, #tpu.memory_space<semaphore_mem>> -> memref<1x!tpu.dma_semaphore, #tpu.memory_space<semaphore_mem>>
      %dma_wait3A_97 = tpu.memref_squeeze %dma_wait3A_96 : memref<1x!tpu.dma_semaphore, #tpu.memory_space<semaphore_mem>> -> memref<!tpu.dma_semaphore, #tpu.memory_space<semaphore_mem>>
      tpu.wait_indirect_dma semaphore(%dma_wait3A_97 : memref<!tpu.dma_semaphore, #tpu.memory_space<semaphore_mem>>) src(%dma_wait3A_95 : memref<10000x128xf32, #tpu.memory_space<vmem_shared>>) dst(%dma_wait3A_89 : memref<64x128xf32, #tpu.memory_space<vmem>>)
      %dma_start3A_98 = arith.constant 4 : i32
      %dma_start3A_99 = arith.constant 0 : i32
      %dma_start3A_100 = arith.constant 0 : i32
      %dma_start3A_101 = arith.constant 0 : i32
      %dma_start3A_102 = arith.constant 0 : i32
      %dma_start3A_103 = tpu.memref_slice %arg7[%dma_start3A_99, %dma_start3A_101, %dma_start3A_102] : memref<4x64x128xf32, #tpu.memory_space<vmem>> -> memref<1x64x128xf32, #tpu.memory_space<vmem>>
      %dma_start3A_104 = tpu.memref_squeeze %dma_start3A_103 : memref<1x64x128xf32, #tpu.memory_space<vmem>> -> memref<64x128xf32, #tpu.memory_space<vmem>>
      %dma_start3A_105 = arith.constant 0 : i32
      %dma_start3A_106 = tpu.memref_slice %arg5[%dma_start3A_98, %dma_start3A_105] : memref<16x64xi32, #tpu.memory_space<vmem>> -> memref<1x64xi32, #tpu.memory_space<vmem>>
      %dma_start3A_107 = tpu.memref_squeeze %dma_start3A_106 : memref<1x64xi32, #tpu.memory_space<vmem>> -> memref<64xi32, #tpu.memory_space<vmem>>
      %dma_start3A_108 = arith.constant 0 : i32
      %dma_start3A_109 = arith.constant 0 : i32
      %dma_start3A_110 = tpu.memref_slice %arg10[%dma_start3A_108, %dma_start3A_109] : memref<10000x128xf32, #tpu.memory_space<vmem_shared>> -> memref<10000x128xf32, #tpu.memory_space<vmem_shared>>
      %dma_start3A_111 = tpu.memref_slice %arg9[%dma_start3A_100] : memref<4x!tpu.dma_semaphore, #tpu.memory_space<semaphore_mem>> -> memref<1x!tpu.dma_semaphore, #tpu.memory_space<semaphore_mem>>
      %dma_start3A_112 = tpu.memref_squeeze %dma_start3A_111 : memref<1x!tpu.dma_semaphore, #tpu.memory_space<semaphore_mem>> -> memref<!tpu.dma_semaphore, #tpu.memory_space<semaphore_mem>>
      tpu.enqueue_indirect_dma source(%dma_start3A_110 : memref<10000x128xf32, #tpu.memory_space<vmem_shared>>) target(%dma_start3A_104 : memref<64x128xf32, #tpu.memory_space<vmem>>) offsets(%dma_start3A_107 : memref<64xi32, #tpu.memory_space<vmem>>) semaphore(%dma_start3A_112 : memref<!tpu.dma_semaphore, #tpu.memory_space<semaphore_mem>>)
      %dma_wait3A_113 = arith.constant 1 : i32
      %dma_wait3A_114 = arith.constant 1 : i32
      %dma_wait3A_115 = arith.constant 1 : i32
      %dma_wait3A_116 = arith.constant 0 : i32
      %dma_wait3A_117 = arith.constant 0 : i32
      %dma_wait3A_118 = tpu.memref_slice %arg7[%dma_wait3A_114, %dma_wait3A_116, %dma_wait3A_117] : memref<4x64x128xf32, #tpu.memory_space<vmem>> -> memref<1x64x128xf32, #tpu.memory_space<vmem>>
      %dma_wait3A_119 = tpu.memref_squeeze %dma_wait3A_118 : memref<1x64x128xf32, #tpu.memory_space<vmem>> -> memref<64x128xf32, #tpu.memory_space<vmem>>
      %dma_wait3A_120 = arith.constant 0 : i32
      %dma_wait3A_121 = tpu.memref_slice %arg5[%dma_wait3A_113, %dma_wait3A_120] : memref<16x64xi32, #tpu.memory_space<vmem>> -> memref<1x64xi32, #tpu.memory_space<vmem>>
      %dma_wait3A_122 = tpu.memref_squeeze %dma_wait3A_121 : memref<1x64xi32, #tpu.memory_space<vmem>> -> memref<64xi32, #tpu.memory_space<vmem>>
      %dma_wait3A_123 = arith.constant 0 : i32
      %dma_wait3A_124 = arith.constant 0 : i32
      %dma_wait3A_125 = tpu.memref_slice %arg10[%dma_wait3A_123, %dma_wait3A_124] : memref<10000x128xf32, #tpu.memory_space<vmem_shared>> -> memref<10000x128xf32, #tpu.memory_space<vmem_shared>>
      %dma_wait3A_126 = tpu.memref_slice %arg9[%dma_wait3A_115] : memref<4x!tpu.dma_semaphore, #tpu.memory_space<semaphore_mem>> -> memref<1x!tpu.dma_semaphore, #tpu.memory_space<semaphore_mem>>
      %dma_wait3A_127 = tpu.memref_squeeze %dma_wait3A_126 : memref<1x!tpu.dma_semaphore, #tpu.memory_space<semaphore_mem>> -> memref<!tpu.dma_semaphore, #tpu.memory_space<semaphore_mem>>
      tpu.wait_indirect_dma semaphore(%dma_wait3A_127 : memref<!tpu.dma_semaphore, #tpu.memory_space<semaphore_mem>>) src(%dma_wait3A_125 : memref<10000x128xf32, #tpu.memory_space<vmem_shared>>) dst(%dma_wait3A_119 : memref<64x128xf32, #tpu.memory_space<vmem>>)
      %dma_start3A_128 = arith.constant 5 : i32
      %dma_start3A_129 = arith.constant 1 : i32
      %dma_start3A_130 = arith.constant 1 : i32
      %dma_start3A_131 = arith.constant 0 : i32
      %dma_start3A_132 = arith.constant 0 : i32
      %dma_start3A_133 = tpu.memref_slice %arg7[%dma_start3A_129, %dma_start3A_131, %dma_start3A_132] : memref<4x64x128xf32, #tpu.memory_space<vmem>> -> memref<1x64x128xf32, #tpu.memory_space<vmem>>
      %dma_start3A_134 = tpu.memref_squeeze %dma_start3A_133 : memref<1x64x128xf32, #tpu.memory_space<vmem>> -> memref<64x128xf32, #tpu.memory_space<vmem>>
      %dma_start3A_135 = arith.constant 0 : i32
      %dma_start3A_136 = tpu.memref_slice %arg5[%dma_start3A_128, %dma_start3A_135] : memref<16x64xi32, #tpu.memory_space<vmem>> -> memref<1x64xi32, #tpu.memory_space<vmem>>
      %dma_start3A_137 = tpu.memref_squeeze %dma_start3A_136 : memref<1x64xi32, #tpu.memory_space<vmem>> -> memref<64xi32, #tpu.memory_space<vmem>>
      %dma_start3A_138 = arith.constant 0 : i32
      %dma_start3A_139 = arith.constant 0 : i32
      %dma_start3A_140 = tpu.memref_slice %arg10[%dma_start3A_138, %dma_start3A_139] : memref<10000x128xf32, #tpu.memory_space<vmem_shared>> -> memref<10000x128xf32, #tpu.memory_space<vmem_shared>>
      %dma_start3A_141 = tpu.memref_slice %arg9[%dma_start3A_130] : memref<4x!tpu.dma_semaphore, #tpu.memory_space<semaphore_mem>> -> memref<1x!tpu.dma_semaphore, #tpu.memory_space<semaphore_mem>>
      %dma_start3A_142 = tpu.memref_squeeze %dma_start3A_141 : memref<1x!tpu.dma_semaphore, #tpu.memory_space<semaphore_mem>> -> memref<!tpu.dma_semaphore, #tpu.memory_space<semaphore_mem>>
      tpu.enqueue_indirect_dma source(%dma_start3A_140 : memref<10000x128xf32, #tpu.memory_space<vmem_shared>>) target(%dma_start3A_134 : memref<64x128xf32, #tpu.memory_space<vmem>>) offsets(%dma_start3A_137 : memref<64xi32, #tpu.memory_space<vmem>>) semaphore(%dma_start3A_142 : memref<!tpu.dma_semaphore, #tpu.memory_space<semaphore_mem>>)
      %dma_wait3A_143 = arith.constant 2 : i32
      %dma_wait3A_144 = arith.constant 2 : i32
      %dma_wait3A_145 = arith.constant 2 : i32
      %dma_wait3A_146 = arith.constant 0 : i32
      %dma_wait3A_147 = arith.constant 0 : i32
      %dma_wait3A_148 = tpu.memref_slice %arg7[%dma_wait3A_144, %dma_wait3A_146, %dma_wait3A_147] : memref<4x64x128xf32, #tpu.memory_space<vmem>> -> memref<1x64x128xf32, #tpu.memory_space<vmem>>
      %dma_wait3A_149 = tpu.memref_squeeze %dma_wait3A_148 : memref<1x64x128xf32, #tpu.memory_space<vmem>> -> memref<64x128xf32, #tpu.memory_space<vmem>>
      %dma_wait3A_150 = arith.constant 0 : i32
      %dma_wait3A_151 = tpu.memref_slice %arg5[%dma_wait3A_143, %dma_wait3A_150] : memref<16x64xi32, #tpu.memory_space<vmem>> -> memref<1x64xi32, #tpu.memory_space<vmem>>
      %dma_wait3A_152 = tpu.memref_squeeze %dma_wait3A_151 : memref<1x64xi32, #tpu.memory_space<vmem>> -> memref<64xi32, #tpu.memory_space<vmem>>
      %dma_wait3A_153 = arith.constant 0 : i32
      %dma_wait3A_154 = arith.constant 0 : i32
      %dma_wait3A_155 = tpu.memref_slice %arg10[%dma_wait3A_153, %dma_wait3A_154] : memref<10000x128xf32, #tpu.memory_space<vmem_shared>> -> memref<10000x128xf32, #tpu.memory_space<vmem_shared>>
      %dma_wait3A_156 = tpu.memref_slice %arg9[%dma_wait3A_145] : memref<4x!tpu.dma_semaphore, #tpu.memory_space<semaphore_mem>> -> memref<1x!tpu.dma_semaphore, #tpu.memory_space<semaphore_mem>>
      %dma_wait3A_157 = tpu.memref_squeeze %dma_wait3A_156 : memref<1x!tpu.dma_semaphore, #tpu.memory_space<semaphore_mem>> -> memref<!tpu.dma_semaphore, #tpu.memory_space<semaphore_mem>>
      tpu.wait_indirect_dma semaphore(%dma_wait3A_157 : memref<!tpu.dma_semaphore, #tpu.memory_space<semaphore_mem>>) src(%dma_wait3A_155 : memref<10000x128xf32, #tpu.memory_space<vmem_shared>>) dst(%dma_wait3A_149 : memref<64x128xf32, #tpu.memory_space<vmem>>)
      %dma_start3A_158 = arith.constant 6 : i32
      %dma_start3A_159 = arith.constant 2 : i32
      %dma_start3A_160 = arith.constant 2 : i32
      %dma_start3A_161 = arith.constant 0 : i32
      %dma_start3A_162 = arith.constant 0 : i32
      %dma_start3A_163 = tpu.memref_slice %arg7[%dma_start3A_159, %dma_start3A_161, %dma_start3A_162] : memref<4x64x128xf32, #tpu.memory_space<vmem>> -> memref<1x64x128xf32, #tpu.memory_space<vmem>>
      %dma_start3A_164 = tpu.memref_squeeze %dma_start3A_163 : memref<1x64x128xf32, #tpu.memory_space<vmem>> -> memref<64x128xf32, #tpu.memory_space<vmem>>
      %dma_start3A_165 = arith.constant 0 : i32
      %dma_start3A_166 = tpu.memref_slice %arg5[%dma_start3A_158, %dma_start3A_165] : memref<16x64xi32, #tpu.memory_space<vmem>> -> memref<1x64xi32, #tpu.memory_space<vmem>>
      %dma_start3A_167 = tpu.memref_squeeze %dma_start3A_166 : memref<1x64xi32, #tpu.memory_space<vmem>> -> memref<64xi32, #tpu.memory_space<vmem>>
      %dma_start3A_168 = arith.constant 0 : i32
      %dma_start3A_169 = arith.constant 0 : i32
      %dma_start3A_170 = tpu.memref_slice %arg10[%dma_start3A_168, %dma_start3A_169] : memref<10000x128xf32, #tpu.memory_space<vmem_shared>> -> memref<10000x128xf32, #tpu.memory_space<vmem_shared>>
      %dma_start3A_171 = tpu.memref_slice %arg9[%dma_start3A_160] : memref<4x!tpu.dma_semaphore, #tpu.memory_space<semaphore_mem>> -> memref<1x!tpu.dma_semaphore, #tpu.memory_space<semaphore_mem>>
      %dma_start3A_172 = tpu.memref_squeeze %dma_start3A_171 : memref<1x!tpu.dma_semaphore, #tpu.memory_space<semaphore_mem>> -> memref<!tpu.dma_semaphore, #tpu.memory_space<semaphore_mem>>
      tpu.enqueue_indirect_dma source(%dma_start3A_170 : memref<10000x128xf32, #tpu.memory_space<vmem_shared>>) target(%dma_start3A_164 : memref<64x128xf32, #tpu.memory_space<vmem>>) offsets(%dma_start3A_167 : memref<64xi32, #tpu.memory_space<vmem>>) semaphore(%dma_start3A_172 : memref<!tpu.dma_semaphore, #tpu.memory_space<semaphore_mem>>)
      %dma_wait3A_173 = arith.constant 3 : i32
      %dma_wait3A_174 = arith.constant 3 : i32
      %dma_wait3A_175 = arith.constant 3 : i32
      %dma_wait3A_176 = arith.constant 0 : i32
      %dma_wait3A_177 = arith.constant 0 : i32
      %dma_wait3A_178 = tpu.memref_slice %arg7[%dma_wait3A_174, %dma_wait3A_176, %dma_wait3A_177] : memref<4x64x128xf32, #tpu.memory_space<vmem>> -> memref<1x64x128xf32, #tpu.memory_space<vmem>>
      %dma_wait3A_179 = tpu.memref_squeeze %dma_wait3A_178 : memref<1x64x128xf32, #tpu.memory_space<vmem>> -> memref<64x128xf32, #tpu.memory_space<vmem>>
      %dma_wait3A_180 = arith.constant 0 : i32
      %dma_wait3A_181 = tpu.memref_slice %arg5[%dma_wait3A_173, %dma_wait3A_180] : memref<16x64xi32, #tpu.memory_space<vmem>> -> memref<1x64xi32, #tpu.memory_space<vmem>>
      %dma_wait3A_182 = tpu.memref_squeeze %dma_wait3A_181 : memref<1x64xi32, #tpu.memory_space<vmem>> -> memref<64xi32, #tpu.memory_space<vmem>>
      %dma_wait3A_183 = arith.constant 0 : i32
      %dma_wait3A_184 = arith.constant 0 : i32
      %dma_wait3A_185 = tpu.memref_slice %arg10[%dma_wait3A_183, %dma_wait3A_184] : memref<10000x128xf32, #tpu.memory_space<vmem_shared>> -> memref<10000x128xf32, #tpu.memory_space<vmem_shared>>
      %dma_wait3A_186 = tpu.memref_slice %arg9[%dma_wait3A_175] : memref<4x!tpu.dma_semaphore, #tpu.memory_space<semaphore_mem>> -> memref<1x!tpu.dma_semaphore, #tpu.memory_space<semaphore_mem>>
      %dma_wait3A_187 = tpu.memref_squeeze %dma_wait3A_186 : memref<1x!tpu.dma_semaphore, #tpu.memory_space<semaphore_mem>> -> memref<!tpu.dma_semaphore, #tpu.memory_space<semaphore_mem>>
      tpu.wait_indirect_dma semaphore(%dma_wait3A_187 : memref<!tpu.dma_semaphore, #tpu.memory_space<semaphore_mem>>) src(%dma_wait3A_185 : memref<10000x128xf32, #tpu.memory_space<vmem_shared>>) dst(%dma_wait3A_179 : memref<64x128xf32, #tpu.memory_space<vmem>>)
      %dma_start3A_188 = arith.constant 7 : i32
      %dma_start3A_189 = arith.constant 3 : i32
      %dma_start3A_190 = arith.constant 3 : i32
      %dma_start3A_191 = arith.constant 0 : i32
      %dma_start3A_192 = arith.constant 0 : i32
      %dma_start3A_193 = tpu.memref_slice %arg7[%dma_start3A_189, %dma_start3A_191, %dma_start3A_192] : memref<4x64x128xf32, #tpu.memory_space<vmem>> -> memref<1x64x128xf32, #tpu.memory_space<vmem>>
      %dma_start3A_194 = tpu.memref_squeeze %dma_start3A_193 : memref<1x64x128xf32, #tpu.memory_space<vmem>> -> memref<64x128xf32, #tpu.memory_space<vmem>>
      %dma_start3A_195 = arith.constant 0 : i32
      %dma_start3A_196 = tpu.memref_slice %arg5[%dma_start3A_188, %dma_start3A_195] : memref<16x64xi32, #tpu.memory_space<vmem>> -> memref<1x64xi32, #tpu.memory_space<vmem>>
      %dma_start3A_197 = tpu.memref_squeeze %dma_start3A_196 : memref<1x64xi32, #tpu.memory_space<vmem>> -> memref<64xi32, #tpu.memory_space<vmem>>
      %dma_start3A_198 = arith.constant 0 : i32
      %dma_start3A_199 = arith.constant 0 : i32
      %dma_start3A_200 = tpu.memref_slice %arg10[%dma_start3A_198, %dma_start3A_199] : memref<10000x128xf32, #tpu.memory_space<vmem_shared>> -> memref<10000x128xf32, #tpu.memory_space<vmem_shared>>
      %dma_start3A_201 = tpu.memref_slice %arg9[%dma_start3A_190] : memref<4x!tpu.dma_semaphore, #tpu.memory_space<semaphore_mem>> -> memref<1x!tpu.dma_semaphore, #tpu.memory_space<semaphore_mem>>
      %dma_start3A_202 = tpu.memref_squeeze %dma_start3A_201 : memref<1x!tpu.dma_semaphore, #tpu.memory_space<semaphore_mem>> -> memref<!tpu.dma_semaphore, #tpu.memory_space<semaphore_mem>>
      tpu.enqueue_indirect_dma source(%dma_start3A_200 : memref<10000x128xf32, #tpu.memory_space<vmem_shared>>) target(%dma_start3A_194 : memref<64x128xf32, #tpu.memory_space<vmem>>) offsets(%dma_start3A_197 : memref<64xi32, #tpu.memory_space<vmem>>) semaphore(%dma_start3A_202 : memref<!tpu.dma_semaphore, #tpu.memory_space<semaphore_mem>>)
      %dma_wait3A_203 = arith.constant 4 : i32
      %dma_wait3A_204 = arith.constant 0 : i32
      %dma_wait3A_205 = arith.constant 0 : i32
      %dma_wait3A_206 = arith.constant 0 : i32
      %dma_wait3A_207 = arith.constant 0 : i32
      %dma_wait3A_208 = tpu.memref_slice %arg7[%dma_wait3A_204, %dma_wait3A_206, %dma_wait3A_207] : memref<4x64x128xf32, #tpu.memory_space<vmem>> -> memref<1x64x128xf32, #tpu.memory_space<vmem>>
      %dma_wait3A_209 = tpu.memref_squeeze %dma_wait3A_208 : memref<1x64x128xf32, #tpu.memory_space<vmem>> -> memref<64x128xf32, #tpu.memory_space<vmem>>
      %dma_wait3A_210 = arith.constant 0 : i32
      %dma_wait3A_211 = tpu.memref_slice %arg5[%dma_wait3A_203, %dma_wait3A_210] : memref<16x64xi32, #tpu.memory_space<vmem>> -> memref<1x64xi32, #tpu.memory_space<vmem>>
      %dma_wait3A_212 = tpu.memref_squeeze %dma_wait3A_211 : memref<1x64xi32, #tpu.memory_space<vmem>> -> memref<64xi32, #tpu.memory_space<vmem>>
      %dma_wait3A_213 = arith.constant 0 : i32
      %dma_wait3A_214 = arith.constant 0 : i32
      %dma_wait3A_215 = tpu.memref_slice %arg10[%dma_wait3A_213, %dma_wait3A_214] : memref<10000x128xf32, #tpu.memory_space<vmem_shared>> -> memref<10000x128xf32, #tpu.memory_space<vmem_shared>>
      %dma_wait3A_216 = tpu.memref_slice %arg9[%dma_wait3A_205] : memref<4x!tpu.dma_semaphore, #tpu.memory_space<semaphore_mem>> -> memref<1x!tpu.dma_semaphore, #tpu.memory_space<semaphore_mem>>
      %dma_wait3A_217 = tpu.memref_squeeze %dma_wait3A_216 : memref<1x!tpu.dma_semaphore, #tpu.memory_space<semaphore_mem>> -> memref<!tpu.dma_semaphore, #tpu.memory_space<semaphore_mem>>
      tpu.wait_indirect_dma semaphore(%dma_wait3A_217 : memref<!tpu.dma_semaphore, #tpu.memory_space<semaphore_mem>>) src(%dma_wait3A_215 : memref<10000x128xf32, #tpu.memory_space<vmem_shared>>) dst(%dma_wait3A_209 : memref<64x128xf32, #tpu.memory_space<vmem>>)
      %dma_start3A_218 = arith.constant 8 : i32
      %dma_start3A_219 = arith.constant 0 : i32
      %dma_start3A_220 = arith.constant 0 : i32
      %dma_start3A_221 = arith.constant 0 : i32
      %dma_start3A_222 = arith.constant 0 : i32
      %dma_start3A_223 = tpu.memref_slice %arg7[%dma_start3A_219, %dma_start3A_221, %dma_start3A_222] : memref<4x64x128xf32, #tpu.memory_space<vmem>> -> memref<1x64x128xf32, #tpu.memory_space<vmem>>
      %dma_start3A_224 = tpu.memref_squeeze %dma_start3A_223 : memref<1x64x128xf32, #tpu.memory_space<vmem>> -> memref<64x128xf32, #tpu.memory_space<vmem>>
      %dma_start3A_225 = arith.constant 0 : i32
      %dma_start3A_226 = tpu.memref_slice %arg5[%dma_start3A_218, %dma_start3A_225] : memref<16x64xi32, #tpu.memory_space<vmem>> -> memref<1x64xi32, #tpu.memory_space<vmem>>
      %dma_start3A_227 = tpu.memref_squeeze %dma_start3A_226 : memref<1x64xi32, #tpu.memory_space<vmem>> -> memref<64xi32, #tpu.memory_space<vmem>>
      %dma_start3A_228 = arith.constant 0 : i32
      %dma_start3A_229 = arith.constant 0 : i32
      %dma_start3A_230 = tpu.memref_slice %arg10[%dma_start3A_228, %dma_start3A_229] : memref<10000x128xf32, #tpu.memory_space<vmem_shared>> -> memref<10000x128xf32, #tpu.memory_space<vmem_shared>>
      %dma_start3A_231 = tpu.memref_slice %arg9[%dma_start3A_220] : memref<4x!tpu.dma_semaphore, #tpu.memory_space<semaphore_mem>> -> memref<1x!tpu.dma_semaphore, #tpu.memory_space<semaphore_mem>>
      %dma_start3A_232 = tpu.memref_squeeze %dma_start3A_231 : memref<1x!tpu.dma_semaphore, #tpu.memory_space<semaphore_mem>> -> memref<!tpu.dma_semaphore, #tpu.memory_space<semaphore_mem>>
      tpu.enqueue_indirect_dma source(%dma_start3A_230 : memref<10000x128xf32, #tpu.memory_space<vmem_shared>>) target(%dma_start3A_224 : memref<64x128xf32, #tpu.memory_space<vmem>>) offsets(%dma_start3A_227 : memref<64xi32, #tpu.memory_space<vmem>>) semaphore(%dma_start3A_232 : memref<!tpu.dma_semaphore, #tpu.memory_space<semaphore_mem>>)
      %dma_wait3A_233 = arith.constant 5 : i32
      %dma_wait3A_234 = arith.constant 1 : i32
      %dma_wait3A_235 = arith.constant 1 : i32
      %dma_wait3A_236 = arith.constant 0 : i32
      %dma_wait3A_237 = arith.constant 0 : i32
      %dma_wait3A_238 = tpu.memref_slice %arg7[%dma_wait3A_234, %dma_wait3A_236, %dma_wait3A_237] : memref<4x64x128xf32, #tpu.memory_space<vmem>> -> memref<1x64x128xf32, #tpu.memory_space<vmem>>
      %dma_wait3A_239 = tpu.memref_squeeze %dma_wait3A_238 : memref<1x64x128xf32, #tpu.memory_space<vmem>> -> memref<64x128xf32, #tpu.memory_space<vmem>>
      %dma_wait3A_240 = arith.constant 0 : i32
      %dma_wait3A_241 = tpu.memref_slice %arg5[%dma_wait3A_233, %dma_wait3A_240] : memref<16x64xi32, #tpu.memory_space<vmem>> -> memref<1x64xi32, #tpu.memory_space<vmem>>
      %dma_wait3A_242 = tpu.memref_squeeze %dma_wait3A_241 : memref<1x64xi32, #tpu.memory_space<vmem>> -> memref<64xi32, #tpu.memory_space<vmem>>
      %dma_wait3A_243 = arith.constant 0 : i32
      %dma_wait3A_244 = arith.constant 0 : i32
      %dma_wait3A_245 = tpu.memref_slice %arg10[%dma_wait3A_243, %dma_wait3A_244] : memref<10000x128xf32, #tpu.memory_space<vmem_shared>> -> memref<10000x128xf32, #tpu.memory_space<vmem_shared>>
      %dma_wait3A_246 = tpu.memref_slice %arg9[%dma_wait3A_235] : memref<4x!tpu.dma_semaphore, #tpu.memory_space<semaphore_mem>> -> memref<1x!tpu.dma_semaphore, #tpu.memory_space<semaphore_mem>>
      %dma_wait3A_247 = tpu.memref_squeeze %dma_wait3A_246 : memref<1x!tpu.dma_semaphore, #tpu.memory_space<semaphore_mem>> -> memref<!tpu.dma_semaphore, #tpu.memory_space<semaphore_mem>>
      tpu.wait_indirect_dma semaphore(%dma_wait3A_247 : memref<!tpu.dma_semaphore, #tpu.memory_space<semaphore_mem>>) src(%dma_wait3A_245 : memref<10000x128xf32, #tpu.memory_space<vmem_shared>>) dst(%dma_wait3A_239 : memref<64x128xf32, #tpu.memory_space<vmem>>)
      %dma_start3A_248 = arith.constant 9 : i32
      %dma_start3A_249 = arith.constant 1 : i32
      %dma_start3A_250 = arith.constant 1 : i32
      %dma_start3A_251 = arith.constant 0 : i32
      %dma_start3A_252 = arith.constant 0 : i32
      %dma_start3A_253 = tpu.memref_slice %arg7[%dma_start3A_249, %dma_start3A_251, %dma_start3A_252] : memref<4x64x128xf32, #tpu.memory_space<vmem>> -> memref<1x64x128xf32, #tpu.memory_space<vmem>>
      %dma_start3A_254 = tpu.memref_squeeze %dma_start3A_253 : memref<1x64x128xf32, #tpu.memory_space<vmem>> -> memref<64x128xf32, #tpu.memory_space<vmem>>
      %dma_start3A_255 = arith.constant 0 : i32
      %dma_start3A_256 = tpu.memref_slice %arg5[%dma_start3A_248, %dma_start3A_255] : memref<16x64xi32, #tpu.memory_space<vmem>> -> memref<1x64xi32, #tpu.memory_space<vmem>>
      %dma_start3A_257 = tpu.memref_squeeze %dma_start3A_256 : memref<1x64xi32, #tpu.memory_space<vmem>> -> memref<64xi32, #tpu.memory_space<vmem>>
      %dma_start3A_258 = arith.constant 0 : i32
      %dma_start3A_259 = arith.constant 0 : i32
      %dma_start3A_260 = tpu.memref_slice %arg10[%dma_start3A_258, %dma_start3A_259] : memref<10000x128xf32, #tpu.memory_space<vmem_shared>> -> memref<10000x128xf32, #tpu.memory_space<vmem_shared>>
      %dma_start3A_261 = tpu.memref_slice %arg9[%dma_start3A_250] : memref<4x!tpu.dma_semaphore, #tpu.memory_space<semaphore_mem>> -> memref<1x!tpu.dma_semaphore, #tpu.memory_space<semaphore_mem>>
      %dma_start3A_262 = tpu.memref_squeeze %dma_start3A_261 : memref<1x!tpu.dma_semaphore, #tpu.memory_space<semaphore_mem>> -> memref<!tpu.dma_semaphore, #tpu.memory_space<semaphore_mem>>
      tpu.enqueue_indirect_dma source(%dma_start3A_260 : memref<10000x128xf32, #tpu.memory_space<vmem_shared>>) target(%dma_start3A_254 : memref<64x128xf32, #tpu.memory_space<vmem>>) offsets(%dma_start3A_257 : memref<64xi32, #tpu.memory_space<vmem>>) semaphore(%dma_start3A_262 : memref<!tpu.dma_semaphore, #tpu.memory_space<semaphore_mem>>)
      %dma_wait3A_263 = arith.constant 6 : i32
      %dma_wait3A_264 = arith.constant 2 : i32
      %dma_wait3A_265 = arith.constant 2 : i32
      %dma_wait3A_266 = arith.constant 0 : i32
      %dma_wait3A_267 = arith.constant 0 : i32
      %dma_wait3A_268 = tpu.memref_slice %arg7[%dma_wait3A_264, %dma_wait3A_266, %dma_wait3A_267] : memref<4x64x128xf32, #tpu.memory_space<vmem>> -> memref<1x64x128xf32, #tpu.memory_space<vmem>>
      %dma_wait3A_269 = tpu.memref_squeeze %dma_wait3A_268 : memref<1x64x128xf32, #tpu.memory_space<vmem>> -> memref<64x128xf32, #tpu.memory_space<vmem>>
      %dma_wait3A_270 = arith.constant 0 : i32
      %dma_wait3A_271 = tpu.memref_slice %arg5[%dma_wait3A_263, %dma_wait3A_270] : memref<16x64xi32, #tpu.memory_space<vmem>> -> memref<1x64xi32, #tpu.memory_space<vmem>>
      %dma_wait3A_272 = tpu.memref_squeeze %dma_wait3A_271 : memref<1x64xi32, #tpu.memory_space<vmem>> -> memref<64xi32, #tpu.memory_space<vmem>>
      %dma_wait3A_273 = arith.constant 0 : i32
      %dma_wait3A_274 = arith.constant 0 : i32
      %dma_wait3A_275 = tpu.memref_slice %arg10[%dma_wait3A_273, %dma_wait3A_274] : memref<10000x128xf32, #tpu.memory_space<vmem_shared>> -> memref<10000x128xf32, #tpu.memory_space<vmem_shared>>
      %dma_wait3A_276 = tpu.memref_slice %arg9[%dma_wait3A_265] : memref<4x!tpu.dma_semaphore, #tpu.memory_space<semaphore_mem>> -> memref<1x!tpu.dma_semaphore, #tpu.memory_space<semaphore_mem>>
      %dma_wait3A_277 = tpu.memref_squeeze %dma_wait3A_276 : memref<1x!tpu.dma_semaphore, #tpu.memory_space<semaphore_mem>> -> memref<!tpu.dma_semaphore, #tpu.memory_space<semaphore_mem>>
      tpu.wait_indirect_dma semaphore(%dma_wait3A_277 : memref<!tpu.dma_semaphore, #tpu.memory_space<semaphore_mem>>) src(%dma_wait3A_275 : memref<10000x128xf32, #tpu.memory_space<vmem_shared>>) dst(%dma_wait3A_269 : memref<64x128xf32, #tpu.memory_space<vmem>>)
      %dma_start3A_278 = arith.constant 10 : i32
      %dma_start3A_279 = arith.constant 2 : i32
      %dma_start3A_280 = arith.constant 2 : i32
      %dma_start3A_281 = arith.constant 0 : i32
      %dma_start3A_282 = arith.constant 0 : i32
      %dma_start3A_283 = tpu.memref_slice %arg7[%dma_start3A_279, %dma_start3A_281, %dma_start3A_282] : memref<4x64x128xf32, #tpu.memory_space<vmem>> -> memref<1x64x128xf32, #tpu.memory_space<vmem>>
      %dma_start3A_284 = tpu.memref_squeeze %dma_start3A_283 : memref<1x64x128xf32, #tpu.memory_space<vmem>> -> memref<64x128xf32, #tpu.memory_space<vmem>>
      %dma_start3A_285 = arith.constant 0 : i32
      %dma_start3A_286 = tpu.memref_slice %arg5[%dma_start3A_278, %dma_start3A_285] : memref<16x64xi32, #tpu.memory_space<vmem>> -> memref<1x64xi32, #tpu.memory_space<vmem>>
      %dma_start3A_287 = tpu.memref_squeeze %dma_start3A_286 : memref<1x64xi32, #tpu.memory_space<vmem>> -> memref<64xi32, #tpu.memory_space<vmem>>
      %dma_start3A_288 = arith.constant 0 : i32
      %dma_start3A_289 = arith.constant 0 : i32
      %dma_start3A_290 = tpu.memref_slice %arg10[%dma_start3A_288, %dma_start3A_289] : memref<10000x128xf32, #tpu.memory_space<vmem_shared>> -> memref<10000x128xf32, #tpu.memory_space<vmem_shared>>
      %dma_start3A_291 = tpu.memref_slice %arg9[%dma_start3A_280] : memref<4x!tpu.dma_semaphore, #tpu.memory_space<semaphore_mem>> -> memref<1x!tpu.dma_semaphore, #tpu.memory_space<semaphore_mem>>
      %dma_start3A_292 = tpu.memref_squeeze %dma_start3A_291 : memref<1x!tpu.dma_semaphore, #tpu.memory_space<semaphore_mem>> -> memref<!tpu.dma_semaphore, #tpu.memory_space<semaphore_mem>>
      tpu.enqueue_indirect_dma source(%dma_start3A_290 : memref<10000x128xf32, #tpu.memory_space<vmem_shared>>) target(%dma_start3A_284 : memref<64x128xf32, #tpu.memory_space<vmem>>) offsets(%dma_start3A_287 : memref<64xi32, #tpu.memory_space<vmem>>) semaphore(%dma_start3A_292 : memref<!tpu.dma_semaphore, #tpu.memory_space<semaphore_mem>>)
      %dma_wait3A_293 = arith.constant 7 : i32
      %dma_wait3A_294 = arith.constant 3 : i32
      %dma_wait3A_295 = arith.constant 3 : i32
      %dma_wait3A_296 = arith.constant 0 : i32
      %dma_wait3A_297 = arith.constant 0 : i32
      %dma_wait3A_298 = tpu.memref_slice %arg7[%dma_wait3A_294, %dma_wait3A_296, %dma_wait3A_297] : memref<4x64x128xf32, #tpu.memory_space<vmem>> -> memref<1x64x128xf32, #tpu.memory_space<vmem>>
      %dma_wait3A_299 = tpu.memref_squeeze %dma_wait3A_298 : memref<1x64x128xf32, #tpu.memory_space<vmem>> -> memref<64x128xf32, #tpu.memory_space<vmem>>
      %dma_wait3A_300 = arith.constant 0 : i32
      %dma_wait3A_301 = tpu.memref_slice %arg5[%dma_wait3A_293, %dma_wait3A_300] : memref<16x64xi32, #tpu.memory_space<vmem>> -> memref<1x64xi32, #tpu.memory_space<vmem>>
      %dma_wait3A_302 = tpu.memref_squeeze %dma_wait3A_301 : memref<1x64xi32, #tpu.memory_space<vmem>> -> memref<64xi32, #tpu.memory_space<vmem>>
      %dma_wait3A_303 = arith.constant 0 : i32
      %dma_wait3A_304 = arith.constant 0 : i32
      %dma_wait3A_305 = tpu.memref_slice %arg10[%dma_wait3A_303, %dma_wait3A_304] : memref<10000x128xf32, #tpu.memory_space<vmem_shared>> -> memref<10000x128xf32, #tpu.memory_space<vmem_shared>>
      %dma_wait3A_306 = tpu.memref_slice %arg9[%dma_wait3A_295] : memref<4x!tpu.dma_semaphore, #tpu.memory_space<semaphore_mem>> -> memref<1x!tpu.dma_semaphore, #tpu.memory_space<semaphore_mem>>
      %dma_wait3A_307 = tpu.memref_squeeze %dma_wait3A_306 : memref<1x!tpu.dma_semaphore, #tpu.memory_space<semaphore_mem>> -> memref<!tpu.dma_semaphore, #tpu.memory_space<semaphore_mem>>
      tpu.wait_indirect_dma semaphore(%dma_wait3A_307 : memref<!tpu.dma_semaphore, #tpu.memory_space<semaphore_mem>>) src(%dma_wait3A_305 : memref<10000x128xf32, #tpu.memory_space<vmem_shared>>) dst(%dma_wait3A_299 : memref<64x128xf32, #tpu.memory_space<vmem>>)
      %dma_start3A_308 = arith.constant 11 : i32
      %dma_start3A_309 = arith.constant 3 : i32
      %dma_start3A_310 = arith.constant 3 : i32
      %dma_start3A_311 = arith.constant 0 : i32
      %dma_start3A_312 = arith.constant 0 : i32
      %dma_start3A_313 = tpu.memref_slice %arg7[%dma_start3A_309, %dma_start3A_311, %dma_start3A_312] : memref<4x64x128xf32, #tpu.memory_space<vmem>> -> memref<1x64x128xf32, #tpu.memory_space<vmem>>
      %dma_start3A_314 = tpu.memref_squeeze %dma_start3A_313 : memref<1x64x128xf32, #tpu.memory_space<vmem>> -> memref<64x128xf32, #tpu.memory_space<vmem>>
      %dma_start3A_315 = arith.constant 0 : i32
      %dma_start3A_316 = tpu.memref_slice %arg5[%dma_start3A_308, %dma_start3A_315] : memref<16x64xi32, #tpu.memory_space<vmem>> -> memref<1x64xi32, #tpu.memory_space<vmem>>
      %dma_start3A_317 = tpu.memref_squeeze %dma_start3A_316 : memref<1x64xi32, #tpu.memory_space<vmem>> -> memref<64xi32, #tpu.memory_space<vmem>>
      %dma_start3A_318 = arith.constant 0 : i32
      %dma_start3A_319 = arith.constant 0 : i32
      %dma_start3A_320 = tpu.memref_slice %arg10[%dma_start3A_318, %dma_start3A_319] : memref<10000x128xf32, #tpu.memory_space<vmem_shared>> -> memref<10000x128xf32, #tpu.memory_space<vmem_shared>>
      %dma_start3A_321 = tpu.memref_slice %arg9[%dma_start3A_310] : memref<4x!tpu.dma_semaphore, #tpu.memory_space<semaphore_mem>> -> memref<1x!tpu.dma_semaphore, #tpu.memory_space<semaphore_mem>>
      %dma_start3A_322 = tpu.memref_squeeze %dma_start3A_321 : memref<1x!tpu.dma_semaphore, #tpu.memory_space<semaphore_mem>> -> memref<!tpu.dma_semaphore, #tpu.memory_space<semaphore_mem>>
      tpu.enqueue_indirect_dma source(%dma_start3A_320 : memref<10000x128xf32, #tpu.memory_space<vmem_shared>>) target(%dma_start3A_314 : memref<64x128xf32, #tpu.memory_space<vmem>>) offsets(%dma_start3A_317 : memref<64xi32, #tpu.memory_space<vmem>>) semaphore(%dma_start3A_322 : memref<!tpu.dma_semaphore, #tpu.memory_space<semaphore_mem>>)
      %dma_wait3A_323 = arith.constant 8 : i32
      %dma_wait3A_324 = arith.constant 0 : i32
      %dma_wait3A_325 = arith.constant 0 : i32
      %dma_wait3A_326 = arith.constant 0 : i32
      %dma_wait3A_327 = arith.constant 0 : i32
      %dma_wait3A_328 = tpu.memref_slice %arg7[%dma_wait3A_324, %dma_wait3A_326, %dma_wait3A_327] : memref<4x64x128xf32, #tpu.memory_space<vmem>> -> memref<1x64x128xf32, #tpu.memory_space<vmem>>
      %dma_wait3A_329 = tpu.memref_squeeze %dma_wait3A_328 : memref<1x64x128xf32, #tpu.memory_space<vmem>> -> memref<64x128xf32, #tpu.memory_space<vmem>>
      %dma_wait3A_330 = arith.constant 0 : i32
      %dma_wait3A_331 = tpu.memref_slice %arg5[%dma_wait3A_323, %dma_wait3A_330] : memref<16x64xi32, #tpu.memory_space<vmem>> -> memref<1x64xi32, #tpu.memory_space<vmem>>
      %dma_wait3A_332 = tpu.memref_squeeze %dma_wait3A_331 : memref<1x64xi32, #tpu.memory_space<vmem>> -> memref<64xi32, #tpu.memory_space<vmem>>
      %dma_wait3A_333 = arith.constant 0 : i32
      %dma_wait3A_334 = arith.constant 0 : i32
      %dma_wait3A_335 = tpu.memref_slice %arg10[%dma_wait3A_333, %dma_wait3A_334] : memref<10000x128xf32, #tpu.memory_space<vmem_shared>> -> memref<10000x128xf32, #tpu.memory_space<vmem_shared>>
      %dma_wait3A_336 = tpu.memref_slice %arg9[%dma_wait3A_325] : memref<4x!tpu.dma_semaphore, #tpu.memory_space<semaphore_mem>> -> memref<1x!tpu.dma_semaphore, #tpu.memory_space<semaphore_mem>>
      %dma_wait3A_337 = tpu.memref_squeeze %dma_wait3A_336 : memref<1x!tpu.dma_semaphore, #tpu.memory_space<semaphore_mem>> -> memref<!tpu.dma_semaphore, #tpu.memory_space<semaphore_mem>>
      tpu.wait_indirect_dma semaphore(%dma_wait3A_337 : memref<!tpu.dma_semaphore, #tpu.memory_space<semaphore_mem>>) src(%dma_wait3A_335 : memref<10000x128xf32, #tpu.memory_space<vmem_shared>>) dst(%dma_wait3A_329 : memref<64x128xf32, #tpu.memory_space<vmem>>)
      %dma_start3A_338 = arith.constant 12 : i32
      %dma_start3A_339 = arith.constant 0 : i32
      %dma_start3A_340 = arith.constant 0 : i32
      %dma_start3A_341 = arith.constant 0 : i32
      %dma_start3A_342 = arith.constant 0 : i32
      %dma_start3A_343 = tpu.memref_slice %arg7[%dma_start3A_339, %dma_start3A_341, %dma_start3A_342] : memref<4x64x128xf32, #tpu.memory_space<vmem>> -> memref<1x64x128xf32, #tpu.memory_space<vmem>>
      %dma_start3A_344 = tpu.memref_squeeze %dma_start3A_343 : memref<1x64x128xf32, #tpu.memory_space<vmem>> -> memref<64x128xf32, #tpu.memory_space<vmem>>
      %dma_start3A_345 = arith.constant 0 : i32
      %dma_start3A_346 = tpu.memref_slice %arg5[%dma_start3A_338, %dma_start3A_345] : memref<16x64xi32, #tpu.memory_space<vmem>> -> memref<1x64xi32, #tpu.memory_space<vmem>>
      %dma_start3A_347 = tpu.memref_squeeze %dma_start3A_346 : memref<1x64xi32, #tpu.memory_space<vmem>> -> memref<64xi32, #tpu.memory_space<vmem>>
      %dma_start3A_348 = arith.constant 0 : i32
      %dma_start3A_349 = arith.constant 0 : i32
      %dma_start3A_350 = tpu.memref_slice %arg10[%dma_start3A_348, %dma_start3A_349] : memref<10000x128xf32, #tpu.memory_space<vmem_shared>> -> memref<10000x128xf32, #tpu.memory_space<vmem_shared>>
      %dma_start3A_351 = tpu.memref_slice %arg9[%dma_start3A_340] : memref<4x!tpu.dma_semaphore, #tpu.memory_space<semaphore_mem>> -> memref<1x!tpu.dma_semaphore, #tpu.memory_space<semaphore_mem>>
      %dma_start3A_352 = tpu.memref_squeeze %dma_start3A_351 : memref<1x!tpu.dma_semaphore, #tpu.memory_space<semaphore_mem>> -> memref<!tpu.dma_semaphore, #tpu.memory_space<semaphore_mem>>
      tpu.enqueue_indirect_dma source(%dma_start3A_350 : memref<10000x128xf32, #tpu.memory_space<vmem_shared>>) target(%dma_start3A_344 : memref<64x128xf32, #tpu.memory_space<vmem>>) offsets(%dma_start3A_347 : memref<64xi32, #tpu.memory_space<vmem>>) semaphore(%dma_start3A_352 : memref<!tpu.dma_semaphore, #tpu.memory_space<semaphore_mem>>)
      %dma_wait3A_353 = arith.constant 9 : i32
      %dma_wait3A_354 = arith.constant 1 : i32
      %dma_wait3A_355 = arith.constant 1 : i32
      %dma_wait3A_356 = arith.constant 0 : i32
      %dma_wait3A_357 = arith.constant 0 : i32
      %dma_wait3A_358 = tpu.memref_slice %arg7[%dma_wait3A_354, %dma_wait3A_356, %dma_wait3A_357] : memref<4x64x128xf32, #tpu.memory_space<vmem>> -> memref<1x64x128xf32, #tpu.memory_space<vmem>>
      %dma_wait3A_359 = tpu.memref_squeeze %dma_wait3A_358 : memref<1x64x128xf32, #tpu.memory_space<vmem>> -> memref<64x128xf32, #tpu.memory_space<vmem>>
      %dma_wait3A_360 = arith.constant 0 : i32
      %dma_wait3A_361 = tpu.memref_slice %arg5[%dma_wait3A_353, %dma_wait3A_360] : memref<16x64xi32, #tpu.memory_space<vmem>> -> memref<1x64xi32, #tpu.memory_space<vmem>>
      %dma_wait3A_362 = tpu.memref_squeeze %dma_wait3A_361 : memref<1x64xi32, #tpu.memory_space<vmem>> -> memref<64xi32, #tpu.memory_space<vmem>>
      %dma_wait3A_363 = arith.constant 0 : i32
      %dma_wait3A_364 = arith.constant 0 : i32
      %dma_wait3A_365 = tpu.memref_slice %arg10[%dma_wait3A_363, %dma_wait3A_364] : memref<10000x128xf32, #tpu.memory_space<vmem_shared>> -> memref<10000x128xf32, #tpu.memory_space<vmem_shared>>
      %dma_wait3A_366 = tpu.memref_slice %arg9[%dma_wait3A_355] : memref<4x!tpu.dma_semaphore, #tpu.memory_space<semaphore_mem>> -> memref<1x!tpu.dma_semaphore, #tpu.memory_space<semaphore_mem>>
      %dma_wait3A_367 = tpu.memref_squeeze %dma_wait3A_366 : memref<1x!tpu.dma_semaphore, #tpu.memory_space<semaphore_mem>> -> memref<!tpu.dma_semaphore, #tpu.memory_space<semaphore_mem>>
      tpu.wait_indirect_dma semaphore(%dma_wait3A_367 : memref<!tpu.dma_semaphore, #tpu.memory_space<semaphore_mem>>) src(%dma_wait3A_365 : memref<10000x128xf32, #tpu.memory_space<vmem_shared>>) dst(%dma_wait3A_359 : memref<64x128xf32, #tpu.memory_space<vmem>>)
      %dma_start3A_368 = arith.constant 13 : i32
      %dma_start3A_369 = arith.constant 1 : i32
      %dma_start3A_370 = arith.constant 1 : i32
      %dma_start3A_371 = arith.constant 0 : i32
      %dma_start3A_372 = arith.constant 0 : i32
      %dma_start3A_373 = tpu.memref_slice %arg7[%dma_start3A_369, %dma_start3A_371, %dma_start3A_372] : memref<4x64x128xf32, #tpu.memory_space<vmem>> -> memref<1x64x128xf32, #tpu.memory_space<vmem>>
      %dma_start3A_374 = tpu.memref_squeeze %dma_start3A_373 : memref<1x64x128xf32, #tpu.memory_space<vmem>> -> memref<64x128xf32, #tpu.memory_space<vmem>>
      %dma_start3A_375 = arith.constant 0 : i32
      %dma_start3A_376 = tpu.memref_slice %arg5[%dma_start3A_368, %dma_start3A_375] : memref<16x64xi32, #tpu.memory_space<vmem>> -> memref<1x64xi32, #tpu.memory_space<vmem>>
      %dma_start3A_377 = tpu.memref_squeeze %dma_start3A_376 : memref<1x64xi32, #tpu.memory_space<vmem>> -> memref<64xi32, #tpu.memory_space<vmem>>
      %dma_start3A_378 = arith.constant 0 : i32
      %dma_start3A_379 = arith.constant 0 : i32
      %dma_start3A_380 = tpu.memref_slice %arg10[%dma_start3A_378, %dma_start3A_379] : memref<10000x128xf32, #tpu.memory_space<vmem_shared>> -> memref<10000x128xf32, #tpu.memory_space<vmem_shared>>
      %dma_start3A_381 = tpu.memref_slice %arg9[%dma_start3A_370] : memref<4x!tpu.dma_semaphore, #tpu.memory_space<semaphore_mem>> -> memref<1x!tpu.dma_semaphore, #tpu.memory_space<semaphore_mem>>
      %dma_start3A_382 = tpu.memref_squeeze %dma_start3A_381 : memref<1x!tpu.dma_semaphore, #tpu.memory_space<semaphore_mem>> -> memref<!tpu.dma_semaphore, #tpu.memory_space<semaphore_mem>>
      tpu.enqueue_indirect_dma source(%dma_start3A_380 : memref<10000x128xf32, #tpu.memory_space<vmem_shared>>) target(%dma_start3A_374 : memref<64x128xf32, #tpu.memory_space<vmem>>) offsets(%dma_start3A_377 : memref<64xi32, #tpu.memory_space<vmem>>) semaphore(%dma_start3A_382 : memref<!tpu.dma_semaphore, #tpu.memory_space<semaphore_mem>>)
      %dma_wait3A_383 = arith.constant 10 : i32
      %dma_wait3A_384 = arith.constant 2 : i32
      %dma_wait3A_385 = arith.constant 2 : i32
      %dma_wait3A_386 = arith.constant 0 : i32
      %dma_wait3A_387 = arith.constant 0 : i32
      %dma_wait3A_388 = tpu.memref_slice %arg7[%dma_wait3A_384, %dma_wait3A_386, %dma_wait3A_387] : memref<4x64x128xf32, #tpu.memory_space<vmem>> -> memref<1x64x128xf32, #tpu.memory_space<vmem>>
      %dma_wait3A_389 = tpu.memref_squeeze %dma_wait3A_388 : memref<1x64x128xf32, #tpu.memory_space<vmem>> -> memref<64x128xf32, #tpu.memory_space<vmem>>
      %dma_wait3A_390 = arith.constant 0 : i32
      %dma_wait3A_391 = tpu.memref_slice %arg5[%dma_wait3A_383, %dma_wait3A_390] : memref<16x64xi32, #tpu.memory_space<vmem>> -> memref<1x64xi32, #tpu.memory_space<vmem>>
      %dma_wait3A_392 = tpu.memref_squeeze %dma_wait3A_391 : memref<1x64xi32, #tpu.memory_space<vmem>> -> memref<64xi32, #tpu.memory_space<vmem>>
      %dma_wait3A_393 = arith.constant 0 : i32
      %dma_wait3A_394 = arith.constant 0 : i32
      %dma_wait3A_395 = tpu.memref_slice %arg10[%dma_wait3A_393, %dma_wait3A_394] : memref<10000x128xf32, #tpu.memory_space<vmem_shared>> -> memref<10000x128xf32, #tpu.memory_space<vmem_shared>>
      %dma_wait3A_396 = tpu.memref_slice %arg9[%dma_wait3A_385] : memref<4x!tpu.dma_semaphore, #tpu.memory_space<semaphore_mem>> -> memref<1x!tpu.dma_semaphore, #tpu.memory_space<semaphore_mem>>
      %dma_wait3A_397 = tpu.memref_squeeze %dma_wait3A_396 : memref<1x!tpu.dma_semaphore, #tpu.memory_space<semaphore_mem>> -> memref<!tpu.dma_semaphore, #tpu.memory_space<semaphore_mem>>
      tpu.wait_indirect_dma semaphore(%dma_wait3A_397 : memref<!tpu.dma_semaphore, #tpu.memory_space<semaphore_mem>>) src(%dma_wait3A_395 : memref<10000x128xf32, #tpu.memory_space<vmem_shared>>) dst(%dma_wait3A_389 : memref<64x128xf32, #tpu.memory_space<vmem>>)
      %dma_start3A_398 = arith.constant 14 : i32
      %dma_start3A_399 = arith.constant 2 : i32
      %dma_start3A_400 = arith.constant 2 : i32
      %dma_start3A_401 = arith.constant 0 : i32
      %dma_start3A_402 = arith.constant 0 : i32
      %dma_start3A_403 = tpu.memref_slice %arg7[%dma_start3A_399, %dma_start3A_401, %dma_start3A_402] : memref<4x64x128xf32, #tpu.memory_space<vmem>> -> memref<1x64x128xf32, #tpu.memory_space<vmem>>
      %dma_start3A_404 = tpu.memref_squeeze %dma_start3A_403 : memref<1x64x128xf32, #tpu.memory_space<vmem>> -> memref<64x128xf32, #tpu.memory_space<vmem>>
      %dma_start3A_405 = arith.constant 0 : i32
      %dma_start3A_406 = tpu.memref_slice %arg5[%dma_start3A_398, %dma_start3A_405] : memref<16x64xi32, #tpu.memory_space<vmem>> -> memref<1x64xi32, #tpu.memory_space<vmem>>
      %dma_start3A_407 = tpu.memref_squeeze %dma_start3A_406 : memref<1x64xi32, #tpu.memory_space<vmem>> -> memref<64xi32, #tpu.memory_space<vmem>>
      %dma_start3A_408 = arith.constant 0 : i32
      %dma_start3A_409 = arith.constant 0 : i32
      %dma_start3A_410 = tpu.memref_slice %arg10[%dma_start3A_408, %dma_start3A_409] : memref<10000x128xf32, #tpu.memory_space<vmem_shared>> -> memref<10000x128xf32, #tpu.memory_space<vmem_shared>>
      %dma_start3A_411 = tpu.memref_slice %arg9[%dma_start3A_400] : memref<4x!tpu.dma_semaphore, #tpu.memory_space<semaphore_mem>> -> memref<1x!tpu.dma_semaphore, #tpu.memory_space<semaphore_mem>>
      %dma_start3A_412 = tpu.memref_squeeze %dma_start3A_411 : memref<1x!tpu.dma_semaphore, #tpu.memory_space<semaphore_mem>> -> memref<!tpu.dma_semaphore, #tpu.memory_space<semaphore_mem>>
      tpu.enqueue_indirect_dma source(%dma_start3A_410 : memref<10000x128xf32, #tpu.memory_space<vmem_shared>>) target(%dma_start3A_404 : memref<64x128xf32, #tpu.memory_space<vmem>>) offsets(%dma_start3A_407 : memref<64xi32, #tpu.memory_space<vmem>>) semaphore(%dma_start3A_412 : memref<!tpu.dma_semaphore, #tpu.memory_space<semaphore_mem>>)
      %dma_wait3A_413 = arith.constant 11 : i32
      %dma_wait3A_414 = arith.constant 3 : i32
      %dma_wait3A_415 = arith.constant 3 : i32
      %dma_wait3A_416 = arith.constant 0 : i32
      %dma_wait3A_417 = arith.constant 0 : i32
      %dma_wait3A_418 = tpu.memref_slice %arg7[%dma_wait3A_414, %dma_wait3A_416, %dma_wait3A_417] : memref<4x64x128xf32, #tpu.memory_space<vmem>> -> memref<1x64x128xf32, #tpu.memory_space<vmem>>
      %dma_wait3A_419 = tpu.memref_squeeze %dma_wait3A_418 : memref<1x64x128xf32, #tpu.memory_space<vmem>> -> memref<64x128xf32, #tpu.memory_space<vmem>>
      %dma_wait3A_420 = arith.constant 0 : i32
      %dma_wait3A_421 = tpu.memref_slice %arg5[%dma_wait3A_413, %dma_wait3A_420] : memref<16x64xi32, #tpu.memory_space<vmem>> -> memref<1x64xi32, #tpu.memory_space<vmem>>
      %dma_wait3A_422 = tpu.memref_squeeze %dma_wait3A_421 : memref<1x64xi32, #tpu.memory_space<vmem>> -> memref<64xi32, #tpu.memory_space<vmem>>
      %dma_wait3A_423 = arith.constant 0 : i32
      %dma_wait3A_424 = arith.constant 0 : i32
      %dma_wait3A_425 = tpu.memref_slice %arg10[%dma_wait3A_423, %dma_wait3A_424] : memref<10000x128xf32, #tpu.memory_space<vmem_shared>> -> memref<10000x128xf32, #tpu.memory_space<vmem_shared>>
      %dma_wait3A_426 = tpu.memref_slice %arg9[%dma_wait3A_415] : memref<4x!tpu.dma_semaphore, #tpu.memory_space<semaphore_mem>> -> memref<1x!tpu.dma_semaphore, #tpu.memory_space<semaphore_mem>>
      %dma_wait3A_427 = tpu.memref_squeeze %dma_wait3A_426 : memref<1x!tpu.dma_semaphore, #tpu.memory_space<semaphore_mem>> -> memref<!tpu.dma_semaphore, #tpu.memory_space<semaphore_mem>>
      tpu.wait_indirect_dma semaphore(%dma_wait3A_427 : memref<!tpu.dma_semaphore, #tpu.memory_space<semaphore_mem>>) src(%dma_wait3A_425 : memref<10000x128xf32, #tpu.memory_space<vmem_shared>>) dst(%dma_wait3A_419 : memref<64x128xf32, #tpu.memory_space<vmem>>)
      %dma_start3A_428 = arith.constant 15 : i32
      %dma_start3A_429 = arith.constant 3 : i32
      %dma_start3A_430 = arith.constant 3 : i32
      %dma_start3A_431 = arith.constant 0 : i32
      %dma_start3A_432 = arith.constant 0 : i32
      %dma_start3A_433 = tpu.memref_slice %arg7[%dma_start3A_429, %dma_start3A_431, %dma_start3A_432] : memref<4x64x128xf32, #tpu.memory_space<vmem>> -> memref<1x64x128xf32, #tpu.memory_space<vmem>>
      %dma_start3A_434 = tpu.memref_squeeze %dma_start3A_433 : memref<1x64x128xf32, #tpu.memory_space<vmem>> -> memref<64x128xf32, #tpu.memory_space<vmem>>
      %dma_start3A_435 = arith.constant 0 : i32
      %dma_start3A_436 = tpu.memref_slice %arg5[%dma_start3A_428, %dma_start3A_435] : memref<16x64xi32, #tpu.memory_space<vmem>> -> memref<1x64xi32, #tpu.memory_space<vmem>>
      %dma_start3A_437 = tpu.memref_squeeze %dma_start3A_436 : memref<1x64xi32, #tpu.memory_space<vmem>> -> memref<64xi32, #tpu.memory_space<vmem>>
      %dma_start3A_438 = arith.constant 0 : i32
      %dma_start3A_439 = arith.constant 0 : i32
      %dma_start3A_440 = tpu.memref_slice %arg10[%dma_start3A_438, %dma_start3A_439] : memref<10000x128xf32, #tpu.memory_space<vmem_shared>> -> memref<10000x128xf32, #tpu.memory_space<vmem_shared>>
      %dma_start3A_441 = tpu.memref_slice %arg9[%dma_start3A_430] : memref<4x!tpu.dma_semaphore, #tpu.memory_space<semaphore_mem>> -> memref<1x!tpu.dma_semaphore, #tpu.memory_space<semaphore_mem>>
      %dma_start3A_442 = tpu.memref_squeeze %dma_start3A_441 : memref<1x!tpu.dma_semaphore, #tpu.memory_space<semaphore_mem>> -> memref<!tpu.dma_semaphore, #tpu.memory_space<semaphore_mem>>
      tpu.enqueue_indirect_dma source(%dma_start3A_440 : memref<10000x128xf32, #tpu.memory_space<vmem_shared>>) target(%dma_start3A_434 : memref<64x128xf32, #tpu.memory_space<vmem>>) offsets(%dma_start3A_437 : memref<64xi32, #tpu.memory_space<vmem>>) semaphore(%dma_start3A_442 : memref<!tpu.dma_semaphore, #tpu.memory_space<semaphore_mem>>)
      %dma_wait3A_443 = arith.constant 12 : i32
      %dma_wait3A_444 = arith.constant 0 : i32
      %dma_wait3A_445 = arith.constant 0 : i32
      %dma_wait3A_446 = arith.constant 0 : i32
      %dma_wait3A_447 = arith.constant 0 : i32
      %dma_wait3A_448 = tpu.memref_slice %arg7[%dma_wait3A_444, %dma_wait3A_446, %dma_wait3A_447] : memref<4x64x128xf32, #tpu.memory_space<vmem>> -> memref<1x64x128xf32, #tpu.memory_space<vmem>>
      %dma_wait3A_449 = tpu.memref_squeeze %dma_wait3A_448 : memref<1x64x128xf32, #tpu.memory_space<vmem>> -> memref<64x128xf32, #tpu.memory_space<vmem>>
      %dma_wait3A_450 = arith.constant 0 : i32
      %dma_wait3A_451 = tpu.memref_slice %arg5[%dma_wait3A_443, %dma_wait3A_450] : memref<16x64xi32, #tpu.memory_space<vmem>> -> memref<1x64xi32, #tpu.memory_space<vmem>>
      %dma_wait3A_452 = tpu.memref_squeeze %dma_wait3A_451 : memref<1x64xi32, #tpu.memory_space<vmem>> -> memref<64xi32, #tpu.memory_space<vmem>>
      %dma_wait3A_453 = arith.constant 0 : i32
      %dma_wait3A_454 = arith.constant 0 : i32
      %dma_wait3A_455 = tpu.memref_slice %arg10[%dma_wait3A_453, %dma_wait3A_454] : memref<10000x128xf32, #tpu.memory_space<vmem_shared>> -> memref<10000x128xf32, #tpu.memory_space<vmem_shared>>
      %dma_wait3A_456 = tpu.memref_slice %arg9[%dma_wait3A_445] : memref<4x!tpu.dma_semaphore, #tpu.memory_space<semaphore_mem>> -> memref<1x!tpu.dma_semaphore, #tpu.memory_space<semaphore_mem>>
      %dma_wait3A_457 = tpu.memref_squeeze %dma_wait3A_456 : memref<1x!tpu.dma_semaphore, #tpu.memory_space<semaphore_mem>> -> memref<!tpu.dma_semaphore, #tpu.memory_space<semaphore_mem>>
      tpu.wait_indirect_dma semaphore(%dma_wait3A_457 : memref<!tpu.dma_semaphore, #tpu.memory_space<semaphore_mem>>) src(%dma_wait3A_455 : memref<10000x128xf32, #tpu.memory_space<vmem_shared>>) dst(%dma_wait3A_449 : memref<64x128xf32, #tpu.memory_space<vmem>>)
      %dma_wait3A_458 = arith.constant 13 : i32
      %dma_wait3A_459 = arith.constant 1 : i32
      %dma_wait3A_460 = arith.constant 1 : i32
      %dma_wait3A_461 = arith.constant 0 : i32
      %dma_wait3A_462 = arith.constant 0 : i32
      %dma_wait3A_463 = tpu.memref_slice %arg7[%dma_wait3A_459, %dma_wait3A_461, %dma_wait3A_462] : memref<4x64x128xf32, #tpu.memory_space<vmem>> -> memref<1x64x128xf32, #tpu.memory_space<vmem>>
      %dma_wait3A_464 = tpu.memref_squeeze %dma_wait3A_463 : memref<1x64x128xf32, #tpu.memory_space<vmem>> -> memref<64x128xf32, #tpu.memory_space<vmem>>
      %dma_wait3A_465 = arith.constant 0 : i32
      %dma_wait3A_466 = tpu.memref_slice %arg5[%dma_wait3A_458, %dma_wait3A_465] : memref<16x64xi32, #tpu.memory_space<vmem>> -> memref<1x64xi32, #tpu.memory_space<vmem>>
      %dma_wait3A_467 = tpu.memref_squeeze %dma_wait3A_466 : memref<1x64xi32, #tpu.memory_space<vmem>> -> memref<64xi32, #tpu.memory_space<vmem>>
      %dma_wait3A_468 = arith.constant 0 : i32
      %dma_wait3A_469 = arith.constant 0 : i32
      %dma_wait3A_470 = tpu.memref_slice %arg10[%dma_wait3A_468, %dma_wait3A_469] : memref<10000x128xf32, #tpu.memory_space<vmem_shared>> -> memref<10000x128xf32, #tpu.memory_space<vmem_shared>>
      %dma_wait3A_471 = tpu.memref_slice %arg9[%dma_wait3A_460] : memref<4x!tpu.dma_semaphore, #tpu.memory_space<semaphore_mem>> -> memref<1x!tpu.dma_semaphore, #tpu.memory_space<semaphore_mem>>
      %dma_wait3A_472 = tpu.memref_squeeze %dma_wait3A_471 : memref<1x!tpu.dma_semaphore, #tpu.memory_space<semaphore_mem>> -> memref<!tpu.dma_semaphore, #tpu.memory_space<semaphore_mem>>
      tpu.wait_indirect_dma semaphore(%dma_wait3A_472 : memref<!tpu.dma_semaphore, #tpu.memory_space<semaphore_mem>>) src(%dma_wait3A_470 : memref<10000x128xf32, #tpu.memory_space<vmem_shared>>) dst(%dma_wait3A_464 : memref<64x128xf32, #tpu.memory_space<vmem>>)
      %dma_wait3A_473 = arith.constant 14 : i32
      %dma_wait3A_474 = arith.constant 2 : i32
      %dma_wait3A_475 = arith.constant 2 : i32
      %dma_wait3A_476 = arith.constant 0 : i32
      %dma_wait3A_477 = arith.constant 0 : i32
      %dma_wait3A_478 = tpu.memref_slice %arg7[%dma_wait3A_474, %dma_wait3A_476, %dma_wait3A_477] : memref<4x64x128xf32, #tpu.memory_space<vmem>> -> memref<1x64x128xf32, #tpu.memory_space<vmem>>
      %dma_wait3A_479 = tpu.memref_squeeze %dma_wait3A_478 : memref<1x64x128xf32, #tpu.memory_space<vmem>> -> memref<64x128xf32, #tpu.memory_space<vmem>>
      %dma_wait3A_480 = arith.constant 0 : i32
      %dma_wait3A_481 = tpu.memref_slice %arg5[%dma_wait3A_473, %dma_wait3A_480] : memref<16x64xi32, #tpu.memory_space<vmem>> -> memref<1x64xi32, #tpu.memory_space<vmem>>
      %dma_wait3A_482 = tpu.memref_squeeze %dma_wait3A_481 : memref<1x64xi32, #tpu.memory_space<vmem>> -> memref<64xi32, #tpu.memory_space<vmem>>
      %dma_wait3A_483 = arith.constant 0 : i32
      %dma_wait3A_484 = arith.constant 0 : i32
      %dma_wait3A_485 = tpu.memref_slice %arg10[%dma_wait3A_483, %dma_wait3A_484] : memref<10000x128xf32, #tpu.memory_space<vmem_shared>> -> memref<10000x128xf32, #tpu.memory_space<vmem_shared>>
      %dma_wait3A_486 = tpu.memref_slice %arg9[%dma_wait3A_475] : memref<4x!tpu.dma_semaphore, #tpu.memory_space<semaphore_mem>> -> memref<1x!tpu.dma_semaphore, #tpu.memory_space<semaphore_mem>>
      %dma_wait3A_487 = tpu.memref_squeeze %dma_wait3A_486 : memref<1x!tpu.dma_semaphore, #tpu.memory_space<semaphore_mem>> -> memref<!tpu.dma_semaphore, #tpu.memory_space<semaphore_mem>>
      tpu.wait_indirect_dma semaphore(%dma_wait3A_487 : memref<!tpu.dma_semaphore, #tpu.memory_space<semaphore_mem>>) src(%dma_wait3A_485 : memref<10000x128xf32, #tpu.memory_space<vmem_shared>>) dst(%dma_wait3A_479 : memref<64x128xf32, #tpu.memory_space<vmem>>)
      %dma_wait3A_488 = arith.constant 15 : i32
      %dma_wait3A_489 = arith.constant 3 : i32
      %dma_wait3A_490 = arith.constant 3 : i32
      %dma_wait3A_491 = arith.constant 0 : i32
      %dma_wait3A_492 = arith.constant 0 : i32
      %dma_wait3A_493 = tpu.memref_slice %arg7[%dma_wait3A_489, %dma_wait3A_491, %dma_wait3A_492] : memref<4x64x128xf32, #tpu.memory_space<vmem>> -> memref<1x64x128xf32, #tpu.memory_space<vmem>>
      %dma_wait3A_494 = tpu.memref_squeeze %dma_wait3A_493 : memref<1x64x128xf32, #tpu.memory_space<vmem>> -> memref<64x128xf32, #tpu.memory_space<vmem>>
      %dma_wait3A_495 = arith.constant 0 : i32
      %dma_wait3A_496 = tpu.memref_slice %arg5[%dma_wait3A_488, %dma_wait3A_495] : memref<16x64xi32, #tpu.memory_space<vmem>> -> memref<1x64xi32, #tpu.memory_space<vmem>>
      %dma_wait3A_497 = tpu.memref_squeeze %dma_wait3A_496 : memref<1x64xi32, #tpu.memory_space<vmem>> -> memref<64xi32, #tpu.memory_space<vmem>>
      %dma_wait3A_498 = arith.constant 0 : i32
      %dma_wait3A_499 = arith.constant 0 : i32
      %dma_wait3A_500 = tpu.memref_slice %arg10[%dma_wait3A_498, %dma_wait3A_499] : memref<10000x128xf32, #tpu.memory_space<vmem_shared>> -> memref<10000x128xf32, #tpu.memory_space<vmem_shared>>
      %dma_wait3A_501 = tpu.memref_slice %arg9[%dma_wait3A_490] : memref<4x!tpu.dma_semaphore, #tpu.memory_space<semaphore_mem>> -> memref<1x!tpu.dma_semaphore, #tpu.memory_space<semaphore_mem>>
      %dma_wait3A_502 = tpu.memref_squeeze %dma_wait3A_501 : memref<1x!tpu.dma_semaphore, #tpu.memory_space<semaphore_mem>> -> memref<!tpu.dma_semaphore, #tpu.memory_space<semaphore_mem>>
      tpu.wait_indirect_dma semaphore(%dma_wait3A_502 : memref<!tpu.dma_semaphore, #tpu.memory_space<semaphore_mem>>) src(%dma_wait3A_500 : memref<10000x128xf32, #tpu.memory_space<vmem_shared>>) dst(%dma_wait3A_494 : memref<64x128xf32, #tpu.memory_space<vmem>>)
    }
    %scan3A_13 = arith.constant 10 : i32
    %barrier3A_14 = arith.constant 0 : index
    tpu.barrier barrier_id(%barrier3A_14)
    %mul3A_15 = arith.constant 16 : i32
    %mul3A_16 = arith.muli %add3A, %mul3A_15 : i32
    %run_scoped3A = arith.constant 0 : i32
    "tpu.region"() ({
      %run_scoped3A_17 = tpu.sem_alloc : memref<!tpu.dma_semaphore, #tpu.memory_space<semaphore_mem>>
      %dma_start3A = arith.constant 0 : i32
      %dma_start3A_18 = arith.constant 0 : i32
      %dma_start3A_19 = tpu.memref_slice %arg7[%run_scoped3A, %dma_start3A, %dma_start3A_18] : memref<4x64x128xf32, #tpu.memory_space<vmem>> -> memref<1x64x128xf32, #tpu.memory_space<vmem>>
      %dma_start3A_20 = tpu.memref_squeeze %dma_start3A_19 : memref<1x64x128xf32, #tpu.memory_space<vmem>> -> memref<64x128xf32, #tpu.memory_space<vmem>>
      %dma_start3A_21 = arith.constant 0 : i32
      %dma_start3A_22 = arith.constant 0 : i32
      %dma_start3A_23 = tpu.memref_slice %dma_start3A_20[%dma_start3A_21, %dma_start3A_22] : memref<64x128xf32, #tpu.memory_space<vmem>> -> memref<16x128xf32, #tpu.memory_space<vmem>>
      %dma_start3A_24 = arith.constant 0 : i32
      %dma_start3A_25 = tpu.memref_slice %arg4[%mul3A_16, %dma_start3A_24] : memref<20000x128xf32, #tpu.memory_space<hbm>> -> memref<16x128xf32, #tpu.memory_space<hbm>>
      %dma_start3A_26 = arith.constant 0 : i32
      %dma_start3A_27 = tpu.memref_slice %arg4[%mul3A_16, %dma_start3A_26] : memref<20000x128xf32, #tpu.memory_space<hbm>> -> memref<16x128xf32, #tpu.memory_space<hbm>>
      %dma_start3A_28 = arith.constant 0 : i32
      %dma_start3A_29 = arith.constant 0 : i32
      %dma_start3A_30 = tpu.memref_slice %arg7[%run_scoped3A, %dma_start3A_28, %dma_start3A_29] : memref<4x64x128xf32, #tpu.memory_space<vmem>> -> memref<1x64x128xf32, #tpu.memory_space<vmem>>
      %dma_start3A_31 = tpu.memref_squeeze %dma_start3A_30 : memref<1x64x128xf32, #tpu.memory_space<vmem>> -> memref<64x128xf32, #tpu.memory_space<vmem>>
      %dma_start3A_32 = arith.constant 0 : i32
      %dma_start3A_33 = arith.constant 0 : i32
      %dma_start3A_34 = tpu.memref_slice %dma_start3A_31[%dma_start3A_32, %dma_start3A_33] : memref<64x128xf32, #tpu.memory_space<vmem>> -> memref<16x128xf32, #tpu.memory_space<vmem>>
      tpu.enqueue_dma source(%dma_start3A_34 : memref<16x128xf32, #tpu.memory_space<vmem>>) target(%dma_start3A_27 : memref<16x128xf32, #tpu.memory_space<hbm>>) target_semaphore(%run_scoped3A_17 : memref<!tpu.dma_semaphore, #tpu.memory_space<semaphore_mem>>)
      %dma_wait3A = arith.constant 0 : i32
      %dma_wait3A_35 = arith.constant 0 : i32
      %dma_wait3A_36 = tpu.memref_slice %arg7[%run_scoped3A, %dma_wait3A, %dma_wait3A_35] : memref<4x64x128xf32, #tpu.memory_space<vmem>> -> memref<1x64x128xf32, #tpu.memory_space<vmem>>
      %dma_wait3A_37 = tpu.memref_squeeze %dma_wait3A_36 : memref<1x64x128xf32, #tpu.memory_space<vmem>> -> memref<64x128xf32, #tpu.memory_space<vmem>>
      %dma_wait3A_38 = arith.constant 0 : i32
      %dma_wait3A_39 = arith.constant 0 : i32
      %dma_wait3A_40 = tpu.memref_slice %dma_wait3A_37[%dma_wait3A_38, %dma_wait3A_39] : memref<64x128xf32, #tpu.memory_space<vmem>> -> memref<16x128xf32, #tpu.memory_space<vmem>>
      %dma_wait3A_41 = arith.constant 0 : i32
      %dma_wait3A_42 = tpu.memref_slice %arg4[%mul3A_16, %dma_wait3A_41] : memref<20000x128xf32, #tpu.memory_space<hbm>> -> memref<16x128xf32, #tpu.memory_space<hbm>>
      %dma_wait3A_43 = arith.constant 0 : i32
      %dma_wait3A_44 = tpu.memref_slice %arg4[%mul3A_16, %dma_wait3A_43] : memref<20000x128xf32, #tpu.memory_space<hbm>> -> memref<16x128xf32, #tpu.memory_space<hbm>>
      %dma_wait3A_45 = arith.constant 0 : i32
      %dma_wait3A_46 = arith.constant 0 : i32
      %dma_wait3A_47 = tpu.memref_slice %arg7[%run_scoped3A, %dma_wait3A_45, %dma_wait3A_46] : memref<4x64x128xf32, #tpu.memory_space<vmem>> -> memref<1x64x128xf32, #tpu.memory_space<vmem>>
      %dma_wait3A_48 = tpu.memref_squeeze %dma_wait3A_47 : memref<1x64x128xf32, #tpu.memory_space<vmem>> -> memref<64x128xf32, #tpu.memory_space<vmem>>
      %dma_wait3A_49 = arith.constant 0 : i32
      %dma_wait3A_50 = arith.constant 0 : i32
      %dma_wait3A_51 = tpu.memref_slice %dma_wait3A_48[%dma_wait3A_49, %dma_wait3A_50] : memref<64x128xf32, #tpu.memory_space<vmem>> -> memref<16x128xf32, #tpu.memory_space<vmem>>
      tpu.wait_dma2 semaphore(%run_scoped3A_17 : memref<!tpu.dma_semaphore, #tpu.memory_space<semaphore_mem>>) src(%dma_wait3A_51 : memref<16x128xf32, #tpu.memory_space<vmem>>) dst(%dma_wait3A_44 : memref<16x128xf32, #tpu.memory_space<hbm>>)
      tpu.yield
    }) : () -> ()
    return
  }
}

module attributes {stable_mosaic.version = 14 : i64} {
  func.func @_tc1_body(%arg0: i32, %arg1: memref<1000x256xf32, #tpu.memory_space<vmem>>, %arg2: memref<256x128xf32, #tpu.memory_space<vmem>>, %arg3: memref<1x128xf32, #tpu.memory_space<vmem>>, %arg4: memref<1000x128xf32, #tpu.memory_space<vmem>>) attributes {dimension_semantics = [#tpu.dimension_semantics<arbitrary>], iteration_bounds = array<i64: 10>, scalar_prefetch = 0 : i64, scratch_operands = 0 : i64, tpu.core_type = #tpu.core_type<tc>, window_params = [{transform_indices = @transform_0, window_bounds = array<i64: 1000, 256>}, {pipeline_mode = #tpu.pipeline_mode<synchronous>, transform_indices = @transform_1, window_bounds = array<i64: 256, 128>}, {pipeline_mode = #tpu.pipeline_mode<synchronous>, transform_indices = @transform_2, window_bounds = array<i64: 1, 128>}, {transform_indices = @transform_3, window_bounds = array<i64: 1000, 128>}]} {
    %get3A = arith.constant 0 : index
    %get3A_0 = arith.constant 0 : index
    %get3A_1 = vector.load %arg1[%get3A, %get3A_0] : memref<1000x256xf32, #tpu.memory_space<vmem>>, vector<1000x256xf32>
    %get3A_2 = arith.constant 0 : index
    %get3A_3 = arith.constant 0 : index
    %get3A_4 = vector.load %arg2[%get3A_2, %get3A_3] : memref<256x128xf32, #tpu.memory_space<vmem>>, vector<256x128xf32>
    %dot_general3A = arith.constant dense<0.000000e+00> : vector<1000x128xf32>
    %dot_general3A_5 = tpu.matmul %get3A_1, %get3A_4, %dot_general3A {dimension_numbers = #tpu.dot_dimension_numbers<[1], [0], [0], [1], [0, 0, 1, 1], [], []>, transpose_lhs_hint = false} : vector<1000x256xf32>, vector<256x128xf32>, vector<1000x128xf32> -> vector<1000x128xf32>
    %get3A_6 = arith.constant 0 : index
    %get3A_7 = arith.constant 0 : index
    %get3A_8 = vector.load %arg3[%get3A_6, %get3A_7] : memref<1x128xf32, #tpu.memory_space<vmem>>, vector<1x128xf32>
    %add3A = vector.broadcast %get3A_8 : vector<1x128xf32> to vector<1000x128xf32>
    %add3A_9 = arith.addf %dot_general3A_5, %add3A : vector<1000x128xf32>
    %bitcast_convert_type3A = tpu.bitcast %add3A_9 : vector<1000x128xf32> -> vector<1000x128xi32>
    %shift_right_arithmetic3A = arith.constant 31 : i32
    %shift_right_arithmetic3A_10 = vector.broadcast %shift_right_arithmetic3A : i32 to vector<1000x128xi32>
    %shift_right_arithmetic3A_11 = arith.shrsi %bitcast_convert_type3A, %shift_right_arithmetic3A_10 : vector<1000x128xi32>
    %and3A = arith.constant 2147483647 : i32
    %and3A_12 = vector.broadcast %and3A : i32 to vector<1000x128xi32>
    %and3A_13 = arith.andi %shift_right_arithmetic3A_11, %and3A_12 : vector<1000x128xi32>
    %xor3A = arith.xori %bitcast_convert_type3A, %and3A_13 : vector<1000x128xi32>
    %broadcast_in_dim3A = arith.constant 0 : i32
    %broadcast_in_dim3A_14 = vector.broadcast %broadcast_in_dim3A : i32 to vector<1000x1xi32>
    %or3A = arith.constant -2147483648 : i32
    %or3A_15 = vector.broadcast %or3A : i32 to vector<1000x1xi32>
    %or3A_16 = arith.ori %broadcast_in_dim3A_14, %or3A_15 : vector<1000x1xi32>
    %xor3A_17 = arith.constant -2147483648 : i32
    %xor3A_18 = vector.broadcast %xor3A_17 : i32 to vector<1000x1xi32>
    %xor3A_19 = arith.xori %or3A_16, %xor3A_18 : vector<1000x1xi32>
    %ge3A = vector.broadcast %xor3A_19 : vector<1000x1xi32> to vector<1000x128xi32>
    %ge3A_20 = arith.cmpi sge, %xor3A, %ge3A : vector<1000x128xi32>
    %convert_element_type3A = arith.extui %ge3A_20 : vector<1000x128xi1> to vector<1000x128xi32>
    %reduce_sum3A = arith.constant dense<0> : vector<1000xi32>
    %reduce_sum3A_21 = vector.multi_reduction <add>, %convert_element_type3A, %reduce_sum3A [1] : vector<1000x128xi32> to vector<1000xi32>
    %broadcast_in_dim3A_22 = vector.shape_cast %reduce_sum3A_21 : vector<1000xi32> to vector<1000x1xi32>
    %ge3A_23 = arith.constant 38 : i32
    %ge3A_24 = vector.broadcast %ge3A_23 : i32 to vector<1000x1xi32>
    %ge3A_25 = arith.cmpi sge, %broadcast_in_dim3A_22, %ge3A_24 : vector<1000x1xi32>
    %select_n3A = arith.select %ge3A_25, %or3A_16, %broadcast_in_dim3A_14 : vector<1000x1xi1>, vector<1000x1xi32>
    %or3A_26 = arith.constant 1073741824 : i32
    %or3A_27 = vector.broadcast %or3A_26 : i32 to vector<1000x1xi32>
    %or3A_28 = arith.ori %select_n3A, %or3A_27 : vector<1000x1xi32>
    %xor3A_29 = arith.constant -2147483648 : i32
    %xor3A_30 = vector.broadcast %xor3A_29 : i32 to vector<1000x1xi32>
    %xor3A_31 = arith.xori %or3A_28, %xor3A_30 : vector<1000x1xi32>
    %ge3A_32 = vector.broadcast %xor3A_31 : vector<1000x1xi32> to vector<1000x128xi32>
    %ge3A_33 = arith.cmpi sge, %xor3A, %ge3A_32 : vector<1000x128xi32>
    %convert_element_type3A_34 = arith.extui %ge3A_33 : vector<1000x128xi1> to vector<1000x128xi32>
    %reduce_sum3A_35 = arith.constant dense<0> : vector<1000xi32>
    %reduce_sum3A_36 = vector.multi_reduction <add>, %convert_element_type3A_34, %reduce_sum3A_35 [1] : vector<1000x128xi32> to vector<1000xi32>
    %broadcast_in_dim3A_37 = vector.shape_cast %reduce_sum3A_36 : vector<1000xi32> to vector<1000x1xi32>
    %ge3A_38 = arith.constant 38 : i32
    %ge3A_39 = vector.broadcast %ge3A_38 : i32 to vector<1000x1xi32>
    %ge3A_40 = arith.cmpi sge, %broadcast_in_dim3A_37, %ge3A_39 : vector<1000x1xi32>
    %select_n3A_41 = arith.select %ge3A_40, %or3A_28, %select_n3A : vector<1000x1xi1>, vector<1000x1xi32>
    %or3A_42 = arith.constant 536870912 : i32
    %or3A_43 = vector.broadcast %or3A_42 : i32 to vector<1000x1xi32>
    %or3A_44 = arith.ori %select_n3A_41, %or3A_43 : vector<1000x1xi32>
    %xor3A_45 = arith.constant -2147483648 : i32
    %xor3A_46 = vector.broadcast %xor3A_45 : i32 to vector<1000x1xi32>
    %xor3A_47 = arith.xori %or3A_44, %xor3A_46 : vector<1000x1xi32>
    %ge3A_48 = vector.broadcast %xor3A_47 : vector<1000x1xi32> to vector<1000x128xi32>
    %ge3A_49 = arith.cmpi sge, %xor3A, %ge3A_48 : vector<1000x128xi32>
    %convert_element_type3A_50 = arith.extui %ge3A_49 : vector<1000x128xi1> to vector<1000x128xi32>
    %reduce_sum3A_51 = arith.constant dense<0> : vector<1000xi32>
    %reduce_sum3A_52 = vector.multi_reduction <add>, %convert_element_type3A_50, %reduce_sum3A_51 [1] : vector<1000x128xi32> to vector<1000xi32>
    %broadcast_in_dim3A_53 = vector.shape_cast %reduce_sum3A_52 : vector<1000xi32> to vector<1000x1xi32>
    %ge3A_54 = arith.constant 38 : i32
    %ge3A_55 = vector.broadcast %ge3A_54 : i32 to vector<1000x1xi32>
    %ge3A_56 = arith.cmpi sge, %broadcast_in_dim3A_53, %ge3A_55 : vector<1000x1xi32>
    %select_n3A_57 = arith.select %ge3A_56, %or3A_44, %select_n3A_41 : vector<1000x1xi1>, vector<1000x1xi32>
    %or3A_58 = arith.constant 268435456 : i32
    %or3A_59 = vector.broadcast %or3A_58 : i32 to vector<1000x1xi32>
    %or3A_60 = arith.ori %select_n3A_57, %or3A_59 : vector<1000x1xi32>
    %xor3A_61 = arith.constant -2147483648 : i32
    %xor3A_62 = vector.broadcast %xor3A_61 : i32 to vector<1000x1xi32>
    %xor3A_63 = arith.xori %or3A_60, %xor3A_62 : vector<1000x1xi32>
    %ge3A_64 = vector.broadcast %xor3A_63 : vector<1000x1xi32> to vector<1000x128xi32>
    %ge3A_65 = arith.cmpi sge, %xor3A, %ge3A_64 : vector<1000x128xi32>
    %convert_element_type3A_66 = arith.extui %ge3A_65 : vector<1000x128xi1> to vector<1000x128xi32>
    %reduce_sum3A_67 = arith.constant dense<0> : vector<1000xi32>
    %reduce_sum3A_68 = vector.multi_reduction <add>, %convert_element_type3A_66, %reduce_sum3A_67 [1] : vector<1000x128xi32> to vector<1000xi32>
    %broadcast_in_dim3A_69 = vector.shape_cast %reduce_sum3A_68 : vector<1000xi32> to vector<1000x1xi32>
    %ge3A_70 = arith.constant 38 : i32
    %ge3A_71 = vector.broadcast %ge3A_70 : i32 to vector<1000x1xi32>
    %ge3A_72 = arith.cmpi sge, %broadcast_in_dim3A_69, %ge3A_71 : vector<1000x1xi32>
    %select_n3A_73 = arith.select %ge3A_72, %or3A_60, %select_n3A_57 : vector<1000x1xi1>, vector<1000x1xi32>
    %or3A_74 = arith.constant 134217728 : i32
    %or3A_75 = vector.broadcast %or3A_74 : i32 to vector<1000x1xi32>
    %or3A_76 = arith.ori %select_n3A_73, %or3A_75 : vector<1000x1xi32>
    %xor3A_77 = arith.constant -2147483648 : i32
    %xor3A_78 = vector.broadcast %xor3A_77 : i32 to vector<1000x1xi32>
    %xor3A_79 = arith.xori %or3A_76, %xor3A_78 : vector<1000x1xi32>
    %ge3A_80 = vector.broadcast %xor3A_79 : vector<1000x1xi32> to vector<1000x128xi32>
    %ge3A_81 = arith.cmpi sge, %xor3A, %ge3A_80 : vector<1000x128xi32>
    %convert_element_type3A_82 = arith.extui %ge3A_81 : vector<1000x128xi1> to vector<1000x128xi32>
    %reduce_sum3A_83 = arith.constant dense<0> : vector<1000xi32>
    %reduce_sum3A_84 = vector.multi_reduction <add>, %convert_element_type3A_82, %reduce_sum3A_83 [1] : vector<1000x128xi32> to vector<1000xi32>
    %broadcast_in_dim3A_85 = vector.shape_cast %reduce_sum3A_84 : vector<1000xi32> to vector<1000x1xi32>
    %ge3A_86 = arith.constant 38 : i32
    %ge3A_87 = vector.broadcast %ge3A_86 : i32 to vector<1000x1xi32>
    %ge3A_88 = arith.cmpi sge, %broadcast_in_dim3A_85, %ge3A_87 : vector<1000x1xi32>
    %select_n3A_89 = arith.select %ge3A_88, %or3A_76, %select_n3A_73 : vector<1000x1xi1>, vector<1000x1xi32>
    %or3A_90 = arith.constant 67108864 : i32
    %or3A_91 = vector.broadcast %or3A_90 : i32 to vector<1000x1xi32>
    %or3A_92 = arith.ori %select_n3A_89, %or3A_91 : vector<1000x1xi32>
    %xor3A_93 = arith.constant -2147483648 : i32
    %xor3A_94 = vector.broadcast %xor3A_93 : i32 to vector<1000x1xi32>
    %xor3A_95 = arith.xori %or3A_92, %xor3A_94 : vector<1000x1xi32>
    %ge3A_96 = vector.broadcast %xor3A_95 : vector<1000x1xi32> to vector<1000x128xi32>
    %ge3A_97 = arith.cmpi sge, %xor3A, %ge3A_96 : vector<1000x128xi32>
    %convert_element_type3A_98 = arith.extui %ge3A_97 : vector<1000x128xi1> to vector<1000x128xi32>
    %reduce_sum3A_99 = arith.constant dense<0> : vector<1000xi32>
    %reduce_sum3A_100 = vector.multi_reduction <add>, %convert_element_type3A_98, %reduce_sum3A_99 [1] : vector<1000x128xi32> to vector<1000xi32>
    %broadcast_in_dim3A_101 = vector.shape_cast %reduce_sum3A_100 : vector<1000xi32> to vector<1000x1xi32>
    %ge3A_102 = arith.constant 38 : i32
    %ge3A_103 = vector.broadcast %ge3A_102 : i32 to vector<1000x1xi32>
    %ge3A_104 = arith.cmpi sge, %broadcast_in_dim3A_101, %ge3A_103 : vector<1000x1xi32>
    %select_n3A_105 = arith.select %ge3A_104, %or3A_92, %select_n3A_89 : vector<1000x1xi1>, vector<1000x1xi32>
    %or3A_106 = arith.constant 33554432 : i32
    %or3A_107 = vector.broadcast %or3A_106 : i32 to vector<1000x1xi32>
    %or3A_108 = arith.ori %select_n3A_105, %or3A_107 : vector<1000x1xi32>
    %xor3A_109 = arith.constant -2147483648 : i32
    %xor3A_110 = vector.broadcast %xor3A_109 : i32 to vector<1000x1xi32>
    %xor3A_111 = arith.xori %or3A_108, %xor3A_110 : vector<1000x1xi32>
    %ge3A_112 = vector.broadcast %xor3A_111 : vector<1000x1xi32> to vector<1000x128xi32>
    %ge3A_113 = arith.cmpi sge, %xor3A, %ge3A_112 : vector<1000x128xi32>
    %convert_element_type3A_114 = arith.extui %ge3A_113 : vector<1000x128xi1> to vector<1000x128xi32>
    %reduce_sum3A_115 = arith.constant dense<0> : vector<1000xi32>
    %reduce_sum3A_116 = vector.multi_reduction <add>, %convert_element_type3A_114, %reduce_sum3A_115 [1] : vector<1000x128xi32> to vector<1000xi32>
    %broadcast_in_dim3A_117 = vector.shape_cast %reduce_sum3A_116 : vector<1000xi32> to vector<1000x1xi32>
    %ge3A_118 = arith.constant 38 : i32
    %ge3A_119 = vector.broadcast %ge3A_118 : i32 to vector<1000x1xi32>
    %ge3A_120 = arith.cmpi sge, %broadcast_in_dim3A_117, %ge3A_119 : vector<1000x1xi32>
    %select_n3A_121 = arith.select %ge3A_120, %or3A_108, %select_n3A_105 : vector<1000x1xi1>, vector<1000x1xi32>
    %or3A_122 = arith.constant 16777216 : i32
    %or3A_123 = vector.broadcast %or3A_122 : i32 to vector<1000x1xi32>
    %or3A_124 = arith.ori %select_n3A_121, %or3A_123 : vector<1000x1xi32>
    %xor3A_125 = arith.constant -2147483648 : i32
    %xor3A_126 = vector.broadcast %xor3A_125 : i32 to vector<1000x1xi32>
    %xor3A_127 = arith.xori %or3A_124, %xor3A_126 : vector<1000x1xi32>
    %ge3A_128 = vector.broadcast %xor3A_127 : vector<1000x1xi32> to vector<1000x128xi32>
    %ge3A_129 = arith.cmpi sge, %xor3A, %ge3A_128 : vector<1000x128xi32>
    %convert_element_type3A_130 = arith.extui %ge3A_129 : vector<1000x128xi1> to vector<1000x128xi32>
    %reduce_sum3A_131 = arith.constant dense<0> : vector<1000xi32>
    %reduce_sum3A_132 = vector.multi_reduction <add>, %convert_element_type3A_130, %reduce_sum3A_131 [1] : vector<1000x128xi32> to vector<1000xi32>
    %broadcast_in_dim3A_133 = vector.shape_cast %reduce_sum3A_132 : vector<1000xi32> to vector<1000x1xi32>
    %ge3A_134 = arith.constant 38 : i32
    %ge3A_135 = vector.broadcast %ge3A_134 : i32 to vector<1000x1xi32>
    %ge3A_136 = arith.cmpi sge, %broadcast_in_dim3A_133, %ge3A_135 : vector<1000x1xi32>
    %select_n3A_137 = arith.select %ge3A_136, %or3A_124, %select_n3A_121 : vector<1000x1xi1>, vector<1000x1xi32>
    %or3A_138 = arith.constant 8388608 : i32
    %or3A_139 = vector.broadcast %or3A_138 : i32 to vector<1000x1xi32>
    %or3A_140 = arith.ori %select_n3A_137, %or3A_139 : vector<1000x1xi32>
    %xor3A_141 = arith.constant -2147483648 : i32
    %xor3A_142 = vector.broadcast %xor3A_141 : i32 to vector<1000x1xi32>
    %xor3A_143 = arith.xori %or3A_140, %xor3A_142 : vector<1000x1xi32>
    %ge3A_144 = vector.broadcast %xor3A_143 : vector<1000x1xi32> to vector<1000x128xi32>
    %ge3A_145 = arith.cmpi sge, %xor3A, %ge3A_144 : vector<1000x128xi32>
    %convert_element_type3A_146 = arith.extui %ge3A_145 : vector<1000x128xi1> to vector<1000x128xi32>
    %reduce_sum3A_147 = arith.constant dense<0> : vector<1000xi32>
    %reduce_sum3A_148 = vector.multi_reduction <add>, %convert_element_type3A_146, %reduce_sum3A_147 [1] : vector<1000x128xi32> to vector<1000xi32>
    %broadcast_in_dim3A_149 = vector.shape_cast %reduce_sum3A_148 : vector<1000xi32> to vector<1000x1xi32>
    %ge3A_150 = arith.constant 38 : i32
    %ge3A_151 = vector.broadcast %ge3A_150 : i32 to vector<1000x1xi32>
    %ge3A_152 = arith.cmpi sge, %broadcast_in_dim3A_149, %ge3A_151 : vector<1000x1xi32>
    %select_n3A_153 = arith.select %ge3A_152, %or3A_140, %select_n3A_137 : vector<1000x1xi1>, vector<1000x1xi32>
    %or3A_154 = arith.constant 4194304 : i32
    %or3A_155 = vector.broadcast %or3A_154 : i32 to vector<1000x1xi32>
    %or3A_156 = arith.ori %select_n3A_153, %or3A_155 : vector<1000x1xi32>
    %xor3A_157 = arith.constant -2147483648 : i32
    %xor3A_158 = vector.broadcast %xor3A_157 : i32 to vector<1000x1xi32>
    %xor3A_159 = arith.xori %or3A_156, %xor3A_158 : vector<1000x1xi32>
    %ge3A_160 = vector.broadcast %xor3A_159 : vector<1000x1xi32> to vector<1000x128xi32>
    %ge3A_161 = arith.cmpi sge, %xor3A, %ge3A_160 : vector<1000x128xi32>
    %convert_element_type3A_162 = arith.extui %ge3A_161 : vector<1000x128xi1> to vector<1000x128xi32>
    %reduce_sum3A_163 = arith.constant dense<0> : vector<1000xi32>
    %reduce_sum3A_164 = vector.multi_reduction <add>, %convert_element_type3A_162, %reduce_sum3A_163 [1] : vector<1000x128xi32> to vector<1000xi32>
    %broadcast_in_dim3A_165 = vector.shape_cast %reduce_sum3A_164 : vector<1000xi32> to vector<1000x1xi32>
    %ge3A_166 = arith.constant 38 : i32
    %ge3A_167 = vector.broadcast %ge3A_166 : i32 to vector<1000x1xi32>
    %ge3A_168 = arith.cmpi sge, %broadcast_in_dim3A_165, %ge3A_167 : vector<1000x1xi32>
    %select_n3A_169 = arith.select %ge3A_168, %or3A_156, %select_n3A_153 : vector<1000x1xi1>, vector<1000x1xi32>
    %or3A_170 = arith.constant 2097152 : i32
    %or3A_171 = vector.broadcast %or3A_170 : i32 to vector<1000x1xi32>
    %or3A_172 = arith.ori %select_n3A_169, %or3A_171 : vector<1000x1xi32>
    %xor3A_173 = arith.constant -2147483648 : i32
    %xor3A_174 = vector.broadcast %xor3A_173 : i32 to vector<1000x1xi32>
    %xor3A_175 = arith.xori %or3A_172, %xor3A_174 : vector<1000x1xi32>
    %ge3A_176 = vector.broadcast %xor3A_175 : vector<1000x1xi32> to vector<1000x128xi32>
    %ge3A_177 = arith.cmpi sge, %xor3A, %ge3A_176 : vector<1000x128xi32>
    %convert_element_type3A_178 = arith.extui %ge3A_177 : vector<1000x128xi1> to vector<1000x128xi32>
    %reduce_sum3A_179 = arith.constant dense<0> : vector<1000xi32>
    %reduce_sum3A_180 = vector.multi_reduction <add>, %convert_element_type3A_178, %reduce_sum3A_179 [1] : vector<1000x128xi32> to vector<1000xi32>
    %broadcast_in_dim3A_181 = vector.shape_cast %reduce_sum3A_180 : vector<1000xi32> to vector<1000x1xi32>
    %ge3A_182 = arith.constant 38 : i32
    %ge3A_183 = vector.broadcast %ge3A_182 : i32 to vector<1000x1xi32>
    %ge3A_184 = arith.cmpi sge, %broadcast_in_dim3A_181, %ge3A_183 : vector<1000x1xi32>
    %select_n3A_185 = arith.select %ge3A_184, %or3A_172, %select_n3A_169 : vector<1000x1xi1>, vector<1000x1xi32>
    %or3A_186 = arith.constant 1048576 : i32
    %or3A_187 = vector.broadcast %or3A_186 : i32 to vector<1000x1xi32>
    %or3A_188 = arith.ori %select_n3A_185, %or3A_187 : vector<1000x1xi32>
    %xor3A_189 = arith.constant -2147483648 : i32
    %xor3A_190 = vector.broadcast %xor3A_189 : i32 to vector<1000x1xi32>
    %xor3A_191 = arith.xori %or3A_188, %xor3A_190 : vector<1000x1xi32>
    %ge3A_192 = vector.broadcast %xor3A_191 : vector<1000x1xi32> to vector<1000x128xi32>
    %ge3A_193 = arith.cmpi sge, %xor3A, %ge3A_192 : vector<1000x128xi32>
    %convert_element_type3A_194 = arith.extui %ge3A_193 : vector<1000x128xi1> to vector<1000x128xi32>
    %reduce_sum3A_195 = arith.constant dense<0> : vector<1000xi32>
    %reduce_sum3A_196 = vector.multi_reduction <add>, %convert_element_type3A_194, %reduce_sum3A_195 [1] : vector<1000x128xi32> to vector<1000xi32>
    %broadcast_in_dim3A_197 = vector.shape_cast %reduce_sum3A_196 : vector<1000xi32> to vector<1000x1xi32>
    %ge3A_198 = arith.constant 38 : i32
    %ge3A_199 = vector.broadcast %ge3A_198 : i32 to vector<1000x1xi32>
    %ge3A_200 = arith.cmpi sge, %broadcast_in_dim3A_197, %ge3A_199 : vector<1000x1xi32>
    %select_n3A_201 = arith.select %ge3A_200, %or3A_188, %select_n3A_185 : vector<1000x1xi1>, vector<1000x1xi32>
    %or3A_202 = arith.constant 524288 : i32
    %or3A_203 = vector.broadcast %or3A_202 : i32 to vector<1000x1xi32>
    %or3A_204 = arith.ori %select_n3A_201, %or3A_203 : vector<1000x1xi32>
    %xor3A_205 = arith.constant -2147483648 : i32
    %xor3A_206 = vector.broadcast %xor3A_205 : i32 to vector<1000x1xi32>
    %xor3A_207 = arith.xori %or3A_204, %xor3A_206 : vector<1000x1xi32>
    %ge3A_208 = vector.broadcast %xor3A_207 : vector<1000x1xi32> to vector<1000x128xi32>
    %ge3A_209 = arith.cmpi sge, %xor3A, %ge3A_208 : vector<1000x128xi32>
    %convert_element_type3A_210 = arith.extui %ge3A_209 : vector<1000x128xi1> to vector<1000x128xi32>
    %reduce_sum3A_211 = arith.constant dense<0> : vector<1000xi32>
    %reduce_sum3A_212 = vector.multi_reduction <add>, %convert_element_type3A_210, %reduce_sum3A_211 [1] : vector<1000x128xi32> to vector<1000xi32>
    %broadcast_in_dim3A_213 = vector.shape_cast %reduce_sum3A_212 : vector<1000xi32> to vector<1000x1xi32>
    %ge3A_214 = arith.constant 38 : i32
    %ge3A_215 = vector.broadcast %ge3A_214 : i32 to vector<1000x1xi32>
    %ge3A_216 = arith.cmpi sge, %broadcast_in_dim3A_213, %ge3A_215 : vector<1000x1xi32>
    %select_n3A_217 = arith.select %ge3A_216, %or3A_204, %select_n3A_201 : vector<1000x1xi1>, vector<1000x1xi32>
    %or3A_218 = arith.constant 262144 : i32
    %or3A_219 = vector.broadcast %or3A_218 : i32 to vector<1000x1xi32>
    %or3A_220 = arith.ori %select_n3A_217, %or3A_219 : vector<1000x1xi32>
    %xor3A_221 = arith.constant -2147483648 : i32
    %xor3A_222 = vector.broadcast %xor3A_221 : i32 to vector<1000x1xi32>
    %xor3A_223 = arith.xori %or3A_220, %xor3A_222 : vector<1000x1xi32>
    %ge3A_224 = vector.broadcast %xor3A_223 : vector<1000x1xi32> to vector<1000x128xi32>
    %ge3A_225 = arith.cmpi sge, %xor3A, %ge3A_224 : vector<1000x128xi32>
    %convert_element_type3A_226 = arith.extui %ge3A_225 : vector<1000x128xi1> to vector<1000x128xi32>
    %reduce_sum3A_227 = arith.constant dense<0> : vector<1000xi32>
    %reduce_sum3A_228 = vector.multi_reduction <add>, %convert_element_type3A_226, %reduce_sum3A_227 [1] : vector<1000x128xi32> to vector<1000xi32>
    %broadcast_in_dim3A_229 = vector.shape_cast %reduce_sum3A_228 : vector<1000xi32> to vector<1000x1xi32>
    %ge3A_230 = arith.constant 38 : i32
    %ge3A_231 = vector.broadcast %ge3A_230 : i32 to vector<1000x1xi32>
    %ge3A_232 = arith.cmpi sge, %broadcast_in_dim3A_229, %ge3A_231 : vector<1000x1xi32>
    %select_n3A_233 = arith.select %ge3A_232, %or3A_220, %select_n3A_217 : vector<1000x1xi1>, vector<1000x1xi32>
    %or3A_234 = arith.constant 131072 : i32
    %or3A_235 = vector.broadcast %or3A_234 : i32 to vector<1000x1xi32>
    %or3A_236 = arith.ori %select_n3A_233, %or3A_235 : vector<1000x1xi32>
    %xor3A_237 = arith.constant -2147483648 : i32
    %xor3A_238 = vector.broadcast %xor3A_237 : i32 to vector<1000x1xi32>
    %xor3A_239 = arith.xori %or3A_236, %xor3A_238 : vector<1000x1xi32>
    %ge3A_240 = vector.broadcast %xor3A_239 : vector<1000x1xi32> to vector<1000x128xi32>
    %ge3A_241 = arith.cmpi sge, %xor3A, %ge3A_240 : vector<1000x128xi32>
    %convert_element_type3A_242 = arith.extui %ge3A_241 : vector<1000x128xi1> to vector<1000x128xi32>
    %reduce_sum3A_243 = arith.constant dense<0> : vector<1000xi32>
    %reduce_sum3A_244 = vector.multi_reduction <add>, %convert_element_type3A_242, %reduce_sum3A_243 [1] : vector<1000x128xi32> to vector<1000xi32>
    %broadcast_in_dim3A_245 = vector.shape_cast %reduce_sum3A_244 : vector<1000xi32> to vector<1000x1xi32>
    %ge3A_246 = arith.constant 38 : i32
    %ge3A_247 = vector.broadcast %ge3A_246 : i32 to vector<1000x1xi32>
    %ge3A_248 = arith.cmpi sge, %broadcast_in_dim3A_245, %ge3A_247 : vector<1000x1xi32>
    %select_n3A_249 = arith.select %ge3A_248, %or3A_236, %select_n3A_233 : vector<1000x1xi1>, vector<1000x1xi32>
    %or3A_250 = arith.constant 65536 : i32
    %or3A_251 = vector.broadcast %or3A_250 : i32 to vector<1000x1xi32>
    %or3A_252 = arith.ori %select_n3A_249, %or3A_251 : vector<1000x1xi32>
    %xor3A_253 = arith.constant -2147483648 : i32
    %xor3A_254 = vector.broadcast %xor3A_253 : i32 to vector<1000x1xi32>
    %xor3A_255 = arith.xori %or3A_252, %xor3A_254 : vector<1000x1xi32>
    %ge3A_256 = vector.broadcast %xor3A_255 : vector<1000x1xi32> to vector<1000x128xi32>
    %ge3A_257 = arith.cmpi sge, %xor3A, %ge3A_256 : vector<1000x128xi32>
    %convert_element_type3A_258 = arith.extui %ge3A_257 : vector<1000x128xi1> to vector<1000x128xi32>
    %reduce_sum3A_259 = arith.constant dense<0> : vector<1000xi32>
    %reduce_sum3A_260 = vector.multi_reduction <add>, %convert_element_type3A_258, %reduce_sum3A_259 [1] : vector<1000x128xi32> to vector<1000xi32>
    %broadcast_in_dim3A_261 = vector.shape_cast %reduce_sum3A_260 : vector<1000xi32> to vector<1000x1xi32>
    %ge3A_262 = arith.constant 38 : i32
    %ge3A_263 = vector.broadcast %ge3A_262 : i32 to vector<1000x1xi32>
    %ge3A_264 = arith.cmpi sge, %broadcast_in_dim3A_261, %ge3A_263 : vector<1000x1xi32>
    %select_n3A_265 = arith.select %ge3A_264, %or3A_252, %select_n3A_249 : vector<1000x1xi1>, vector<1000x1xi32>
    %or3A_266 = arith.constant 32768 : i32
    %or3A_267 = vector.broadcast %or3A_266 : i32 to vector<1000x1xi32>
    %or3A_268 = arith.ori %select_n3A_265, %or3A_267 : vector<1000x1xi32>
    %xor3A_269 = arith.constant -2147483648 : i32
    %xor3A_270 = vector.broadcast %xor3A_269 : i32 to vector<1000x1xi32>
    %xor3A_271 = arith.xori %or3A_268, %xor3A_270 : vector<1000x1xi32>
    %ge3A_272 = vector.broadcast %xor3A_271 : vector<1000x1xi32> to vector<1000x128xi32>
    %ge3A_273 = arith.cmpi sge, %xor3A, %ge3A_272 : vector<1000x128xi32>
    %convert_element_type3A_274 = arith.extui %ge3A_273 : vector<1000x128xi1> to vector<1000x128xi32>
    %reduce_sum3A_275 = arith.constant dense<0> : vector<1000xi32>
    %reduce_sum3A_276 = vector.multi_reduction <add>, %convert_element_type3A_274, %reduce_sum3A_275 [1] : vector<1000x128xi32> to vector<1000xi32>
    %broadcast_in_dim3A_277 = vector.shape_cast %reduce_sum3A_276 : vector<1000xi32> to vector<1000x1xi32>
    %ge3A_278 = arith.constant 38 : i32
    %ge3A_279 = vector.broadcast %ge3A_278 : i32 to vector<1000x1xi32>
    %ge3A_280 = arith.cmpi sge, %broadcast_in_dim3A_277, %ge3A_279 : vector<1000x1xi32>
    %select_n3A_281 = arith.select %ge3A_280, %or3A_268, %select_n3A_265 : vector<1000x1xi1>, vector<1000x1xi32>
    %or3A_282 = arith.constant 16384 : i32
    %or3A_283 = vector.broadcast %or3A_282 : i32 to vector<1000x1xi32>
    %or3A_284 = arith.ori %select_n3A_281, %or3A_283 : vector<1000x1xi32>
    %xor3A_285 = arith.constant -2147483648 : i32
    %xor3A_286 = vector.broadcast %xor3A_285 : i32 to vector<1000x1xi32>
    %xor3A_287 = arith.xori %or3A_284, %xor3A_286 : vector<1000x1xi32>
    %ge3A_288 = vector.broadcast %xor3A_287 : vector<1000x1xi32> to vector<1000x128xi32>
    %ge3A_289 = arith.cmpi sge, %xor3A, %ge3A_288 : vector<1000x128xi32>
    %convert_element_type3A_290 = arith.extui %ge3A_289 : vector<1000x128xi1> to vector<1000x128xi32>
    %reduce_sum3A_291 = arith.constant dense<0> : vector<1000xi32>
    %reduce_sum3A_292 = vector.multi_reduction <add>, %convert_element_type3A_290, %reduce_sum3A_291 [1] : vector<1000x128xi32> to vector<1000xi32>
    %broadcast_in_dim3A_293 = vector.shape_cast %reduce_sum3A_292 : vector<1000xi32> to vector<1000x1xi32>
    %ge3A_294 = arith.constant 38 : i32
    %ge3A_295 = vector.broadcast %ge3A_294 : i32 to vector<1000x1xi32>
    %ge3A_296 = arith.cmpi sge, %broadcast_in_dim3A_293, %ge3A_295 : vector<1000x1xi32>
    %select_n3A_297 = arith.select %ge3A_296, %or3A_284, %select_n3A_281 : vector<1000x1xi1>, vector<1000x1xi32>
    %or3A_298 = arith.constant 8192 : i32
    %or3A_299 = vector.broadcast %or3A_298 : i32 to vector<1000x1xi32>
    %or3A_300 = arith.ori %select_n3A_297, %or3A_299 : vector<1000x1xi32>
    %xor3A_301 = arith.constant -2147483648 : i32
    %xor3A_302 = vector.broadcast %xor3A_301 : i32 to vector<1000x1xi32>
    %xor3A_303 = arith.xori %or3A_300, %xor3A_302 : vector<1000x1xi32>
    %ge3A_304 = vector.broadcast %xor3A_303 : vector<1000x1xi32> to vector<1000x128xi32>
    %ge3A_305 = arith.cmpi sge, %xor3A, %ge3A_304 : vector<1000x128xi32>
    %convert_element_type3A_306 = arith.extui %ge3A_305 : vector<1000x128xi1> to vector<1000x128xi32>
    %reduce_sum3A_307 = arith.constant dense<0> : vector<1000xi32>
    %reduce_sum3A_308 = vector.multi_reduction <add>, %convert_element_type3A_306, %reduce_sum3A_307 [1] : vector<1000x128xi32> to vector<1000xi32>
    %broadcast_in_dim3A_309 = vector.shape_cast %reduce_sum3A_308 : vector<1000xi32> to vector<1000x1xi32>
    %ge3A_310 = arith.constant 38 : i32
    %ge3A_311 = vector.broadcast %ge3A_310 : i32 to vector<1000x1xi32>
    %ge3A_312 = arith.cmpi sge, %broadcast_in_dim3A_309, %ge3A_311 : vector<1000x1xi32>
    %select_n3A_313 = arith.select %ge3A_312, %or3A_300, %select_n3A_297 : vector<1000x1xi1>, vector<1000x1xi32>
    %or3A_314 = arith.constant 4096 : i32
    %or3A_315 = vector.broadcast %or3A_314 : i32 to vector<1000x1xi32>
    %or3A_316 = arith.ori %select_n3A_313, %or3A_315 : vector<1000x1xi32>
    %xor3A_317 = arith.constant -2147483648 : i32
    %xor3A_318 = vector.broadcast %xor3A_317 : i32 to vector<1000x1xi32>
    %xor3A_319 = arith.xori %or3A_316, %xor3A_318 : vector<1000x1xi32>
    %ge3A_320 = vector.broadcast %xor3A_319 : vector<1000x1xi32> to vector<1000x128xi32>
    %ge3A_321 = arith.cmpi sge, %xor3A, %ge3A_320 : vector<1000x128xi32>
    %convert_element_type3A_322 = arith.extui %ge3A_321 : vector<1000x128xi1> to vector<1000x128xi32>
    %reduce_sum3A_323 = arith.constant dense<0> : vector<1000xi32>
    %reduce_sum3A_324 = vector.multi_reduction <add>, %convert_element_type3A_322, %reduce_sum3A_323 [1] : vector<1000x128xi32> to vector<1000xi32>
    %broadcast_in_dim3A_325 = vector.shape_cast %reduce_sum3A_324 : vector<1000xi32> to vector<1000x1xi32>
    %ge3A_326 = arith.constant 38 : i32
    %ge3A_327 = vector.broadcast %ge3A_326 : i32 to vector<1000x1xi32>
    %ge3A_328 = arith.cmpi sge, %broadcast_in_dim3A_325, %ge3A_327 : vector<1000x1xi32>
    %select_n3A_329 = arith.select %ge3A_328, %or3A_316, %select_n3A_313 : vector<1000x1xi1>, vector<1000x1xi32>
    %or3A_330 = arith.constant 2048 : i32
    %or3A_331 = vector.broadcast %or3A_330 : i32 to vector<1000x1xi32>
    %or3A_332 = arith.ori %select_n3A_329, %or3A_331 : vector<1000x1xi32>
    %xor3A_333 = arith.constant -2147483648 : i32
    %xor3A_334 = vector.broadcast %xor3A_333 : i32 to vector<1000x1xi32>
    %xor3A_335 = arith.xori %or3A_332, %xor3A_334 : vector<1000x1xi32>
    %ge3A_336 = vector.broadcast %xor3A_335 : vector<1000x1xi32> to vector<1000x128xi32>
    %ge3A_337 = arith.cmpi sge, %xor3A, %ge3A_336 : vector<1000x128xi32>
    %convert_element_type3A_338 = arith.extui %ge3A_337 : vector<1000x128xi1> to vector<1000x128xi32>
    %reduce_sum3A_339 = arith.constant dense<0> : vector<1000xi32>
    %reduce_sum3A_340 = vector.multi_reduction <add>, %convert_element_type3A_338, %reduce_sum3A_339 [1] : vector<1000x128xi32> to vector<1000xi32>
    %broadcast_in_dim3A_341 = vector.shape_cast %reduce_sum3A_340 : vector<1000xi32> to vector<1000x1xi32>
    %ge3A_342 = arith.constant 38 : i32
    %ge3A_343 = vector.broadcast %ge3A_342 : i32 to vector<1000x1xi32>
    %ge3A_344 = arith.cmpi sge, %broadcast_in_dim3A_341, %ge3A_343 : vector<1000x1xi32>
    %select_n3A_345 = arith.select %ge3A_344, %or3A_332, %select_n3A_329 : vector<1000x1xi1>, vector<1000x1xi32>
    %or3A_346 = arith.constant 1024 : i32
    %or3A_347 = vector.broadcast %or3A_346 : i32 to vector<1000x1xi32>
    %or3A_348 = arith.ori %select_n3A_345, %or3A_347 : vector<1000x1xi32>
    %xor3A_349 = arith.constant -2147483648 : i32
    %xor3A_350 = vector.broadcast %xor3A_349 : i32 to vector<1000x1xi32>
    %xor3A_351 = arith.xori %or3A_348, %xor3A_350 : vector<1000x1xi32>
    %ge3A_352 = vector.broadcast %xor3A_351 : vector<1000x1xi32> to vector<1000x128xi32>
    %ge3A_353 = arith.cmpi sge, %xor3A, %ge3A_352 : vector<1000x128xi32>
    %convert_element_type3A_354 = arith.extui %ge3A_353 : vector<1000x128xi1> to vector<1000x128xi32>
    %reduce_sum3A_355 = arith.constant dense<0> : vector<1000xi32>
    %reduce_sum3A_356 = vector.multi_reduction <add>, %convert_element_type3A_354, %reduce_sum3A_355 [1] : vector<1000x128xi32> to vector<1000xi32>
    %broadcast_in_dim3A_357 = vector.shape_cast %reduce_sum3A_356 : vector<1000xi32> to vector<1000x1xi32>
    %ge3A_358 = arith.constant 38 : i32
    %ge3A_359 = vector.broadcast %ge3A_358 : i32 to vector<1000x1xi32>
    %ge3A_360 = arith.cmpi sge, %broadcast_in_dim3A_357, %ge3A_359 : vector<1000x1xi32>
    %select_n3A_361 = arith.select %ge3A_360, %or3A_348, %select_n3A_345 : vector<1000x1xi1>, vector<1000x1xi32>
    %or3A_362 = arith.constant 512 : i32
    %or3A_363 = vector.broadcast %or3A_362 : i32 to vector<1000x1xi32>
    %or3A_364 = arith.ori %select_n3A_361, %or3A_363 : vector<1000x1xi32>
    %xor3A_365 = arith.constant -2147483648 : i32
    %xor3A_366 = vector.broadcast %xor3A_365 : i32 to vector<1000x1xi32>
    %xor3A_367 = arith.xori %or3A_364, %xor3A_366 : vector<1000x1xi32>
    %ge3A_368 = vector.broadcast %xor3A_367 : vector<1000x1xi32> to vector<1000x128xi32>
    %ge3A_369 = arith.cmpi sge, %xor3A, %ge3A_368 : vector<1000x128xi32>
    %convert_element_type3A_370 = arith.extui %ge3A_369 : vector<1000x128xi1> to vector<1000x128xi32>
    %reduce_sum3A_371 = arith.constant dense<0> : vector<1000xi32>
    %reduce_sum3A_372 = vector.multi_reduction <add>, %convert_element_type3A_370, %reduce_sum3A_371 [1] : vector<1000x128xi32> to vector<1000xi32>
    %broadcast_in_dim3A_373 = vector.shape_cast %reduce_sum3A_372 : vector<1000xi32> to vector<1000x1xi32>
    %ge3A_374 = arith.constant 38 : i32
    %ge3A_375 = vector.broadcast %ge3A_374 : i32 to vector<1000x1xi32>
    %ge3A_376 = arith.cmpi sge, %broadcast_in_dim3A_373, %ge3A_375 : vector<1000x1xi32>
    %select_n3A_377 = arith.select %ge3A_376, %or3A_364, %select_n3A_361 : vector<1000x1xi1>, vector<1000x1xi32>
    %or3A_378 = arith.constant 256 : i32
    %or3A_379 = vector.broadcast %or3A_378 : i32 to vector<1000x1xi32>
    %or3A_380 = arith.ori %select_n3A_377, %or3A_379 : vector<1000x1xi32>
    %xor3A_381 = arith.constant -2147483648 : i32
    %xor3A_382 = vector.broadcast %xor3A_381 : i32 to vector<1000x1xi32>
    %xor3A_383 = arith.xori %or3A_380, %xor3A_382 : vector<1000x1xi32>
    %ge3A_384 = vector.broadcast %xor3A_383 : vector<1000x1xi32> to vector<1000x128xi32>
    %ge3A_385 = arith.cmpi sge, %xor3A, %ge3A_384 : vector<1000x128xi32>
    %convert_element_type3A_386 = arith.extui %ge3A_385 : vector<1000x128xi1> to vector<1000x128xi32>
    %reduce_sum3A_387 = arith.constant dense<0> : vector<1000xi32>
    %reduce_sum3A_388 = vector.multi_reduction <add>, %convert_element_type3A_386, %reduce_sum3A_387 [1] : vector<1000x128xi32> to vector<1000xi32>
    %broadcast_in_dim3A_389 = vector.shape_cast %reduce_sum3A_388 : vector<1000xi32> to vector<1000x1xi32>
    %ge3A_390 = arith.constant 38 : i32
    %ge3A_391 = vector.broadcast %ge3A_390 : i32 to vector<1000x1xi32>
    %ge3A_392 = arith.cmpi sge, %broadcast_in_dim3A_389, %ge3A_391 : vector<1000x1xi32>
    %select_n3A_393 = arith.select %ge3A_392, %or3A_380, %select_n3A_377 : vector<1000x1xi1>, vector<1000x1xi32>
    %or3A_394 = arith.constant 128 : i32
    %or3A_395 = vector.broadcast %or3A_394 : i32 to vector<1000x1xi32>
    %or3A_396 = arith.ori %select_n3A_393, %or3A_395 : vector<1000x1xi32>
    %xor3A_397 = arith.constant -2147483648 : i32
    %xor3A_398 = vector.broadcast %xor3A_397 : i32 to vector<1000x1xi32>
    %xor3A_399 = arith.xori %or3A_396, %xor3A_398 : vector<1000x1xi32>
    %ge3A_400 = vector.broadcast %xor3A_399 : vector<1000x1xi32> to vector<1000x128xi32>
    %ge3A_401 = arith.cmpi sge, %xor3A, %ge3A_400 : vector<1000x128xi32>
    %convert_element_type3A_402 = arith.extui %ge3A_401 : vector<1000x128xi1> to vector<1000x128xi32>
    %reduce_sum3A_403 = arith.constant dense<0> : vector<1000xi32>
    %reduce_sum3A_404 = vector.multi_reduction <add>, %convert_element_type3A_402, %reduce_sum3A_403 [1] : vector<1000x128xi32> to vector<1000xi32>
    %broadcast_in_dim3A_405 = vector.shape_cast %reduce_sum3A_404 : vector<1000xi32> to vector<1000x1xi32>
    %ge3A_406 = arith.constant 38 : i32
    %ge3A_407 = vector.broadcast %ge3A_406 : i32 to vector<1000x1xi32>
    %ge3A_408 = arith.cmpi sge, %broadcast_in_dim3A_405, %ge3A_407 : vector<1000x1xi32>
    %select_n3A_409 = arith.select %ge3A_408, %or3A_396, %select_n3A_393 : vector<1000x1xi1>, vector<1000x1xi32>
    %or3A_410 = arith.constant 64 : i32
    %or3A_411 = vector.broadcast %or3A_410 : i32 to vector<1000x1xi32>
    %or3A_412 = arith.ori %select_n3A_409, %or3A_411 : vector<1000x1xi32>
    %xor3A_413 = arith.constant -2147483648 : i32
    %xor3A_414 = vector.broadcast %xor3A_413 : i32 to vector<1000x1xi32>
    %xor3A_415 = arith.xori %or3A_412, %xor3A_414 : vector<1000x1xi32>
    %ge3A_416 = vector.broadcast %xor3A_415 : vector<1000x1xi32> to vector<1000x128xi32>
    %ge3A_417 = arith.cmpi sge, %xor3A, %ge3A_416 : vector<1000x128xi32>
    %convert_element_type3A_418 = arith.extui %ge3A_417 : vector<1000x128xi1> to vector<1000x128xi32>
    %reduce_sum3A_419 = arith.constant dense<0> : vector<1000xi32>
    %reduce_sum3A_420 = vector.multi_reduction <add>, %convert_element_type3A_418, %reduce_sum3A_419 [1] : vector<1000x128xi32> to vector<1000xi32>
    %broadcast_in_dim3A_421 = vector.shape_cast %reduce_sum3A_420 : vector<1000xi32> to vector<1000x1xi32>
    %ge3A_422 = arith.constant 38 : i32
    %ge3A_423 = vector.broadcast %ge3A_422 : i32 to vector<1000x1xi32>
    %ge3A_424 = arith.cmpi sge, %broadcast_in_dim3A_421, %ge3A_423 : vector<1000x1xi32>
    %select_n3A_425 = arith.select %ge3A_424, %or3A_412, %select_n3A_409 : vector<1000x1xi1>, vector<1000x1xi32>
    %or3A_426 = arith.constant 32 : i32
    %or3A_427 = vector.broadcast %or3A_426 : i32 to vector<1000x1xi32>
    %or3A_428 = arith.ori %select_n3A_425, %or3A_427 : vector<1000x1xi32>
    %xor3A_429 = arith.constant -2147483648 : i32
    %xor3A_430 = vector.broadcast %xor3A_429 : i32 to vector<1000x1xi32>
    %xor3A_431 = arith.xori %or3A_428, %xor3A_430 : vector<1000x1xi32>
    %ge3A_432 = vector.broadcast %xor3A_431 : vector<1000x1xi32> to vector<1000x128xi32>
    %ge3A_433 = arith.cmpi sge, %xor3A, %ge3A_432 : vector<1000x128xi32>
    %convert_element_type3A_434 = arith.extui %ge3A_433 : vector<1000x128xi1> to vector<1000x128xi32>
    %reduce_sum3A_435 = arith.constant dense<0> : vector<1000xi32>
    %reduce_sum3A_436 = vector.multi_reduction <add>, %convert_element_type3A_434, %reduce_sum3A_435 [1] : vector<1000x128xi32> to vector<1000xi32>
    %broadcast_in_dim3A_437 = vector.shape_cast %reduce_sum3A_436 : vector<1000xi32> to vector<1000x1xi32>
    %ge3A_438 = arith.constant 38 : i32
    %ge3A_439 = vector.broadcast %ge3A_438 : i32 to vector<1000x1xi32>
    %ge3A_440 = arith.cmpi sge, %broadcast_in_dim3A_437, %ge3A_439 : vector<1000x1xi32>
    %select_n3A_441 = arith.select %ge3A_440, %or3A_428, %select_n3A_425 : vector<1000x1xi1>, vector<1000x1xi32>
    %or3A_442 = arith.constant 16 : i32
    %or3A_443 = vector.broadcast %or3A_442 : i32 to vector<1000x1xi32>
    %or3A_444 = arith.ori %select_n3A_441, %or3A_443 : vector<1000x1xi32>
    %xor3A_445 = arith.constant -2147483648 : i32
    %xor3A_446 = vector.broadcast %xor3A_445 : i32 to vector<1000x1xi32>
    %xor3A_447 = arith.xori %or3A_444, %xor3A_446 : vector<1000x1xi32>
    %ge3A_448 = vector.broadcast %xor3A_447 : vector<1000x1xi32> to vector<1000x128xi32>
    %ge3A_449 = arith.cmpi sge, %xor3A, %ge3A_448 : vector<1000x128xi32>
    %convert_element_type3A_450 = arith.extui %ge3A_449 : vector<1000x128xi1> to vector<1000x128xi32>
    %reduce_sum3A_451 = arith.constant dense<0> : vector<1000xi32>
    %reduce_sum3A_452 = vector.multi_reduction <add>, %convert_element_type3A_450, %reduce_sum3A_451 [1] : vector<1000x128xi32> to vector<1000xi32>
    %broadcast_in_dim3A_453 = vector.shape_cast %reduce_sum3A_452 : vector<1000xi32> to vector<1000x1xi32>
    %ge3A_454 = arith.constant 38 : i32
    %ge3A_455 = vector.broadcast %ge3A_454 : i32 to vector<1000x1xi32>
    %ge3A_456 = arith.cmpi sge, %broadcast_in_dim3A_453, %ge3A_455 : vector<1000x1xi32>
    %select_n3A_457 = arith.select %ge3A_456, %or3A_444, %select_n3A_441 : vector<1000x1xi1>, vector<1000x1xi32>
    %or3A_458 = arith.constant 8 : i32
    %or3A_459 = vector.broadcast %or3A_458 : i32 to vector<1000x1xi32>
    %or3A_460 = arith.ori %select_n3A_457, %or3A_459 : vector<1000x1xi32>
    %xor3A_461 = arith.constant -2147483648 : i32
    %xor3A_462 = vector.broadcast %xor3A_461 : i32 to vector<1000x1xi32>
    %xor3A_463 = arith.xori %or3A_460, %xor3A_462 : vector<1000x1xi32>
    %ge3A_464 = vector.broadcast %xor3A_463 : vector<1000x1xi32> to vector<1000x128xi32>
    %ge3A_465 = arith.cmpi sge, %xor3A, %ge3A_464 : vector<1000x128xi32>
    %convert_element_type3A_466 = arith.extui %ge3A_465 : vector<1000x128xi1> to vector<1000x128xi32>
    %reduce_sum3A_467 = arith.constant dense<0> : vector<1000xi32>
    %reduce_sum3A_468 = vector.multi_reduction <add>, %convert_element_type3A_466, %reduce_sum3A_467 [1] : vector<1000x128xi32> to vector<1000xi32>
    %broadcast_in_dim3A_469 = vector.shape_cast %reduce_sum3A_468 : vector<1000xi32> to vector<1000x1xi32>
    %ge3A_470 = arith.constant 38 : i32
    %ge3A_471 = vector.broadcast %ge3A_470 : i32 to vector<1000x1xi32>
    %ge3A_472 = arith.cmpi sge, %broadcast_in_dim3A_469, %ge3A_471 : vector<1000x1xi32>
    %select_n3A_473 = arith.select %ge3A_472, %or3A_460, %select_n3A_457 : vector<1000x1xi1>, vector<1000x1xi32>
    %or3A_474 = arith.constant 4 : i32
    %or3A_475 = vector.broadcast %or3A_474 : i32 to vector<1000x1xi32>
    %or3A_476 = arith.ori %select_n3A_473, %or3A_475 : vector<1000x1xi32>
    %xor3A_477 = arith.constant -2147483648 : i32
    %xor3A_478 = vector.broadcast %xor3A_477 : i32 to vector<1000x1xi32>
    %xor3A_479 = arith.xori %or3A_476, %xor3A_478 : vector<1000x1xi32>
    %ge3A_480 = vector.broadcast %xor3A_479 : vector<1000x1xi32> to vector<1000x128xi32>
    %ge3A_481 = arith.cmpi sge, %xor3A, %ge3A_480 : vector<1000x128xi32>
    %convert_element_type3A_482 = arith.extui %ge3A_481 : vector<1000x128xi1> to vector<1000x128xi32>
    %reduce_sum3A_483 = arith.constant dense<0> : vector<1000xi32>
    %reduce_sum3A_484 = vector.multi_reduction <add>, %convert_element_type3A_482, %reduce_sum3A_483 [1] : vector<1000x128xi32> to vector<1000xi32>
    %broadcast_in_dim3A_485 = vector.shape_cast %reduce_sum3A_484 : vector<1000xi32> to vector<1000x1xi32>
    %ge3A_486 = arith.constant 38 : i32
    %ge3A_487 = vector.broadcast %ge3A_486 : i32 to vector<1000x1xi32>
    %ge3A_488 = arith.cmpi sge, %broadcast_in_dim3A_485, %ge3A_487 : vector<1000x1xi32>
    %select_n3A_489 = arith.select %ge3A_488, %or3A_476, %select_n3A_473 : vector<1000x1xi1>, vector<1000x1xi32>
    %or3A_490 = arith.constant 2 : i32
    %or3A_491 = vector.broadcast %or3A_490 : i32 to vector<1000x1xi32>
    %or3A_492 = arith.ori %select_n3A_489, %or3A_491 : vector<1000x1xi32>
    %xor3A_493 = arith.constant -2147483648 : i32
    %xor3A_494 = vector.broadcast %xor3A_493 : i32 to vector<1000x1xi32>
    %xor3A_495 = arith.xori %or3A_492, %xor3A_494 : vector<1000x1xi32>
    %ge3A_496 = vector.broadcast %xor3A_495 : vector<1000x1xi32> to vector<1000x128xi32>
    %ge3A_497 = arith.cmpi sge, %xor3A, %ge3A_496 : vector<1000x128xi32>
    %convert_element_type3A_498 = arith.extui %ge3A_497 : vector<1000x128xi1> to vector<1000x128xi32>
    %reduce_sum3A_499 = arith.constant dense<0> : vector<1000xi32>
    %reduce_sum3A_500 = vector.multi_reduction <add>, %convert_element_type3A_498, %reduce_sum3A_499 [1] : vector<1000x128xi32> to vector<1000xi32>
    %broadcast_in_dim3A_501 = vector.shape_cast %reduce_sum3A_500 : vector<1000xi32> to vector<1000x1xi32>
    %ge3A_502 = arith.constant 38 : i32
    %ge3A_503 = vector.broadcast %ge3A_502 : i32 to vector<1000x1xi32>
    %ge3A_504 = arith.cmpi sge, %broadcast_in_dim3A_501, %ge3A_503 : vector<1000x1xi32>
    %select_n3A_505 = arith.select %ge3A_504, %or3A_492, %select_n3A_489 : vector<1000x1xi1>, vector<1000x1xi32>
    %or3A_506 = arith.constant 1 : i32
    %or3A_507 = vector.broadcast %or3A_506 : i32 to vector<1000x1xi32>
    %or3A_508 = arith.ori %select_n3A_505, %or3A_507 : vector<1000x1xi32>
    %xor3A_509 = arith.constant -2147483648 : i32
    %xor3A_510 = vector.broadcast %xor3A_509 : i32 to vector<1000x1xi32>
    %xor3A_511 = arith.xori %or3A_508, %xor3A_510 : vector<1000x1xi32>
    %ge3A_512 = vector.broadcast %xor3A_511 : vector<1000x1xi32> to vector<1000x128xi32>
    %ge3A_513 = arith.cmpi sge, %xor3A, %ge3A_512 : vector<1000x128xi32>
    %convert_element_type3A_514 = arith.extui %ge3A_513 : vector<1000x128xi1> to vector<1000x128xi32>
    %reduce_sum3A_515 = arith.constant dense<0> : vector<1000xi32>
    %reduce_sum3A_516 = vector.multi_reduction <add>, %convert_element_type3A_514, %reduce_sum3A_515 [1] : vector<1000x128xi32> to vector<1000xi32>
    %broadcast_in_dim3A_517 = vector.shape_cast %reduce_sum3A_516 : vector<1000xi32> to vector<1000x1xi32>
    %ge3A_518 = arith.constant 38 : i32
    %ge3A_519 = vector.broadcast %ge3A_518 : i32 to vector<1000x1xi32>
    %ge3A_520 = arith.cmpi sge, %broadcast_in_dim3A_517, %ge3A_519 : vector<1000x1xi32>
    %select_n3A_521 = arith.select %ge3A_520, %or3A_508, %select_n3A_505 : vector<1000x1xi1>, vector<1000x1xi32>
    %xor3A_522 = arith.constant -2147483648 : i32
    %xor3A_523 = vector.broadcast %xor3A_522 : i32 to vector<1000x1xi32>
    %xor3A_524 = arith.xori %select_n3A_521, %xor3A_523 : vector<1000x1xi32>
    %ge3A_525 = vector.broadcast %xor3A_524 : vector<1000x1xi32> to vector<1000x128xi32>
    %ge3A_526 = arith.cmpi sge, %xor3A, %ge3A_525 : vector<1000x128xi32>
    %jit3A = arith.constant 0.000000e+00 : f32
    %broadcast_in_dim3A_527 = vector.broadcast %jit3A : f32 to vector<1000x128xf32>
    %select_n3A_528 = arith.select %ge3A_526, %add3A_9, %broadcast_in_dim3A_527 : vector<1000x128xi1>, vector<1000x128xf32>
    %swap3A = arith.constant 0 : index
    %swap3A_529 = arith.constant 0 : index
    %swap3A_530 = vector.load %arg4[%swap3A, %swap3A_529] : memref<1000x128xf32, #tpu.memory_space<vmem>>, vector<1000x128xf32>
    tpu.vector_store %arg4[%swap3A, %swap3A_529], %select_n3A_528 {strides = array<i32>} : memref<1000x128xf32, #tpu.memory_space<vmem>>, vector<1000x128xf32>,
    return
  }
  func.func @transform_0(%arg0: i32) -> (i32, i32) {
    %c0_i32 = arith.constant 0 : i32
    %c0_i32_0 = arith.constant 0 : i32
    return %arg0, %c0_i32 : i32, i32
  }
  func.func @transform_1(%arg0: i32) -> (i32, i32) {
    %c0_i32 = arith.constant 0 : i32
    %c0_i32_0 = arith.constant 0 : i32
    %c0_i32_1 = arith.constant 0 : i32
    return %c0_i32, %c0_i32_0 : i32, i32
  }
  func.func @transform_2(%arg0: i32) -> (i32, i32) {
    %c0_i32 = arith.constant 0 : i32
    %c0_i32_0 = arith.constant 0 : i32
    %c0_i32_1 = arith.constant 0 : i32
    return %c0_i32, %c0_i32_0 : i32, i32
  }
  func.func @transform_3(%arg0: i32) -> (i32, i32) {
    %c0_i32 = arith.constant 0 : i32
    %c0_i32_0 = arith.constant 0 : i32
    return %arg0, %c0_i32 : i32, i32
  }
}

module attributes {stable_mosaic.version = 14 : i64} {
  func.func @_tc2_body(%arg0: i32, %arg1: memref<1000x128xf32, #tpu.memory_space<vmem>>, %arg2: memref<128x128xf32, #tpu.memory_space<vmem>>, %arg3: memref<1000x16xf32, #tpu.memory_space<vmem>>, %arg4: memref<1000x16xf32, #tpu.memory_space<vmem>>, %arg5: memref<1000x128xf32, #tpu.memory_space<vmem>>) attributes {dimension_semantics = [#tpu.dimension_semantics<arbitrary>], iteration_bounds = array<i64: 10>, scalar_prefetch = 0 : i64, scratch_operands = 0 : i64, tpu.core_type = #tpu.core_type<tc>, window_params = [{transform_indices = @transform_0, window_bounds = array<i64: 1000, 128>}, {pipeline_mode = #tpu.pipeline_mode<synchronous>, transform_indices = @transform_1, window_bounds = array<i64: 128, 128>}, {transform_indices = @transform_2, window_bounds = array<i64: 1000, 16>}, {transform_indices = @transform_3, window_bounds = array<i64: 1000, 16>}, {transform_indices = @transform_4, window_bounds = array<i64: 1000, 128>}]} {
    %get3A = arith.constant 0 : index
    %get3A_0 = arith.constant 0 : index
    %get3A_1 = vector.load %arg3[%get3A, %get3A_0] : memref<1000x16xf32, #tpu.memory_space<vmem>>, vector<1000x16xf32>
    %slice3A = vector.extract_strided_slice %get3A_1 {offsets = [0, 0], sizes = [1000, 1], strides = [1, 1]} : vector<1000x16xf32> to vector<1000x1xf32>
    %add3A = arith.constant 1.000000e+00 : f32
    %add3A_2 = vector.broadcast %add3A : f32 to vector<1000x1xf32>
    %add3A_3 = arith.addf %add3A_2, %slice3A : vector<1000x1xf32>
    %get3A_4 = arith.constant 0 : index
    %get3A_5 = arith.constant 0 : index
    %get3A_6 = vector.load %arg4[%get3A_4, %get3A_5] : memref<1000x16xf32, #tpu.memory_space<vmem>>, vector<1000x16xf32>
    %slice3A_7 = vector.extract_strided_slice %get3A_6 {offsets = [0, 0], sizes = [1000, 1], strides = [1, 1]} : vector<1000x16xf32> to vector<1000x1xf32>
    %add3A_8 = arith.addf %add3A_3, %slice3A_7 : vector<1000x1xf32>
    %rsqrt3A = math.rsqrt %add3A_8 : vector<1000x1xf32>
    %get3A_9 = arith.constant 0 : index
    %get3A_10 = arith.constant 0 : index
    %get3A_11 = vector.load %arg1[%get3A_9, %get3A_10] : memref<1000x128xf32, #tpu.memory_space<vmem>>, vector<1000x128xf32>
    %get3A_12 = arith.constant 0 : index
    %get3A_13 = arith.constant 0 : index
    %get3A_14 = vector.load %arg2[%get3A_12, %get3A_13] : memref<128x128xf32, #tpu.memory_space<vmem>>, vector<128x128xf32>
    %dot_general3A = arith.constant dense<0.000000e+00> : vector<1000x128xf32>
    %dot_general3A_15 = tpu.matmul %get3A_11, %get3A_14, %dot_general3A {dimension_numbers = #tpu.dot_dimension_numbers<[1], [0], [0], [1], [0, 0, 1, 1], [], []>, transpose_lhs_hint = false} : vector<1000x128xf32>, vector<128x128xf32>, vector<1000x128xf32> -> vector<1000x128xf32>
    %mul3A = vector.broadcast %rsqrt3A : vector<1000x1xf32> to vector<1000x128xf32>
    %mul3A_16 = arith.mulf %dot_general3A_15, %mul3A : vector<1000x128xf32>
    %swap3A = arith.constant 0 : index
    %swap3A_17 = arith.constant 0 : index
    %swap3A_18 = vector.load %arg5[%swap3A, %swap3A_17] : memref<1000x128xf32, #tpu.memory_space<vmem>>, vector<1000x128xf32>
    tpu.vector_store %arg5[%swap3A, %swap3A_17], %mul3A_16 {strides = array<i32>} : memref<1000x128xf32, #tpu.memory_space<vmem>>, vector<1000x128xf32>,
    return
  }
  func.func @transform_0(%arg0: i32) -> (i32, i32) {
    %c0_i32 = arith.constant 0 : i32
    %c0_i32_0 = arith.constant 0 : i32
    return %arg0, %c0_i32 : i32, i32
  }
  func.func @transform_1(%arg0: i32) -> (i32, i32) {
    %c0_i32 = arith.constant 0 : i32
    %c0_i32_0 = arith.constant 0 : i32
    %c0_i32_1 = arith.constant 0 : i32
    return %c0_i32, %c0_i32_0 : i32, i32
  }
  func.func @transform_2(%arg0: i32) -> (i32, i32) {
    %c0_i32 = arith.constant 0 : i32
    %c0_i32_0 = arith.constant 0 : i32
    return %arg0, %c0_i32 : i32, i32
  }
  func.func @transform_3(%arg0: i32) -> (i32, i32) {
    %c0_i32 = arith.constant 0 : i32
    %c0_i32_0 = arith.constant 0 : i32
    return %arg0, %c0_i32 : i32, i32
  }
  func.func @transform_4(%arg0: i32) -> (i32, i32) {
    %c0_i32 = arith.constant 0 : i32
    %c0_i32_0 = arith.constant 0 : i32
    return %arg0, %c0_i32 : i32, i32
  }
}

module attributes {stable_mosaic.version = 14 : i64} {
  func.func @_tc3_body(%arg0: i32, %arg1: memref<1000x128xf32, #tpu.memory_space<vmem>>, %arg2: memref<1000x128xf32, #tpu.memory_space<vmem>>, %arg3: memref<1000x128xf32, #tpu.memory_space<vmem>>, %arg4: memref<1000x16xf32, #tpu.memory_space<vmem>>, %arg5: memref<1000x16xf32, #tpu.memory_space<vmem>>, %arg6: memref<1x128xf32, #tpu.memory_space<vmem>>, %arg7: memref<128x128xf32, #tpu.memory_space<vmem>>, %arg8: memref<1000x128xf32, #tpu.memory_space<vmem>>) attributes {dimension_semantics = [#tpu.dimension_semantics<arbitrary>], iteration_bounds = array<i64: 10>, scalar_prefetch = 0 : i64, scratch_operands = 0 : i64, tpu.core_type = #tpu.core_type<tc>, window_params = [{transform_indices = @transform_0, window_bounds = array<i64: 1000, 128>}, {transform_indices = @transform_1, window_bounds = array<i64: 1000, 128>}, {transform_indices = @transform_2, window_bounds = array<i64: 1000, 128>}, {transform_indices = @transform_3, window_bounds = array<i64: 1000, 16>}, {transform_indices = @transform_4, window_bounds = array<i64: 1000, 16>}, {pipeline_mode = #tpu.pipeline_mode<synchronous>, transform_indices = @transform_5, window_bounds = array<i64: 1, 128>}, {pipeline_mode = #tpu.pipeline_mode<synchronous>, transform_indices = @transform_6, window_bounds = array<i64: 128, 128>}, {transform_indices = @transform_7, window_bounds = array<i64: 1000, 128>}]} {
    %get3A = arith.constant 0 : index
    %get3A_0 = arith.constant 0 : index
    %get3A_1 = vector.load %arg4[%get3A, %get3A_0] : memref<1000x16xf32, #tpu.memory_space<vmem>>, vector<1000x16xf32>
    %slice3A = vector.extract_strided_slice %get3A_1 {offsets = [0, 0], sizes = [1000, 1], strides = [1, 1]} : vector<1000x16xf32> to vector<1000x1xf32>
    %add3A = arith.constant 1.000000e+00 : f32
    %add3A_2 = vector.broadcast %add3A : f32 to vector<1000x1xf32>
    %add3A_3 = arith.addf %add3A_2, %slice3A : vector<1000x1xf32>
    %get3A_4 = arith.constant 0 : index
    %get3A_5 = arith.constant 0 : index
    %get3A_6 = vector.load %arg5[%get3A_4, %get3A_5] : memref<1000x16xf32, #tpu.memory_space<vmem>>, vector<1000x16xf32>
    %slice3A_7 = vector.extract_strided_slice %get3A_6 {offsets = [0, 0], sizes = [1000, 1], strides = [1, 1]} : vector<1000x16xf32> to vector<1000x1xf32>
    %add3A_8 = arith.addf %add3A_3, %slice3A_7 : vector<1000x1xf32>
    %rsqrt3A = math.rsqrt %add3A_8 : vector<1000x1xf32>
    %get3A_9 = arith.constant 0 : index
    %get3A_10 = arith.constant 0 : index
    %get3A_11 = vector.load %arg1[%get3A_9, %get3A_10] : memref<1000x128xf32, #tpu.memory_space<vmem>>, vector<1000x128xf32>
    %get3A_12 = arith.constant 0 : index
    %get3A_13 = arith.constant 0 : index
    %get3A_14 = vector.load %arg2[%get3A_12, %get3A_13] : memref<1000x128xf32, #tpu.memory_space<vmem>>, vector<1000x128xf32>
    %add3A_15 = arith.addf %get3A_11, %get3A_14 : vector<1000x128xf32>
    %get3A_16 = arith.constant 0 : index
    %get3A_17 = arith.constant 0 : index
    %get3A_18 = vector.load %arg3[%get3A_16, %get3A_17] : memref<1000x128xf32, #tpu.memory_space<vmem>>, vector<1000x128xf32>
    %add3A_19 = arith.addf %add3A_15, %get3A_18 : vector<1000x128xf32>
    %mul3A = vector.broadcast %rsqrt3A : vector<1000x1xf32> to vector<1000x128xf32>
    %mul3A_20 = arith.mulf %add3A_19, %mul3A : vector<1000x128xf32>
    %get3A_21 = arith.constant 0 : index
    %get3A_22 = arith.constant 0 : index
    %get3A_23 = vector.load %arg6[%get3A_21, %get3A_22] : memref<1x128xf32, #tpu.memory_space<vmem>>, vector<1x128xf32>
    %add3A_24 = vector.broadcast %get3A_23 : vector<1x128xf32> to vector<1000x128xf32>
    %add3A_25 = arith.addf %mul3A_20, %add3A_24 : vector<1000x128xf32>
    %bitcast_convert_type3A = tpu.bitcast %add3A_25 : vector<1000x128xf32> -> vector<1000x128xi32>
    %shift_right_arithmetic3A = arith.constant 31 : i32
    %shift_right_arithmetic3A_26 = vector.broadcast %shift_right_arithmetic3A : i32 to vector<1000x128xi32>
    %shift_right_arithmetic3A_27 = arith.shrsi %bitcast_convert_type3A, %shift_right_arithmetic3A_26 : vector<1000x128xi32>
    %and3A = arith.constant 2147483647 : i32
    %and3A_28 = vector.broadcast %and3A : i32 to vector<1000x128xi32>
    %and3A_29 = arith.andi %shift_right_arithmetic3A_27, %and3A_28 : vector<1000x128xi32>
    %xor3A = arith.xori %bitcast_convert_type3A, %and3A_29 : vector<1000x128xi32>
    %broadcast_in_dim3A = arith.constant 0 : i32
    %broadcast_in_dim3A_30 = vector.broadcast %broadcast_in_dim3A : i32 to vector<1000x1xi32>
    %or3A = arith.constant -2147483648 : i32
    %or3A_31 = vector.broadcast %or3A : i32 to vector<1000x1xi32>
    %or3A_32 = arith.ori %broadcast_in_dim3A_30, %or3A_31 : vector<1000x1xi32>
    %xor3A_33 = arith.constant -2147483648 : i32
    %xor3A_34 = vector.broadcast %xor3A_33 : i32 to vector<1000x1xi32>
    %xor3A_35 = arith.xori %or3A_32, %xor3A_34 : vector<1000x1xi32>
    %ge3A = vector.broadcast %xor3A_35 : vector<1000x1xi32> to vector<1000x128xi32>
    %ge3A_36 = arith.cmpi sge, %xor3A, %ge3A : vector<1000x128xi32>
    %convert_element_type3A = arith.extui %ge3A_36 : vector<1000x128xi1> to vector<1000x128xi32>
    %reduce_sum3A = arith.constant dense<0> : vector<1000xi32>
    %reduce_sum3A_37 = vector.multi_reduction <add>, %convert_element_type3A, %reduce_sum3A [1] : vector<1000x128xi32> to vector<1000xi32>
    %broadcast_in_dim3A_38 = vector.shape_cast %reduce_sum3A_37 : vector<1000xi32> to vector<1000x1xi32>
    %ge3A_39 = arith.constant 38 : i32
    %ge3A_40 = vector.broadcast %ge3A_39 : i32 to vector<1000x1xi32>
    %ge3A_41 = arith.cmpi sge, %broadcast_in_dim3A_38, %ge3A_40 : vector<1000x1xi32>
    %select_n3A = arith.select %ge3A_41, %or3A_32, %broadcast_in_dim3A_30 : vector<1000x1xi1>, vector<1000x1xi32>
    %or3A_42 = arith.constant 1073741824 : i32
    %or3A_43 = vector.broadcast %or3A_42 : i32 to vector<1000x1xi32>
    %or3A_44 = arith.ori %select_n3A, %or3A_43 : vector<1000x1xi32>
    %xor3A_45 = arith.constant -2147483648 : i32
    %xor3A_46 = vector.broadcast %xor3A_45 : i32 to vector<1000x1xi32>
    %xor3A_47 = arith.xori %or3A_44, %xor3A_46 : vector<1000x1xi32>
    %ge3A_48 = vector.broadcast %xor3A_47 : vector<1000x1xi32> to vector<1000x128xi32>
    %ge3A_49 = arith.cmpi sge, %xor3A, %ge3A_48 : vector<1000x128xi32>
    %convert_element_type3A_50 = arith.extui %ge3A_49 : vector<1000x128xi1> to vector<1000x128xi32>
    %reduce_sum3A_51 = arith.constant dense<0> : vector<1000xi32>
    %reduce_sum3A_52 = vector.multi_reduction <add>, %convert_element_type3A_50, %reduce_sum3A_51 [1] : vector<1000x128xi32> to vector<1000xi32>
    %broadcast_in_dim3A_53 = vector.shape_cast %reduce_sum3A_52 : vector<1000xi32> to vector<1000x1xi32>
    %ge3A_54 = arith.constant 38 : i32
    %ge3A_55 = vector.broadcast %ge3A_54 : i32 to vector<1000x1xi32>
    %ge3A_56 = arith.cmpi sge, %broadcast_in_dim3A_53, %ge3A_55 : vector<1000x1xi32>
    %select_n3A_57 = arith.select %ge3A_56, %or3A_44, %select_n3A : vector<1000x1xi1>, vector<1000x1xi32>
    %or3A_58 = arith.constant 536870912 : i32
    %or3A_59 = vector.broadcast %or3A_58 : i32 to vector<1000x1xi32>
    %or3A_60 = arith.ori %select_n3A_57, %or3A_59 : vector<1000x1xi32>
    %xor3A_61 = arith.constant -2147483648 : i32
    %xor3A_62 = vector.broadcast %xor3A_61 : i32 to vector<1000x1xi32>
    %xor3A_63 = arith.xori %or3A_60, %xor3A_62 : vector<1000x1xi32>
    %ge3A_64 = vector.broadcast %xor3A_63 : vector<1000x1xi32> to vector<1000x128xi32>
    %ge3A_65 = arith.cmpi sge, %xor3A, %ge3A_64 : vector<1000x128xi32>
    %convert_element_type3A_66 = arith.extui %ge3A_65 : vector<1000x128xi1> to vector<1000x128xi32>
    %reduce_sum3A_67 = arith.constant dense<0> : vector<1000xi32>
    %reduce_sum3A_68 = vector.multi_reduction <add>, %convert_element_type3A_66, %reduce_sum3A_67 [1] : vector<1000x128xi32> to vector<1000xi32>
    %broadcast_in_dim3A_69 = vector.shape_cast %reduce_sum3A_68 : vector<1000xi32> to vector<1000x1xi32>
    %ge3A_70 = arith.constant 38 : i32
    %ge3A_71 = vector.broadcast %ge3A_70 : i32 to vector<1000x1xi32>
    %ge3A_72 = arith.cmpi sge, %broadcast_in_dim3A_69, %ge3A_71 : vector<1000x1xi32>
    %select_n3A_73 = arith.select %ge3A_72, %or3A_60, %select_n3A_57 : vector<1000x1xi1>, vector<1000x1xi32>
    %or3A_74 = arith.constant 268435456 : i32
    %or3A_75 = vector.broadcast %or3A_74 : i32 to vector<1000x1xi32>
    %or3A_76 = arith.ori %select_n3A_73, %or3A_75 : vector<1000x1xi32>
    %xor3A_77 = arith.constant -2147483648 : i32
    %xor3A_78 = vector.broadcast %xor3A_77 : i32 to vector<1000x1xi32>
    %xor3A_79 = arith.xori %or3A_76, %xor3A_78 : vector<1000x1xi32>
    %ge3A_80 = vector.broadcast %xor3A_79 : vector<1000x1xi32> to vector<1000x128xi32>
    %ge3A_81 = arith.cmpi sge, %xor3A, %ge3A_80 : vector<1000x128xi32>
    %convert_element_type3A_82 = arith.extui %ge3A_81 : vector<1000x128xi1> to vector<1000x128xi32>
    %reduce_sum3A_83 = arith.constant dense<0> : vector<1000xi32>
    %reduce_sum3A_84 = vector.multi_reduction <add>, %convert_element_type3A_82, %reduce_sum3A_83 [1] : vector<1000x128xi32> to vector<1000xi32>
    %broadcast_in_dim3A_85 = vector.shape_cast %reduce_sum3A_84 : vector<1000xi32> to vector<1000x1xi32>
    %ge3A_86 = arith.constant 38 : i32
    %ge3A_87 = vector.broadcast %ge3A_86 : i32 to vector<1000x1xi32>
    %ge3A_88 = arith.cmpi sge, %broadcast_in_dim3A_85, %ge3A_87 : vector<1000x1xi32>
    %select_n3A_89 = arith.select %ge3A_88, %or3A_76, %select_n3A_73 : vector<1000x1xi1>, vector<1000x1xi32>
    %or3A_90 = arith.constant 134217728 : i32
    %or3A_91 = vector.broadcast %or3A_90 : i32 to vector<1000x1xi32>
    %or3A_92 = arith.ori %select_n3A_89, %or3A_91 : vector<1000x1xi32>
    %xor3A_93 = arith.constant -2147483648 : i32
    %xor3A_94 = vector.broadcast %xor3A_93 : i32 to vector<1000x1xi32>
    %xor3A_95 = arith.xori %or3A_92, %xor3A_94 : vector<1000x1xi32>
    %ge3A_96 = vector.broadcast %xor3A_95 : vector<1000x1xi32> to vector<1000x128xi32>
    %ge3A_97 = arith.cmpi sge, %xor3A, %ge3A_96 : vector<1000x128xi32>
    %convert_element_type3A_98 = arith.extui %ge3A_97 : vector<1000x128xi1> to vector<1000x128xi32>
    %reduce_sum3A_99 = arith.constant dense<0> : vector<1000xi32>
    %reduce_sum3A_100 = vector.multi_reduction <add>, %convert_element_type3A_98, %reduce_sum3A_99 [1] : vector<1000x128xi32> to vector<1000xi32>
    %broadcast_in_dim3A_101 = vector.shape_cast %reduce_sum3A_100 : vector<1000xi32> to vector<1000x1xi32>
    %ge3A_102 = arith.constant 38 : i32
    %ge3A_103 = vector.broadcast %ge3A_102 : i32 to vector<1000x1xi32>
    %ge3A_104 = arith.cmpi sge, %broadcast_in_dim3A_101, %ge3A_103 : vector<1000x1xi32>
    %select_n3A_105 = arith.select %ge3A_104, %or3A_92, %select_n3A_89 : vector<1000x1xi1>, vector<1000x1xi32>
    %or3A_106 = arith.constant 67108864 : i32
    %or3A_107 = vector.broadcast %or3A_106 : i32 to vector<1000x1xi32>
    %or3A_108 = arith.ori %select_n3A_105, %or3A_107 : vector<1000x1xi32>
    %xor3A_109 = arith.constant -2147483648 : i32
    %xor3A_110 = vector.broadcast %xor3A_109 : i32 to vector<1000x1xi32>
    %xor3A_111 = arith.xori %or3A_108, %xor3A_110 : vector<1000x1xi32>
    %ge3A_112 = vector.broadcast %xor3A_111 : vector<1000x1xi32> to vector<1000x128xi32>
    %ge3A_113 = arith.cmpi sge, %xor3A, %ge3A_112 : vector<1000x128xi32>
    %convert_element_type3A_114 = arith.extui %ge3A_113 : vector<1000x128xi1> to vector<1000x128xi32>
    %reduce_sum3A_115 = arith.constant dense<0> : vector<1000xi32>
    %reduce_sum3A_116 = vector.multi_reduction <add>, %convert_element_type3A_114, %reduce_sum3A_115 [1] : vector<1000x128xi32> to vector<1000xi32>
    %broadcast_in_dim3A_117 = vector.shape_cast %reduce_sum3A_116 : vector<1000xi32> to vector<1000x1xi32>
    %ge3A_118 = arith.constant 38 : i32
    %ge3A_119 = vector.broadcast %ge3A_118 : i32 to vector<1000x1xi32>
    %ge3A_120 = arith.cmpi sge, %broadcast_in_dim3A_117, %ge3A_119 : vector<1000x1xi32>
    %select_n3A_121 = arith.select %ge3A_120, %or3A_108, %select_n3A_105 : vector<1000x1xi1>, vector<1000x1xi32>
    %or3A_122 = arith.constant 33554432 : i32
    %or3A_123 = vector.broadcast %or3A_122 : i32 to vector<1000x1xi32>
    %or3A_124 = arith.ori %select_n3A_121, %or3A_123 : vector<1000x1xi32>
    %xor3A_125 = arith.constant -2147483648 : i32
    %xor3A_126 = vector.broadcast %xor3A_125 : i32 to vector<1000x1xi32>
    %xor3A_127 = arith.xori %or3A_124, %xor3A_126 : vector<1000x1xi32>
    %ge3A_128 = vector.broadcast %xor3A_127 : vector<1000x1xi32> to vector<1000x128xi32>
    %ge3A_129 = arith.cmpi sge, %xor3A, %ge3A_128 : vector<1000x128xi32>
    %convert_element_type3A_130 = arith.extui %ge3A_129 : vector<1000x128xi1> to vector<1000x128xi32>
    %reduce_sum3A_131 = arith.constant dense<0> : vector<1000xi32>
    %reduce_sum3A_132 = vector.multi_reduction <add>, %convert_element_type3A_130, %reduce_sum3A_131 [1] : vector<1000x128xi32> to vector<1000xi32>
    %broadcast_in_dim3A_133 = vector.shape_cast %reduce_sum3A_132 : vector<1000xi32> to vector<1000x1xi32>
    %ge3A_134 = arith.constant 38 : i32
    %ge3A_135 = vector.broadcast %ge3A_134 : i32 to vector<1000x1xi32>
    %ge3A_136 = arith.cmpi sge, %broadcast_in_dim3A_133, %ge3A_135 : vector<1000x1xi32>
    %select_n3A_137 = arith.select %ge3A_136, %or3A_124, %select_n3A_121 : vector<1000x1xi1>, vector<1000x1xi32>
    %or3A_138 = arith.constant 16777216 : i32
    %or3A_139 = vector.broadcast %or3A_138 : i32 to vector<1000x1xi32>
    %or3A_140 = arith.ori %select_n3A_137, %or3A_139 : vector<1000x1xi32>
    %xor3A_141 = arith.constant -2147483648 : i32
    %xor3A_142 = vector.broadcast %xor3A_141 : i32 to vector<1000x1xi32>
    %xor3A_143 = arith.xori %or3A_140, %xor3A_142 : vector<1000x1xi32>
    %ge3A_144 = vector.broadcast %xor3A_143 : vector<1000x1xi32> to vector<1000x128xi32>
    %ge3A_145 = arith.cmpi sge, %xor3A, %ge3A_144 : vector<1000x128xi32>
    %convert_element_type3A_146 = arith.extui %ge3A_145 : vector<1000x128xi1> to vector<1000x128xi32>
    %reduce_sum3A_147 = arith.constant dense<0> : vector<1000xi32>
    %reduce_sum3A_148 = vector.multi_reduction <add>, %convert_element_type3A_146, %reduce_sum3A_147 [1] : vector<1000x128xi32> to vector<1000xi32>
    %broadcast_in_dim3A_149 = vector.shape_cast %reduce_sum3A_148 : vector<1000xi32> to vector<1000x1xi32>
    %ge3A_150 = arith.constant 38 : i32
    %ge3A_151 = vector.broadcast %ge3A_150 : i32 to vector<1000x1xi32>
    %ge3A_152 = arith.cmpi sge, %broadcast_in_dim3A_149, %ge3A_151 : vector<1000x1xi32>
    %select_n3A_153 = arith.select %ge3A_152, %or3A_140, %select_n3A_137 : vector<1000x1xi1>, vector<1000x1xi32>
    %or3A_154 = arith.constant 8388608 : i32
    %or3A_155 = vector.broadcast %or3A_154 : i32 to vector<1000x1xi32>
    %or3A_156 = arith.ori %select_n3A_153, %or3A_155 : vector<1000x1xi32>
    %xor3A_157 = arith.constant -2147483648 : i32
    %xor3A_158 = vector.broadcast %xor3A_157 : i32 to vector<1000x1xi32>
    %xor3A_159 = arith.xori %or3A_156, %xor3A_158 : vector<1000x1xi32>
    %ge3A_160 = vector.broadcast %xor3A_159 : vector<1000x1xi32> to vector<1000x128xi32>
    %ge3A_161 = arith.cmpi sge, %xor3A, %ge3A_160 : vector<1000x128xi32>
    %convert_element_type3A_162 = arith.extui %ge3A_161 : vector<1000x128xi1> to vector<1000x128xi32>
    %reduce_sum3A_163 = arith.constant dense<0> : vector<1000xi32>
    %reduce_sum3A_164 = vector.multi_reduction <add>, %convert_element_type3A_162, %reduce_sum3A_163 [1] : vector<1000x128xi32> to vector<1000xi32>
    %broadcast_in_dim3A_165 = vector.shape_cast %reduce_sum3A_164 : vector<1000xi32> to vector<1000x1xi32>
    %ge3A_166 = arith.constant 38 : i32
    %ge3A_167 = vector.broadcast %ge3A_166 : i32 to vector<1000x1xi32>
    %ge3A_168 = arith.cmpi sge, %broadcast_in_dim3A_165, %ge3A_167 : vector<1000x1xi32>
    %select_n3A_169 = arith.select %ge3A_168, %or3A_156, %select_n3A_153 : vector<1000x1xi1>, vector<1000x1xi32>
    %or3A_170 = arith.constant 4194304 : i32
    %or3A_171 = vector.broadcast %or3A_170 : i32 to vector<1000x1xi32>
    %or3A_172 = arith.ori %select_n3A_169, %or3A_171 : vector<1000x1xi32>
    %xor3A_173 = arith.constant -2147483648 : i32
    %xor3A_174 = vector.broadcast %xor3A_173 : i32 to vector<1000x1xi32>
    %xor3A_175 = arith.xori %or3A_172, %xor3A_174 : vector<1000x1xi32>
    %ge3A_176 = vector.broadcast %xor3A_175 : vector<1000x1xi32> to vector<1000x128xi32>
    %ge3A_177 = arith.cmpi sge, %xor3A, %ge3A_176 : vector<1000x128xi32>
    %convert_element_type3A_178 = arith.extui %ge3A_177 : vector<1000x128xi1> to vector<1000x128xi32>
    %reduce_sum3A_179 = arith.constant dense<0> : vector<1000xi32>
    %reduce_sum3A_180 = vector.multi_reduction <add>, %convert_element_type3A_178, %reduce_sum3A_179 [1] : vector<1000x128xi32> to vector<1000xi32>
    %broadcast_in_dim3A_181 = vector.shape_cast %reduce_sum3A_180 : vector<1000xi32> to vector<1000x1xi32>
    %ge3A_182 = arith.constant 38 : i32
    %ge3A_183 = vector.broadcast %ge3A_182 : i32 to vector<1000x1xi32>
    %ge3A_184 = arith.cmpi sge, %broadcast_in_dim3A_181, %ge3A_183 : vector<1000x1xi32>
    %select_n3A_185 = arith.select %ge3A_184, %or3A_172, %select_n3A_169 : vector<1000x1xi1>, vector<1000x1xi32>
    %or3A_186 = arith.constant 2097152 : i32
    %or3A_187 = vector.broadcast %or3A_186 : i32 to vector<1000x1xi32>
    %or3A_188 = arith.ori %select_n3A_185, %or3A_187 : vector<1000x1xi32>
    %xor3A_189 = arith.constant -2147483648 : i32
    %xor3A_190 = vector.broadcast %xor3A_189 : i32 to vector<1000x1xi32>
    %xor3A_191 = arith.xori %or3A_188, %xor3A_190 : vector<1000x1xi32>
    %ge3A_192 = vector.broadcast %xor3A_191 : vector<1000x1xi32> to vector<1000x128xi32>
    %ge3A_193 = arith.cmpi sge, %xor3A, %ge3A_192 : vector<1000x128xi32>
    %convert_element_type3A_194 = arith.extui %ge3A_193 : vector<1000x128xi1> to vector<1000x128xi32>
    %reduce_sum3A_195 = arith.constant dense<0> : vector<1000xi32>
    %reduce_sum3A_196 = vector.multi_reduction <add>, %convert_element_type3A_194, %reduce_sum3A_195 [1] : vector<1000x128xi32> to vector<1000xi32>
    %broadcast_in_dim3A_197 = vector.shape_cast %reduce_sum3A_196 : vector<1000xi32> to vector<1000x1xi32>
    %ge3A_198 = arith.constant 38 : i32
    %ge3A_199 = vector.broadcast %ge3A_198 : i32 to vector<1000x1xi32>
    %ge3A_200 = arith.cmpi sge, %broadcast_in_dim3A_197, %ge3A_199 : vector<1000x1xi32>
    %select_n3A_201 = arith.select %ge3A_200, %or3A_188, %select_n3A_185 : vector<1000x1xi1>, vector<1000x1xi32>
    %or3A_202 = arith.constant 1048576 : i32
    %or3A_203 = vector.broadcast %or3A_202 : i32 to vector<1000x1xi32>
    %or3A_204 = arith.ori %select_n3A_201, %or3A_203 : vector<1000x1xi32>
    %xor3A_205 = arith.constant -2147483648 : i32
    %xor3A_206 = vector.broadcast %xor3A_205 : i32 to vector<1000x1xi32>
    %xor3A_207 = arith.xori %or3A_204, %xor3A_206 : vector<1000x1xi32>
    %ge3A_208 = vector.broadcast %xor3A_207 : vector<1000x1xi32> to vector<1000x128xi32>
    %ge3A_209 = arith.cmpi sge, %xor3A, %ge3A_208 : vector<1000x128xi32>
    %convert_element_type3A_210 = arith.extui %ge3A_209 : vector<1000x128xi1> to vector<1000x128xi32>
    %reduce_sum3A_211 = arith.constant dense<0> : vector<1000xi32>
    %reduce_sum3A_212 = vector.multi_reduction <add>, %convert_element_type3A_210, %reduce_sum3A_211 [1] : vector<1000x128xi32> to vector<1000xi32>
    %broadcast_in_dim3A_213 = vector.shape_cast %reduce_sum3A_212 : vector<1000xi32> to vector<1000x1xi32>
    %ge3A_214 = arith.constant 38 : i32
    %ge3A_215 = vector.broadcast %ge3A_214 : i32 to vector<1000x1xi32>
    %ge3A_216 = arith.cmpi sge, %broadcast_in_dim3A_213, %ge3A_215 : vector<1000x1xi32>
    %select_n3A_217 = arith.select %ge3A_216, %or3A_204, %select_n3A_201 : vector<1000x1xi1>, vector<1000x1xi32>
    %or3A_218 = arith.constant 524288 : i32
    %or3A_219 = vector.broadcast %or3A_218 : i32 to vector<1000x1xi32>
    %or3A_220 = arith.ori %select_n3A_217, %or3A_219 : vector<1000x1xi32>
    %xor3A_221 = arith.constant -2147483648 : i32
    %xor3A_222 = vector.broadcast %xor3A_221 : i32 to vector<1000x1xi32>
    %xor3A_223 = arith.xori %or3A_220, %xor3A_222 : vector<1000x1xi32>
    %ge3A_224 = vector.broadcast %xor3A_223 : vector<1000x1xi32> to vector<1000x128xi32>
    %ge3A_225 = arith.cmpi sge, %xor3A, %ge3A_224 : vector<1000x128xi32>
    %convert_element_type3A_226 = arith.extui %ge3A_225 : vector<1000x128xi1> to vector<1000x128xi32>
    %reduce_sum3A_227 = arith.constant dense<0> : vector<1000xi32>
    %reduce_sum3A_228 = vector.multi_reduction <add>, %convert_element_type3A_226, %reduce_sum3A_227 [1] : vector<1000x128xi32> to vector<1000xi32>
    %broadcast_in_dim3A_229 = vector.shape_cast %reduce_sum3A_228 : vector<1000xi32> to vector<1000x1xi32>
    %ge3A_230 = arith.constant 38 : i32
    %ge3A_231 = vector.broadcast %ge3A_230 : i32 to vector<1000x1xi32>
    %ge3A_232 = arith.cmpi sge, %broadcast_in_dim3A_229, %ge3A_231 : vector<1000x1xi32>
    %select_n3A_233 = arith.select %ge3A_232, %or3A_220, %select_n3A_217 : vector<1000x1xi1>, vector<1000x1xi32>
    %or3A_234 = arith.constant 262144 : i32
    %or3A_235 = vector.broadcast %or3A_234 : i32 to vector<1000x1xi32>
    %or3A_236 = arith.ori %select_n3A_233, %or3A_235 : vector<1000x1xi32>
    %xor3A_237 = arith.constant -2147483648 : i32
    %xor3A_238 = vector.broadcast %xor3A_237 : i32 to vector<1000x1xi32>
    %xor3A_239 = arith.xori %or3A_236, %xor3A_238 : vector<1000x1xi32>
    %ge3A_240 = vector.broadcast %xor3A_239 : vector<1000x1xi32> to vector<1000x128xi32>
    %ge3A_241 = arith.cmpi sge, %xor3A, %ge3A_240 : vector<1000x128xi32>
    %convert_element_type3A_242 = arith.extui %ge3A_241 : vector<1000x128xi1> to vector<1000x128xi32>
    %reduce_sum3A_243 = arith.constant dense<0> : vector<1000xi32>
    %reduce_sum3A_244 = vector.multi_reduction <add>, %convert_element_type3A_242, %reduce_sum3A_243 [1] : vector<1000x128xi32> to vector<1000xi32>
    %broadcast_in_dim3A_245 = vector.shape_cast %reduce_sum3A_244 : vector<1000xi32> to vector<1000x1xi32>
    %ge3A_246 = arith.constant 38 : i32
    %ge3A_247 = vector.broadcast %ge3A_246 : i32 to vector<1000x1xi32>
    %ge3A_248 = arith.cmpi sge, %broadcast_in_dim3A_245, %ge3A_247 : vector<1000x1xi32>
    %select_n3A_249 = arith.select %ge3A_248, %or3A_236, %select_n3A_233 : vector<1000x1xi1>, vector<1000x1xi32>
    %or3A_250 = arith.constant 131072 : i32
    %or3A_251 = vector.broadcast %or3A_250 : i32 to vector<1000x1xi32>
    %or3A_252 = arith.ori %select_n3A_249, %or3A_251 : vector<1000x1xi32>
    %xor3A_253 = arith.constant -2147483648 : i32
    %xor3A_254 = vector.broadcast %xor3A_253 : i32 to vector<1000x1xi32>
    %xor3A_255 = arith.xori %or3A_252, %xor3A_254 : vector<1000x1xi32>
    %ge3A_256 = vector.broadcast %xor3A_255 : vector<1000x1xi32> to vector<1000x128xi32>
    %ge3A_257 = arith.cmpi sge, %xor3A, %ge3A_256 : vector<1000x128xi32>
    %convert_element_type3A_258 = arith.extui %ge3A_257 : vector<1000x128xi1> to vector<1000x128xi32>
    %reduce_sum3A_259 = arith.constant dense<0> : vector<1000xi32>
    %reduce_sum3A_260 = vector.multi_reduction <add>, %convert_element_type3A_258, %reduce_sum3A_259 [1] : vector<1000x128xi32> to vector<1000xi32>
    %broadcast_in_dim3A_261 = vector.shape_cast %reduce_sum3A_260 : vector<1000xi32> to vector<1000x1xi32>
    %ge3A_262 = arith.constant 38 : i32
    %ge3A_263 = vector.broadcast %ge3A_262 : i32 to vector<1000x1xi32>
    %ge3A_264 = arith.cmpi sge, %broadcast_in_dim3A_261, %ge3A_263 : vector<1000x1xi32>
    %select_n3A_265 = arith.select %ge3A_264, %or3A_252, %select_n3A_249 : vector<1000x1xi1>, vector<1000x1xi32>
    %or3A_266 = arith.constant 65536 : i32
    %or3A_267 = vector.broadcast %or3A_266 : i32 to vector<1000x1xi32>
    %or3A_268 = arith.ori %select_n3A_265, %or3A_267 : vector<1000x1xi32>
    %xor3A_269 = arith.constant -2147483648 : i32
    %xor3A_270 = vector.broadcast %xor3A_269 : i32 to vector<1000x1xi32>
    %xor3A_271 = arith.xori %or3A_268, %xor3A_270 : vector<1000x1xi32>
    %ge3A_272 = vector.broadcast %xor3A_271 : vector<1000x1xi32> to vector<1000x128xi32>
    %ge3A_273 = arith.cmpi sge, %xor3A, %ge3A_272 : vector<1000x128xi32>
    %convert_element_type3A_274 = arith.extui %ge3A_273 : vector<1000x128xi1> to vector<1000x128xi32>
    %reduce_sum3A_275 = arith.constant dense<0> : vector<1000xi32>
    %reduce_sum3A_276 = vector.multi_reduction <add>, %convert_element_type3A_274, %reduce_sum3A_275 [1] : vector<1000x128xi32> to vector<1000xi32>
    %broadcast_in_dim3A_277 = vector.shape_cast %reduce_sum3A_276 : vector<1000xi32> to vector<1000x1xi32>
    %ge3A_278 = arith.constant 38 : i32
    %ge3A_279 = vector.broadcast %ge3A_278 : i32 to vector<1000x1xi32>
    %ge3A_280 = arith.cmpi sge, %broadcast_in_dim3A_277, %ge3A_279 : vector<1000x1xi32>
    %select_n3A_281 = arith.select %ge3A_280, %or3A_268, %select_n3A_265 : vector<1000x1xi1>, vector<1000x1xi32>
    %or3A_282 = arith.constant 32768 : i32
    %or3A_283 = vector.broadcast %or3A_282 : i32 to vector<1000x1xi32>
    %or3A_284 = arith.ori %select_n3A_281, %or3A_283 : vector<1000x1xi32>
    %xor3A_285 = arith.constant -2147483648 : i32
    %xor3A_286 = vector.broadcast %xor3A_285 : i32 to vector<1000x1xi32>
    %xor3A_287 = arith.xori %or3A_284, %xor3A_286 : vector<1000x1xi32>
    %ge3A_288 = vector.broadcast %xor3A_287 : vector<1000x1xi32> to vector<1000x128xi32>
    %ge3A_289 = arith.cmpi sge, %xor3A, %ge3A_288 : vector<1000x128xi32>
    %convert_element_type3A_290 = arith.extui %ge3A_289 : vector<1000x128xi1> to vector<1000x128xi32>
    %reduce_sum3A_291 = arith.constant dense<0> : vector<1000xi32>
    %reduce_sum3A_292 = vector.multi_reduction <add>, %convert_element_type3A_290, %reduce_sum3A_291 [1] : vector<1000x128xi32> to vector<1000xi32>
    %broadcast_in_dim3A_293 = vector.shape_cast %reduce_sum3A_292 : vector<1000xi32> to vector<1000x1xi32>
    %ge3A_294 = arith.constant 38 : i32
    %ge3A_295 = vector.broadcast %ge3A_294 : i32 to vector<1000x1xi32>
    %ge3A_296 = arith.cmpi sge, %broadcast_in_dim3A_293, %ge3A_295 : vector<1000x1xi32>
    %select_n3A_297 = arith.select %ge3A_296, %or3A_284, %select_n3A_281 : vector<1000x1xi1>, vector<1000x1xi32>
    %or3A_298 = arith.constant 16384 : i32
    %or3A_299 = vector.broadcast %or3A_298 : i32 to vector<1000x1xi32>
    %or3A_300 = arith.ori %select_n3A_297, %or3A_299 : vector<1000x1xi32>
    %xor3A_301 = arith.constant -2147483648 : i32
    %xor3A_302 = vector.broadcast %xor3A_301 : i32 to vector<1000x1xi32>
    %xor3A_303 = arith.xori %or3A_300, %xor3A_302 : vector<1000x1xi32>
    %ge3A_304 = vector.broadcast %xor3A_303 : vector<1000x1xi32> to vector<1000x128xi32>
    %ge3A_305 = arith.cmpi sge, %xor3A, %ge3A_304 : vector<1000x128xi32>
    %convert_element_type3A_306 = arith.extui %ge3A_305 : vector<1000x128xi1> to vector<1000x128xi32>
    %reduce_sum3A_307 = arith.constant dense<0> : vector<1000xi32>
    %reduce_sum3A_308 = vector.multi_reduction <add>, %convert_element_type3A_306, %reduce_sum3A_307 [1] : vector<1000x128xi32> to vector<1000xi32>
    %broadcast_in_dim3A_309 = vector.shape_cast %reduce_sum3A_308 : vector<1000xi32> to vector<1000x1xi32>
    %ge3A_310 = arith.constant 38 : i32
    %ge3A_311 = vector.broadcast %ge3A_310 : i32 to vector<1000x1xi32>
    %ge3A_312 = arith.cmpi sge, %broadcast_in_dim3A_309, %ge3A_311 : vector<1000x1xi32>
    %select_n3A_313 = arith.select %ge3A_312, %or3A_300, %select_n3A_297 : vector<1000x1xi1>, vector<1000x1xi32>
    %or3A_314 = arith.constant 8192 : i32
    %or3A_315 = vector.broadcast %or3A_314 : i32 to vector<1000x1xi32>
    %or3A_316 = arith.ori %select_n3A_313, %or3A_315 : vector<1000x1xi32>
    %xor3A_317 = arith.constant -2147483648 : i32
    %xor3A_318 = vector.broadcast %xor3A_317 : i32 to vector<1000x1xi32>
    %xor3A_319 = arith.xori %or3A_316, %xor3A_318 : vector<1000x1xi32>
    %ge3A_320 = vector.broadcast %xor3A_319 : vector<1000x1xi32> to vector<1000x128xi32>
    %ge3A_321 = arith.cmpi sge, %xor3A, %ge3A_320 : vector<1000x128xi32>
    %convert_element_type3A_322 = arith.extui %ge3A_321 : vector<1000x128xi1> to vector<1000x128xi32>
    %reduce_sum3A_323 = arith.constant dense<0> : vector<1000xi32>
    %reduce_sum3A_324 = vector.multi_reduction <add>, %convert_element_type3A_322, %reduce_sum3A_323 [1] : vector<1000x128xi32> to vector<1000xi32>
    %broadcast_in_dim3A_325 = vector.shape_cast %reduce_sum3A_324 : vector<1000xi32> to vector<1000x1xi32>
    %ge3A_326 = arith.constant 38 : i32
    %ge3A_327 = vector.broadcast %ge3A_326 : i32 to vector<1000x1xi32>
    %ge3A_328 = arith.cmpi sge, %broadcast_in_dim3A_325, %ge3A_327 : vector<1000x1xi32>
    %select_n3A_329 = arith.select %ge3A_328, %or3A_316, %select_n3A_313 : vector<1000x1xi1>, vector<1000x1xi32>
    %or3A_330 = arith.constant 4096 : i32
    %or3A_331 = vector.broadcast %or3A_330 : i32 to vector<1000x1xi32>
    %or3A_332 = arith.ori %select_n3A_329, %or3A_331 : vector<1000x1xi32>
    %xor3A_333 = arith.constant -2147483648 : i32
    %xor3A_334 = vector.broadcast %xor3A_333 : i32 to vector<1000x1xi32>
    %xor3A_335 = arith.xori %or3A_332, %xor3A_334 : vector<1000x1xi32>
    %ge3A_336 = vector.broadcast %xor3A_335 : vector<1000x1xi32> to vector<1000x128xi32>
    %ge3A_337 = arith.cmpi sge, %xor3A, %ge3A_336 : vector<1000x128xi32>
    %convert_element_type3A_338 = arith.extui %ge3A_337 : vector<1000x128xi1> to vector<1000x128xi32>
    %reduce_sum3A_339 = arith.constant dense<0> : vector<1000xi32>
    %reduce_sum3A_340 = vector.multi_reduction <add>, %convert_element_type3A_338, %reduce_sum3A_339 [1] : vector<1000x128xi32> to vector<1000xi32>
    %broadcast_in_dim3A_341 = vector.shape_cast %reduce_sum3A_340 : vector<1000xi32> to vector<1000x1xi32>
    %ge3A_342 = arith.constant 38 : i32
    %ge3A_343 = vector.broadcast %ge3A_342 : i32 to vector<1000x1xi32>
    %ge3A_344 = arith.cmpi sge, %broadcast_in_dim3A_341, %ge3A_343 : vector<1000x1xi32>
    %select_n3A_345 = arith.select %ge3A_344, %or3A_332, %select_n3A_329 : vector<1000x1xi1>, vector<1000x1xi32>
    %or3A_346 = arith.constant 2048 : i32
    %or3A_347 = vector.broadcast %or3A_346 : i32 to vector<1000x1xi32>
    %or3A_348 = arith.ori %select_n3A_345, %or3A_347 : vector<1000x1xi32>
    %xor3A_349 = arith.constant -2147483648 : i32
    %xor3A_350 = vector.broadcast %xor3A_349 : i32 to vector<1000x1xi32>
    %xor3A_351 = arith.xori %or3A_348, %xor3A_350 : vector<1000x1xi32>
    %ge3A_352 = vector.broadcast %xor3A_351 : vector<1000x1xi32> to vector<1000x128xi32>
    %ge3A_353 = arith.cmpi sge, %xor3A, %ge3A_352 : vector<1000x128xi32>
    %convert_element_type3A_354 = arith.extui %ge3A_353 : vector<1000x128xi1> to vector<1000x128xi32>
    %reduce_sum3A_355 = arith.constant dense<0> : vector<1000xi32>
    %reduce_sum3A_356 = vector.multi_reduction <add>, %convert_element_type3A_354, %reduce_sum3A_355 [1] : vector<1000x128xi32> to vector<1000xi32>
    %broadcast_in_dim3A_357 = vector.shape_cast %reduce_sum3A_356 : vector<1000xi32> to vector<1000x1xi32>
    %ge3A_358 = arith.constant 38 : i32
    %ge3A_359 = vector.broadcast %ge3A_358 : i32 to vector<1000x1xi32>
    %ge3A_360 = arith.cmpi sge, %broadcast_in_dim3A_357, %ge3A_359 : vector<1000x1xi32>
    %select_n3A_361 = arith.select %ge3A_360, %or3A_348, %select_n3A_345 : vector<1000x1xi1>, vector<1000x1xi32>
    %or3A_362 = arith.constant 1024 : i32
    %or3A_363 = vector.broadcast %or3A_362 : i32 to vector<1000x1xi32>
    %or3A_364 = arith.ori %select_n3A_361, %or3A_363 : vector<1000x1xi32>
    %xor3A_365 = arith.constant -2147483648 : i32
    %xor3A_366 = vector.broadcast %xor3A_365 : i32 to vector<1000x1xi32>
    %xor3A_367 = arith.xori %or3A_364, %xor3A_366 : vector<1000x1xi32>
    %ge3A_368 = vector.broadcast %xor3A_367 : vector<1000x1xi32> to vector<1000x128xi32>
    %ge3A_369 = arith.cmpi sge, %xor3A, %ge3A_368 : vector<1000x128xi32>
    %convert_element_type3A_370 = arith.extui %ge3A_369 : vector<1000x128xi1> to vector<1000x128xi32>
    %reduce_sum3A_371 = arith.constant dense<0> : vector<1000xi32>
    %reduce_sum3A_372 = vector.multi_reduction <add>, %convert_element_type3A_370, %reduce_sum3A_371 [1] : vector<1000x128xi32> to vector<1000xi32>
    %broadcast_in_dim3A_373 = vector.shape_cast %reduce_sum3A_372 : vector<1000xi32> to vector<1000x1xi32>
    %ge3A_374 = arith.constant 38 : i32
    %ge3A_375 = vector.broadcast %ge3A_374 : i32 to vector<1000x1xi32>
    %ge3A_376 = arith.cmpi sge, %broadcast_in_dim3A_373, %ge3A_375 : vector<1000x1xi32>
    %select_n3A_377 = arith.select %ge3A_376, %or3A_364, %select_n3A_361 : vector<1000x1xi1>, vector<1000x1xi32>
    %or3A_378 = arith.constant 512 : i32
    %or3A_379 = vector.broadcast %or3A_378 : i32 to vector<1000x1xi32>
    %or3A_380 = arith.ori %select_n3A_377, %or3A_379 : vector<1000x1xi32>
    %xor3A_381 = arith.constant -2147483648 : i32
    %xor3A_382 = vector.broadcast %xor3A_381 : i32 to vector<1000x1xi32>
    %xor3A_383 = arith.xori %or3A_380, %xor3A_382 : vector<1000x1xi32>
    %ge3A_384 = vector.broadcast %xor3A_383 : vector<1000x1xi32> to vector<1000x128xi32>
    %ge3A_385 = arith.cmpi sge, %xor3A, %ge3A_384 : vector<1000x128xi32>
    %convert_element_type3A_386 = arith.extui %ge3A_385 : vector<1000x128xi1> to vector<1000x128xi32>
    %reduce_sum3A_387 = arith.constant dense<0> : vector<1000xi32>
    %reduce_sum3A_388 = vector.multi_reduction <add>, %convert_element_type3A_386, %reduce_sum3A_387 [1] : vector<1000x128xi32> to vector<1000xi32>
    %broadcast_in_dim3A_389 = vector.shape_cast %reduce_sum3A_388 : vector<1000xi32> to vector<1000x1xi32>
    %ge3A_390 = arith.constant 38 : i32
    %ge3A_391 = vector.broadcast %ge3A_390 : i32 to vector<1000x1xi32>
    %ge3A_392 = arith.cmpi sge, %broadcast_in_dim3A_389, %ge3A_391 : vector<1000x1xi32>
    %select_n3A_393 = arith.select %ge3A_392, %or3A_380, %select_n3A_377 : vector<1000x1xi1>, vector<1000x1xi32>
    %or3A_394 = arith.constant 256 : i32
    %or3A_395 = vector.broadcast %or3A_394 : i32 to vector<1000x1xi32>
    %or3A_396 = arith.ori %select_n3A_393, %or3A_395 : vector<1000x1xi32>
    %xor3A_397 = arith.constant -2147483648 : i32
    %xor3A_398 = vector.broadcast %xor3A_397 : i32 to vector<1000x1xi32>
    %xor3A_399 = arith.xori %or3A_396, %xor3A_398 : vector<1000x1xi32>
    %ge3A_400 = vector.broadcast %xor3A_399 : vector<1000x1xi32> to vector<1000x128xi32>
    %ge3A_401 = arith.cmpi sge, %xor3A, %ge3A_400 : vector<1000x128xi32>
    %convert_element_type3A_402 = arith.extui %ge3A_401 : vector<1000x128xi1> to vector<1000x128xi32>
    %reduce_sum3A_403 = arith.constant dense<0> : vector<1000xi32>
    %reduce_sum3A_404 = vector.multi_reduction <add>, %convert_element_type3A_402, %reduce_sum3A_403 [1] : vector<1000x128xi32> to vector<1000xi32>
    %broadcast_in_dim3A_405 = vector.shape_cast %reduce_sum3A_404 : vector<1000xi32> to vector<1000x1xi32>
    %ge3A_406 = arith.constant 38 : i32
    %ge3A_407 = vector.broadcast %ge3A_406 : i32 to vector<1000x1xi32>
    %ge3A_408 = arith.cmpi sge, %broadcast_in_dim3A_405, %ge3A_407 : vector<1000x1xi32>
    %select_n3A_409 = arith.select %ge3A_408, %or3A_396, %select_n3A_393 : vector<1000x1xi1>, vector<1000x1xi32>
    %or3A_410 = arith.constant 128 : i32
    %or3A_411 = vector.broadcast %or3A_410 : i32 to vector<1000x1xi32>
    %or3A_412 = arith.ori %select_n3A_409, %or3A_411 : vector<1000x1xi32>
    %xor3A_413 = arith.constant -2147483648 : i32
    %xor3A_414 = vector.broadcast %xor3A_413 : i32 to vector<1000x1xi32>
    %xor3A_415 = arith.xori %or3A_412, %xor3A_414 : vector<1000x1xi32>
    %ge3A_416 = vector.broadcast %xor3A_415 : vector<1000x1xi32> to vector<1000x128xi32>
    %ge3A_417 = arith.cmpi sge, %xor3A, %ge3A_416 : vector<1000x128xi32>
    %convert_element_type3A_418 = arith.extui %ge3A_417 : vector<1000x128xi1> to vector<1000x128xi32>
    %reduce_sum3A_419 = arith.constant dense<0> : vector<1000xi32>
    %reduce_sum3A_420 = vector.multi_reduction <add>, %convert_element_type3A_418, %reduce_sum3A_419 [1] : vector<1000x128xi32> to vector<1000xi32>
    %broadcast_in_dim3A_421 = vector.shape_cast %reduce_sum3A_420 : vector<1000xi32> to vector<1000x1xi32>
    %ge3A_422 = arith.constant 38 : i32
    %ge3A_423 = vector.broadcast %ge3A_422 : i32 to vector<1000x1xi32>
    %ge3A_424 = arith.cmpi sge, %broadcast_in_dim3A_421, %ge3A_423 : vector<1000x1xi32>
    %select_n3A_425 = arith.select %ge3A_424, %or3A_412, %select_n3A_409 : vector<1000x1xi1>, vector<1000x1xi32>
    %or3A_426 = arith.constant 64 : i32
    %or3A_427 = vector.broadcast %or3A_426 : i32 to vector<1000x1xi32>
    %or3A_428 = arith.ori %select_n3A_425, %or3A_427 : vector<1000x1xi32>
    %xor3A_429 = arith.constant -2147483648 : i32
    %xor3A_430 = vector.broadcast %xor3A_429 : i32 to vector<1000x1xi32>
    %xor3A_431 = arith.xori %or3A_428, %xor3A_430 : vector<1000x1xi32>
    %ge3A_432 = vector.broadcast %xor3A_431 : vector<1000x1xi32> to vector<1000x128xi32>
    %ge3A_433 = arith.cmpi sge, %xor3A, %ge3A_432 : vector<1000x128xi32>
    %convert_element_type3A_434 = arith.extui %ge3A_433 : vector<1000x128xi1> to vector<1000x128xi32>
    %reduce_sum3A_435 = arith.constant dense<0> : vector<1000xi32>
    %reduce_sum3A_436 = vector.multi_reduction <add>, %convert_element_type3A_434, %reduce_sum3A_435 [1] : vector<1000x128xi32> to vector<1000xi32>
    %broadcast_in_dim3A_437 = vector.shape_cast %reduce_sum3A_436 : vector<1000xi32> to vector<1000x1xi32>
    %ge3A_438 = arith.constant 38 : i32
    %ge3A_439 = vector.broadcast %ge3A_438 : i32 to vector<1000x1xi32>
    %ge3A_440 = arith.cmpi sge, %broadcast_in_dim3A_437, %ge3A_439 : vector<1000x1xi32>
    %select_n3A_441 = arith.select %ge3A_440, %or3A_428, %select_n3A_425 : vector<1000x1xi1>, vector<1000x1xi32>
    %or3A_442 = arith.constant 32 : i32
    %or3A_443 = vector.broadcast %or3A_442 : i32 to vector<1000x1xi32>
    %or3A_444 = arith.ori %select_n3A_441, %or3A_443 : vector<1000x1xi32>
    %xor3A_445 = arith.constant -2147483648 : i32
    %xor3A_446 = vector.broadcast %xor3A_445 : i32 to vector<1000x1xi32>
    %xor3A_447 = arith.xori %or3A_444, %xor3A_446 : vector<1000x1xi32>
    %ge3A_448 = vector.broadcast %xor3A_447 : vector<1000x1xi32> to vector<1000x128xi32>
    %ge3A_449 = arith.cmpi sge, %xor3A, %ge3A_448 : vector<1000x128xi32>
    %convert_element_type3A_450 = arith.extui %ge3A_449 : vector<1000x128xi1> to vector<1000x128xi32>
    %reduce_sum3A_451 = arith.constant dense<0> : vector<1000xi32>
    %reduce_sum3A_452 = vector.multi_reduction <add>, %convert_element_type3A_450, %reduce_sum3A_451 [1] : vector<1000x128xi32> to vector<1000xi32>
    %broadcast_in_dim3A_453 = vector.shape_cast %reduce_sum3A_452 : vector<1000xi32> to vector<1000x1xi32>
    %ge3A_454 = arith.constant 38 : i32
    %ge3A_455 = vector.broadcast %ge3A_454 : i32 to vector<1000x1xi32>
    %ge3A_456 = arith.cmpi sge, %broadcast_in_dim3A_453, %ge3A_455 : vector<1000x1xi32>
    %select_n3A_457 = arith.select %ge3A_456, %or3A_444, %select_n3A_441 : vector<1000x1xi1>, vector<1000x1xi32>
    %or3A_458 = arith.constant 16 : i32
    %or3A_459 = vector.broadcast %or3A_458 : i32 to vector<1000x1xi32>
    %or3A_460 = arith.ori %select_n3A_457, %or3A_459 : vector<1000x1xi32>
    %xor3A_461 = arith.constant -2147483648 : i32
    %xor3A_462 = vector.broadcast %xor3A_461 : i32 to vector<1000x1xi32>
    %xor3A_463 = arith.xori %or3A_460, %xor3A_462 : vector<1000x1xi32>
    %ge3A_464 = vector.broadcast %xor3A_463 : vector<1000x1xi32> to vector<1000x128xi32>
    %ge3A_465 = arith.cmpi sge, %xor3A, %ge3A_464 : vector<1000x128xi32>
    %convert_element_type3A_466 = arith.extui %ge3A_465 : vector<1000x128xi1> to vector<1000x128xi32>
    %reduce_sum3A_467 = arith.constant dense<0> : vector<1000xi32>
    %reduce_sum3A_468 = vector.multi_reduction <add>, %convert_element_type3A_466, %reduce_sum3A_467 [1] : vector<1000x128xi32> to vector<1000xi32>
    %broadcast_in_dim3A_469 = vector.shape_cast %reduce_sum3A_468 : vector<1000xi32> to vector<1000x1xi32>
    %ge3A_470 = arith.constant 38 : i32
    %ge3A_471 = vector.broadcast %ge3A_470 : i32 to vector<1000x1xi32>
    %ge3A_472 = arith.cmpi sge, %broadcast_in_dim3A_469, %ge3A_471 : vector<1000x1xi32>
    %select_n3A_473 = arith.select %ge3A_472, %or3A_460, %select_n3A_457 : vector<1000x1xi1>, vector<1000x1xi32>
    %or3A_474 = arith.constant 8 : i32
    %or3A_475 = vector.broadcast %or3A_474 : i32 to vector<1000x1xi32>
    %or3A_476 = arith.ori %select_n3A_473, %or3A_475 : vector<1000x1xi32>
    %xor3A_477 = arith.constant -2147483648 : i32
    %xor3A_478 = vector.broadcast %xor3A_477 : i32 to vector<1000x1xi32>
    %xor3A_479 = arith.xori %or3A_476, %xor3A_478 : vector<1000x1xi32>
    %ge3A_480 = vector.broadcast %xor3A_479 : vector<1000x1xi32> to vector<1000x128xi32>
    %ge3A_481 = arith.cmpi sge, %xor3A, %ge3A_480 : vector<1000x128xi32>
    %convert_element_type3A_482 = arith.extui %ge3A_481 : vector<1000x128xi1> to vector<1000x128xi32>
    %reduce_sum3A_483 = arith.constant dense<0> : vector<1000xi32>
    %reduce_sum3A_484 = vector.multi_reduction <add>, %convert_element_type3A_482, %reduce_sum3A_483 [1] : vector<1000x128xi32> to vector<1000xi32>
    %broadcast_in_dim3A_485 = vector.shape_cast %reduce_sum3A_484 : vector<1000xi32> to vector<1000x1xi32>
    %ge3A_486 = arith.constant 38 : i32
    %ge3A_487 = vector.broadcast %ge3A_486 : i32 to vector<1000x1xi32>
    %ge3A_488 = arith.cmpi sge, %broadcast_in_dim3A_485, %ge3A_487 : vector<1000x1xi32>
    %select_n3A_489 = arith.select %ge3A_488, %or3A_476, %select_n3A_473 : vector<1000x1xi1>, vector<1000x1xi32>
    %or3A_490 = arith.constant 4 : i32
    %or3A_491 = vector.broadcast %or3A_490 : i32 to vector<1000x1xi32>
    %or3A_492 = arith.ori %select_n3A_489, %or3A_491 : vector<1000x1xi32>
    %xor3A_493 = arith.constant -2147483648 : i32
    %xor3A_494 = vector.broadcast %xor3A_493 : i32 to vector<1000x1xi32>
    %xor3A_495 = arith.xori %or3A_492, %xor3A_494 : vector<1000x1xi32>
    %ge3A_496 = vector.broadcast %xor3A_495 : vector<1000x1xi32> to vector<1000x128xi32>
    %ge3A_497 = arith.cmpi sge, %xor3A, %ge3A_496 : vector<1000x128xi32>
    %convert_element_type3A_498 = arith.extui %ge3A_497 : vector<1000x128xi1> to vector<1000x128xi32>
    %reduce_sum3A_499 = arith.constant dense<0> : vector<1000xi32>
    %reduce_sum3A_500 = vector.multi_reduction <add>, %convert_element_type3A_498, %reduce_sum3A_499 [1] : vector<1000x128xi32> to vector<1000xi32>
    %broadcast_in_dim3A_501 = vector.shape_cast %reduce_sum3A_500 : vector<1000xi32> to vector<1000x1xi32>
    %ge3A_502 = arith.constant 38 : i32
    %ge3A_503 = vector.broadcast %ge3A_502 : i32 to vector<1000x1xi32>
    %ge3A_504 = arith.cmpi sge, %broadcast_in_dim3A_501, %ge3A_503 : vector<1000x1xi32>
    %select_n3A_505 = arith.select %ge3A_504, %or3A_492, %select_n3A_489 : vector<1000x1xi1>, vector<1000x1xi32>
    %or3A_506 = arith.constant 2 : i32
    %or3A_507 = vector.broadcast %or3A_506 : i32 to vector<1000x1xi32>
    %or3A_508 = arith.ori %select_n3A_505, %or3A_507 : vector<1000x1xi32>
    %xor3A_509 = arith.constant -2147483648 : i32
    %xor3A_510 = vector.broadcast %xor3A_509 : i32 to vector<1000x1xi32>
    %xor3A_511 = arith.xori %or3A_508, %xor3A_510 : vector<1000x1xi32>
    %ge3A_512 = vector.broadcast %xor3A_511 : vector<1000x1xi32> to vector<1000x128xi32>
    %ge3A_513 = arith.cmpi sge, %xor3A, %ge3A_512 : vector<1000x128xi32>
    %convert_element_type3A_514 = arith.extui %ge3A_513 : vector<1000x128xi1> to vector<1000x128xi32>
    %reduce_sum3A_515 = arith.constant dense<0> : vector<1000xi32>
    %reduce_sum3A_516 = vector.multi_reduction <add>, %convert_element_type3A_514, %reduce_sum3A_515 [1] : vector<1000x128xi32> to vector<1000xi32>
    %broadcast_in_dim3A_517 = vector.shape_cast %reduce_sum3A_516 : vector<1000xi32> to vector<1000x1xi32>
    %ge3A_518 = arith.constant 38 : i32
    %ge3A_519 = vector.broadcast %ge3A_518 : i32 to vector<1000x1xi32>
    %ge3A_520 = arith.cmpi sge, %broadcast_in_dim3A_517, %ge3A_519 : vector<1000x1xi32>
    %select_n3A_521 = arith.select %ge3A_520, %or3A_508, %select_n3A_505 : vector<1000x1xi1>, vector<1000x1xi32>
    %or3A_522 = arith.constant 1 : i32
    %or3A_523 = vector.broadcast %or3A_522 : i32 to vector<1000x1xi32>
    %or3A_524 = arith.ori %select_n3A_521, %or3A_523 : vector<1000x1xi32>
    %xor3A_525 = arith.constant -2147483648 : i32
    %xor3A_526 = vector.broadcast %xor3A_525 : i32 to vector<1000x1xi32>
    %xor3A_527 = arith.xori %or3A_524, %xor3A_526 : vector<1000x1xi32>
    %ge3A_528 = vector.broadcast %xor3A_527 : vector<1000x1xi32> to vector<1000x128xi32>
    %ge3A_529 = arith.cmpi sge, %xor3A, %ge3A_528 : vector<1000x128xi32>
    %convert_element_type3A_530 = arith.extui %ge3A_529 : vector<1000x128xi1> to vector<1000x128xi32>
    %reduce_sum3A_531 = arith.constant dense<0> : vector<1000xi32>
    %reduce_sum3A_532 = vector.multi_reduction <add>, %convert_element_type3A_530, %reduce_sum3A_531 [1] : vector<1000x128xi32> to vector<1000xi32>
    %broadcast_in_dim3A_533 = vector.shape_cast %reduce_sum3A_532 : vector<1000xi32> to vector<1000x1xi32>
    %ge3A_534 = arith.constant 38 : i32
    %ge3A_535 = vector.broadcast %ge3A_534 : i32 to vector<1000x1xi32>
    %ge3A_536 = arith.cmpi sge, %broadcast_in_dim3A_533, %ge3A_535 : vector<1000x1xi32>
    %select_n3A_537 = arith.select %ge3A_536, %or3A_524, %select_n3A_521 : vector<1000x1xi1>, vector<1000x1xi32>
    %xor3A_538 = arith.constant -2147483648 : i32
    %xor3A_539 = vector.broadcast %xor3A_538 : i32 to vector<1000x1xi32>
    %xor3A_540 = arith.xori %select_n3A_537, %xor3A_539 : vector<1000x1xi32>
    %ge3A_541 = vector.broadcast %xor3A_540 : vector<1000x1xi32> to vector<1000x128xi32>
    %ge3A_542 = arith.cmpi sge, %xor3A, %ge3A_541 : vector<1000x128xi32>
    %jit3A = arith.constant 0.000000e+00 : f32
    %broadcast_in_dim3A_543 = vector.broadcast %jit3A : f32 to vector<1000x128xf32>
    %select_n3A_544 = arith.select %ge3A_542, %add3A_25, %broadcast_in_dim3A_543 : vector<1000x128xi1>, vector<1000x128xf32>
    %get3A_545 = arith.constant 0 : index
    %get3A_546 = arith.constant 0 : index
    %get3A_547 = vector.load %arg7[%get3A_545, %get3A_546] : memref<128x128xf32, #tpu.memory_space<vmem>>, vector<128x128xf32>
    %dot_general3A = arith.constant dense<0.000000e+00> : vector<1000x128xf32>
    %dot_general3A_548 = tpu.matmul %select_n3A_544, %get3A_547, %dot_general3A {dimension_numbers = #tpu.dot_dimension_numbers<[1], [0], [0], [1], [0, 0, 1, 1], [], []>, transpose_lhs_hint = false} : vector<1000x128xf32>, vector<128x128xf32>, vector<1000x128xf32> -> vector<1000x128xf32>
    %mul3A_549 = vector.broadcast %rsqrt3A : vector<1000x1xf32> to vector<1000x128xf32>
    %mul3A_550 = arith.mulf %dot_general3A_548, %mul3A_549 : vector<1000x128xf32>
    %swap3A = arith.constant 0 : index
    %swap3A_551 = arith.constant 0 : index
    %swap3A_552 = vector.load %arg8[%swap3A, %swap3A_551] : memref<1000x128xf32, #tpu.memory_space<vmem>>, vector<1000x128xf32>
    tpu.vector_store %arg8[%swap3A, %swap3A_551], %mul3A_550 {strides = array<i32>} : memref<1000x128xf32, #tpu.memory_space<vmem>>, vector<1000x128xf32>,
    return
  }
  func.func @transform_0(%arg0: i32) -> (i32, i32) {
    %c0_i32 = arith.constant 0 : i32
    %c0_i32_0 = arith.constant 0 : i32
    return %arg0, %c0_i32 : i32, i32
  }
  func.func @transform_1(%arg0: i32) -> (i32, i32) {
    %c0_i32 = arith.constant 0 : i32
    %c0_i32_0 = arith.constant 0 : i32
    return %arg0, %c0_i32 : i32, i32
  }
  func.func @transform_2(%arg0: i32) -> (i32, i32) {
    %c0_i32 = arith.constant 0 : i32
    %c0_i32_0 = arith.constant 0 : i32
    return %arg0, %c0_i32 : i32, i32
  }
  func.func @transform_3(%arg0: i32) -> (i32, i32) {
    %c0_i32 = arith.constant 0 : i32
    %c0_i32_0 = arith.constant 0 : i32
    return %arg0, %c0_i32 : i32, i32
  }
  func.func @transform_4(%arg0: i32) -> (i32, i32) {
    %c0_i32 = arith.constant 0 : i32
    %c0_i32_0 = arith.constant 0 : i32
    return %arg0, %c0_i32 : i32, i32
  }
  func.func @transform_5(%arg0: i32) -> (i32, i32) {
    %c0_i32 = arith.constant 0 : i32
    %c0_i32_0 = arith.constant 0 : i32
    %c0_i32_1 = arith.constant 0 : i32
    return %c0_i32, %c0_i32_0 : i32, i32
  }
  func.func @transform_6(%arg0: i32) -> (i32, i32) {
    %c0_i32 = arith.constant 0 : i32
    %c0_i32_0 = arith.constant 0 : i32
    %c0_i32_1 = arith.constant 0 : i32
    return %c0_i32, %c0_i32_0 : i32, i32
  }
  func.func @transform_7(%arg0: i32) -> (i32, i32) {
    %c0_i32 = arith.constant 0 : i32
    %c0_i32_0 = arith.constant 0 : i32
    return %arg0, %c0_i32 : i32, i32
  }
}

module attributes {stable_mosaic.version = 14 : i64} {
  func.func @_tc4_body(%arg0: i32, %arg1: memref<1000x128xf32, #tpu.memory_space<vmem>>, %arg2: memref<1000x128xf32, #tpu.memory_space<vmem>>, %arg3: memref<1000x128xf32, #tpu.memory_space<vmem>>, %arg4: memref<1000x16xf32, #tpu.memory_space<vmem>>, %arg5: memref<1000x16xf32, #tpu.memory_space<vmem>>, %arg6: memref<1x128xf32, #tpu.memory_space<vmem>>, %arg7: memref<128x18xf32, #tpu.memory_space<vmem>>, %arg8: memref<1x18xf32, #tpu.memory_space<vmem>>, %arg9: memref<1000x18xf32, #tpu.memory_space<vmem>>) attributes {dimension_semantics = [#tpu.dimension_semantics<arbitrary>], iteration_bounds = array<i64: 10>, scalar_prefetch = 0 : i64, scratch_operands = 0 : i64, tpu.core_type = #tpu.core_type<tc>, window_params = [{transform_indices = @transform_0, window_bounds = array<i64: 1000, 128>}, {transform_indices = @transform_1, window_bounds = array<i64: 1000, 128>}, {transform_indices = @transform_2, window_bounds = array<i64: 1000, 128>}, {transform_indices = @transform_3, window_bounds = array<i64: 1000, 16>}, {transform_indices = @transform_4, window_bounds = array<i64: 1000, 16>}, {pipeline_mode = #tpu.pipeline_mode<synchronous>, transform_indices = @transform_5, window_bounds = array<i64: 1, 128>}, {pipeline_mode = #tpu.pipeline_mode<synchronous>, transform_indices = @transform_6, window_bounds = array<i64: 128, 18>}, {pipeline_mode = #tpu.pipeline_mode<synchronous>, transform_indices = @transform_7, window_bounds = array<i64: 1, 18>}, {transform_indices = @transform_8, window_bounds = array<i64: 1000, 18>}]} {
    %get3A = arith.constant 0 : index
    %get3A_0 = arith.constant 0 : index
    %get3A_1 = vector.load %arg4[%get3A, %get3A_0] : memref<1000x16xf32, #tpu.memory_space<vmem>>, vector<1000x16xf32>
    %slice3A = vector.extract_strided_slice %get3A_1 {offsets = [0, 0], sizes = [1000, 1], strides = [1, 1]} : vector<1000x16xf32> to vector<1000x1xf32>
    %add3A = arith.constant 1.000000e+00 : f32
    %add3A_2 = vector.broadcast %add3A : f32 to vector<1000x1xf32>
    %add3A_3 = arith.addf %add3A_2, %slice3A : vector<1000x1xf32>
    %get3A_4 = arith.constant 0 : index
    %get3A_5 = arith.constant 0 : index
    %get3A_6 = vector.load %arg5[%get3A_4, %get3A_5] : memref<1000x16xf32, #tpu.memory_space<vmem>>, vector<1000x16xf32>
    %slice3A_7 = vector.extract_strided_slice %get3A_6 {offsets = [0, 0], sizes = [1000, 1], strides = [1, 1]} : vector<1000x16xf32> to vector<1000x1xf32>
    %add3A_8 = arith.addf %add3A_3, %slice3A_7 : vector<1000x1xf32>
    %rsqrt3A = math.rsqrt %add3A_8 : vector<1000x1xf32>
    %get3A_9 = arith.constant 0 : index
    %get3A_10 = arith.constant 0 : index
    %get3A_11 = vector.load %arg1[%get3A_9, %get3A_10] : memref<1000x128xf32, #tpu.memory_space<vmem>>, vector<1000x128xf32>
    %get3A_12 = arith.constant 0 : index
    %get3A_13 = arith.constant 0 : index
    %get3A_14 = vector.load %arg2[%get3A_12, %get3A_13] : memref<1000x128xf32, #tpu.memory_space<vmem>>, vector<1000x128xf32>
    %add3A_15 = arith.addf %get3A_11, %get3A_14 : vector<1000x128xf32>
    %get3A_16 = arith.constant 0 : index
    %get3A_17 = arith.constant 0 : index
    %get3A_18 = vector.load %arg3[%get3A_16, %get3A_17] : memref<1000x128xf32, #tpu.memory_space<vmem>>, vector<1000x128xf32>
    %add3A_19 = arith.addf %add3A_15, %get3A_18 : vector<1000x128xf32>
    %mul3A = vector.broadcast %rsqrt3A : vector<1000x1xf32> to vector<1000x128xf32>
    %mul3A_20 = arith.mulf %add3A_19, %mul3A : vector<1000x128xf32>
    %get3A_21 = arith.constant 0 : index
    %get3A_22 = arith.constant 0 : index
    %get3A_23 = vector.load %arg6[%get3A_21, %get3A_22] : memref<1x128xf32, #tpu.memory_space<vmem>>, vector<1x128xf32>
    %add3A_24 = vector.broadcast %get3A_23 : vector<1x128xf32> to vector<1000x128xf32>
    %add3A_25 = arith.addf %mul3A_20, %add3A_24 : vector<1000x128xf32>
    %bitcast_convert_type3A = tpu.bitcast %add3A_25 : vector<1000x128xf32> -> vector<1000x128xi32>
    %shift_right_arithmetic3A = arith.constant 31 : i32
    %shift_right_arithmetic3A_26 = vector.broadcast %shift_right_arithmetic3A : i32 to vector<1000x128xi32>
    %shift_right_arithmetic3A_27 = arith.shrsi %bitcast_convert_type3A, %shift_right_arithmetic3A_26 : vector<1000x128xi32>
    %and3A = arith.constant 2147483647 : i32
    %and3A_28 = vector.broadcast %and3A : i32 to vector<1000x128xi32>
    %and3A_29 = arith.andi %shift_right_arithmetic3A_27, %and3A_28 : vector<1000x128xi32>
    %xor3A = arith.xori %bitcast_convert_type3A, %and3A_29 : vector<1000x128xi32>
    %broadcast_in_dim3A = arith.constant 0 : i32
    %broadcast_in_dim3A_30 = vector.broadcast %broadcast_in_dim3A : i32 to vector<1000x1xi32>
    %or3A = arith.constant -2147483648 : i32
    %or3A_31 = vector.broadcast %or3A : i32 to vector<1000x1xi32>
    %or3A_32 = arith.ori %broadcast_in_dim3A_30, %or3A_31 : vector<1000x1xi32>
    %xor3A_33 = arith.constant -2147483648 : i32
    %xor3A_34 = vector.broadcast %xor3A_33 : i32 to vector<1000x1xi32>
    %xor3A_35 = arith.xori %or3A_32, %xor3A_34 : vector<1000x1xi32>
    %ge3A = vector.broadcast %xor3A_35 : vector<1000x1xi32> to vector<1000x128xi32>
    %ge3A_36 = arith.cmpi sge, %xor3A, %ge3A : vector<1000x128xi32>
    %convert_element_type3A = arith.extui %ge3A_36 : vector<1000x128xi1> to vector<1000x128xi32>
    %reduce_sum3A = arith.constant dense<0> : vector<1000xi32>
    %reduce_sum3A_37 = vector.multi_reduction <add>, %convert_element_type3A, %reduce_sum3A [1] : vector<1000x128xi32> to vector<1000xi32>
    %broadcast_in_dim3A_38 = vector.shape_cast %reduce_sum3A_37 : vector<1000xi32> to vector<1000x1xi32>
    %ge3A_39 = arith.constant 38 : i32
    %ge3A_40 = vector.broadcast %ge3A_39 : i32 to vector<1000x1xi32>
    %ge3A_41 = arith.cmpi sge, %broadcast_in_dim3A_38, %ge3A_40 : vector<1000x1xi32>
    %select_n3A = arith.select %ge3A_41, %or3A_32, %broadcast_in_dim3A_30 : vector<1000x1xi1>, vector<1000x1xi32>
    %or3A_42 = arith.constant 1073741824 : i32
    %or3A_43 = vector.broadcast %or3A_42 : i32 to vector<1000x1xi32>
    %or3A_44 = arith.ori %select_n3A, %or3A_43 : vector<1000x1xi32>
    %xor3A_45 = arith.constant -2147483648 : i32
    %xor3A_46 = vector.broadcast %xor3A_45 : i32 to vector<1000x1xi32>
    %xor3A_47 = arith.xori %or3A_44, %xor3A_46 : vector<1000x1xi32>
    %ge3A_48 = vector.broadcast %xor3A_47 : vector<1000x1xi32> to vector<1000x128xi32>
    %ge3A_49 = arith.cmpi sge, %xor3A, %ge3A_48 : vector<1000x128xi32>
    %convert_element_type3A_50 = arith.extui %ge3A_49 : vector<1000x128xi1> to vector<1000x128xi32>
    %reduce_sum3A_51 = arith.constant dense<0> : vector<1000xi32>
    %reduce_sum3A_52 = vector.multi_reduction <add>, %convert_element_type3A_50, %reduce_sum3A_51 [1] : vector<1000x128xi32> to vector<1000xi32>
    %broadcast_in_dim3A_53 = vector.shape_cast %reduce_sum3A_52 : vector<1000xi32> to vector<1000x1xi32>
    %ge3A_54 = arith.constant 38 : i32
    %ge3A_55 = vector.broadcast %ge3A_54 : i32 to vector<1000x1xi32>
    %ge3A_56 = arith.cmpi sge, %broadcast_in_dim3A_53, %ge3A_55 : vector<1000x1xi32>
    %select_n3A_57 = arith.select %ge3A_56, %or3A_44, %select_n3A : vector<1000x1xi1>, vector<1000x1xi32>
    %or3A_58 = arith.constant 536870912 : i32
    %or3A_59 = vector.broadcast %or3A_58 : i32 to vector<1000x1xi32>
    %or3A_60 = arith.ori %select_n3A_57, %or3A_59 : vector<1000x1xi32>
    %xor3A_61 = arith.constant -2147483648 : i32
    %xor3A_62 = vector.broadcast %xor3A_61 : i32 to vector<1000x1xi32>
    %xor3A_63 = arith.xori %or3A_60, %xor3A_62 : vector<1000x1xi32>
    %ge3A_64 = vector.broadcast %xor3A_63 : vector<1000x1xi32> to vector<1000x128xi32>
    %ge3A_65 = arith.cmpi sge, %xor3A, %ge3A_64 : vector<1000x128xi32>
    %convert_element_type3A_66 = arith.extui %ge3A_65 : vector<1000x128xi1> to vector<1000x128xi32>
    %reduce_sum3A_67 = arith.constant dense<0> : vector<1000xi32>
    %reduce_sum3A_68 = vector.multi_reduction <add>, %convert_element_type3A_66, %reduce_sum3A_67 [1] : vector<1000x128xi32> to vector<1000xi32>
    %broadcast_in_dim3A_69 = vector.shape_cast %reduce_sum3A_68 : vector<1000xi32> to vector<1000x1xi32>
    %ge3A_70 = arith.constant 38 : i32
    %ge3A_71 = vector.broadcast %ge3A_70 : i32 to vector<1000x1xi32>
    %ge3A_72 = arith.cmpi sge, %broadcast_in_dim3A_69, %ge3A_71 : vector<1000x1xi32>
    %select_n3A_73 = arith.select %ge3A_72, %or3A_60, %select_n3A_57 : vector<1000x1xi1>, vector<1000x1xi32>
    %or3A_74 = arith.constant 268435456 : i32
    %or3A_75 = vector.broadcast %or3A_74 : i32 to vector<1000x1xi32>
    %or3A_76 = arith.ori %select_n3A_73, %or3A_75 : vector<1000x1xi32>
    %xor3A_77 = arith.constant -2147483648 : i32
    %xor3A_78 = vector.broadcast %xor3A_77 : i32 to vector<1000x1xi32>
    %xor3A_79 = arith.xori %or3A_76, %xor3A_78 : vector<1000x1xi32>
    %ge3A_80 = vector.broadcast %xor3A_79 : vector<1000x1xi32> to vector<1000x128xi32>
    %ge3A_81 = arith.cmpi sge, %xor3A, %ge3A_80 : vector<1000x128xi32>
    %convert_element_type3A_82 = arith.extui %ge3A_81 : vector<1000x128xi1> to vector<1000x128xi32>
    %reduce_sum3A_83 = arith.constant dense<0> : vector<1000xi32>
    %reduce_sum3A_84 = vector.multi_reduction <add>, %convert_element_type3A_82, %reduce_sum3A_83 [1] : vector<1000x128xi32> to vector<1000xi32>
    %broadcast_in_dim3A_85 = vector.shape_cast %reduce_sum3A_84 : vector<1000xi32> to vector<1000x1xi32>
    %ge3A_86 = arith.constant 38 : i32
    %ge3A_87 = vector.broadcast %ge3A_86 : i32 to vector<1000x1xi32>
    %ge3A_88 = arith.cmpi sge, %broadcast_in_dim3A_85, %ge3A_87 : vector<1000x1xi32>
    %select_n3A_89 = arith.select %ge3A_88, %or3A_76, %select_n3A_73 : vector<1000x1xi1>, vector<1000x1xi32>
    %or3A_90 = arith.constant 134217728 : i32
    %or3A_91 = vector.broadcast %or3A_90 : i32 to vector<1000x1xi32>
    %or3A_92 = arith.ori %select_n3A_89, %or3A_91 : vector<1000x1xi32>
    %xor3A_93 = arith.constant -2147483648 : i32
    %xor3A_94 = vector.broadcast %xor3A_93 : i32 to vector<1000x1xi32>
    %xor3A_95 = arith.xori %or3A_92, %xor3A_94 : vector<1000x1xi32>
    %ge3A_96 = vector.broadcast %xor3A_95 : vector<1000x1xi32> to vector<1000x128xi32>
    %ge3A_97 = arith.cmpi sge, %xor3A, %ge3A_96 : vector<1000x128xi32>
    %convert_element_type3A_98 = arith.extui %ge3A_97 : vector<1000x128xi1> to vector<1000x128xi32>
    %reduce_sum3A_99 = arith.constant dense<0> : vector<1000xi32>
    %reduce_sum3A_100 = vector.multi_reduction <add>, %convert_element_type3A_98, %reduce_sum3A_99 [1] : vector<1000x128xi32> to vector<1000xi32>
    %broadcast_in_dim3A_101 = vector.shape_cast %reduce_sum3A_100 : vector<1000xi32> to vector<1000x1xi32>
    %ge3A_102 = arith.constant 38 : i32
    %ge3A_103 = vector.broadcast %ge3A_102 : i32 to vector<1000x1xi32>
    %ge3A_104 = arith.cmpi sge, %broadcast_in_dim3A_101, %ge3A_103 : vector<1000x1xi32>
    %select_n3A_105 = arith.select %ge3A_104, %or3A_92, %select_n3A_89 : vector<1000x1xi1>, vector<1000x1xi32>
    %or3A_106 = arith.constant 67108864 : i32
    %or3A_107 = vector.broadcast %or3A_106 : i32 to vector<1000x1xi32>
    %or3A_108 = arith.ori %select_n3A_105, %or3A_107 : vector<1000x1xi32>
    %xor3A_109 = arith.constant -2147483648 : i32
    %xor3A_110 = vector.broadcast %xor3A_109 : i32 to vector<1000x1xi32>
    %xor3A_111 = arith.xori %or3A_108, %xor3A_110 : vector<1000x1xi32>
    %ge3A_112 = vector.broadcast %xor3A_111 : vector<1000x1xi32> to vector<1000x128xi32>
    %ge3A_113 = arith.cmpi sge, %xor3A, %ge3A_112 : vector<1000x128xi32>
    %convert_element_type3A_114 = arith.extui %ge3A_113 : vector<1000x128xi1> to vector<1000x128xi32>
    %reduce_sum3A_115 = arith.constant dense<0> : vector<1000xi32>
    %reduce_sum3A_116 = vector.multi_reduction <add>, %convert_element_type3A_114, %reduce_sum3A_115 [1] : vector<1000x128xi32> to vector<1000xi32>
    %broadcast_in_dim3A_117 = vector.shape_cast %reduce_sum3A_116 : vector<1000xi32> to vector<1000x1xi32>
    %ge3A_118 = arith.constant 38 : i32
    %ge3A_119 = vector.broadcast %ge3A_118 : i32 to vector<1000x1xi32>
    %ge3A_120 = arith.cmpi sge, %broadcast_in_dim3A_117, %ge3A_119 : vector<1000x1xi32>
    %select_n3A_121 = arith.select %ge3A_120, %or3A_108, %select_n3A_105 : vector<1000x1xi1>, vector<1000x1xi32>
    %or3A_122 = arith.constant 33554432 : i32
    %or3A_123 = vector.broadcast %or3A_122 : i32 to vector<1000x1xi32>
    %or3A_124 = arith.ori %select_n3A_121, %or3A_123 : vector<1000x1xi32>
    %xor3A_125 = arith.constant -2147483648 : i32
    %xor3A_126 = vector.broadcast %xor3A_125 : i32 to vector<1000x1xi32>
    %xor3A_127 = arith.xori %or3A_124, %xor3A_126 : vector<1000x1xi32>
    %ge3A_128 = vector.broadcast %xor3A_127 : vector<1000x1xi32> to vector<1000x128xi32>
    %ge3A_129 = arith.cmpi sge, %xor3A, %ge3A_128 : vector<1000x128xi32>
    %convert_element_type3A_130 = arith.extui %ge3A_129 : vector<1000x128xi1> to vector<1000x128xi32>
    %reduce_sum3A_131 = arith.constant dense<0> : vector<1000xi32>
    %reduce_sum3A_132 = vector.multi_reduction <add>, %convert_element_type3A_130, %reduce_sum3A_131 [1] : vector<1000x128xi32> to vector<1000xi32>
    %broadcast_in_dim3A_133 = vector.shape_cast %reduce_sum3A_132 : vector<1000xi32> to vector<1000x1xi32>
    %ge3A_134 = arith.constant 38 : i32
    %ge3A_135 = vector.broadcast %ge3A_134 : i32 to vector<1000x1xi32>
    %ge3A_136 = arith.cmpi sge, %broadcast_in_dim3A_133, %ge3A_135 : vector<1000x1xi32>
    %select_n3A_137 = arith.select %ge3A_136, %or3A_124, %select_n3A_121 : vector<1000x1xi1>, vector<1000x1xi32>
    %or3A_138 = arith.constant 16777216 : i32
    %or3A_139 = vector.broadcast %or3A_138 : i32 to vector<1000x1xi32>
    %or3A_140 = arith.ori %select_n3A_137, %or3A_139 : vector<1000x1xi32>
    %xor3A_141 = arith.constant -2147483648 : i32
    %xor3A_142 = vector.broadcast %xor3A_141 : i32 to vector<1000x1xi32>
    %xor3A_143 = arith.xori %or3A_140, %xor3A_142 : vector<1000x1xi32>
    %ge3A_144 = vector.broadcast %xor3A_143 : vector<1000x1xi32> to vector<1000x128xi32>
    %ge3A_145 = arith.cmpi sge, %xor3A, %ge3A_144 : vector<1000x128xi32>
    %convert_element_type3A_146 = arith.extui %ge3A_145 : vector<1000x128xi1> to vector<1000x128xi32>
    %reduce_sum3A_147 = arith.constant dense<0> : vector<1000xi32>
    %reduce_sum3A_148 = vector.multi_reduction <add>, %convert_element_type3A_146, %reduce_sum3A_147 [1] : vector<1000x128xi32> to vector<1000xi32>
    %broadcast_in_dim3A_149 = vector.shape_cast %reduce_sum3A_148 : vector<1000xi32> to vector<1000x1xi32>
    %ge3A_150 = arith.constant 38 : i32
    %ge3A_151 = vector.broadcast %ge3A_150 : i32 to vector<1000x1xi32>
    %ge3A_152 = arith.cmpi sge, %broadcast_in_dim3A_149, %ge3A_151 : vector<1000x1xi32>
    %select_n3A_153 = arith.select %ge3A_152, %or3A_140, %select_n3A_137 : vector<1000x1xi1>, vector<1000x1xi32>
    %or3A_154 = arith.constant 8388608 : i32
    %or3A_155 = vector.broadcast %or3A_154 : i32 to vector<1000x1xi32>
    %or3A_156 = arith.ori %select_n3A_153, %or3A_155 : vector<1000x1xi32>
    %xor3A_157 = arith.constant -2147483648 : i32
    %xor3A_158 = vector.broadcast %xor3A_157 : i32 to vector<1000x1xi32>
    %xor3A_159 = arith.xori %or3A_156, %xor3A_158 : vector<1000x1xi32>
    %ge3A_160 = vector.broadcast %xor3A_159 : vector<1000x1xi32> to vector<1000x128xi32>
    %ge3A_161 = arith.cmpi sge, %xor3A, %ge3A_160 : vector<1000x128xi32>
    %convert_element_type3A_162 = arith.extui %ge3A_161 : vector<1000x128xi1> to vector<1000x128xi32>
    %reduce_sum3A_163 = arith.constant dense<0> : vector<1000xi32>
    %reduce_sum3A_164 = vector.multi_reduction <add>, %convert_element_type3A_162, %reduce_sum3A_163 [1] : vector<1000x128xi32> to vector<1000xi32>
    %broadcast_in_dim3A_165 = vector.shape_cast %reduce_sum3A_164 : vector<1000xi32> to vector<1000x1xi32>
    %ge3A_166 = arith.constant 38 : i32
    %ge3A_167 = vector.broadcast %ge3A_166 : i32 to vector<1000x1xi32>
    %ge3A_168 = arith.cmpi sge, %broadcast_in_dim3A_165, %ge3A_167 : vector<1000x1xi32>
    %select_n3A_169 = arith.select %ge3A_168, %or3A_156, %select_n3A_153 : vector<1000x1xi1>, vector<1000x1xi32>
    %or3A_170 = arith.constant 4194304 : i32
    %or3A_171 = vector.broadcast %or3A_170 : i32 to vector<1000x1xi32>
    %or3A_172 = arith.ori %select_n3A_169, %or3A_171 : vector<1000x1xi32>
    %xor3A_173 = arith.constant -2147483648 : i32
    %xor3A_174 = vector.broadcast %xor3A_173 : i32 to vector<1000x1xi32>
    %xor3A_175 = arith.xori %or3A_172, %xor3A_174 : vector<1000x1xi32>
    %ge3A_176 = vector.broadcast %xor3A_175 : vector<1000x1xi32> to vector<1000x128xi32>
    %ge3A_177 = arith.cmpi sge, %xor3A, %ge3A_176 : vector<1000x128xi32>
    %convert_element_type3A_178 = arith.extui %ge3A_177 : vector<1000x128xi1> to vector<1000x128xi32>
    %reduce_sum3A_179 = arith.constant dense<0> : vector<1000xi32>
    %reduce_sum3A_180 = vector.multi_reduction <add>, %convert_element_type3A_178, %reduce_sum3A_179 [1] : vector<1000x128xi32> to vector<1000xi32>
    %broadcast_in_dim3A_181 = vector.shape_cast %reduce_sum3A_180 : vector<1000xi32> to vector<1000x1xi32>
    %ge3A_182 = arith.constant 38 : i32
    %ge3A_183 = vector.broadcast %ge3A_182 : i32 to vector<1000x1xi32>
    %ge3A_184 = arith.cmpi sge, %broadcast_in_dim3A_181, %ge3A_183 : vector<1000x1xi32>
    %select_n3A_185 = arith.select %ge3A_184, %or3A_172, %select_n3A_169 : vector<1000x1xi1>, vector<1000x1xi32>
    %or3A_186 = arith.constant 2097152 : i32
    %or3A_187 = vector.broadcast %or3A_186 : i32 to vector<1000x1xi32>
    %or3A_188 = arith.ori %select_n3A_185, %or3A_187 : vector<1000x1xi32>
    %xor3A_189 = arith.constant -2147483648 : i32
    %xor3A_190 = vector.broadcast %xor3A_189 : i32 to vector<1000x1xi32>
    %xor3A_191 = arith.xori %or3A_188, %xor3A_190 : vector<1000x1xi32>
    %ge3A_192 = vector.broadcast %xor3A_191 : vector<1000x1xi32> to vector<1000x128xi32>
    %ge3A_193 = arith.cmpi sge, %xor3A, %ge3A_192 : vector<1000x128xi32>
    %convert_element_type3A_194 = arith.extui %ge3A_193 : vector<1000x128xi1> to vector<1000x128xi32>
    %reduce_sum3A_195 = arith.constant dense<0> : vector<1000xi32>
    %reduce_sum3A_196 = vector.multi_reduction <add>, %convert_element_type3A_194, %reduce_sum3A_195 [1] : vector<1000x128xi32> to vector<1000xi32>
    %broadcast_in_dim3A_197 = vector.shape_cast %reduce_sum3A_196 : vector<1000xi32> to vector<1000x1xi32>
    %ge3A_198 = arith.constant 38 : i32
    %ge3A_199 = vector.broadcast %ge3A_198 : i32 to vector<1000x1xi32>
    %ge3A_200 = arith.cmpi sge, %broadcast_in_dim3A_197, %ge3A_199 : vector<1000x1xi32>
    %select_n3A_201 = arith.select %ge3A_200, %or3A_188, %select_n3A_185 : vector<1000x1xi1>, vector<1000x1xi32>
    %or3A_202 = arith.constant 1048576 : i32
    %or3A_203 = vector.broadcast %or3A_202 : i32 to vector<1000x1xi32>
    %or3A_204 = arith.ori %select_n3A_201, %or3A_203 : vector<1000x1xi32>
    %xor3A_205 = arith.constant -2147483648 : i32
    %xor3A_206 = vector.broadcast %xor3A_205 : i32 to vector<1000x1xi32>
    %xor3A_207 = arith.xori %or3A_204, %xor3A_206 : vector<1000x1xi32>
    %ge3A_208 = vector.broadcast %xor3A_207 : vector<1000x1xi32> to vector<1000x128xi32>
    %ge3A_209 = arith.cmpi sge, %xor3A, %ge3A_208 : vector<1000x128xi32>
    %convert_element_type3A_210 = arith.extui %ge3A_209 : vector<1000x128xi1> to vector<1000x128xi32>
    %reduce_sum3A_211 = arith.constant dense<0> : vector<1000xi32>
    %reduce_sum3A_212 = vector.multi_reduction <add>, %convert_element_type3A_210, %reduce_sum3A_211 [1] : vector<1000x128xi32> to vector<1000xi32>
    %broadcast_in_dim3A_213 = vector.shape_cast %reduce_sum3A_212 : vector<1000xi32> to vector<1000x1xi32>
    %ge3A_214 = arith.constant 38 : i32
    %ge3A_215 = vector.broadcast %ge3A_214 : i32 to vector<1000x1xi32>
    %ge3A_216 = arith.cmpi sge, %broadcast_in_dim3A_213, %ge3A_215 : vector<1000x1xi32>
    %select_n3A_217 = arith.select %ge3A_216, %or3A_204, %select_n3A_201 : vector<1000x1xi1>, vector<1000x1xi32>
    %or3A_218 = arith.constant 524288 : i32
    %or3A_219 = vector.broadcast %or3A_218 : i32 to vector<1000x1xi32>
    %or3A_220 = arith.ori %select_n3A_217, %or3A_219 : vector<1000x1xi32>
    %xor3A_221 = arith.constant -2147483648 : i32
    %xor3A_222 = vector.broadcast %xor3A_221 : i32 to vector<1000x1xi32>
    %xor3A_223 = arith.xori %or3A_220, %xor3A_222 : vector<1000x1xi32>
    %ge3A_224 = vector.broadcast %xor3A_223 : vector<1000x1xi32> to vector<1000x128xi32>
    %ge3A_225 = arith.cmpi sge, %xor3A, %ge3A_224 : vector<1000x128xi32>
    %convert_element_type3A_226 = arith.extui %ge3A_225 : vector<1000x128xi1> to vector<1000x128xi32>
    %reduce_sum3A_227 = arith.constant dense<0> : vector<1000xi32>
    %reduce_sum3A_228 = vector.multi_reduction <add>, %convert_element_type3A_226, %reduce_sum3A_227 [1] : vector<1000x128xi32> to vector<1000xi32>
    %broadcast_in_dim3A_229 = vector.shape_cast %reduce_sum3A_228 : vector<1000xi32> to vector<1000x1xi32>
    %ge3A_230 = arith.constant 38 : i32
    %ge3A_231 = vector.broadcast %ge3A_230 : i32 to vector<1000x1xi32>
    %ge3A_232 = arith.cmpi sge, %broadcast_in_dim3A_229, %ge3A_231 : vector<1000x1xi32>
    %select_n3A_233 = arith.select %ge3A_232, %or3A_220, %select_n3A_217 : vector<1000x1xi1>, vector<1000x1xi32>
    %or3A_234 = arith.constant 262144 : i32
    %or3A_235 = vector.broadcast %or3A_234 : i32 to vector<1000x1xi32>
    %or3A_236 = arith.ori %select_n3A_233, %or3A_235 : vector<1000x1xi32>
    %xor3A_237 = arith.constant -2147483648 : i32
    %xor3A_238 = vector.broadcast %xor3A_237 : i32 to vector<1000x1xi32>
    %xor3A_239 = arith.xori %or3A_236, %xor3A_238 : vector<1000x1xi32>
    %ge3A_240 = vector.broadcast %xor3A_239 : vector<1000x1xi32> to vector<1000x128xi32>
    %ge3A_241 = arith.cmpi sge, %xor3A, %ge3A_240 : vector<1000x128xi32>
    %convert_element_type3A_242 = arith.extui %ge3A_241 : vector<1000x128xi1> to vector<1000x128xi32>
    %reduce_sum3A_243 = arith.constant dense<0> : vector<1000xi32>
    %reduce_sum3A_244 = vector.multi_reduction <add>, %convert_element_type3A_242, %reduce_sum3A_243 [1] : vector<1000x128xi32> to vector<1000xi32>
    %broadcast_in_dim3A_245 = vector.shape_cast %reduce_sum3A_244 : vector<1000xi32> to vector<1000x1xi32>
    %ge3A_246 = arith.constant 38 : i32
    %ge3A_247 = vector.broadcast %ge3A_246 : i32 to vector<1000x1xi32>
    %ge3A_248 = arith.cmpi sge, %broadcast_in_dim3A_245, %ge3A_247 : vector<1000x1xi32>
    %select_n3A_249 = arith.select %ge3A_248, %or3A_236, %select_n3A_233 : vector<1000x1xi1>, vector<1000x1xi32>
    %or3A_250 = arith.constant 131072 : i32
    %or3A_251 = vector.broadcast %or3A_250 : i32 to vector<1000x1xi32>
    %or3A_252 = arith.ori %select_n3A_249, %or3A_251 : vector<1000x1xi32>
    %xor3A_253 = arith.constant -2147483648 : i32
    %xor3A_254 = vector.broadcast %xor3A_253 : i32 to vector<1000x1xi32>
    %xor3A_255 = arith.xori %or3A_252, %xor3A_254 : vector<1000x1xi32>
    %ge3A_256 = vector.broadcast %xor3A_255 : vector<1000x1xi32> to vector<1000x128xi32>
    %ge3A_257 = arith.cmpi sge, %xor3A, %ge3A_256 : vector<1000x128xi32>
    %convert_element_type3A_258 = arith.extui %ge3A_257 : vector<1000x128xi1> to vector<1000x128xi32>
    %reduce_sum3A_259 = arith.constant dense<0> : vector<1000xi32>
    %reduce_sum3A_260 = vector.multi_reduction <add>, %convert_element_type3A_258, %reduce_sum3A_259 [1] : vector<1000x128xi32> to vector<1000xi32>
    %broadcast_in_dim3A_261 = vector.shape_cast %reduce_sum3A_260 : vector<1000xi32> to vector<1000x1xi32>
    %ge3A_262 = arith.constant 38 : i32
    %ge3A_263 = vector.broadcast %ge3A_262 : i32 to vector<1000x1xi32>
    %ge3A_264 = arith.cmpi sge, %broadcast_in_dim3A_261, %ge3A_263 : vector<1000x1xi32>
    %select_n3A_265 = arith.select %ge3A_264, %or3A_252, %select_n3A_249 : vector<1000x1xi1>, vector<1000x1xi32>
    %or3A_266 = arith.constant 65536 : i32
    %or3A_267 = vector.broadcast %or3A_266 : i32 to vector<1000x1xi32>
    %or3A_268 = arith.ori %select_n3A_265, %or3A_267 : vector<1000x1xi32>
    %xor3A_269 = arith.constant -2147483648 : i32
    %xor3A_270 = vector.broadcast %xor3A_269 : i32 to vector<1000x1xi32>
    %xor3A_271 = arith.xori %or3A_268, %xor3A_270 : vector<1000x1xi32>
    %ge3A_272 = vector.broadcast %xor3A_271 : vector<1000x1xi32> to vector<1000x128xi32>
    %ge3A_273 = arith.cmpi sge, %xor3A, %ge3A_272 : vector<1000x128xi32>
    %convert_element_type3A_274 = arith.extui %ge3A_273 : vector<1000x128xi1> to vector<1000x128xi32>
    %reduce_sum3A_275 = arith.constant dense<0> : vector<1000xi32>
    %reduce_sum3A_276 = vector.multi_reduction <add>, %convert_element_type3A_274, %reduce_sum3A_275 [1] : vector<1000x128xi32> to vector<1000xi32>
    %broadcast_in_dim3A_277 = vector.shape_cast %reduce_sum3A_276 : vector<1000xi32> to vector<1000x1xi32>
    %ge3A_278 = arith.constant 38 : i32
    %ge3A_279 = vector.broadcast %ge3A_278 : i32 to vector<1000x1xi32>
    %ge3A_280 = arith.cmpi sge, %broadcast_in_dim3A_277, %ge3A_279 : vector<1000x1xi32>
    %select_n3A_281 = arith.select %ge3A_280, %or3A_268, %select_n3A_265 : vector<1000x1xi1>, vector<1000x1xi32>
    %or3A_282 = arith.constant 32768 : i32
    %or3A_283 = vector.broadcast %or3A_282 : i32 to vector<1000x1xi32>
    %or3A_284 = arith.ori %select_n3A_281, %or3A_283 : vector<1000x1xi32>
    %xor3A_285 = arith.constant -2147483648 : i32
    %xor3A_286 = vector.broadcast %xor3A_285 : i32 to vector<1000x1xi32>
    %xor3A_287 = arith.xori %or3A_284, %xor3A_286 : vector<1000x1xi32>
    %ge3A_288 = vector.broadcast %xor3A_287 : vector<1000x1xi32> to vector<1000x128xi32>
    %ge3A_289 = arith.cmpi sge, %xor3A, %ge3A_288 : vector<1000x128xi32>
    %convert_element_type3A_290 = arith.extui %ge3A_289 : vector<1000x128xi1> to vector<1000x128xi32>
    %reduce_sum3A_291 = arith.constant dense<0> : vector<1000xi32>
    %reduce_sum3A_292 = vector.multi_reduction <add>, %convert_element_type3A_290, %reduce_sum3A_291 [1] : vector<1000x128xi32> to vector<1000xi32>
    %broadcast_in_dim3A_293 = vector.shape_cast %reduce_sum3A_292 : vector<1000xi32> to vector<1000x1xi32>
    %ge3A_294 = arith.constant 38 : i32
    %ge3A_295 = vector.broadcast %ge3A_294 : i32 to vector<1000x1xi32>
    %ge3A_296 = arith.cmpi sge, %broadcast_in_dim3A_293, %ge3A_295 : vector<1000x1xi32>
    %select_n3A_297 = arith.select %ge3A_296, %or3A_284, %select_n3A_281 : vector<1000x1xi1>, vector<1000x1xi32>
    %or3A_298 = arith.constant 16384 : i32
    %or3A_299 = vector.broadcast %or3A_298 : i32 to vector<1000x1xi32>
    %or3A_300 = arith.ori %select_n3A_297, %or3A_299 : vector<1000x1xi32>
    %xor3A_301 = arith.constant -2147483648 : i32
    %xor3A_302 = vector.broadcast %xor3A_301 : i32 to vector<1000x1xi32>
    %xor3A_303 = arith.xori %or3A_300, %xor3A_302 : vector<1000x1xi32>
    %ge3A_304 = vector.broadcast %xor3A_303 : vector<1000x1xi32> to vector<1000x128xi32>
    %ge3A_305 = arith.cmpi sge, %xor3A, %ge3A_304 : vector<1000x128xi32>
    %convert_element_type3A_306 = arith.extui %ge3A_305 : vector<1000x128xi1> to vector<1000x128xi32>
    %reduce_sum3A_307 = arith.constant dense<0> : vector<1000xi32>
    %reduce_sum3A_308 = vector.multi_reduction <add>, %convert_element_type3A_306, %reduce_sum3A_307 [1] : vector<1000x128xi32> to vector<1000xi32>
    %broadcast_in_dim3A_309 = vector.shape_cast %reduce_sum3A_308 : vector<1000xi32> to vector<1000x1xi32>
    %ge3A_310 = arith.constant 38 : i32
    %ge3A_311 = vector.broadcast %ge3A_310 : i32 to vector<1000x1xi32>
    %ge3A_312 = arith.cmpi sge, %broadcast_in_dim3A_309, %ge3A_311 : vector<1000x1xi32>
    %select_n3A_313 = arith.select %ge3A_312, %or3A_300, %select_n3A_297 : vector<1000x1xi1>, vector<1000x1xi32>
    %or3A_314 = arith.constant 8192 : i32
    %or3A_315 = vector.broadcast %or3A_314 : i32 to vector<1000x1xi32>
    %or3A_316 = arith.ori %select_n3A_313, %or3A_315 : vector<1000x1xi32>
    %xor3A_317 = arith.constant -2147483648 : i32
    %xor3A_318 = vector.broadcast %xor3A_317 : i32 to vector<1000x1xi32>
    %xor3A_319 = arith.xori %or3A_316, %xor3A_318 : vector<1000x1xi32>
    %ge3A_320 = vector.broadcast %xor3A_319 : vector<1000x1xi32> to vector<1000x128xi32>
    %ge3A_321 = arith.cmpi sge, %xor3A, %ge3A_320 : vector<1000x128xi32>
    %convert_element_type3A_322 = arith.extui %ge3A_321 : vector<1000x128xi1> to vector<1000x128xi32>
    %reduce_sum3A_323 = arith.constant dense<0> : vector<1000xi32>
    %reduce_sum3A_324 = vector.multi_reduction <add>, %convert_element_type3A_322, %reduce_sum3A_323 [1] : vector<1000x128xi32> to vector<1000xi32>
    %broadcast_in_dim3A_325 = vector.shape_cast %reduce_sum3A_324 : vector<1000xi32> to vector<1000x1xi32>
    %ge3A_326 = arith.constant 38 : i32
    %ge3A_327 = vector.broadcast %ge3A_326 : i32 to vector<1000x1xi32>
    %ge3A_328 = arith.cmpi sge, %broadcast_in_dim3A_325, %ge3A_327 : vector<1000x1xi32>
    %select_n3A_329 = arith.select %ge3A_328, %or3A_316, %select_n3A_313 : vector<1000x1xi1>, vector<1000x1xi32>
    %or3A_330 = arith.constant 4096 : i32
    %or3A_331 = vector.broadcast %or3A_330 : i32 to vector<1000x1xi32>
    %or3A_332 = arith.ori %select_n3A_329, %or3A_331 : vector<1000x1xi32>
    %xor3A_333 = arith.constant -2147483648 : i32
    %xor3A_334 = vector.broadcast %xor3A_333 : i32 to vector<1000x1xi32>
    %xor3A_335 = arith.xori %or3A_332, %xor3A_334 : vector<1000x1xi32>
    %ge3A_336 = vector.broadcast %xor3A_335 : vector<1000x1xi32> to vector<1000x128xi32>
    %ge3A_337 = arith.cmpi sge, %xor3A, %ge3A_336 : vector<1000x128xi32>
    %convert_element_type3A_338 = arith.extui %ge3A_337 : vector<1000x128xi1> to vector<1000x128xi32>
    %reduce_sum3A_339 = arith.constant dense<0> : vector<1000xi32>
    %reduce_sum3A_340 = vector.multi_reduction <add>, %convert_element_type3A_338, %reduce_sum3A_339 [1] : vector<1000x128xi32> to vector<1000xi32>
    %broadcast_in_dim3A_341 = vector.shape_cast %reduce_sum3A_340 : vector<1000xi32> to vector<1000x1xi32>
    %ge3A_342 = arith.constant 38 : i32
    %ge3A_343 = vector.broadcast %ge3A_342 : i32 to vector<1000x1xi32>
    %ge3A_344 = arith.cmpi sge, %broadcast_in_dim3A_341, %ge3A_343 : vector<1000x1xi32>
    %select_n3A_345 = arith.select %ge3A_344, %or3A_332, %select_n3A_329 : vector<1000x1xi1>, vector<1000x1xi32>
    %or3A_346 = arith.constant 2048 : i32
    %or3A_347 = vector.broadcast %or3A_346 : i32 to vector<1000x1xi32>
    %or3A_348 = arith.ori %select_n3A_345, %or3A_347 : vector<1000x1xi32>
    %xor3A_349 = arith.constant -2147483648 : i32
    %xor3A_350 = vector.broadcast %xor3A_349 : i32 to vector<1000x1xi32>
    %xor3A_351 = arith.xori %or3A_348, %xor3A_350 : vector<1000x1xi32>
    %ge3A_352 = vector.broadcast %xor3A_351 : vector<1000x1xi32> to vector<1000x128xi32>
    %ge3A_353 = arith.cmpi sge, %xor3A, %ge3A_352 : vector<1000x128xi32>
    %convert_element_type3A_354 = arith.extui %ge3A_353 : vector<1000x128xi1> to vector<1000x128xi32>
    %reduce_sum3A_355 = arith.constant dense<0> : vector<1000xi32>
    %reduce_sum3A_356 = vector.multi_reduction <add>, %convert_element_type3A_354, %reduce_sum3A_355 [1] : vector<1000x128xi32> to vector<1000xi32>
    %broadcast_in_dim3A_357 = vector.shape_cast %reduce_sum3A_356 : vector<1000xi32> to vector<1000x1xi32>
    %ge3A_358 = arith.constant 38 : i32
    %ge3A_359 = vector.broadcast %ge3A_358 : i32 to vector<1000x1xi32>
    %ge3A_360 = arith.cmpi sge, %broadcast_in_dim3A_357, %ge3A_359 : vector<1000x1xi32>
    %select_n3A_361 = arith.select %ge3A_360, %or3A_348, %select_n3A_345 : vector<1000x1xi1>, vector<1000x1xi32>
    %or3A_362 = arith.constant 1024 : i32
    %or3A_363 = vector.broadcast %or3A_362 : i32 to vector<1000x1xi32>
    %or3A_364 = arith.ori %select_n3A_361, %or3A_363 : vector<1000x1xi32>
    %xor3A_365 = arith.constant -2147483648 : i32
    %xor3A_366 = vector.broadcast %xor3A_365 : i32 to vector<1000x1xi32>
    %xor3A_367 = arith.xori %or3A_364, %xor3A_366 : vector<1000x1xi32>
    %ge3A_368 = vector.broadcast %xor3A_367 : vector<1000x1xi32> to vector<1000x128xi32>
    %ge3A_369 = arith.cmpi sge, %xor3A, %ge3A_368 : vector<1000x128xi32>
    %convert_element_type3A_370 = arith.extui %ge3A_369 : vector<1000x128xi1> to vector<1000x128xi32>
    %reduce_sum3A_371 = arith.constant dense<0> : vector<1000xi32>
    %reduce_sum3A_372 = vector.multi_reduction <add>, %convert_element_type3A_370, %reduce_sum3A_371 [1] : vector<1000x128xi32> to vector<1000xi32>
    %broadcast_in_dim3A_373 = vector.shape_cast %reduce_sum3A_372 : vector<1000xi32> to vector<1000x1xi32>
    %ge3A_374 = arith.constant 38 : i32
    %ge3A_375 = vector.broadcast %ge3A_374 : i32 to vector<1000x1xi32>
    %ge3A_376 = arith.cmpi sge, %broadcast_in_dim3A_373, %ge3A_375 : vector<1000x1xi32>
    %select_n3A_377 = arith.select %ge3A_376, %or3A_364, %select_n3A_361 : vector<1000x1xi1>, vector<1000x1xi32>
    %or3A_378 = arith.constant 512 : i32
    %or3A_379 = vector.broadcast %or3A_378 : i32 to vector<1000x1xi32>
    %or3A_380 = arith.ori %select_n3A_377, %or3A_379 : vector<1000x1xi32>
    %xor3A_381 = arith.constant -2147483648 : i32
    %xor3A_382 = vector.broadcast %xor3A_381 : i32 to vector<1000x1xi32>
    %xor3A_383 = arith.xori %or3A_380, %xor3A_382 : vector<1000x1xi32>
    %ge3A_384 = vector.broadcast %xor3A_383 : vector<1000x1xi32> to vector<1000x128xi32>
    %ge3A_385 = arith.cmpi sge, %xor3A, %ge3A_384 : vector<1000x128xi32>
    %convert_element_type3A_386 = arith.extui %ge3A_385 : vector<1000x128xi1> to vector<1000x128xi32>
    %reduce_sum3A_387 = arith.constant dense<0> : vector<1000xi32>
    %reduce_sum3A_388 = vector.multi_reduction <add>, %convert_element_type3A_386, %reduce_sum3A_387 [1] : vector<1000x128xi32> to vector<1000xi32>
    %broadcast_in_dim3A_389 = vector.shape_cast %reduce_sum3A_388 : vector<1000xi32> to vector<1000x1xi32>
    %ge3A_390 = arith.constant 38 : i32
    %ge3A_391 = vector.broadcast %ge3A_390 : i32 to vector<1000x1xi32>
    %ge3A_392 = arith.cmpi sge, %broadcast_in_dim3A_389, %ge3A_391 : vector<1000x1xi32>
    %select_n3A_393 = arith.select %ge3A_392, %or3A_380, %select_n3A_377 : vector<1000x1xi1>, vector<1000x1xi32>
    %or3A_394 = arith.constant 256 : i32
    %or3A_395 = vector.broadcast %or3A_394 : i32 to vector<1000x1xi32>
    %or3A_396 = arith.ori %select_n3A_393, %or3A_395 : vector<1000x1xi32>
    %xor3A_397 = arith.constant -2147483648 : i32
    %xor3A_398 = vector.broadcast %xor3A_397 : i32 to vector<1000x1xi32>
    %xor3A_399 = arith.xori %or3A_396, %xor3A_398 : vector<1000x1xi32>
    %ge3A_400 = vector.broadcast %xor3A_399 : vector<1000x1xi32> to vector<1000x128xi32>
    %ge3A_401 = arith.cmpi sge, %xor3A, %ge3A_400 : vector<1000x128xi32>
    %convert_element_type3A_402 = arith.extui %ge3A_401 : vector<1000x128xi1> to vector<1000x128xi32>
    %reduce_sum3A_403 = arith.constant dense<0> : vector<1000xi32>
    %reduce_sum3A_404 = vector.multi_reduction <add>, %convert_element_type3A_402, %reduce_sum3A_403 [1] : vector<1000x128xi32> to vector<1000xi32>
    %broadcast_in_dim3A_405 = vector.shape_cast %reduce_sum3A_404 : vector<1000xi32> to vector<1000x1xi32>
    %ge3A_406 = arith.constant 38 : i32
    %ge3A_407 = vector.broadcast %ge3A_406 : i32 to vector<1000x1xi32>
    %ge3A_408 = arith.cmpi sge, %broadcast_in_dim3A_405, %ge3A_407 : vector<1000x1xi32>
    %select_n3A_409 = arith.select %ge3A_408, %or3A_396, %select_n3A_393 : vector<1000x1xi1>, vector<1000x1xi32>
    %or3A_410 = arith.constant 128 : i32
    %or3A_411 = vector.broadcast %or3A_410 : i32 to vector<1000x1xi32>
    %or3A_412 = arith.ori %select_n3A_409, %or3A_411 : vector<1000x1xi32>
    %xor3A_413 = arith.constant -2147483648 : i32
    %xor3A_414 = vector.broadcast %xor3A_413 : i32 to vector<1000x1xi32>
    %xor3A_415 = arith.xori %or3A_412, %xor3A_414 : vector<1000x1xi32>
    %ge3A_416 = vector.broadcast %xor3A_415 : vector<1000x1xi32> to vector<1000x128xi32>
    %ge3A_417 = arith.cmpi sge, %xor3A, %ge3A_416 : vector<1000x128xi32>
    %convert_element_type3A_418 = arith.extui %ge3A_417 : vector<1000x128xi1> to vector<1000x128xi32>
    %reduce_sum3A_419 = arith.constant dense<0> : vector<1000xi32>
    %reduce_sum3A_420 = vector.multi_reduction <add>, %convert_element_type3A_418, %reduce_sum3A_419 [1] : vector<1000x128xi32> to vector<1000xi32>
    %broadcast_in_dim3A_421 = vector.shape_cast %reduce_sum3A_420 : vector<1000xi32> to vector<1000x1xi32>
    %ge3A_422 = arith.constant 38 : i32
    %ge3A_423 = vector.broadcast %ge3A_422 : i32 to vector<1000x1xi32>
    %ge3A_424 = arith.cmpi sge, %broadcast_in_dim3A_421, %ge3A_423 : vector<1000x1xi32>
    %select_n3A_425 = arith.select %ge3A_424, %or3A_412, %select_n3A_409 : vector<1000x1xi1>, vector<1000x1xi32>
    %or3A_426 = arith.constant 64 : i32
    %or3A_427 = vector.broadcast %or3A_426 : i32 to vector<1000x1xi32>
    %or3A_428 = arith.ori %select_n3A_425, %or3A_427 : vector<1000x1xi32>
    %xor3A_429 = arith.constant -2147483648 : i32
    %xor3A_430 = vector.broadcast %xor3A_429 : i32 to vector<1000x1xi32>
    %xor3A_431 = arith.xori %or3A_428, %xor3A_430 : vector<1000x1xi32>
    %ge3A_432 = vector.broadcast %xor3A_431 : vector<1000x1xi32> to vector<1000x128xi32>
    %ge3A_433 = arith.cmpi sge, %xor3A, %ge3A_432 : vector<1000x128xi32>
    %convert_element_type3A_434 = arith.extui %ge3A_433 : vector<1000x128xi1> to vector<1000x128xi32>
    %reduce_sum3A_435 = arith.constant dense<0> : vector<1000xi32>
    %reduce_sum3A_436 = vector.multi_reduction <add>, %convert_element_type3A_434, %reduce_sum3A_435 [1] : vector<1000x128xi32> to vector<1000xi32>
    %broadcast_in_dim3A_437 = vector.shape_cast %reduce_sum3A_436 : vector<1000xi32> to vector<1000x1xi32>
    %ge3A_438 = arith.constant 38 : i32
    %ge3A_439 = vector.broadcast %ge3A_438 : i32 to vector<1000x1xi32>
    %ge3A_440 = arith.cmpi sge, %broadcast_in_dim3A_437, %ge3A_439 : vector<1000x1xi32>
    %select_n3A_441 = arith.select %ge3A_440, %or3A_428, %select_n3A_425 : vector<1000x1xi1>, vector<1000x1xi32>
    %or3A_442 = arith.constant 32 : i32
    %or3A_443 = vector.broadcast %or3A_442 : i32 to vector<1000x1xi32>
    %or3A_444 = arith.ori %select_n3A_441, %or3A_443 : vector<1000x1xi32>
    %xor3A_445 = arith.constant -2147483648 : i32
    %xor3A_446 = vector.broadcast %xor3A_445 : i32 to vector<1000x1xi32>
    %xor3A_447 = arith.xori %or3A_444, %xor3A_446 : vector<1000x1xi32>
    %ge3A_448 = vector.broadcast %xor3A_447 : vector<1000x1xi32> to vector<1000x128xi32>
    %ge3A_449 = arith.cmpi sge, %xor3A, %ge3A_448 : vector<1000x128xi32>
    %convert_element_type3A_450 = arith.extui %ge3A_449 : vector<1000x128xi1> to vector<1000x128xi32>
    %reduce_sum3A_451 = arith.constant dense<0> : vector<1000xi32>
    %reduce_sum3A_452 = vector.multi_reduction <add>, %convert_element_type3A_450, %reduce_sum3A_451 [1] : vector<1000x128xi32> to vector<1000xi32>
    %broadcast_in_dim3A_453 = vector.shape_cast %reduce_sum3A_452 : vector<1000xi32> to vector<1000x1xi32>
    %ge3A_454 = arith.constant 38 : i32
    %ge3A_455 = vector.broadcast %ge3A_454 : i32 to vector<1000x1xi32>
    %ge3A_456 = arith.cmpi sge, %broadcast_in_dim3A_453, %ge3A_455 : vector<1000x1xi32>
    %select_n3A_457 = arith.select %ge3A_456, %or3A_444, %select_n3A_441 : vector<1000x1xi1>, vector<1000x1xi32>
    %or3A_458 = arith.constant 16 : i32
    %or3A_459 = vector.broadcast %or3A_458 : i32 to vector<1000x1xi32>
    %or3A_460 = arith.ori %select_n3A_457, %or3A_459 : vector<1000x1xi32>
    %xor3A_461 = arith.constant -2147483648 : i32
    %xor3A_462 = vector.broadcast %xor3A_461 : i32 to vector<1000x1xi32>
    %xor3A_463 = arith.xori %or3A_460, %xor3A_462 : vector<1000x1xi32>
    %ge3A_464 = vector.broadcast %xor3A_463 : vector<1000x1xi32> to vector<1000x128xi32>
    %ge3A_465 = arith.cmpi sge, %xor3A, %ge3A_464 : vector<1000x128xi32>
    %convert_element_type3A_466 = arith.extui %ge3A_465 : vector<1000x128xi1> to vector<1000x128xi32>
    %reduce_sum3A_467 = arith.constant dense<0> : vector<1000xi32>
    %reduce_sum3A_468 = vector.multi_reduction <add>, %convert_element_type3A_466, %reduce_sum3A_467 [1] : vector<1000x128xi32> to vector<1000xi32>
    %broadcast_in_dim3A_469 = vector.shape_cast %reduce_sum3A_468 : vector<1000xi32> to vector<1000x1xi32>
    %ge3A_470 = arith.constant 38 : i32
    %ge3A_471 = vector.broadcast %ge3A_470 : i32 to vector<1000x1xi32>
    %ge3A_472 = arith.cmpi sge, %broadcast_in_dim3A_469, %ge3A_471 : vector<1000x1xi32>
    %select_n3A_473 = arith.select %ge3A_472, %or3A_460, %select_n3A_457 : vector<1000x1xi1>, vector<1000x1xi32>
    %or3A_474 = arith.constant 8 : i32
    %or3A_475 = vector.broadcast %or3A_474 : i32 to vector<1000x1xi32>
    %or3A_476 = arith.ori %select_n3A_473, %or3A_475 : vector<1000x1xi32>
    %xor3A_477 = arith.constant -2147483648 : i32
    %xor3A_478 = vector.broadcast %xor3A_477 : i32 to vector<1000x1xi32>
    %xor3A_479 = arith.xori %or3A_476, %xor3A_478 : vector<1000x1xi32>
    %ge3A_480 = vector.broadcast %xor3A_479 : vector<1000x1xi32> to vector<1000x128xi32>
    %ge3A_481 = arith.cmpi sge, %xor3A, %ge3A_480 : vector<1000x128xi32>
    %convert_element_type3A_482 = arith.extui %ge3A_481 : vector<1000x128xi1> to vector<1000x128xi32>
    %reduce_sum3A_483 = arith.constant dense<0> : vector<1000xi32>
    %reduce_sum3A_484 = vector.multi_reduction <add>, %convert_element_type3A_482, %reduce_sum3A_483 [1] : vector<1000x128xi32> to vector<1000xi32>
    %broadcast_in_dim3A_485 = vector.shape_cast %reduce_sum3A_484 : vector<1000xi32> to vector<1000x1xi32>
    %ge3A_486 = arith.constant 38 : i32
    %ge3A_487 = vector.broadcast %ge3A_486 : i32 to vector<1000x1xi32>
    %ge3A_488 = arith.cmpi sge, %broadcast_in_dim3A_485, %ge3A_487 : vector<1000x1xi32>
    %select_n3A_489 = arith.select %ge3A_488, %or3A_476, %select_n3A_473 : vector<1000x1xi1>, vector<1000x1xi32>
    %or3A_490 = arith.constant 4 : i32
    %or3A_491 = vector.broadcast %or3A_490 : i32 to vector<1000x1xi32>
    %or3A_492 = arith.ori %select_n3A_489, %or3A_491 : vector<1000x1xi32>
    %xor3A_493 = arith.constant -2147483648 : i32
    %xor3A_494 = vector.broadcast %xor3A_493 : i32 to vector<1000x1xi32>
    %xor3A_495 = arith.xori %or3A_492, %xor3A_494 : vector<1000x1xi32>
    %ge3A_496 = vector.broadcast %xor3A_495 : vector<1000x1xi32> to vector<1000x128xi32>
    %ge3A_497 = arith.cmpi sge, %xor3A, %ge3A_496 : vector<1000x128xi32>
    %convert_element_type3A_498 = arith.extui %ge3A_497 : vector<1000x128xi1> to vector<1000x128xi32>
    %reduce_sum3A_499 = arith.constant dense<0> : vector<1000xi32>
    %reduce_sum3A_500 = vector.multi_reduction <add>, %convert_element_type3A_498, %reduce_sum3A_499 [1] : vector<1000x128xi32> to vector<1000xi32>
    %broadcast_in_dim3A_501 = vector.shape_cast %reduce_sum3A_500 : vector<1000xi32> to vector<1000x1xi32>
    %ge3A_502 = arith.constant 38 : i32
    %ge3A_503 = vector.broadcast %ge3A_502 : i32 to vector<1000x1xi32>
    %ge3A_504 = arith.cmpi sge, %broadcast_in_dim3A_501, %ge3A_503 : vector<1000x1xi32>
    %select_n3A_505 = arith.select %ge3A_504, %or3A_492, %select_n3A_489 : vector<1000x1xi1>, vector<1000x1xi32>
    %or3A_506 = arith.constant 2 : i32
    %or3A_507 = vector.broadcast %or3A_506 : i32 to vector<1000x1xi32>
    %or3A_508 = arith.ori %select_n3A_505, %or3A_507 : vector<1000x1xi32>
    %xor3A_509 = arith.constant -2147483648 : i32
    %xor3A_510 = vector.broadcast %xor3A_509 : i32 to vector<1000x1xi32>
    %xor3A_511 = arith.xori %or3A_508, %xor3A_510 : vector<1000x1xi32>
    %ge3A_512 = vector.broadcast %xor3A_511 : vector<1000x1xi32> to vector<1000x128xi32>
    %ge3A_513 = arith.cmpi sge, %xor3A, %ge3A_512 : vector<1000x128xi32>
    %convert_element_type3A_514 = arith.extui %ge3A_513 : vector<1000x128xi1> to vector<1000x128xi32>
    %reduce_sum3A_515 = arith.constant dense<0> : vector<1000xi32>
    %reduce_sum3A_516 = vector.multi_reduction <add>, %convert_element_type3A_514, %reduce_sum3A_515 [1] : vector<1000x128xi32> to vector<1000xi32>
    %broadcast_in_dim3A_517 = vector.shape_cast %reduce_sum3A_516 : vector<1000xi32> to vector<1000x1xi32>
    %ge3A_518 = arith.constant 38 : i32
    %ge3A_519 = vector.broadcast %ge3A_518 : i32 to vector<1000x1xi32>
    %ge3A_520 = arith.cmpi sge, %broadcast_in_dim3A_517, %ge3A_519 : vector<1000x1xi32>
    %select_n3A_521 = arith.select %ge3A_520, %or3A_508, %select_n3A_505 : vector<1000x1xi1>, vector<1000x1xi32>
    %or3A_522 = arith.constant 1 : i32
    %or3A_523 = vector.broadcast %or3A_522 : i32 to vector<1000x1xi32>
    %or3A_524 = arith.ori %select_n3A_521, %or3A_523 : vector<1000x1xi32>
    %xor3A_525 = arith.constant -2147483648 : i32
    %xor3A_526 = vector.broadcast %xor3A_525 : i32 to vector<1000x1xi32>
    %xor3A_527 = arith.xori %or3A_524, %xor3A_526 : vector<1000x1xi32>
    %ge3A_528 = vector.broadcast %xor3A_527 : vector<1000x1xi32> to vector<1000x128xi32>
    %ge3A_529 = arith.cmpi sge, %xor3A, %ge3A_528 : vector<1000x128xi32>
    %convert_element_type3A_530 = arith.extui %ge3A_529 : vector<1000x128xi1> to vector<1000x128xi32>
    %reduce_sum3A_531 = arith.constant dense<0> : vector<1000xi32>
    %reduce_sum3A_532 = vector.multi_reduction <add>, %convert_element_type3A_530, %reduce_sum3A_531 [1] : vector<1000x128xi32> to vector<1000xi32>
    %broadcast_in_dim3A_533 = vector.shape_cast %reduce_sum3A_532 : vector<1000xi32> to vector<1000x1xi32>
    %ge3A_534 = arith.constant 38 : i32
    %ge3A_535 = vector.broadcast %ge3A_534 : i32 to vector<1000x1xi32>
    %ge3A_536 = arith.cmpi sge, %broadcast_in_dim3A_533, %ge3A_535 : vector<1000x1xi32>
    %select_n3A_537 = arith.select %ge3A_536, %or3A_524, %select_n3A_521 : vector<1000x1xi1>, vector<1000x1xi32>
    %xor3A_538 = arith.constant -2147483648 : i32
    %xor3A_539 = vector.broadcast %xor3A_538 : i32 to vector<1000x1xi32>
    %xor3A_540 = arith.xori %select_n3A_537, %xor3A_539 : vector<1000x1xi32>
    %ge3A_541 = vector.broadcast %xor3A_540 : vector<1000x1xi32> to vector<1000x128xi32>
    %ge3A_542 = arith.cmpi sge, %xor3A, %ge3A_541 : vector<1000x128xi32>
    %jit3A = arith.constant 0.000000e+00 : f32
    %broadcast_in_dim3A_543 = vector.broadcast %jit3A : f32 to vector<1000x128xf32>
    %select_n3A_544 = arith.select %ge3A_542, %add3A_25, %broadcast_in_dim3A_543 : vector<1000x128xi1>, vector<1000x128xf32>
    %get3A_545 = arith.constant 0 : index
    %get3A_546 = arith.constant 0 : index
    %get3A_547 = vector.load %arg7[%get3A_545, %get3A_546] : memref<128x18xf32, #tpu.memory_space<vmem>>, vector<128x18xf32>
    %dot_general3A = arith.constant dense<0.000000e+00> : vector<1000x18xf32>
    %dot_general3A_548 = tpu.matmul %select_n3A_544, %get3A_547, %dot_general3A {dimension_numbers = #tpu.dot_dimension_numbers<[1], [0], [0], [1], [0, 0, 1, 1], [], []>, transpose_lhs_hint = false} : vector<1000x128xf32>, vector<128x18xf32>, vector<1000x18xf32> -> vector<1000x18xf32>
    %get3A_549 = arith.constant 0 : index
    %get3A_550 = arith.constant 0 : index
    %get3A_551 = vector.load %arg8[%get3A_549, %get3A_550] : memref<1x18xf32, #tpu.memory_space<vmem>>, vector<1x18xf32>
    %add3A_552 = vector.broadcast %get3A_551 : vector<1x18xf32> to vector<1000x18xf32>
    %add3A_553 = arith.addf %dot_general3A_548, %add3A_552 : vector<1000x18xf32>
    %reduce_max3A = arith.constant dense<0xFF800000> : vector<1000xf32>
    %reduce_max3A_554 = vector.multi_reduction <maximumf>, %add3A_553, %reduce_max3A [1] : vector<1000x18xf32> to vector<1000xf32>
    %broadcast_in_dim3A_555 = vector.shape_cast %reduce_max3A_554 : vector<1000xf32> to vector<1000x1xf32>
    %sub3A = vector.broadcast %broadcast_in_dim3A_555 : vector<1000x1xf32> to vector<1000x18xf32>
    %sub3A_556 = arith.subf %add3A_553, %sub3A : vector<1000x18xf32>
    %exp3A = math.exp %sub3A_556 : vector<1000x18xf32>
    %reduce_sum3A_557 = arith.constant dense<0.000000e+00> : vector<1000xf32>
    %reduce_sum3A_558 = vector.multi_reduction <add>, %exp3A, %reduce_sum3A_557 [1] : vector<1000x18xf32> to vector<1000xf32>
    %broadcast_in_dim3A_559 = vector.shape_cast %reduce_sum3A_558 : vector<1000xf32> to vector<1000x1xf32>
    %log3A = math.log %broadcast_in_dim3A_559 : vector<1000x1xf32>
    %add3A_560 = arith.addf %log3A, %broadcast_in_dim3A_555 : vector<1000x1xf32>
    %sub3A_561 = vector.broadcast %add3A_560 : vector<1000x1xf32> to vector<1000x18xf32>
    %sub3A_562 = arith.subf %add3A_553, %sub3A_561 : vector<1000x18xf32>
    %swap3A = arith.constant 0 : index
    %swap3A_563 = arith.constant 0 : index
    %swap3A_564 = vector.load %arg9[%swap3A, %swap3A_563] : memref<1000x18xf32, #tpu.memory_space<vmem>>, vector<1000x18xf32>
    tpu.vector_store %arg9[%swap3A, %swap3A_563], %sub3A_562 {strides = array<i32>} : memref<1000x18xf32, #tpu.memory_space<vmem>>, vector<1000x18xf32>,
    return
  }
  func.func @transform_0(%arg0: i32) -> (i32, i32) {
    %c0_i32 = arith.constant 0 : i32
    %c0_i32_0 = arith.constant 0 : i32
    return %arg0, %c0_i32 : i32, i32
  }
  func.func @transform_1(%arg0: i32) -> (i32, i32) {
    %c0_i32 = arith.constant 0 : i32
    %c0_i32_0 = arith.constant 0 : i32
    return %arg0, %c0_i32 : i32, i32
  }
  func.func @transform_2(%arg0: i32) -> (i32, i32) {
    %c0_i32 = arith.constant 0 : i32
    %c0_i32_0 = arith.constant 0 : i32
    return %arg0, %c0_i32 : i32, i32
  }
  func.func @transform_3(%arg0: i32) -> (i32, i32) {
    %c0_i32 = arith.constant 0 : i32
    %c0_i32_0 = arith.constant 0 : i32
    return %arg0, %c0_i32 : i32, i32
  }
  func.func @transform_4(%arg0: i32) -> (i32, i32) {
    %c0_i32 = arith.constant 0 : i32
    %c0_i32_0 = arith.constant 0 : i32
    return %arg0, %c0_i32 : i32, i32
  }
  func.func @transform_5(%arg0: i32) -> (i32, i32) {
    %c0_i32 = arith.constant 0 : i32
    %c0_i32_0 = arith.constant 0 : i32
    %c0_i32_1 = arith.constant 0 : i32
    return %c0_i32, %c0_i32_0 : i32, i32
  }
  func.func @transform_6(%arg0: i32) -> (i32, i32) {
    %c0_i32 = arith.constant 0 : i32
    %c0_i32_0 = arith.constant 0 : i32
    %c0_i32_1 = arith.constant 0 : i32
    return %c0_i32, %c0_i32_0 : i32, i32
  }
  func.func @transform_7(%arg0: i32) -> (i32, i32) {
    %c0_i32 = arith.constant 0 : i32
    %c0_i32_0 = arith.constant 0 : i32
    %c0_i32_1 = arith.constant 0 : i32
    return %c0_i32, %c0_i32_0 : i32, i32
  }
  func.func @transform_8(%arg0: i32) -> (i32, i32) {
    %c0_i32 = arith.constant 0 : i32
    %c0_i32_0 = arith.constant 0 : i32
    return %arg0, %c0_i32 : i32, i32
  }
}

</mosaic_0001>

<sc_bundles>
// kernel: kernel.12.cloned.1.call-start
scs
__scs_entry_jumppad:
0x0: {  	(pc) =	sbr.rel $0x88, $3  }
0x1: {  	(tag) =	ssettag $0x0;
	lr =	simm.s32 $0x1  }
0x2: {  	[smem:$0x3F97] =	sst lr;
	_ =	strace $0xD0000000  }
0x3: {  	_ = 	snop  }
0x4: {  	_ = 	snop  }
0x5: {  	_ = 	snop  }
0x6: {  	_ = 	snop  }
0x7: {  	_ = 	snop  }
__scs_overlays_trampoline_lowered:
0x8: {  	[smem:$0x3FA6] =	sst s0  }
0x9: {  	[smem:$0x3FA7] =	sst s1  }
0xa: {  	[smem:$0x3FA8] =	sst s2  }
0xb: {  	[smem:$0x3FA9] =	sst s3  }
0xc: {  	[smem:$0x3FAA] =	sst s4  }
0xd: {  	[smem:$0x3FAB] =	sst s5  }
0xe: {  	[smem:$0x3FAC] =	sst s6  }
0xf: {  	[smem:$0x3FAD] =	sst s7  }
0x10: {  	[smem:$0x3FAE] =	sst s8  }
0x11: {  	[smem:$0x3FAF] =	sst s9;
	s0 =	simm.s32 @!p0 $0x0  }
0x12: {  	s1 =	sld [smem:$0x3F95];
	s0 =	simm.s32 @p0 $0x1  }
0x13: {  	[smem:$0x3FB0] =	sst s0;
	s0 =	simm.s32 @!p1 $0x0  }
0x14: {  	s2 =	sld [smem:$0x3F94];
	s0 =	simm.s32 @p1 $0x1  }
0x15: {  	[smem:$0x3FB1] =	sst s0;
	s0 =	simm.s32 @!p2 $0x0  }
0x16: {  	s3 =	sld [smem:$0x3FDB];
	s0 =	simm.s32 @p2 $0x1  }
0x17: {  	s4 =	simm.s32 $0x1BF5;
	[smem:$0x3FB3] =	sst s0  }
0x18: {  	s0 =	sld [smem:$0x3F96];
	_ =	swait.ge [sflag:s4], $0x0  }
0x19: {  	s7 =	sld [smem:$0x3F97]  }
0x1a: {  	s8 =	sadd.s32 $0xFFFFE003, lr  }
0x1b: {  	s9 =	sadd.s32 $0xFFFFFEF7, lr;
	s5 =	simm.s32 $0xFFFFFFFF;
	p2 =	slt.u32 s8, $0xFFFFF086  }
0x1c: {  	p1 =	slt.u32 s9, $0xF7A;
	s5 =	simm.s32 @!p2 $0x0  }
0x1d: {  	s5 =	simm.s32 @p1 $0x1;
	p0 =	seq.s32 s7, s2  }
0x1e: {  	s7 =	smul.u32 @!p0 $0xF7A, s2;
	p2 =	seq.s32 @!p0 s5, $0x0  }
0x1f: {  	s9 =	smul.u32 $0xF7A, s1;
	s8 =	simm.s32 @!p0 $0x1BF5;
	p2 =	por !p2, p0  }
0x20: {  	[sflag:s8] =	ssyncset.s32 @!p0 $0xFFFFF086;
	s6 =	sadd.s32 @!p0 s3, s7;
	s7 =	simm.s32 @!p0 $0x108  }
0x21: {  	s3 =	sadd.s32 s3, s9;
	s6 =	sadd.s32 @!p0 $0x88, s6;
	s7 =	simm.s32 @p2 $0x1082  }
0x22: {  	[simem:s7], [sflag:s8] =	dma.local @!p0 [hbm:s6], $0xF7A  }
0x23: {  	s9 =	sor.u32 $0xD0000000, s2;
	s6 =	simm.s32 $0x108;
	_ =	swait.ge @!p0 [sflag:s8], $0x0  }
0x24: {  	s3 =	sadd.s32 $0x88, s3;
	s6 =	simm.s32 @!p1 $0x1082;
	[sflag:s4] =	ssyncset.s32 $0xFFFFF086  }
0x25: {  	[simem:s6], [sflag:s4] =	dma.local [hbm:s3], $0xF7A  }
0x26: {  	[smem:$0x3F97] =	sst s1;
	(tag) =	ssettag s2;
	_ =	strace s9  }
0x27: {  	s1 =	sld [smem:$0x3FA7]  }
0x28: {  	s2 =	sld [smem:$0x3FA8]  }
0x29: {  	s4 =	sld [smem:$0x3FAA]  }
0x2a: {  	p0 =	seq.s32 s5, $0x0;
	s5 =	sld [smem:$0x3FAB]  }
0x2b: {  	s6 =	sld [smem:$0x3FAC]  }
0x2c: {  	s7 =	sld [smem:$0x3FAD]  }
0x2d: {  	s3 =	simm.s32 $0x108;
	s8 =	sld [smem:$0x3FAE]  }
0x2e: {  	s3 =	simm.s32 @!p0 $0x1082;
	s9 =	sld [smem:$0x3FAF]  }
0x2f: {  	lr =	sadd.s32 s0, s3;
	s0 =	sld [smem:$0x3FA6]  }
0x30: {  	s3 =	sld [smem:$0x3FA9]  }
0x31: {  	[smem:$0x3FB2] =	sst s10  }
0x32: {  	s10 =	sld [smem:$0x3FB0];
	_ =	sdelay $0x3  }
0x33: {  	p0 =	seq.s32 s10, $0x1;
	s10 =	sld [smem:$0x3FB2];
	_ =	sdelay $0x3  }
0x34: {  	[smem:$0x3FB2] =	sst s10  }
0x35: {  	s10 =	sld [smem:$0x3FB1];
	_ =	sdelay $0x3  }
0x36: {  	p1 =	seq.s32 s10, $0x1;
	s10 =	sld [smem:$0x3FB2];
	_ =	sdelay $0x3  }
0x37: {  	[smem:$0x3FB2] =	sst s10  }
0x38: {  	s10 =	sld [smem:$0x3FB3]  }
0x39: {  	_ = 	snop;
	(pc) =	sbr.ind lr, $3  }
0x3a: {  	_ = 	snop  }
0x3b: {  	_ = 	snop  }
0x3c: {  	p2 =	seq.s32 s10, $0x1;
	s10 =	sld [smem:$0x3FB2]  }
0x3d: {  	_ =	shalt  }
0x3e: {  	_ =	shalt  }
0x3f: {  	_ =	shalt  }
0x40: {  	_ =	shalt  }
0x41: {  	_ =	shalt  }
0x42: {  	_ =	shalt  }
0x43: {  	_ =	shalt  }
0x44: {  	_ =	shalt  }
0x45: {  	_ =	shalt  }
0x46: {  	_ =	shalt  }
0x47: {  	_ =	shalt  }
0x48: {  	_ =	shalt  }
0x49: {  	_ =	shalt  }
0x4a: {  	_ =	shalt  }
0x4b: {  	_ =	shalt  }
0x4c: {  	_ =	shalt  }
0x4d: {  	_ =	shalt  }
0x4e: {  	_ =	shalt  }
0x4f: {  	_ =	shalt  }
0x50: {  	_ =	shalt  }
0x51: {  	_ =	shalt  }
0x52: {  	_ =	shalt  }
0x53: {  	_ =	shalt  }
0x54: {  	_ =	shalt  }
0x55: {  	_ =	shalt  }
0x56: {  	_ =	shalt  }
0x57: {  	_ =	shalt  }
0x58: {  	_ =	shalt  }
0x59: {  	_ =	shalt  }
0x5a: {  	_ =	shalt  }
0x5b: {  	_ =	shalt  }
0x5c: {  	_ =	shalt  }
0x5d: {  	_ =	shalt  }
0x5e: {  	_ =	shalt  }
0x5f: {  	_ =	shalt  }
0x60: {  	_ =	shalt  }
0x61: {  	_ =	shalt  }
0x62: {  	_ =	shalt  }
0x63: {  	_ =	shalt  }
0x64: {  	_ =	shalt  }
0x65: {  	_ =	shalt  }
0x66: {  	_ =	shalt  }
0x67: {  	_ =	shalt  }
0x68: {  	_ =	shalt  }
0x69: {  	_ =	shalt  }
0x6a: {  	_ =	shalt  }
0x6b: {  	_ =	shalt  }
0x6c: {  	_ =	shalt  }
0x6d: {  	_ =	shalt  }
0x6e: {  	_ =	shalt  }
0x6f: {  	_ =	shalt  }
0x70: {  	_ =	shalt  }
0x71: {  	_ =	shalt  }
0x72: {  	_ =	shalt  }
0x73: {  	_ =	shalt  }
0x74: {  	_ =	shalt  }
0x75: {  	_ =	shalt  }
0x76: {  	_ =	shalt  }
0x77: {  	_ =	shalt  }
0x78: {  	_ =	shalt  }
0x79: {  	_ =	shalt  }
0x7a: {  	_ =	shalt  }
0x7b: {  	_ =	shalt  }
0x7c: {  	_ =	shalt  }
0x7d: {  	_ =	shalt  }
0x7e: {  	_ =	shalt  }
0x7f: {  	_ =	shalt  }
0x80: {  	_ =	shalt  }
0x81: {  	_ =	shalt  }
0x82: {  	_ =	shalt  }
0x83: {  	_ =	shalt  }
0x84: {  	_ =	shalt  }
0x85: {  	_ =	shalt  }
0x86: {  	_ =	shalt  }
0x87: {  	_ =	shalt  }
.Lfunc_end0:
.L_simem_size_0:
called_computation.1_lowered:
.L_overlay_start_0:
0x88: {  	s2 =	sld [smem:$0x3FD9]  }
0x89: {  	s3 =	sld [smem:$0x3FFE];
	_ =	sdelay $0x1  }
0x8a: {  	s1 =	srdreg.scid  }
0x8b: {  	s0 =	sand.u32 $0x1, s1  }
0x8c: {  	s16 =	sshll.u32 s0, $0xA;
	s2 =	sadd.s32 s3, s2  }
0x8d: {  	s2 =	sadd.s32 s2, s16  }
0x8e: {  	[smem:$0x3FBE] =	sst s2  }
0x8f: {  	_ = 	snop  }
0x90: {  	(tm) =	ssettm $0x1  }
0x91: {  	s17 =	sld [smem:$0x3FFB];
	_ =	sdelay $0x3  }
0x92: {  	_ =	strace s17  }
0x93: {  	s2 =	sld [smem:$0x3FFC];
	_ =	sdelay $0x3  }
0x94: {  	_ =	strace s2  }
0x95: {  	s2 =	sld [smem:$0x3FFD];
	_ =	sdelay $0x3  }
0x96: {  	_ =	strace s2  }
0x97: {  	_ =	strace $0x8FFFFFFF  }
0x98: {  	s18 =	sld [smem:$0x3FDB];
	_ =	sdelay $0x1  }
0x99: {  	s19 =	simm.s32 $_scs_section_size  }
0x9a: {  	s4 =	simm.s32 $_size__tile_overlayer_lowered;
	s5 =	simm.s32 $_tile_overlayer_lowered  }
0x9b: {  	s22 =	simm.s32 $0x1BFF;
	s21 =	sshll.u32 s5, $0x1;
	s2 =	sadd.s32 s19, s18  }
0x9c: {  	s6 =	simm.s32 $0x0;
	s20 =	sshll.u32 s4, $0x1;
	s4 =	sadd.s32 s21, s2  }
0x9d: {  	[timem:s6], [sflag:s22] =	dma.local [hbm:s4], s20  }
0x9e: {  	_ =	swait.ge [sflag:s22], s20  }
0x9f: {  	s3 =	ssub.s32 $0x0, s20;
	[sflag:s22] =	ssyncset.done $0x0  }
0xa0: {  	[sflag:s22] =	ssyncadd.s32 s3;
	_ =	sdelay $0x1  }
0xa1: {  	s23 =	simm.s32 $0x1B8B  }
0xa2: {  	_ =	swait.ge [sflag:s23], $0x1  }
0xa3: {  	[sflag:s23] =	ssyncset.done $0x0  }
0xa4: {  	s25 =	simm.s32 $0x1B8E;
	s24 =	sld [smem:$0x3FFE];
	[sflag:s23] =	ssyncadd.s32 $0xFFFFFFFF  }
0xa5: {  	s26 =	simm.s32 $execute0_lowered;
	[smem:$0x3FD2] =	sst s25  }
0xa6: {  	s4 =	sshll.u32 s26, $0x1;
	_ =	strace $0x80000049;
	[dreg:$0x1] =	wrdreg $0xFFFFFFFF  }
0xa7: {  	s28 =	simm.s32 $_size_execute0_lowered;
	s2 =	sadd.s32 s2, s4;
	[dreg:$0x0] =	wrdreg $0x0  }
0xa8: {  	s4 =	sshll.u32 s28, $0x1;
	[dreg:$0x2] =	wrdreg s2  }
0xa9: {  	[dreg:$0x3] =	wrdreg s4  }
0xaa: {  	[dreg:$0x4] =	wrdreg $0xC0  }
0xab: {  	_ =	task [dreg:s6], $0x5FFFF  }
0xac: {  	[dreg:$0x1] =	wrdreg $0xFFFFFFFF  }
0xad: {  	[dreg:$0x0] =	wrdreg $0x60  }
0xae: {  	[dreg:$0x2] =	wrdreg s24  }
0xaf: {  	[dreg:$0x3] =	wrdreg $0x90000  }
0xb0: {  	[dreg:$0x4] =	wrdreg $0x9  }
0xb1: {  	_ =	task.clear_ibuf [dreg:s6], $0x5FFFF;
	_ =	strace $0x90000049  }
0xb2: {  	s29 =	simm.s32 $0x9;
	_ =	strace $0x8000004B  }
0xb3: {  	_ =	swait.ge [sflag:s29], $0x1  }
0xb4: {  	[sflag:s29] =	ssyncadd.s32 $0xFFFFFFFF  }
0xb5: {  	_ =	strace $0x9000004B  }
0xb6: {  	_ =	sfence  }
0xb7: {  	s30 =	sld [smem:$0x0];
	_ =	sdelay $0x2  }
0xb8: {  	s31 =	sshll.u32 s1, $0xD;
	s1 =	sshrl.u32 s1, $0x2  }
0xb9: {  	s3 =	sand.u32 $0x4000, s31;
	s1 =	sadd.s32 s1, s30  }
0xba: {  	s0 =	sor.u32 s3, s0;
	s1 =	sshll.u32 s1, $0x11  }
0xbb: {  	s0 =	sor.u32 s1, s0  }
0xbc: {  	s0 =	sadd.s32 $0x8F2B, s0  }
0xbd: {  	[sflag:s0] =	ssyncadd.remote.s32 $0x1  }
0xbe: {  	_ =	sfence.sel $0xFFFF  }
0xbf: {  	[dreg:$0x0] =	wrdreg $0xFFFFFFFF;
	(pc) =	sbr.abs _section_cstart, $3  }
0xc0: {  	[dreg:$0x1] =	wrdreg $0xFFFFFFFF  }
0xc1: {  	_ =	task.clear_ibuf [dreg:s6], $0x2FFFF;
	_ =	strace $0x9FFFFFFF  }
0xc2: {  	(tm) =	ssettm $0x7FFFFFFF  }
0xc3: {  	_ =	shalt  }
tec
execute0_lowered:
.L_overlay_start_1:
0x0: {  	(tag) =	ssettag $0x1  }
0x1: {  	s0 =	rddreg [dreg:$0x0]  }
0x2: {  	s1 =	rddreg [dreg:$0x1];
	s2 =	simm.s32 $0x0  }
0x3: {  	s3 =	stileid.u32;
	s4 =	srdreg.scid;
	s26 =	simm.s32 $0x800  }
0x4: {  	s12 =	simm.s32 $0x1000;
	s14 =	simm.s32 $0x3000;
	s16 =	simm.s32 $0x5000  }
0x5: {  	s17 =	simm.s32 $0x180;
	s18 =	simm.s32 $0x7000;
	s19 =	simm.s32 $0x1  }
0x6: {  	s28 =	simm.s32 $0x400;
	s29 =	simm.s32 $0x480;
	s30 =	simm.s32 $0x500  }
0x7: {  	s31 =	simm.s32 $0x580;
	[smem:$0x7FF] =	sst s2;
	s5 =	sshll.u32 s3, $0x8  }
0x8: {  	s4 =	sand.u32 $0x1, s4;
	s7 =	sadd.s32 $0x66A00, s0;
	s10 =	smul.u32 $0x5000, s3  }
0x9: {  	s11 =	sadd.s32 $0x138000, s1;
	s24 =	sshll.u32 s3, $0xB;
	s25 =	sshll.u32 s3, $0x6  }
0xa: {  	p0 =	sne.s32 s3, $0x0;
	_ =	strace $0x8000004A;
	s6 =	sadd.s32 s5, s0  }
0xb: {  	s8 =	sshll.u32 s4, $0xC;
	s20 =	ssub.s32 $0x2, s4;
	s4 =	smul.u32 $0x50000, s4  }
0xc: {  	s3 =	sshrl.u32 @!p0 s11, $0x3;
	[dreg:$0x5] =	wrdreg s26;
	s11 =	simm.s32 $0x40  }
0xd: {  	s26 =	simm.s32 $0x380;
	s5 =	sor.u32 s5, s8;
	s9 =	sshrl.u32 s20, $0x1  }
0xe: {  	s6 =	sadd.s32 $0x8EA00, s6;
	[dreg:$0xa] =	wrdreg s3;
	s3 =	simm.s32 $0x680  }
0xf: {  	s5 =	sadd.s32 s5, s0;
	s8 =	ssub.s32 s20, s9;
	s0 =	sadd.s32 $0xB5A00, s0  }
0x10: {  	s23 =	sadd.s32 s10, s4;
	s9 =	simm.s32 $0x5;
	s20 =	simm.s32 $0x200  }
0x11: {  	s10 =	simm.s32 $0x0;
	[dreg:$0x6] =	wrdreg s0;
	s21 =	sadd.s32 $0xB5C00, s5  }
0x12: {  	s22 =	smax.u32 s8, $0x1;
	s4 =	sshrl.u32 s23, $0x3;
	s0 =	sadd.s32 $0xA0000, s23  }
0x13: {  	s5 =	sadd.s32 s24, s1;
	s8 =	sor.u32 $0x1C05, s25;
	s23 =	simm.s32 $0x3  }
0x14: {  	s24 =	simm.s32 $0x300;
	s25 =	simm.s32 $0x4;
	[dreg:$0x7] =	wrdreg s21  }
0x15: {  	[dreg:$0x8] =	wrdreg s22;
	s4 =	sadd.s32 s4, s7;
	s0 =	sshrl.u32 s0, $0x3  }
0x16: {  	[dreg:$0x9] =	wrdreg s5;
	s21 =	simm.s32 $0x2;
	s22 =	simm.s32 $0x280  }
0x17: {  	s5 =	simm.s32 $0x780;
	[dreg:$0x3] =	wrdreg s4;
	s0 =	sadd.s32 s0, s7  }
0x18: {  	s4 =	simm.s32 $0x700;
	[dreg:$0x4] =	wrdreg s0;
	s0 =	simm.s32 $0x600  }
.LBB2_1:
0x19: {  	s13 =	rddreg [dreg:$0x9]  }
0x1a: {  	[dreg:$0xb] =	wrdreg s10;
	s7 =	sadd.s32 $0x0, s6;
	s15 =	sshrl.u32 s13, $0x3  }
0x1b: {  	[spmem:s15], [sflag:s8] =	dma.local [hbm:s7], $0x100  }
0x1c: {  	_ =	swait.ge [sflag:s9], $0x100  }
0x1d: {  	s10 =	sadd.s32 $0x8000, s13;
	s7 =	simm.s32 $0x1000;
	[sflag:s9] =	ssyncset.done $0x0  }
.LBB2_2:
0x1e: {  	s13 =	sadd.s32 s7, s6  }
0x1f: {  	s15 =	sshrl.u32 s10, $0x3;
	[sflag:s9] =	ssyncadd.s32 $0xFFFFFF00;
	p1 =	sne.s32 s7, $0x26000  }
0x20: {  	[spmem:s15], [sflag:s8] =	dma.local [hbm:s13], $0x100  }
.Ltmp0:
0x21: {  	_ = 	snop;
	(pc) =	sbr.rel @p1 .LBB2_2-.Ltmp0, $4  }
0x22: {  	_ = 	snop  }
0x23: {  	s7 =	sadd.s32 $0x1000, s7  }
0x24: {  	_ =	swait.ge [sflag:s9], $0x100  }
0x25: {  	s10 =	sadd.s32 $0x8000, s10;
	[sflag:s9] =	ssyncset.done $0x0  }
0x26: {  	s10 =	rddreg [dreg:$0x6]  }
0x27: {  	[sflag:s9] =	ssyncadd.s32 $0xFFFFFF00;
	s7 =	simm.s32 @!p0 $0x1C05;
	s13 =	rddreg [dreg:$0xa]  }
0x28: {  	[spmem:s13], [sflag:s7] =	dma.local @!p0 [hbm:s10], $0x100  }
0x29: {  	s7 =	simm.s32 @!p0 $0x5  }
0x2a: {  	_ =	swait.ge @!p0 [sflag:s7], $0x100  }
0x2b: {  	[sflag:s7] =	ssyncset.done @!p0 $0x0  }
0x2c: {  	[sflag:s7] =	ssyncadd.s32 @!p0 $0xFFFFFF00  }
0x2d: {  	[bflag:$0x0] =	sbarrier.arrive $0xFFFF  }
0x2e: {  	s10 =	rddreg [dreg:$0x3]  }
0x2f: {  	s7 =	sadd.s32 $0x0, s10  }
0x30: {  	[tilespmem:s2], [sflag:$0x5] =	stream.linear.gather [hbm4b:s7+s2], $0x800, $0x38;
	[tilespmem:$0x1C880] =	vst v63  }
0x31: {  	_ =	swait.ge [sflag:s9], $0x800  }
0x32: {  	s13 =	rddreg [dreg:$0x4];
	[sflag:s9] =	ssyncset.done $0x0  }
0x33: {  	s15 =	rddreg [dreg:$0x5];
	[sflag:s9] =	ssyncadd.s32 $0xFFFFF800;
	s7 =	sadd.s32 $0x0, s13  }
0x34: {  	[tilespmem:s15], [sflag:$0x5] =	stream.linear.gather [hbm4b:s7+s2], $0x800, $0x38;
	[tilespmem:$0x1C880] =	vst v63  }
0x35: {  	_ =	swait.ge [sflag:s9], $0x800  }
0x36: {  	[sflag:s9] =	ssyncset.done $0x0  }
0x37: {  	[sflag:s9] =	ssyncadd.s32 $0xFFFFF800  }
0x38: {  	[tilespmem:s12], [sflag:$0x1] =	stream.indirect.gather [spmem:s1], $0x80, s2, s11, $0xb8;
	[tilespmem:$0x1C880] =	vst v63  }
0x39: {  	s13 =	simm.s32 $0x80  }
0x3a: {  	[tilespmem:s14], [sflag:$0x2] =	stream.indirect.gather [spmem:s1], $0x80, s13, s11, $0xb8;
	[tilespmem:$0x1C880] =	vst v63  }
0x3b: {  	s15 =	simm.s32 $0x100  }
0x3c: {  	[tilespmem:s16], [sflag:$0x3] =	stream.indirect.gather [spmem:s1], $0x80, s15, s11, $0xb8;
	[tilespmem:$0x1C880] =	vst v63  }
0x3d: {  	_ = 	snop  }
0x3e: {  	[tilespmem:s18], [sflag:$0x4] =	stream.indirect.gather [spmem:s1], $0x80, s17, s11, $0xb8;
	[tilespmem:$0x1C880] =	vst v63  }
0x3f: {  	_ =	swait.ge [sflag:s19], $0x2000  }
0x40: {  	[sflag:s19] =	ssyncset.done $0x0  }
0x41: {  	[sflag:s19] =	ssyncadd.s32 $0xFFFFE000  }
0x42: {  	[tilespmem:s12], [sflag:$0x1] =	stream.indirect.gather [spmem:s1], $0x80, s20, s11, $0xb8;
	[tilespmem:$0x1C880] =	vst v63  }
0x43: {  	_ =	swait.ge [sflag:s21], $0x2000  }
0x44: {  	[sflag:s21] =	ssyncset.done $0x0  }
0x45: {  	[sflag:s21] =	ssyncadd.s32 $0xFFFFE000  }
0x46: {  	[tilespmem:s14], [sflag:$0x2] =	stream.indirect.gather [spmem:s1], $0x80, s22, s11, $0xb8;
	[tilespmem:$0x1C880] =	vst v63  }
0x47: {  	_ =	swait.ge [sflag:s23], $0x2000  }
0x48: {  	[sflag:s23] =	ssyncset.done $0x0  }
0x49: {  	[sflag:s23] =	ssyncadd.s32 $0xFFFFE000  }
0x4a: {  	[tilespmem:s16], [sflag:$0x3] =	stream.indirect.gather [spmem:s1], $0x80, s24, s11, $0xb8;
	[tilespmem:$0x1C880] =	vst v63  }
0x4b: {  	_ =	swait.ge [sflag:s25], $0x2000  }
0x4c: {  	[sflag:s25] =	ssyncset.done $0x0  }
0x4d: {  	[sflag:s25] =	ssyncadd.s32 $0xFFFFE000  }
0x4e: {  	[tilespmem:s18], [sflag:$0x4] =	stream.indirect.gather [spmem:s1], $0x80, s26, s11, $0xb8;
	[tilespmem:$0x1C880] =	vst v63  }
0x4f: {  	_ =	swait.ge [sflag:s19], $0x2000  }
0x50: {  	[sflag:s19] =	ssyncset.done $0x0  }
0x51: {  	[sflag:s19] =	ssyncadd.s32 $0xFFFFE000  }
0x52: {  	[tilespmem:s12], [sflag:$0x1] =	stream.indirect.gather [spmem:s1], $0x80, s28, s11, $0xb8;
	[tilespmem:$0x1C880] =	vst v63  }
0x53: {  	_ =	swait.ge [sflag:s21], $0x2000  }
0x54: {  	[sflag:s21] =	ssyncset.done $0x0  }
0x55: {  	[sflag:s21] =	ssyncadd.s32 $0xFFFFE000  }
0x56: {  	[tilespmem:s14], [sflag:$0x2] =	stream.indirect.gather [spmem:s1], $0x80, s29, s11, $0xb8;
	[tilespmem:$0x1C880] =	vst v63  }
0x57: {  	_ =	swait.ge [sflag:s23], $0x2000  }
0x58: {  	[sflag:s23] =	ssyncset.done $0x0  }
0x59: {  	[sflag:s23] =	ssyncadd.s32 $0xFFFFE000  }
0x5a: {  	[tilespmem:s16], [sflag:$0x3] =	stream.indirect.gather [spmem:s1], $0x80, s30, s11, $0xb8;
	[tilespmem:$0x1C880] =	vst v63  }
0x5b: {  	_ =	swait.ge [sflag:s25], $0x2000  }
0x5c: {  	[sflag:s25] =	ssyncset.done $0x0  }
0x5d: {  	[sflag:s25] =	ssyncadd.s32 $0xFFFFE000  }
0x5e: {  	[tilespmem:s18], [sflag:$0x4] =	stream.indirect.gather [spmem:s1], $0x80, s31, s11, $0xb8;
	[tilespmem:$0x1C880] =	vst v63  }
0x5f: {  	_ =	swait.ge [sflag:s19], $0x2000  }
0x60: {  	[sflag:s19] =	ssyncset.done $0x0  }
0x61: {  	[sflag:s19] =	ssyncadd.s32 $0xFFFFE000  }
0x62: {  	[tilespmem:s12], [sflag:$0x1] =	stream.indirect.gather [spmem:s1], $0x80, s0, s11, $0xb8;
	[tilespmem:$0x1C880] =	vst v63  }
0x63: {  	_ =	swait.ge [sflag:s21], $0x2000  }
0x64: {  	[sflag:s21] =	ssyncset.done $0x0  }
0x65: {  	[sflag:s21] =	ssyncadd.s32 $0xFFFFE000  }
0x66: {  	[tilespmem:s14], [sflag:$0x2] =	stream.indirect.gather [spmem:s1], $0x80, s3, s11, $0xb8;
	[tilespmem:$0x1C880] =	vst v63  }
0x67: {  	_ =	swait.ge [sflag:s23], $0x2000  }
0x68: {  	[sflag:s23] =	ssyncset.done $0x0  }
0x69: {  	[sflag:s23] =	ssyncadd.s32 $0xFFFFE000  }
0x6a: {  	[tilespmem:s16], [sflag:$0x3] =	stream.indirect.gather [spmem:s1], $0x80, s4, s11, $0xb8;
	[tilespmem:$0x1C880] =	vst v63  }
0x6b: {  	_ =	swait.ge [sflag:s25], $0x2000  }
0x6c: {  	[sflag:s25] =	ssyncset.done $0x0  }
0x6d: {  	[sflag:s25] =	ssyncadd.s32 $0xFFFFE000  }
0x6e: {  	[tilespmem:s18], [sflag:$0x4] =	stream.indirect.gather [spmem:s1], $0x80, s5, s11, $0xb8;
	[tilespmem:$0x1C880] =	vst v63  }
0x6f: {  	_ =	swait.ge [sflag:s19], $0x2000  }
0x70: {  	[sflag:s19] =	ssyncset.done $0x0  }
0x71: {  	[sflag:s19] =	ssyncadd.s32 $0xFFFFE000  }
0x72: {  	_ =	swait.ge [sflag:s21], $0x2000  }
0x73: {  	[sflag:s21] =	ssyncset.done $0x0  }
0x74: {  	[sflag:s21] =	ssyncadd.s32 $0xFFFFE000  }
0x75: {  	_ =	swait.ge [sflag:s23], $0x2000  }
0x76: {  	[sflag:s23] =	ssyncset.done $0x0  }
0x77: {  	[sflag:s23] =	ssyncadd.s32 $0xFFFFE000  }
0x78: {  	s7 =	simm.s32 $0x100;
	_ =	swait.ge [sflag:s25], $0x2000  }
.LBB2_4:
0x79: {  	s10 =	rddreg [dreg:$0x3];
	s13 =	smov.u32 s7;
	[sflag:s25] =	ssyncset.done $0x0  }
0x7a: {  	s10 =	sadd.s32 s13, s10;
	[sflag:s25] =	ssyncadd.s32 $0xFFFFE000  }
0x7b: {  	[tilespmem:s2], [sflag:$0x5] =	stream.linear.gather [hbm4b:s10+s2], $0x800, $0x38;
	[tilespmem:$0x1C880] =	vst v63  }
0x7c: {  	_ =	swait.ge [sflag:s9], $0x800  }
0x7d: {  	s10 =	rddreg [dreg:$0x4];
	[sflag:s9] =	ssyncset.done $0x0  }
0x7e: {  	s15 =	rddreg [dreg:$0x5];
	[sflag:s9] =	ssyncadd.s32 $0xFFFFF800;
	s10 =	sadd.s32 s13, s10  }
0x7f: {  	[tilespmem:s15], [sflag:$0x5] =	stream.linear.gather [hbm4b:s10+s2], $0x800, $0x38;
	[tilespmem:$0x1C880] =	vst v63  }
0x80: {  	_ =	swait.ge [sflag:s9], $0x800  }
0x81: {  	[sflag:s9] =	ssyncset.done $0x0  }
0x82: {  	[sflag:s9] =	ssyncadd.s32 $0xFFFFF800  }
0x83: {  	[tilespmem:s12], [sflag:$0x1] =	stream.indirect.gather [spmem:s1], $0x80, s2, s11, $0xb8;
	[tilespmem:$0x1C880] =	vst v63  }
0x84: {  	s13 =	simm.s32 $0x80  }
0x85: {  	[tilespmem:s14], [sflag:$0x2] =	stream.indirect.gather [spmem:s1], $0x80, s13, s11, $0xb8;
	[tilespmem:$0x1C880] =	vst v63  }
0x86: {  	s15 =	simm.s32 $0x100  }
0x87: {  	[tilespmem:s16], [sflag:$0x3] =	stream.indirect.gather [spmem:s1], $0x80, s15, s11, $0xb8;
	[tilespmem:$0x1C880] =	vst v63  }
0x88: {  	_ = 	snop  }
0x89: {  	[tilespmem:s18], [sflag:$0x4] =	stream.indirect.gather [spmem:s1], $0x80, s17, s11, $0xb8;
	[tilespmem:$0x1C880] =	vst v63  }
0x8a: {  	_ =	swait.ge [sflag:s19], $0x2000  }
0x8b: {  	[sflag:s19] =	ssyncset.done $0x0  }
0x8c: {  	[sflag:s19] =	ssyncadd.s32 $0xFFFFE000  }
0x8d: {  	[tilespmem:s12], [sflag:$0x1] =	stream.indirect.gather [spmem:s1], $0x80, s20, s11, $0xb8;
	[tilespmem:$0x1C880] =	vst v63  }
0x8e: {  	_ =	swait.ge [sflag:s21], $0x2000  }
0x8f: {  	[sflag:s21] =	ssyncset.done $0x0  }
0x90: {  	[sflag:s21] =	ssyncadd.s32 $0xFFFFE000  }
0x91: {  	[tilespmem:s14], [sflag:$0x2] =	stream.indirect.gather [spmem:s1], $0x80, s22, s11, $0xb8;
	[tilespmem:$0x1C880] =	vst v63  }
0x92: {  	_ =	swait.ge [sflag:s23], $0x2000  }
0x93: {  	[sflag:s23] =	ssyncset.done $0x0  }
0x94: {  	[sflag:s23] =	ssyncadd.s32 $0xFFFFE000  }
0x95: {  	[tilespmem:s16], [sflag:$0x3] =	stream.indirect.gather [spmem:s1], $0x80, s24, s11, $0xb8;
	[tilespmem:$0x1C880] =	vst v63  }
0x96: {  	_ =	swait.ge [sflag:s25], $0x2000  }
0x97: {  	[sflag:s25] =	ssyncset.done $0x0  }
0x98: {  	[sflag:s25] =	ssyncadd.s32 $0xFFFFE000  }
0x99: {  	[tilespmem:s18], [sflag:$0x4] =	stream.indirect.gather [spmem:s1], $0x80, s26, s11, $0xb8;
	[tilespmem:$0x1C880] =	vst v63  }
0x9a: {  	_ =	swait.ge [sflag:s19], $0x2000  }
0x9b: {  	[sflag:s19] =	ssyncset.done $0x0  }
0x9c: {  	[sflag:s19] =	ssyncadd.s32 $0xFFFFE000  }
0x9d: {  	[tilespmem:s12], [sflag:$0x1] =	stream.indirect.gather [spmem:s1], $0x80, s28, s11, $0xb8;
	[tilespmem:$0x1C880] =	vst v63  }
0x9e: {  	_ =	swait.ge [sflag:s21], $0x2000  }
0x9f: {  	[sflag:s21] =	ssyncset.done $0x0  }
0xa0: {  	[sflag:s21] =	ssyncadd.s32 $0xFFFFE000  }
0xa1: {  	[tilespmem:s14], [sflag:$0x2] =	stream.indirect.gather [spmem:s1], $0x80, s29, s11, $0xb8;
	[tilespmem:$0x1C880] =	vst v63  }
0xa2: {  	_ =	swait.ge [sflag:s23], $0x2000  }
0xa3: {  	[sflag:s23] =	ssyncset.done $0x0  }
0xa4: {  	[sflag:s23] =	ssyncadd.s32 $0xFFFFE000  }
0xa5: {  	[tilespmem:s16], [sflag:$0x3] =	stream.indirect.gather [spmem:s1], $0x80, s30, s11, $0xb8;
	[tilespmem:$0x1C880] =	vst v63  }
0xa6: {  	_ =	swait.ge [sflag:s25], $0x2000  }
0xa7: {  	[sflag:s25] =	ssyncset.done $0x0  }
0xa8: {  	[sflag:s25] =	ssyncadd.s32 $0xFFFFE000  }
0xa9: {  	[tilespmem:s18], [sflag:$0x4] =	stream.indirect.gather [spmem:s1], $0x80, s31, s11, $0xb8;
	[tilespmem:$0x1C880] =	vst v63  }
0xaa: {  	_ =	swait.ge [sflag:s19], $0x2000  }
0xab: {  	[sflag:s19] =	ssyncset.done $0x0  }
0xac: {  	[sflag:s19] =	ssyncadd.s32 $0xFFFFE000  }
0xad: {  	[tilespmem:s12], [sflag:$0x1] =	stream.indirect.gather [spmem:s1], $0x80, s0, s11, $0xb8;
	[tilespmem:$0x1C880] =	vst v63  }
0xae: {  	_ =	swait.ge [sflag:s21], $0x2000  }
0xaf: {  	[sflag:s21] =	ssyncset.done $0x0  }
0xb0: {  	[sflag:s21] =	ssyncadd.s32 $0xFFFFE000  }
0xb1: {  	[tilespmem:s14], [sflag:$0x2] =	stream.indirect.gather [spmem:s1], $0x80, s3, s11, $0xb8;
	[tilespmem:$0x1C880] =	vst v63  }
0xb2: {  	_ =	swait.ge [sflag:s23], $0x2000  }
0xb3: {  	[sflag:s23] =	ssyncset.done $0x0  }
0xb4: {  	[sflag:s23] =	ssyncadd.s32 $0xFFFFE000  }
0xb5: {  	[tilespmem:s16], [sflag:$0x3] =	stream.indirect.gather [spmem:s1], $0x80, s4, s11, $0xb8;
	[tilespmem:$0x1C880] =	vst v63  }
0xb6: {  	_ =	swait.ge [sflag:s25], $0x2000  }
0xb7: {  	[sflag:s25] =	ssyncset.done $0x0  }
0xb8: {  	[sflag:s25] =	ssyncadd.s32 $0xFFFFE000  }
0xb9: {  	[tilespmem:s18], [sflag:$0x4] =	stream.indirect.gather [spmem:s1], $0x80, s5, s11, $0xb8;
	[tilespmem:$0x1C880] =	vst v63  }
0xba: {  	_ =	swait.ge [sflag:s19], $0x2000  }
0xbb: {  	[sflag:s19] =	ssyncset.done $0x0  }
0xbc: {  	[sflag:s19] =	ssyncadd.s32 $0xFFFFE000  }
0xbd: {  	_ =	swait.ge [sflag:s21], $0x2000  }
0xbe: {  	p1 =	sne.s32 s7, $0x900;
	[sflag:s21] =	ssyncset.done $0x0  }
.Ltmp1:
0xbf: {  	[sflag:s21] =	ssyncadd.s32 $0xFFFFE000;
	(pc) =	sbr.rel @p1 .LBB2_4-.Ltmp1, $4  }
0xc0: {  	_ =	swait.ge [sflag:s23], $0x2000  }
0xc1: {  	[sflag:s23] =	ssyncset.done $0x0  }
0xc2: {  	[sflag:s23] =	ssyncadd.s32 $0xFFFFE000  }
0xc3: {  	s7 =	sadd.s32 $0x100, s7;
	_ =	swait.ge [sflag:s25], $0x2000  }
0xc4: {  	[sflag:s25] =	ssyncset.done $0x0  }
0xc5: {  	[sflag:s25] =	ssyncadd.s32 $0xFFFFE000  }
0xc6: {  	[bflag:$0x0] =	sbarrier.arrive $0xFFFF  }
0xc7: {  	s7 =	rddreg [dreg:$0x7]  }
0xc8: {  	[hbm4b:s7+s2] =	stream.linear.scatter [tilespmem:s12], [sflag:$0x5], $0x800, $0x38;
	[tilespmem:$0x1C880] =	vst v63  }
0xc9: {  	_ =	swait.ge [sflag:s9], $0x800  }
0xca: {  	s10 =	rddreg [dreg:$0xb]  }
0xcb: {  	s15 =	rddreg [dreg:$0x8];
	s10 =	sadd.s32 $0x1, s10  }
0xcc: {  	p1 =	sne.s32 s10, s15  }
.Ltmp2:
0xcd: {  	_ = 	snop;
	(pc) =	sbr.rel @p1 .LBB2_1-.Ltmp2, $3  }
0xce: {  	_ =	sdelay $0x1  }
0xcf: {  	[sflag:s9] =	ssyncset.done $0x0  }
0xd0: {  	[sflag:s9] =	ssyncadd.s32 $0xFFFFF800  }
0xd1: {  	_ =	sfence.sel $0x180000  }
0xd2: {  	[bflag:$0x0] =	sbarrier.arrive $0xFFFF  }
0xd3: {  	_ =	strace $0x9000004A  }
0xd4: {  	[bflag:$0x2] =	sbarrier.arrive $0xFFFF  }
0xd5: {  	s0 =	rddreg [dreg:$0x2]  }
0xd6: {  	s0 =	sadd.s32 @!p0 $0x100000, s0  }
0xd7: {  	[sflag:s0] =	ssyncadd.tile.s32 @!p0 $0x1;
	_ =	shalt  }
.Lfunc_end2:
_tile_overlayer_lowered:
.L_overlay_start_2:
0xd8: {  	(tag) =	ssettag $0x2  }
0xd9: {  	s0 =	rddreg [dreg:$0x0];
	s2 =	stileid.u32  }
0xda: {  	s1 =	rddreg [dreg:$0x1];
	p0 =	sne.s32 s2, $0x0  }
0xdb: {  	s3 =	rddreg [dreg:$0x2];
	[bflag:$0x3] =	sbarrier.arrive $0xFFFF;
	s2 =	simm.s32 @!p0 $0x1C05  }
0xdc: {  	[timem:s3], [sflag:s2] =	dma.local @!p0 [hbm:s0], s1  }
0xdd: {  	s0 =	simm.s32 @!p0 $0x5  }
0xde: {  	_ =	swait.ge @!p0 [sflag:s0], s1  }
0xdf: {  	s1 =	ssub.s32 @!p0 $0x0, s1;
	[sflag:s0] =	ssyncset.done @!p0 $0x0  }
0xe0: {  	[sflag:s0] =	ssyncadd.s32 @!p0 s1  }
0xe1: {  	[bflag:$0x3] =	sbarrier.arrive $0xFFFF  }
0xe2: {  	_ =	shalt  }

// kernel: kernel.15.cloned.1.call-start
scs
__scs_entry_jumppad:
0x0: {  	(pc) =	sbr.rel $0x88, $3  }
0x1: {  	(tag) =	ssettag $0x0;
	lr =	simm.s32 $0x1  }
0x2: {  	[smem:$0x3F97] =	sst lr;
	_ =	strace $0xD0000000  }
0x3: {  	_ = 	snop  }
0x4: {  	_ = 	snop  }
0x5: {  	_ = 	snop  }
0x6: {  	_ = 	snop  }
0x7: {  	_ = 	snop  }
__scs_overlays_trampoline_lowered:
0x8: {  	[smem:$0x3FA6] =	sst s0  }
0x9: {  	[smem:$0x3FA7] =	sst s1  }
0xa: {  	[smem:$0x3FA8] =	sst s2  }
0xb: {  	[smem:$0x3FA9] =	sst s3  }
0xc: {  	[smem:$0x3FAA] =	sst s4  }
0xd: {  	[smem:$0x3FAB] =	sst s5  }
0xe: {  	[smem:$0x3FAC] =	sst s6  }
0xf: {  	[smem:$0x3FAD] =	sst s7  }
0x10: {  	[smem:$0x3FAE] =	sst s8  }
0x11: {  	[smem:$0x3FAF] =	sst s9;
	s0 =	simm.s32 @!p0 $0x0  }
0x12: {  	s1 =	sld [smem:$0x3F95];
	s0 =	simm.s32 @p0 $0x1  }
0x13: {  	[smem:$0x3FB0] =	sst s0;
	s0 =	simm.s32 @!p1 $0x0  }
0x14: {  	s2 =	sld [smem:$0x3F94];
	s0 =	simm.s32 @p1 $0x1  }
0x15: {  	[smem:$0x3FB1] =	sst s0;
	s0 =	simm.s32 @!p2 $0x0  }
0x16: {  	s3 =	sld [smem:$0x3FDB];
	s0 =	simm.s32 @p2 $0x1  }
0x17: {  	s4 =	simm.s32 $0x1BF5;
	[smem:$0x3FB3] =	sst s0  }
0x18: {  	s0 =	sld [smem:$0x3F96];
	_ =	swait.ge [sflag:s4], $0x0  }
0x19: {  	s7 =	sld [smem:$0x3F97]  }
0x1a: {  	s8 =	sadd.s32 $0xFFFFE003, lr  }
0x1b: {  	s9 =	sadd.s32 $0xFFFFFEF7, lr;
	s5 =	simm.s32 $0xFFFFFFFF;
	p2 =	slt.u32 s8, $0xFFFFF086  }
0x1c: {  	p1 =	slt.u32 s9, $0xF7A;
	s5 =	simm.s32 @!p2 $0x0  }
0x1d: {  	s5 =	simm.s32 @p1 $0x1;
	p0 =	seq.s32 s7, s2  }
0x1e: {  	s7 =	smul.u32 @!p0 $0xF7A, s2;
	p2 =	seq.s32 @!p0 s5, $0x0  }
0x1f: {  	s9 =	smul.u32 $0xF7A, s1;
	s8 =	simm.s32 @!p0 $0x1BF5;
	p2 =	por !p2, p0  }
0x20: {  	[sflag:s8] =	ssyncset.s32 @!p0 $0xFFFFF086;
	s6 =	sadd.s32 @!p0 s3, s7;
	s7 =	simm.s32 @!p0 $0x108  }
0x21: {  	s3 =	sadd.s32 s3, s9;
	s6 =	sadd.s32 @!p0 $0x88, s6;
	s7 =	simm.s32 @p2 $0x1082  }
0x22: {  	[simem:s7], [sflag:s8] =	dma.local @!p0 [hbm:s6], $0xF7A  }
0x23: {  	s9 =	sor.u32 $0xD0000000, s2;
	s6 =	simm.s32 $0x108;
	_ =	swait.ge @!p0 [sflag:s8], $0x0  }
0x24: {  	s3 =	sadd.s32 $0x88, s3;
	s6 =	simm.s32 @!p1 $0x1082;
	[sflag:s4] =	ssyncset.s32 $0xFFFFF086  }
0x25: {  	[simem:s6], [sflag:s4] =	dma.local [hbm:s3], $0xF7A  }
0x26: {  	[smem:$0x3F97] =	sst s1;
	(tag) =	ssettag s2;
	_ =	strace s9  }
0x27: {  	s1 =	sld [smem:$0x3FA7]  }
0x28: {  	s2 =	sld [smem:$0x3FA8]  }
0x29: {  	s4 =	sld [smem:$0x3FAA]  }
0x2a: {  	p0 =	seq.s32 s5, $0x0;
	s5 =	sld [smem:$0x3FAB]  }
0x2b: {  	s6 =	sld [smem:$0x3FAC]  }
0x2c: {  	s7 =	sld [smem:$0x3FAD]  }
0x2d: {  	s3 =	simm.s32 $0x108;
	s8 =	sld [smem:$0x3FAE]  }
0x2e: {  	s3 =	simm.s32 @!p0 $0x1082;
	s9 =	sld [smem:$0x3FAF]  }
0x2f: {  	lr =	sadd.s32 s0, s3;
	s0 =	sld [smem:$0x3FA6]  }
0x30: {  	s3 =	sld [smem:$0x3FA9]  }
0x31: {  	[smem:$0x3FB2] =	sst s10  }
0x32: {  	s10 =	sld [smem:$0x3FB0];
	_ =	sdelay $0x3  }
0x33: {  	p0 =	seq.s32 s10, $0x1;
	s10 =	sld [smem:$0x3FB2];
	_ =	sdelay $0x3  }
0x34: {  	[smem:$0x3FB2] =	sst s10  }
0x35: {  	s10 =	sld [smem:$0x3FB1];
	_ =	sdelay $0x3  }
0x36: {  	p1 =	seq.s32 s10, $0x1;
	s10 =	sld [smem:$0x3FB2];
	_ =	sdelay $0x3  }
0x37: {  	[smem:$0x3FB2] =	sst s10  }
0x38: {  	s10 =	sld [smem:$0x3FB3]  }
0x39: {  	_ = 	snop;
	(pc) =	sbr.ind lr, $3  }
0x3a: {  	_ = 	snop  }
0x3b: {  	_ = 	snop  }
0x3c: {  	p2 =	seq.s32 s10, $0x1;
	s10 =	sld [smem:$0x3FB2]  }
0x3d: {  	_ =	shalt  }
0x3e: {  	_ =	shalt  }
0x3f: {  	_ =	shalt  }
0x40: {  	_ =	shalt  }
0x41: {  	_ =	shalt  }
0x42: {  	_ =	shalt  }
0x43: {  	_ =	shalt  }
0x44: {  	_ =	shalt  }
0x45: {  	_ =	shalt  }
0x46: {  	_ =	shalt  }
0x47: {  	_ =	shalt  }
0x48: {  	_ =	shalt  }
0x49: {  	_ =	shalt  }
0x4a: {  	_ =	shalt  }
0x4b: {  	_ =	shalt  }
0x4c: {  	_ =	shalt  }
0x4d: {  	_ =	shalt  }
0x4e: {  	_ =	shalt  }
0x4f: {  	_ =	shalt  }
0x50: {  	_ =	shalt  }
0x51: {  	_ =	shalt  }
0x52: {  	_ =	shalt  }
0x53: {  	_ =	shalt  }
0x54: {  	_ =	shalt  }
0x55: {  	_ =	shalt  }
0x56: {  	_ =	shalt  }
0x57: {  	_ =	shalt  }
0x58: {  	_ =	shalt  }
0x59: {  	_ =	shalt  }
0x5a: {  	_ =	shalt  }
0x5b: {  	_ =	shalt  }
0x5c: {  	_ =	shalt  }
0x5d: {  	_ =	shalt  }
0x5e: {  	_ =	shalt  }
0x5f: {  	_ =	shalt  }
0x60: {  	_ =	shalt  }
0x61: {  	_ =	shalt  }
0x62: {  	_ =	shalt  }
0x63: {  	_ =	shalt  }
0x64: {  	_ =	shalt  }
0x65: {  	_ =	shalt  }
0x66: {  	_ =	shalt  }
0x67: {  	_ =	shalt  }
0x68: {  	_ =	shalt  }
0x69: {  	_ =	shalt  }
0x6a: {  	_ =	shalt  }
0x6b: {  	_ =	shalt  }
0x6c: {  	_ =	shalt  }
0x6d: {  	_ =	shalt  }
0x6e: {  	_ =	shalt  }
0x6f: {  	_ =	shalt  }
0x70: {  	_ =	shalt  }
0x71: {  	_ =	shalt  }
0x72: {  	_ =	shalt  }
0x73: {  	_ =	shalt  }
0x74: {  	_ =	shalt  }
0x75: {  	_ =	shalt  }
0x76: {  	_ =	shalt  }
0x77: {  	_ =	shalt  }
0x78: {  	_ =	shalt  }
0x79: {  	_ =	shalt  }
0x7a: {  	_ =	shalt  }
0x7b: {  	_ =	shalt  }
0x7c: {  	_ =	shalt  }
0x7d: {  	_ =	shalt  }
0x7e: {  	_ =	shalt  }
0x7f: {  	_ =	shalt  }
0x80: {  	_ =	shalt  }
0x81: {  	_ =	shalt  }
0x82: {  	_ =	shalt  }
0x83: {  	_ =	shalt  }
0x84: {  	_ =	shalt  }
0x85: {  	_ =	shalt  }
0x86: {  	_ =	shalt  }
0x87: {  	_ =	shalt  }
.Lfunc_end0:
.L_simem_size_0:
called_computation.2_lowered:
.L_overlay_start_0:
0x88: {  	s2 =	sld [smem:$0x3FD9]  }
0x89: {  	s3 =	sld [smem:$0x3FFE];
	_ =	sdelay $0x1  }
0x8a: {  	s1 =	srdreg.scid  }
0x8b: {  	s0 =	sand.u32 $0x1, s1  }
0x8c: {  	s16 =	sshll.u32 s0, $0xA;
	s2 =	sadd.s32 s3, s2  }
0x8d: {  	s2 =	sadd.s32 s2, s16  }
0x8e: {  	[smem:$0x3FBE] =	sst s2  }
0x8f: {  	_ = 	snop  }
0x90: {  	(tm) =	ssettm $0x1  }
0x91: {  	s17 =	sld [smem:$0x3FFB];
	_ =	sdelay $0x3  }
0x92: {  	_ =	strace s17  }
0x93: {  	s2 =	sld [smem:$0x3FFC];
	_ =	sdelay $0x3  }
0x94: {  	_ =	strace s2  }
0x95: {  	s2 =	sld [smem:$0x3FFD];
	_ =	sdelay $0x3  }
0x96: {  	_ =	strace s2  }
0x97: {  	_ =	strace $0x8FFFFFFF  }
0x98: {  	s18 =	sld [smem:$0x3FDB];
	_ =	sdelay $0x1  }
0x99: {  	s19 =	simm.s32 $_scs_section_size  }
0x9a: {  	s4 =	simm.s32 $_size__tile_overlayer_lowered;
	s5 =	simm.s32 $_tile_overlayer_lowered  }
0x9b: {  	s22 =	simm.s32 $0x1BFF;
	s21 =	sshll.u32 s5, $0x1;
	s2 =	sadd.s32 s19, s18  }
0x9c: {  	s6 =	simm.s32 $0x0;
	s20 =	sshll.u32 s4, $0x1;
	s4 =	sadd.s32 s21, s2  }
0x9d: {  	[timem:s6], [sflag:s22] =	dma.local [hbm:s4], s20  }
0x9e: {  	_ =	swait.ge [sflag:s22], s20  }
0x9f: {  	s3 =	ssub.s32 $0x0, s20;
	[sflag:s22] =	ssyncset.done $0x0  }
0xa0: {  	[sflag:s22] =	ssyncadd.s32 s3;
	_ =	sdelay $0x1  }
0xa1: {  	s23 =	simm.s32 $0x1B8B  }
0xa2: {  	_ =	swait.ge [sflag:s23], $0x1  }
0xa3: {  	[sflag:s23] =	ssyncset.done $0x0  }
0xa4: {  	s25 =	simm.s32 $0x1B8E;
	s24 =	sld [smem:$0x3FFE];
	[sflag:s23] =	ssyncadd.s32 $0xFFFFFFFF  }
0xa5: {  	s26 =	simm.s32 $execute0_lowered;
	[smem:$0x3FD2] =	sst s25  }
0xa6: {  	s4 =	sshll.u32 s26, $0x1;
	_ =	strace $0x8000004C;
	[dreg:$0x1] =	wrdreg $0xFFFFFFFF  }
0xa7: {  	s28 =	simm.s32 $_size_execute0_lowered;
	s2 =	sadd.s32 s2, s4;
	[dreg:$0x0] =	wrdreg $0x0  }
0xa8: {  	s4 =	sshll.u32 s28, $0x1;
	[dreg:$0x2] =	wrdreg s2  }
0xa9: {  	[dreg:$0x3] =	wrdreg s4  }
0xaa: {  	[dreg:$0x4] =	wrdreg $0xC0  }
0xab: {  	_ =	task [dreg:s6], $0x5FFFF  }
0xac: {  	[dreg:$0x1] =	wrdreg $0xFFFFFFFF  }
0xad: {  	[dreg:$0x0] =	wrdreg $0x60  }
0xae: {  	[dreg:$0x2] =	wrdreg s24  }
0xaf: {  	[dreg:$0x3] =	wrdreg $0x90000  }
0xb0: {  	[dreg:$0x4] =	wrdreg $0x9  }
0xb1: {  	_ =	task.clear_ibuf [dreg:s6], $0x5FFFF;
	_ =	strace $0x9000004C  }
0xb2: {  	s29 =	simm.s32 $0x9;
	_ =	strace $0x8000004E  }
0xb3: {  	_ =	swait.ge [sflag:s29], $0x1  }
0xb4: {  	[sflag:s29] =	ssyncadd.s32 $0xFFFFFFFF  }
0xb5: {  	_ =	strace $0x9000004E  }
0xb6: {  	_ =	sfence  }
0xb7: {  	s30 =	sld [smem:$0x0];
	_ =	sdelay $0x2  }
0xb8: {  	s31 =	sshll.u32 s1, $0xD;
	s1 =	sshrl.u32 s1, $0x2  }
0xb9: {  	s3 =	sand.u32 $0x4000, s31;
	s1 =	sadd.s32 s1, s30  }
0xba: {  	s0 =	sor.u32 s3, s0;
	s1 =	sshll.u32 s1, $0x11  }
0xbb: {  	s0 =	sor.u32 s1, s0  }
0xbc: {  	s0 =	sadd.s32 $0x8F2B, s0  }
0xbd: {  	[sflag:s0] =	ssyncadd.remote.s32 $0x1  }
0xbe: {  	_ =	sfence.sel $0xFFFF  }
0xbf: {  	[dreg:$0x0] =	wrdreg $0xFFFFFFFF;
	(pc) =	sbr.abs _section_cstart, $3  }
0xc0: {  	[dreg:$0x1] =	wrdreg $0xFFFFFFFF  }
0xc1: {  	_ =	task.clear_ibuf [dreg:s6], $0x2FFFF;
	_ =	strace $0x9FFFFFFF  }
0xc2: {  	(tm) =	ssettm $0x7FFFFFFF  }
0xc3: {  	_ =	shalt  }
tec
execute0_lowered:
.L_overlay_start_1:
0x0: {  	(tag) =	ssettag $0x1  }
0x1: {  	s0 =	rddreg [dreg:$0x0]  }
0x2: {  	s1 =	rddreg [dreg:$0x1];
	s2 =	simm.s32 $0x0  }
0x3: {  	s3 =	stileid.u32;
	s4 =	srdreg.scid;
	s26 =	simm.s32 $0x800  }
0x4: {  	s12 =	simm.s32 $0x1000;
	s14 =	simm.s32 $0x3000;
	s16 =	simm.s32 $0x5000  }
0x5: {  	s17 =	simm.s32 $0x180;
	s18 =	simm.s32 $0x7000;
	s19 =	simm.s32 $0x1  }
0x6: {  	s28 =	simm.s32 $0x400;
	s29 =	simm.s32 $0x480;
	s30 =	simm.s32 $0x500  }
0x7: {  	s31 =	simm.s32 $0x580;
	[smem:$0x7FF] =	sst s2;
	s5 =	sshll.u32 s3, $0x8  }
0x8: {  	s4 =	sand.u32 $0x1, s4;
	s7 =	sadd.s32 $0x66A00, s0;
	s10 =	smul.u32 $0x5000, s3  }
0x9: {  	s11 =	sadd.s32 $0x138000, s1;
	s24 =	sshll.u32 s3, $0xB;
	s25 =	sshll.u32 s3, $0x6  }
0xa: {  	p0 =	sne.s32 s3, $0x0;
	_ =	strace $0x8000004D;
	s6 =	sadd.s32 s5, s0  }
0xb: {  	s8 =	sshll.u32 s4, $0xC;
	s20 =	ssub.s32 $0x2, s4;
	s4 =	smul.u32 $0x50000, s4  }
0xc: {  	s3 =	sshrl.u32 @!p0 s11, $0x3;
	[dreg:$0x5] =	wrdreg s26;
	s11 =	simm.s32 $0x40  }
0xd: {  	s26 =	simm.s32 $0x380;
	s5 =	sor.u32 s5, s8;
	s9 =	sshrl.u32 s20, $0x1  }
0xe: {  	s6 =	sadd.s32 $0x8EA00, s6;
	[dreg:$0xa] =	wrdreg s3;
	s3 =	simm.s32 $0x680  }
0xf: {  	s5 =	sadd.s32 s5, s0;
	s8 =	ssub.s32 s20, s9;
	s0 =	sadd.s32 $0xB5A00, s0  }
0x10: {  	s23 =	sadd.s32 s10, s4;
	s9 =	simm.s32 $0x5;
	s20 =	simm.s32 $0x200  }
0x11: {  	s10 =	simm.s32 $0x0;
	[dreg:$0x6] =	wrdreg s0;
	s21 =	sadd.s32 $0xB5C00, s5  }
0x12: {  	s22 =	smax.u32 s8, $0x1;
	s4 =	sshrl.u32 s23, $0x3;
	s0 =	sadd.s32 $0xA0000, s23  }
0x13: {  	s5 =	sadd.s32 s24, s1;
	s8 =	sor.u32 $0x1C05, s25;
	s23 =	simm.s32 $0x3  }
0x14: {  	s24 =	simm.s32 $0x300;
	s25 =	simm.s32 $0x4;
	[dreg:$0x7] =	wrdreg s21  }
0x15: {  	[dreg:$0x8] =	wrdreg s22;
	s4 =	sadd.s32 s4, s7;
	s0 =	sshrl.u32 s0, $0x3  }
0x16: {  	[dreg:$0x9] =	wrdreg s5;
	s21 =	simm.s32 $0x2;
	s22 =	simm.s32 $0x280  }
0x17: {  	s5 =	simm.s32 $0x780;
	[dreg:$0x3] =	wrdreg s4;
	s0 =	sadd.s32 s0, s7  }
0x18: {  	s4 =	simm.s32 $0x700;
	[dreg:$0x4] =	wrdreg s0;
	s0 =	simm.s32 $0x600  }
.LBB2_1:
0x19: {  	s13 =	rddreg [dreg:$0x9]  }
0x1a: {  	[dreg:$0xb] =	wrdreg s10;
	s7 =	sadd.s32 $0x0, s6;
	s15 =	sshrl.u32 s13, $0x3  }
0x1b: {  	[spmem:s15], [sflag:s8] =	dma.local [hbm:s7], $0x100  }
0x1c: {  	_ =	swait.ge [sflag:s9], $0x100  }
0x1d: {  	s10 =	sadd.s32 $0x8000, s13;
	s7 =	simm.s32 $0x1000;
	[sflag:s9] =	ssyncset.done $0x0  }
.LBB2_2:
0x1e: {  	s13 =	sadd.s32 s7, s6  }
0x1f: {  	s15 =	sshrl.u32 s10, $0x3;
	[sflag:s9] =	ssyncadd.s32 $0xFFFFFF00;
	p1 =	sne.s32 s7, $0x26000  }
0x20: {  	[spmem:s15], [sflag:s8] =	dma.local [hbm:s13], $0x100  }
.Ltmp0:
0x21: {  	_ = 	snop;
	(pc) =	sbr.rel @p1 .LBB2_2-.Ltmp0, $4  }
0x22: {  	_ = 	snop  }
0x23: {  	s7 =	sadd.s32 $0x1000, s7  }
0x24: {  	_ =	swait.ge [sflag:s9], $0x100  }
0x25: {  	s10 =	sadd.s32 $0x8000, s10;
	[sflag:s9] =	ssyncset.done $0x0  }
0x26: {  	s10 =	rddreg [dreg:$0x6]  }
0x27: {  	[sflag:s9] =	ssyncadd.s32 $0xFFFFFF00;
	s7 =	simm.s32 @!p0 $0x1C05;
	s13 =	rddreg [dreg:$0xa]  }
0x28: {  	[spmem:s13], [sflag:s7] =	dma.local @!p0 [hbm:s10], $0x100  }
0x29: {  	s7 =	simm.s32 @!p0 $0x5  }
0x2a: {  	_ =	swait.ge @!p0 [sflag:s7], $0x100  }
0x2b: {  	[sflag:s7] =	ssyncset.done @!p0 $0x0  }
0x2c: {  	[sflag:s7] =	ssyncadd.s32 @!p0 $0xFFFFFF00  }
0x2d: {  	[bflag:$0x0] =	sbarrier.arrive $0xFFFF  }
0x2e: {  	s10 =	rddreg [dreg:$0x3]  }
0x2f: {  	s7 =	sadd.s32 $0x0, s10  }
0x30: {  	[tilespmem:s2], [sflag:$0x5] =	stream.linear.gather [hbm4b:s7+s2], $0x800, $0x38;
	[tilespmem:$0x1C880] =	vst v63  }
0x31: {  	_ =	swait.ge [sflag:s9], $0x800  }
0x32: {  	s13 =	rddreg [dreg:$0x4];
	[sflag:s9] =	ssyncset.done $0x0  }
0x33: {  	s15 =	rddreg [dreg:$0x5];
	[sflag:s9] =	ssyncadd.s32 $0xFFFFF800;
	s7 =	sadd.s32 $0x0, s13  }
0x34: {  	[tilespmem:s15], [sflag:$0x5] =	stream.linear.gather [hbm4b:s7+s2], $0x800, $0x38;
	[tilespmem:$0x1C880] =	vst v63  }
0x35: {  	_ =	swait.ge [sflag:s9], $0x800  }
0x36: {  	[sflag:s9] =	ssyncset.done $0x0  }
0x37: {  	[sflag:s9] =	ssyncadd.s32 $0xFFFFF800  }
0x38: {  	[tilespmem:s12], [sflag:$0x1] =	stream.indirect.gather [spmem:s1], $0x80, s2, s11, $0xb8;
	[tilespmem:$0x1C880] =	vst v63  }
0x39: {  	s13 =	simm.s32 $0x80  }
0x3a: {  	[tilespmem:s14], [sflag:$0x2] =	stream.indirect.gather [spmem:s1], $0x80, s13, s11, $0xb8;
	[tilespmem:$0x1C880] =	vst v63  }
0x3b: {  	s15 =	simm.s32 $0x100  }
0x3c: {  	[tilespmem:s16], [sflag:$0x3] =	stream.indirect.gather [spmem:s1], $0x80, s15, s11, $0xb8;
	[tilespmem:$0x1C880] =	vst v63  }
0x3d: {  	_ = 	snop  }
0x3e: {  	[tilespmem:s18], [sflag:$0x4] =	stream.indirect.gather [spmem:s1], $0x80, s17, s11, $0xb8;
	[tilespmem:$0x1C880] =	vst v63  }
0x3f: {  	_ =	swait.ge [sflag:s19], $0x2000  }
0x40: {  	[sflag:s19] =	ssyncset.done $0x0  }
0x41: {  	[sflag:s19] =	ssyncadd.s32 $0xFFFFE000  }
0x42: {  	[tilespmem:s12], [sflag:$0x1] =	stream.indirect.gather [spmem:s1], $0x80, s20, s11, $0xb8;
	[tilespmem:$0x1C880] =	vst v63  }
0x43: {  	_ =	swait.ge [sflag:s21], $0x2000  }
0x44: {  	[sflag:s21] =	ssyncset.done $0x0  }
0x45: {  	[sflag:s21] =	ssyncadd.s32 $0xFFFFE000  }
0x46: {  	[tilespmem:s14], [sflag:$0x2] =	stream.indirect.gather [spmem:s1], $0x80, s22, s11, $0xb8;
	[tilespmem:$0x1C880] =	vst v63  }
0x47: {  	_ =	swait.ge [sflag:s23], $0x2000  }
0x48: {  	[sflag:s23] =	ssyncset.done $0x0  }
0x49: {  	[sflag:s23] =	ssyncadd.s32 $0xFFFFE000  }
0x4a: {  	[tilespmem:s16], [sflag:$0x3] =	stream.indirect.gather [spmem:s1], $0x80, s24, s11, $0xb8;
	[tilespmem:$0x1C880] =	vst v63  }
0x4b: {  	_ =	swait.ge [sflag:s25], $0x2000  }
0x4c: {  	[sflag:s25] =	ssyncset.done $0x0  }
0x4d: {  	[sflag:s25] =	ssyncadd.s32 $0xFFFFE000  }
0x4e: {  	[tilespmem:s18], [sflag:$0x4] =	stream.indirect.gather [spmem:s1], $0x80, s26, s11, $0xb8;
	[tilespmem:$0x1C880] =	vst v63  }
0x4f: {  	_ =	swait.ge [sflag:s19], $0x2000  }
0x50: {  	[sflag:s19] =	ssyncset.done $0x0  }
0x51: {  	[sflag:s19] =	ssyncadd.s32 $0xFFFFE000  }
0x52: {  	[tilespmem:s12], [sflag:$0x1] =	stream.indirect.gather [spmem:s1], $0x80, s28, s11, $0xb8;
	[tilespmem:$0x1C880] =	vst v63  }
0x53: {  	_ =	swait.ge [sflag:s21], $0x2000  }
0x54: {  	[sflag:s21] =	ssyncset.done $0x0  }
0x55: {  	[sflag:s21] =	ssyncadd.s32 $0xFFFFE000  }
0x56: {  	[tilespmem:s14], [sflag:$0x2] =	stream.indirect.gather [spmem:s1], $0x80, s29, s11, $0xb8;
	[tilespmem:$0x1C880] =	vst v63  }
0x57: {  	_ =	swait.ge [sflag:s23], $0x2000  }
0x58: {  	[sflag:s23] =	ssyncset.done $0x0  }
0x59: {  	[sflag:s23] =	ssyncadd.s32 $0xFFFFE000  }
0x5a: {  	[tilespmem:s16], [sflag:$0x3] =	stream.indirect.gather [spmem:s1], $0x80, s30, s11, $0xb8;
	[tilespmem:$0x1C880] =	vst v63  }
0x5b: {  	_ =	swait.ge [sflag:s25], $0x2000  }
0x5c: {  	[sflag:s25] =	ssyncset.done $0x0  }
0x5d: {  	[sflag:s25] =	ssyncadd.s32 $0xFFFFE000  }
0x5e: {  	[tilespmem:s18], [sflag:$0x4] =	stream.indirect.gather [spmem:s1], $0x80, s31, s11, $0xb8;
	[tilespmem:$0x1C880] =	vst v63  }
0x5f: {  	_ =	swait.ge [sflag:s19], $0x2000  }
0x60: {  	[sflag:s19] =	ssyncset.done $0x0  }
0x61: {  	[sflag:s19] =	ssyncadd.s32 $0xFFFFE000  }
0x62: {  	[tilespmem:s12], [sflag:$0x1] =	stream.indirect.gather [spmem:s1], $0x80, s0, s11, $0xb8;
	[tilespmem:$0x1C880] =	vst v63  }
0x63: {  	_ =	swait.ge [sflag:s21], $0x2000  }
0x64: {  	[sflag:s21] =	ssyncset.done $0x0  }
0x65: {  	[sflag:s21] =	ssyncadd.s32 $0xFFFFE000  }
0x66: {  	[tilespmem:s14], [sflag:$0x2] =	stream.indirect.gather [spmem:s1], $0x80, s3, s11, $0xb8;
	[tilespmem:$0x1C880] =	vst v63  }
0x67: {  	_ =	swait.ge [sflag:s23], $0x2000  }
0x68: {  	[sflag:s23] =	ssyncset.done $0x0  }
0x69: {  	[sflag:s23] =	ssyncadd.s32 $0xFFFFE000  }
0x6a: {  	[tilespmem:s16], [sflag:$0x3] =	stream.indirect.gather [spmem:s1], $0x80, s4, s11, $0xb8;
	[tilespmem:$0x1C880] =	vst v63  }
0x6b: {  	_ =	swait.ge [sflag:s25], $0x2000  }
0x6c: {  	[sflag:s25] =	ssyncset.done $0x0  }
0x6d: {  	[sflag:s25] =	ssyncadd.s32 $0xFFFFE000  }
0x6e: {  	[tilespmem:s18], [sflag:$0x4] =	stream.indirect.gather [spmem:s1], $0x80, s5, s11, $0xb8;
	[tilespmem:$0x1C880] =	vst v63  }
0x6f: {  	_ =	swait.ge [sflag:s19], $0x2000  }
0x70: {  	[sflag:s19] =	ssyncset.done $0x0  }
0x71: {  	[sflag:s19] =	ssyncadd.s32 $0xFFFFE000  }
0x72: {  	_ =	swait.ge [sflag:s21], $0x2000  }
0x73: {  	[sflag:s21] =	ssyncset.done $0x0  }
0x74: {  	[sflag:s21] =	ssyncadd.s32 $0xFFFFE000  }
0x75: {  	_ =	swait.ge [sflag:s23], $0x2000  }
0x76: {  	[sflag:s23] =	ssyncset.done $0x0  }
0x77: {  	[sflag:s23] =	ssyncadd.s32 $0xFFFFE000  }
0x78: {  	s7 =	simm.s32 $0x100;
	_ =	swait.ge [sflag:s25], $0x2000  }
.LBB2_4:
0x79: {  	s10 =	rddreg [dreg:$0x3];
	s13 =	smov.u32 s7;
	[sflag:s25] =	ssyncset.done $0x0  }
0x7a: {  	s10 =	sadd.s32 s13, s10;
	[sflag:s25] =	ssyncadd.s32 $0xFFFFE000  }
0x7b: {  	[tilespmem:s2], [sflag:$0x5] =	stream.linear.gather [hbm4b:s10+s2], $0x800, $0x38;
	[tilespmem:$0x1C880] =	vst v63  }
0x7c: {  	_ =	swait.ge [sflag:s9], $0x800  }
0x7d: {  	s10 =	rddreg [dreg:$0x4];
	[sflag:s9] =	ssyncset.done $0x0  }
0x7e: {  	s15 =	rddreg [dreg:$0x5];
	[sflag:s9] =	ssyncadd.s32 $0xFFFFF800;
	s10 =	sadd.s32 s13, s10  }
0x7f: {  	[tilespmem:s15], [sflag:$0x5] =	stream.linear.gather [hbm4b:s10+s2], $0x800, $0x38;
	[tilespmem:$0x1C880] =	vst v63  }
0x80: {  	_ =	swait.ge [sflag:s9], $0x800  }
0x81: {  	[sflag:s9] =	ssyncset.done $0x0  }
0x82: {  	[sflag:s9] =	ssyncadd.s32 $0xFFFFF800  }
0x83: {  	[tilespmem:s12], [sflag:$0x1] =	stream.indirect.gather [spmem:s1], $0x80, s2, s11, $0xb8;
	[tilespmem:$0x1C880] =	vst v63  }
0x84: {  	s13 =	simm.s32 $0x80  }
0x85: {  	[tilespmem:s14], [sflag:$0x2] =	stream.indirect.gather [spmem:s1], $0x80, s13, s11, $0xb8;
	[tilespmem:$0x1C880] =	vst v63  }
0x86: {  	s15 =	simm.s32 $0x100  }
0x87: {  	[tilespmem:s16], [sflag:$0x3] =	stream.indirect.gather [spmem:s1], $0x80, s15, s11, $0xb8;
	[tilespmem:$0x1C880] =	vst v63  }
0x88: {  	_ = 	snop  }
0x89: {  	[tilespmem:s18], [sflag:$0x4] =	stream.indirect.gather [spmem:s1], $0x80, s17, s11, $0xb8;
	[tilespmem:$0x1C880] =	vst v63  }
0x8a: {  	_ =	swait.ge [sflag:s19], $0x2000  }
0x8b: {  	[sflag:s19] =	ssyncset.done $0x0  }
0x8c: {  	[sflag:s19] =	ssyncadd.s32 $0xFFFFE000  }
0x8d: {  	[tilespmem:s12], [sflag:$0x1] =	stream.indirect.gather [spmem:s1], $0x80, s20, s11, $0xb8;
	[tilespmem:$0x1C880] =	vst v63  }
0x8e: {  	_ =	swait.ge [sflag:s21], $0x2000  }
0x8f: {  	[sflag:s21] =	ssyncset.done $0x0  }
0x90: {  	[sflag:s21] =	ssyncadd.s32 $0xFFFFE000  }
0x91: {  	[tilespmem:s14], [sflag:$0x2] =	stream.indirect.gather [spmem:s1], $0x80, s22, s11, $0xb8;
	[tilespmem:$0x1C880] =	vst v63  }
0x92: {  	_ =	swait.ge [sflag:s23], $0x2000  }
0x93: {  	[sflag:s23] =	ssyncset.done $0x0  }
0x94: {  	[sflag:s23] =	ssyncadd.s32 $0xFFFFE000  }
0x95: {  	[tilespmem:s16], [sflag:$0x3] =	stream.indirect.gather [spmem:s1], $0x80, s24, s11, $0xb8;
	[tilespmem:$0x1C880] =	vst v63  }
0x96: {  	_ =	swait.ge [sflag:s25], $0x2000  }
0x97: {  	[sflag:s25] =	ssyncset.done $0x0  }
0x98: {  	[sflag:s25] =	ssyncadd.s32 $0xFFFFE000  }
0x99: {  	[tilespmem:s18], [sflag:$0x4] =	stream.indirect.gather [spmem:s1], $0x80, s26, s11, $0xb8;
	[tilespmem:$0x1C880] =	vst v63  }
0x9a: {  	_ =	swait.ge [sflag:s19], $0x2000  }
0x9b: {  	[sflag:s19] =	ssyncset.done $0x0  }
0x9c: {  	[sflag:s19] =	ssyncadd.s32 $0xFFFFE000  }
0x9d: {  	[tilespmem:s12], [sflag:$0x1] =	stream.indirect.gather [spmem:s1], $0x80, s28, s11, $0xb8;
	[tilespmem:$0x1C880] =	vst v63  }
0x9e: {  	_ =	swait.ge [sflag:s21], $0x2000  }
0x9f: {  	[sflag:s21] =	ssyncset.done $0x0  }
0xa0: {  	[sflag:s21] =	ssyncadd.s32 $0xFFFFE000  }
0xa1: {  	[tilespmem:s14], [sflag:$0x2] =	stream.indirect.gather [spmem:s1], $0x80, s29, s11, $0xb8;
	[tilespmem:$0x1C880] =	vst v63  }
0xa2: {  	_ =	swait.ge [sflag:s23], $0x2000  }
0xa3: {  	[sflag:s23] =	ssyncset.done $0x0  }
0xa4: {  	[sflag:s23] =	ssyncadd.s32 $0xFFFFE000  }
0xa5: {  	[tilespmem:s16], [sflag:$0x3] =	stream.indirect.gather [spmem:s1], $0x80, s30, s11, $0xb8;
	[tilespmem:$0x1C880] =	vst v63  }
0xa6: {  	_ =	swait.ge [sflag:s25], $0x2000  }
0xa7: {  	[sflag:s25] =	ssyncset.done $0x0  }
0xa8: {  	[sflag:s25] =	ssyncadd.s32 $0xFFFFE000  }
0xa9: {  	[tilespmem:s18], [sflag:$0x4] =	stream.indirect.gather [spmem:s1], $0x80, s31, s11, $0xb8;
	[tilespmem:$0x1C880] =	vst v63  }
0xaa: {  	_ =	swait.ge [sflag:s19], $0x2000  }
0xab: {  	[sflag:s19] =	ssyncset.done $0x0  }
0xac: {  	[sflag:s19] =	ssyncadd.s32 $0xFFFFE000  }
0xad: {  	[tilespmem:s12], [sflag:$0x1] =	stream.indirect.gather [spmem:s1], $0x80, s0, s11, $0xb8;
	[tilespmem:$0x1C880] =	vst v63  }
0xae: {  	_ =	swait.ge [sflag:s21], $0x2000  }
0xaf: {  	[sflag:s21] =	ssyncset.done $0x0  }
0xb0: {  	[sflag:s21] =	ssyncadd.s32 $0xFFFFE000  }
0xb1: {  	[tilespmem:s14], [sflag:$0x2] =	stream.indirect.gather [spmem:s1], $0x80, s3, s11, $0xb8;
	[tilespmem:$0x1C880] =	vst v63  }
0xb2: {  	_ =	swait.ge [sflag:s23], $0x2000  }
0xb3: {  	[sflag:s23] =	ssyncset.done $0x0  }
0xb4: {  	[sflag:s23] =	ssyncadd.s32 $0xFFFFE000  }
0xb5: {  	[tilespmem:s16], [sflag:$0x3] =	stream.indirect.gather [spmem:s1], $0x80, s4, s11, $0xb8;
	[tilespmem:$0x1C880] =	vst v63  }
0xb6: {  	_ =	swait.ge [sflag:s25], $0x2000  }
0xb7: {  	[sflag:s25] =	ssyncset.done $0x0  }
0xb8: {  	[sflag:s25] =	ssyncadd.s32 $0xFFFFE000  }
0xb9: {  	[tilespmem:s18], [sflag:$0x4] =	stream.indirect.gather [spmem:s1], $0x80, s5, s11, $0xb8;
	[tilespmem:$0x1C880] =	vst v63  }
0xba: {  	_ =	swait.ge [sflag:s19], $0x2000  }
0xbb: {  	[sflag:s19] =	ssyncset.done $0x0  }
0xbc: {  	[sflag:s19] =	ssyncadd.s32 $0xFFFFE000  }
0xbd: {  	_ =	swait.ge [sflag:s21], $0x2000  }
0xbe: {  	p1 =	sne.s32 s7, $0x900;
	[sflag:s21] =	ssyncset.done $0x0  }
.Ltmp1:
0xbf: {  	[sflag:s21] =	ssyncadd.s32 $0xFFFFE000;
	(pc) =	sbr.rel @p1 .LBB2_4-.Ltmp1, $4  }
0xc0: {  	_ =	swait.ge [sflag:s23], $0x2000  }
0xc1: {  	[sflag:s23] =	ssyncset.done $0x0  }
0xc2: {  	[sflag:s23] =	ssyncadd.s32 $0xFFFFE000  }
0xc3: {  	s7 =	sadd.s32 $0x100, s7;
	_ =	swait.ge [sflag:s25], $0x2000  }
0xc4: {  	[sflag:s25] =	ssyncset.done $0x0  }
0xc5: {  	[sflag:s25] =	ssyncadd.s32 $0xFFFFE000  }
0xc6: {  	[bflag:$0x0] =	sbarrier.arrive $0xFFFF  }
0xc7: {  	s7 =	rddreg [dreg:$0x7]  }
0xc8: {  	[hbm4b:s7+s2] =	stream.linear.scatter [tilespmem:s12], [sflag:$0x5], $0x800, $0x38;
	[tilespmem:$0x1C880] =	vst v63  }
0xc9: {  	_ =	swait.ge [sflag:s9], $0x800  }
0xca: {  	s10 =	rddreg [dreg:$0xb]  }
0xcb: {  	s15 =	rddreg [dreg:$0x8];
	s10 =	sadd.s32 $0x1, s10  }
0xcc: {  	p1 =	sne.s32 s10, s15  }
.Ltmp2:
0xcd: {  	_ = 	snop;
	(pc) =	sbr.rel @p1 .LBB2_1-.Ltmp2, $3  }
0xce: {  	_ =	sdelay $0x1  }
0xcf: {  	[sflag:s9] =	ssyncset.done $0x0  }
0xd0: {  	[sflag:s9] =	ssyncadd.s32 $0xFFFFF800  }
0xd1: {  	_ =	sfence.sel $0x180000  }
0xd2: {  	[bflag:$0x0] =	sbarrier.arrive $0xFFFF  }
0xd3: {  	_ =	strace $0x9000004D  }
0xd4: {  	[bflag:$0x2] =	sbarrier.arrive $0xFFFF  }
0xd5: {  	s0 =	rddreg [dreg:$0x2]  }
0xd6: {  	s0 =	sadd.s32 @!p0 $0x100000, s0  }
0xd7: {  	[sflag:s0] =	ssyncadd.tile.s32 @!p0 $0x1;
	_ =	shalt  }
.Lfunc_end2:
_tile_overlayer_lowered:
.L_overlay_start_2:
0xd8: {  	(tag) =	ssettag $0x2  }
0xd9: {  	s0 =	rddreg [dreg:$0x0];
	s2 =	stileid.u32  }
0xda: {  	s1 =	rddreg [dreg:$0x1];
	p0 =	sne.s32 s2, $0x0  }
0xdb: {  	s3 =	rddreg [dreg:$0x2];
	[bflag:$0x3] =	sbarrier.arrive $0xFFFF;
	s2 =	simm.s32 @!p0 $0x1C05  }
0xdc: {  	[timem:s3], [sflag:s2] =	dma.local @!p0 [hbm:s0], s1  }
0xdd: {  	s0 =	simm.s32 @!p0 $0x5  }
0xde: {  	_ =	swait.ge @!p0 [sflag:s0], s1  }
0xdf: {  	s1 =	ssub.s32 @!p0 $0x0, s1;
	[sflag:s0] =	ssyncset.done @!p0 $0x0  }
0xe0: {  	[sflag:s0] =	ssyncadd.s32 @!p0 s1  }
0xe1: {  	[bflag:$0x3] =	sbarrier.arrive $0xFFFF  }
0xe2: {  	_ =	shalt  }

// kernel: kernel.9.cloned.1.call-start
scs
__scs_entry_jumppad:
0x0: {  	(pc) =	sbr.rel $0x88, $3  }
0x1: {  	(tag) =	ssettag $0x0;
	lr =	simm.s32 $0x1  }
0x2: {  	[smem:$0x3F97] =	sst lr;
	_ =	strace $0xD0000000  }
0x3: {  	_ = 	snop  }
0x4: {  	_ = 	snop  }
0x5: {  	_ = 	snop  }
0x6: {  	_ = 	snop  }
0x7: {  	_ = 	snop  }
__scs_overlays_trampoline_lowered:
0x8: {  	[smem:$0x3FA6] =	sst s0  }
0x9: {  	[smem:$0x3FA7] =	sst s1  }
0xa: {  	[smem:$0x3FA8] =	sst s2  }
0xb: {  	[smem:$0x3FA9] =	sst s3  }
0xc: {  	[smem:$0x3FAA] =	sst s4  }
0xd: {  	[smem:$0x3FAB] =	sst s5  }
0xe: {  	[smem:$0x3FAC] =	sst s6  }
0xf: {  	[smem:$0x3FAD] =	sst s7  }
0x10: {  	[smem:$0x3FAE] =	sst s8  }
0x11: {  	[smem:$0x3FAF] =	sst s9;
	s0 =	simm.s32 @!p0 $0x0  }
0x12: {  	s1 =	sld [smem:$0x3F95];
	s0 =	simm.s32 @p0 $0x1  }
0x13: {  	[smem:$0x3FB0] =	sst s0;
	s0 =	simm.s32 @!p1 $0x0  }
0x14: {  	s2 =	sld [smem:$0x3F94];
	s0 =	simm.s32 @p1 $0x1  }
0x15: {  	[smem:$0x3FB1] =	sst s0;
	s0 =	simm.s32 @!p2 $0x0  }
0x16: {  	s3 =	sld [smem:$0x3FDB];
	s0 =	simm.s32 @p2 $0x1  }
0x17: {  	s4 =	simm.s32 $0x1BF5;
	[smem:$0x3FB3] =	sst s0  }
0x18: {  	s0 =	sld [smem:$0x3F96];
	_ =	swait.ge [sflag:s4], $0x0  }
0x19: {  	s7 =	sld [smem:$0x3F97]  }
0x1a: {  	s8 =	sadd.s32 $0xFFFFE003, lr  }
0x1b: {  	s9 =	sadd.s32 $0xFFFFFEF7, lr;
	s5 =	simm.s32 $0xFFFFFFFF;
	p2 =	slt.u32 s8, $0xFFFFF086  }
0x1c: {  	p1 =	slt.u32 s9, $0xF7A;
	s5 =	simm.s32 @!p2 $0x0  }
0x1d: {  	s5 =	simm.s32 @p1 $0x1;
	p0 =	seq.s32 s7, s2  }
0x1e: {  	s7 =	smul.u32 @!p0 $0xF7A, s2;
	p2 =	seq.s32 @!p0 s5, $0x0  }
0x1f: {  	s9 =	smul.u32 $0xF7A, s1;
	s8 =	simm.s32 @!p0 $0x1BF5;
	p2 =	por !p2, p0  }
0x20: {  	[sflag:s8] =	ssyncset.s32 @!p0 $0xFFFFF086;
	s6 =	sadd.s32 @!p0 s3, s7;
	s7 =	simm.s32 @!p0 $0x108  }
0x21: {  	s3 =	sadd.s32 s3, s9;
	s6 =	sadd.s32 @!p0 $0x88, s6;
	s7 =	simm.s32 @p2 $0x1082  }
0x22: {  	[simem:s7], [sflag:s8] =	dma.local @!p0 [hbm:s6], $0xF7A  }
0x23: {  	s9 =	sor.u32 $0xD0000000, s2;
	s6 =	simm.s32 $0x108;
	_ =	swait.ge @!p0 [sflag:s8], $0x0  }
0x24: {  	s3 =	sadd.s32 $0x88, s3;
	s6 =	simm.s32 @!p1 $0x1082;
	[sflag:s4] =	ssyncset.s32 $0xFFFFF086  }
0x25: {  	[simem:s6], [sflag:s4] =	dma.local [hbm:s3], $0xF7A  }
0x26: {  	[smem:$0x3F97] =	sst s1;
	(tag) =	ssettag s2;
	_ =	strace s9  }
0x27: {  	s1 =	sld [smem:$0x3FA7]  }
0x28: {  	s2 =	sld [smem:$0x3FA8]  }
0x29: {  	s4 =	sld [smem:$0x3FAA]  }
0x2a: {  	p0 =	seq.s32 s5, $0x0;
	s5 =	sld [smem:$0x3FAB]  }
0x2b: {  	s6 =	sld [smem:$0x3FAC]  }
0x2c: {  	s7 =	sld [smem:$0x3FAD]  }
0x2d: {  	s3 =	simm.s32 $0x108;
	s8 =	sld [smem:$0x3FAE]  }
0x2e: {  	s3 =	simm.s32 @!p0 $0x1082;
	s9 =	sld [smem:$0x3FAF]  }
0x2f: {  	lr =	sadd.s32 s0, s3;
	s0 =	sld [smem:$0x3FA6]  }
0x30: {  	s3 =	sld [smem:$0x3FA9]  }
0x31: {  	[smem:$0x3FB2] =	sst s10  }
0x32: {  	s10 =	sld [smem:$0x3FB0];
	_ =	sdelay $0x3  }
0x33: {  	p0 =	seq.s32 s10, $0x1;
	s10 =	sld [smem:$0x3FB2];
	_ =	sdelay $0x3  }
0x34: {  	[smem:$0x3FB2] =	sst s10  }
0x35: {  	s10 =	sld [smem:$0x3FB1];
	_ =	sdelay $0x3  }
0x36: {  	p1 =	seq.s32 s10, $0x1;
	s10 =	sld [smem:$0x3FB2];
	_ =	sdelay $0x3  }
0x37: {  	[smem:$0x3FB2] =	sst s10  }
0x38: {  	s10 =	sld [smem:$0x3FB3]  }
0x39: {  	_ = 	snop;
	(pc) =	sbr.ind lr, $3  }
0x3a: {  	_ = 	snop  }
0x3b: {  	_ = 	snop  }
0x3c: {  	p2 =	seq.s32 s10, $0x1;
	s10 =	sld [smem:$0x3FB2]  }
0x3d: {  	_ =	shalt  }
0x3e: {  	_ =	shalt  }
0x3f: {  	_ =	shalt  }
0x40: {  	_ =	shalt  }
0x41: {  	_ =	shalt  }
0x42: {  	_ =	shalt  }
0x43: {  	_ =	shalt  }
0x44: {  	_ =	shalt  }
0x45: {  	_ =	shalt  }
0x46: {  	_ =	shalt  }
0x47: {  	_ =	shalt  }
0x48: {  	_ =	shalt  }
0x49: {  	_ =	shalt  }
0x4a: {  	_ =	shalt  }
0x4b: {  	_ =	shalt  }
0x4c: {  	_ =	shalt  }
0x4d: {  	_ =	shalt  }
0x4e: {  	_ =	shalt  }
0x4f: {  	_ =	shalt  }
0x50: {  	_ =	shalt  }
0x51: {  	_ =	shalt  }
0x52: {  	_ =	shalt  }
0x53: {  	_ =	shalt  }
0x54: {  	_ =	shalt  }
0x55: {  	_ =	shalt  }
0x56: {  	_ =	shalt  }
0x57: {  	_ =	shalt  }
0x58: {  	_ =	shalt  }
0x59: {  	_ =	shalt  }
0x5a: {  	_ =	shalt  }
0x5b: {  	_ =	shalt  }
0x5c: {  	_ =	shalt  }
0x5d: {  	_ =	shalt  }
0x5e: {  	_ =	shalt  }
0x5f: {  	_ =	shalt  }
0x60: {  	_ =	shalt  }
0x61: {  	_ =	shalt  }
0x62: {  	_ =	shalt  }
0x63: {  	_ =	shalt  }
0x64: {  	_ =	shalt  }
0x65: {  	_ =	shalt  }
0x66: {  	_ =	shalt  }
0x67: {  	_ =	shalt  }
0x68: {  	_ =	shalt  }
0x69: {  	_ =	shalt  }
0x6a: {  	_ =	shalt  }
0x6b: {  	_ =	shalt  }
0x6c: {  	_ =	shalt  }
0x6d: {  	_ =	shalt  }
0x6e: {  	_ =	shalt  }
0x6f: {  	_ =	shalt  }
0x70: {  	_ =	shalt  }
0x71: {  	_ =	shalt  }
0x72: {  	_ =	shalt  }
0x73: {  	_ =	shalt  }
0x74: {  	_ =	shalt  }
0x75: {  	_ =	shalt  }
0x76: {  	_ =	shalt  }
0x77: {  	_ =	shalt  }
0x78: {  	_ =	shalt  }
0x79: {  	_ =	shalt  }
0x7a: {  	_ =	shalt  }
0x7b: {  	_ =	shalt  }
0x7c: {  	_ =	shalt  }
0x7d: {  	_ =	shalt  }
0x7e: {  	_ =	shalt  }
0x7f: {  	_ =	shalt  }
0x80: {  	_ =	shalt  }
0x81: {  	_ =	shalt  }
0x82: {  	_ =	shalt  }
0x83: {  	_ =	shalt  }
0x84: {  	_ =	shalt  }
0x85: {  	_ =	shalt  }
0x86: {  	_ =	shalt  }
0x87: {  	_ =	shalt  }
.Lfunc_end0:
.L_simem_size_0:
called_computation_lowered:
.L_overlay_start_0:
0x88: {  	s2 =	sld [smem:$0x3FD9]  }
0x89: {  	s3 =	sld [smem:$0x3FFE];
	_ =	sdelay $0x1  }
0x8a: {  	s1 =	srdreg.scid  }
0x8b: {  	s0 =	sand.u32 $0x1, s1  }
0x8c: {  	s16 =	sshll.u32 s0, $0xA;
	s2 =	sadd.s32 s3, s2  }
0x8d: {  	s2 =	sadd.s32 s2, s16  }
0x8e: {  	[smem:$0x3FBE] =	sst s2  }
0x8f: {  	_ = 	snop  }
0x90: {  	(tm) =	ssettm $0x1  }
0x91: {  	s17 =	sld [smem:$0x3FFB];
	_ =	sdelay $0x3  }
0x92: {  	_ =	strace s17  }
0x93: {  	s2 =	sld [smem:$0x3FFC];
	_ =	sdelay $0x3  }
0x94: {  	_ =	strace s2  }
0x95: {  	s2 =	sld [smem:$0x3FFD];
	_ =	sdelay $0x3  }
0x96: {  	_ =	strace s2  }
0x97: {  	_ =	strace $0x8FFFFFFF  }
0x98: {  	s18 =	sld [smem:$0x3FDB];
	_ =	sdelay $0x1  }
0x99: {  	s19 =	simm.s32 $_scs_section_size  }
0x9a: {  	s4 =	simm.s32 $_size__tile_overlayer_lowered;
	s5 =	simm.s32 $_tile_overlayer_lowered  }
0x9b: {  	s22 =	simm.s32 $0x1BFF;
	s21 =	sshll.u32 s5, $0x1;
	s2 =	sadd.s32 s19, s18  }
0x9c: {  	s6 =	simm.s32 $0x0;
	s20 =	sshll.u32 s4, $0x1;
	s4 =	sadd.s32 s21, s2  }
0x9d: {  	[timem:s6], [sflag:s22] =	dma.local [hbm:s4], s20  }
0x9e: {  	_ =	swait.ge [sflag:s22], s20  }
0x9f: {  	s3 =	ssub.s32 $0x0, s20;
	[sflag:s22] =	ssyncset.done $0x0  }
0xa0: {  	[sflag:s22] =	ssyncadd.s32 s3;
	_ =	sdelay $0x1  }
0xa1: {  	s23 =	simm.s32 $0x1B8B  }
0xa2: {  	_ =	swait.ge [sflag:s23], $0x1  }
0xa3: {  	[sflag:s23] =	ssyncset.done $0x0  }
0xa4: {  	s25 =	simm.s32 $0x1B8E;
	s24 =	sld [smem:$0x3FFE];
	[sflag:s23] =	ssyncadd.s32 $0xFFFFFFFF  }
0xa5: {  	s26 =	simm.s32 $execute0_lowered;
	[smem:$0x3FD2] =	sst s25  }
0xa6: {  	s4 =	sshll.u32 s26, $0x1;
	_ =	strace $0x80000046;
	[dreg:$0x1] =	wrdreg $0xFFFFFFFF  }
0xa7: {  	s28 =	simm.s32 $_size_execute0_lowered;
	s2 =	sadd.s32 s2, s4;
	[dreg:$0x0] =	wrdreg $0x0  }
0xa8: {  	s4 =	sshll.u32 s28, $0x1;
	[dreg:$0x2] =	wrdreg s2  }
0xa9: {  	[dreg:$0x3] =	wrdreg s4  }
0xaa: {  	[dreg:$0x4] =	wrdreg $0xC0  }
0xab: {  	_ =	task [dreg:s6], $0x5FFFF  }
0xac: {  	[dreg:$0x1] =	wrdreg $0xFFFFFFFF  }
0xad: {  	[dreg:$0x0] =	wrdreg $0x60  }
0xae: {  	[dreg:$0x2] =	wrdreg s24  }
0xaf: {  	[dreg:$0x3] =	wrdreg $0x70000  }
0xb0: {  	[dreg:$0x4] =	wrdreg $0x9  }
0xb1: {  	_ =	task.clear_ibuf [dreg:s6], $0x5FFFF;
	_ =	strace $0x90000046  }
0xb2: {  	s29 =	simm.s32 $0x9;
	_ =	strace $0x80000048  }
0xb3: {  	_ =	swait.ge [sflag:s29], $0x1  }
0xb4: {  	[sflag:s29] =	ssyncadd.s32 $0xFFFFFFFF  }
0xb5: {  	_ =	strace $0x90000048  }
0xb6: {  	_ =	sfence  }
0xb7: {  	s30 =	sld [smem:$0x0];
	_ =	sdelay $0x2  }
0xb8: {  	s31 =	sshll.u32 s1, $0xD;
	s1 =	sshrl.u32 s1, $0x2  }
0xb9: {  	s3 =	sand.u32 $0x4000, s31;
	s1 =	sadd.s32 s1, s30  }
0xba: {  	s0 =	sor.u32 s3, s0;
	s1 =	sshll.u32 s1, $0x11  }
0xbb: {  	s0 =	sor.u32 s1, s0  }
0xbc: {  	s0 =	sadd.s32 $0x8F2B, s0  }
0xbd: {  	[sflag:s0] =	ssyncadd.remote.s32 $0x1  }
0xbe: {  	_ =	sfence.sel $0xFFFF  }
0xbf: {  	[dreg:$0x0] =	wrdreg $0xFFFFFFFF;
	(pc) =	sbr.abs _section_cstart, $3  }
0xc0: {  	[dreg:$0x1] =	wrdreg $0xFFFFFFFF  }
0xc1: {  	_ =	task.clear_ibuf [dreg:s6], $0x2FFFF;
	_ =	strace $0x9FFFFFFF  }
0xc2: {  	(tm) =	ssettm $0x7FFFFFFF  }
0xc3: {  	_ =	shalt  }
tec
execute0_lowered:
.L_overlay_start_1:
0x0: {  	(tag) =	ssettag $0x1  }
0x1: {  	s4 =	rddreg [dreg:$0x0]  }
0x2: {  	s0 =	srdreg.scid;
	s1 =	rddreg [dreg:$0x1]  }
0x3: {  	s2 =	simm.s32 $0x0;
	s5 =	sand.u32 $0x1, s0;
	s0 =	rddreg [dreg:$0x2]  }
0x4: {  	s12 =	stileid.u32;
	s11 =	simm.s32 $0x80;
	[smem:$0x7FF] =	sst s2  }
0x5: {  	s9 =	sadd.s32 $0x18800, s4;
	s26 =	sshll.u32 s12, $0xB;
	s31 =	sshll.u32 s12, $0x8  }
0x6: {  	p0 =	sne.s32 s12, $0x0;
	s13 =	sshll.u32 s12, $0x6;
	s3 =	sshll.u32 s5, $0x4  }
0x7: {  	s6 =	ssub.s32 $0x2, s5;
	_ =	strace $0x80000047;
	s8 =	smul.u32 $0x138800, s5  }
0x8: {  	s30 =	smul.u32 $0x27100, s5;
	s13 =	sor.u32 $0x1C01, s13;
	s3 =	sor.u32 s12, s3  }
0x9: {  	s25 =	sshrl.u32 s6, $0x1;
	s12 =	simm.s32 $0x2800;
	s7 =	smul.u32 $0x2800, s3  }
0xa: {  	s10 =	ssub.s32 s6, s25;
	s29 =	sshrl.u32 s8, $0x3;
	s8 =	sadd.s32 s30, s9  }
0xb: {  	s3 =	sadd.s32 s26, s1;
	s8 =	sadd.s32 s31, s8;
	s28 =	sshrl.u32 s7, $0x3  }
0xc: {  	s7 =	sadd.s32 s9, s29;
	s9 =	simm.s32 $0x6800;
	s6 =	sadd.s32 s4, s28  }
0xd: {  	s4 =	sadd.s32 $0x138000, s1;
	s5 =	sadd.s32 $0xE800, s6;
	s6 =	sadd.s32 $0x27000, s7  }
0xe: {  	v0 =	vimm.f32 $1.000000000e+00;
	v1 =	vimm.f32 $0.0e+00;
	s7 =	smax.u32 s10, $0x1;
	s10 =	simm.s32 $0x1;
	s14 =	sshrl.u32 @!p0 s4, $0x3  }
.LBB2_1:
0xf: {  	[tilespmem:$0x2800] =	vst v0  }
0x10: {  	[tilespmem:$0x2880] =	vst v0  }
0x11: {  	[tilespmem:$0x2900] =	vst v0  }
0x12: {  	[tilespmem:$0x2980] =	vst v0  }
0x13: {  	[tilespmem:$0x2A00] =	vst v0  }
0x14: {  	[tilespmem:$0x2A80] =	vst v0  }
0x15: {  	[tilespmem:$0x2B00] =	vst v0  }
0x16: {  	[tilespmem:$0x2B80] =	vst v0  }
0x17: {  	[tilespmem:$0x2C00] =	vst v0  }
0x18: {  	[tilespmem:$0x2C80] =	vst v0  }
0x19: {  	[tilespmem:$0x2D00] =	vst v0  }
0x1a: {  	[tilespmem:$0x2D80] =	vst v0  }
0x1b: {  	[tilespmem:$0x2E00] =	vst v0  }
0x1c: {  	[tilespmem:$0x2E80] =	vst v0  }
0x1d: {  	[tilespmem:$0x2F00] =	vst v0  }
0x1e: {  	[tilespmem:$0x2F80] =	vst v0  }
0x1f: {  	[tilespmem:$0x3000] =	vst v0  }
0x20: {  	[tilespmem:$0x3080] =	vst v0  }
0x21: {  	[tilespmem:$0x3100] =	vst v0  }
0x22: {  	[tilespmem:$0x3180] =	vst v0  }
0x23: {  	[tilespmem:$0x3200] =	vst v0  }
0x24: {  	[tilespmem:$0x3280] =	vst v0  }
0x25: {  	[tilespmem:$0x3300] =	vst v0  }
0x26: {  	[tilespmem:$0x3380] =	vst v0  }
0x27: {  	[tilespmem:$0x3400] =	vst v0  }
0x28: {  	[tilespmem:$0x3480] =	vst v0  }
0x29: {  	[tilespmem:$0x3500] =	vst v0  }
0x2a: {  	[tilespmem:$0x3580] =	vst v0  }
0x2b: {  	[tilespmem:$0x3600] =	vst v0  }
0x2c: {  	[tilespmem:$0x3680] =	vst v0  }
0x2d: {  	[tilespmem:$0x3700] =	vst v0  }
0x2e: {  	[tilespmem:$0x3780] =	vst v0  }
0x2f: {  	[tilespmem:$0x3800] =	vst v0  }
0x30: {  	[tilespmem:$0x3880] =	vst v0  }
0x31: {  	[tilespmem:$0x3900] =	vst v0  }
0x32: {  	[tilespmem:$0x3980] =	vst v0  }
0x33: {  	[tilespmem:$0x3A00] =	vst v0  }
0x34: {  	[tilespmem:$0x3A80] =	vst v0  }
0x35: {  	[tilespmem:$0x3B00] =	vst v0  }
0x36: {  	[tilespmem:$0x3B80] =	vst v0  }
0x37: {  	[tilespmem:$0x3C00] =	vst v0  }
0x38: {  	[tilespmem:$0x3C80] =	vst v0  }
0x39: {  	[tilespmem:$0x3D00] =	vst v0  }
0x3a: {  	[tilespmem:$0x3D80] =	vst v0  }
0x3b: {  	[tilespmem:$0x3E00] =	vst v0  }
0x3c: {  	[tilespmem:$0x3E80] =	vst v0  }
0x3d: {  	[tilespmem:$0x3F00] =	vst v0  }
0x3e: {  	[tilespmem:$0x3F80] =	vst v0  }
0x3f: {  	[tilespmem:$0x4000] =	vst v0  }
0x40: {  	[tilespmem:$0x4080] =	vst v0  }
0x41: {  	[tilespmem:$0x4100] =	vst v0  }
0x42: {  	[tilespmem:$0x4180] =	vst v0  }
0x43: {  	[tilespmem:$0x4200] =	vst v0  }
0x44: {  	[tilespmem:$0x4280] =	vst v0  }
0x45: {  	[tilespmem:$0x4300] =	vst v0  }
0x46: {  	[tilespmem:$0x4380] =	vst v0  }
0x47: {  	[tilespmem:$0x4400] =	vst v0  }
0x48: {  	[tilespmem:$0x4480] =	vst v0  }
0x49: {  	[tilespmem:$0x4500] =	vst v0  }
0x4a: {  	[tilespmem:$0x4580] =	vst v0  }
0x4b: {  	[tilespmem:$0x4600] =	vst v0  }
0x4c: {  	[tilespmem:$0x4680] =	vst v0  }
0x4d: {  	[tilespmem:$0x4700] =	vst v0  }
0x4e: {  	[tilespmem:$0x4780] =	vst v0  }
0x4f: {  	[tilespmem:$0x4800] =	vst v0  }
0x50: {  	[tilespmem:$0x4880] =	vst v0  }
0x51: {  	[tilespmem:$0x4900] =	vst v0  }
0x52: {  	[tilespmem:$0x4980] =	vst v0  }
0x53: {  	[tilespmem:$0x4A00] =	vst v0  }
0x54: {  	[tilespmem:$0x4A80] =	vst v0  }
0x55: {  	[tilespmem:$0x4B00] =	vst v0  }
0x56: {  	[tilespmem:$0x4B80] =	vst v0  }
0x57: {  	[tilespmem:$0x4C00] =	vst v0  }
0x58: {  	[tilespmem:$0x4C80] =	vst v0  }
0x59: {  	[tilespmem:$0x4D00] =	vst v0  }
0x5a: {  	[tilespmem:$0x4D80] =	vst v0  }
0x5b: {  	[tilespmem:$0x4E00] =	vst v0  }
0x5c: {  	[tilespmem:$0x4E80] =	vst v0  }
0x5d: {  	[tilespmem:$0x4F00] =	vst v0  }
0x5e: {  	[tilespmem:$0x4F80] =	vst v0  }
0x5f: {  	[tilespmem:$0x5000] =	vst v0  }
0x60: {  	[tilespmem:$0x5080] =	vst v0  }
0x61: {  	[tilespmem:$0x5100] =	vst v0  }
0x62: {  	[tilespmem:$0x5180] =	vst v0  }
0x63: {  	[tilespmem:$0x5200] =	vst v0  }
0x64: {  	[tilespmem:$0x5280] =	vst v0  }
0x65: {  	[tilespmem:$0x5300] =	vst v0  }
0x66: {  	[tilespmem:$0x5380] =	vst v0  }
0x67: {  	[tilespmem:$0x5400] =	vst v0  }
0x68: {  	[tilespmem:$0x5480] =	vst v0  }
0x69: {  	[tilespmem:$0x5500] =	vst v0  }
0x6a: {  	[tilespmem:$0x5580] =	vst v0  }
0x6b: {  	[tilespmem:$0x5600] =	vst v0  }
0x6c: {  	[tilespmem:$0x5680] =	vst v0  }
0x6d: {  	[tilespmem:$0x5700] =	vst v0  }
0x6e: {  	[tilespmem:$0x5780] =	vst v0  }
0x6f: {  	[tilespmem:$0x5800] =	vst v0  }
0x70: {  	[tilespmem:$0x5880] =	vst v0  }
0x71: {  	[tilespmem:$0x5900] =	vst v0  }
0x72: {  	[tilespmem:$0x5980] =	vst v0  }
0x73: {  	[tilespmem:$0x5A00] =	vst v0  }
0x74: {  	[tilespmem:$0x5A80] =	vst v0  }
0x75: {  	[tilespmem:$0x5B00] =	vst v0  }
0x76: {  	[tilespmem:$0x5B80] =	vst v0  }
0x77: {  	[tilespmem:$0x5C00] =	vst v0  }
0x78: {  	[tilespmem:$0x5C80] =	vst v0  }
0x79: {  	[tilespmem:$0x5D00] =	vst v0  }
0x7a: {  	[tilespmem:$0x5D80] =	vst v0  }
0x7b: {  	[tilespmem:$0x5E00] =	vst v0  }
0x7c: {  	[tilespmem:$0x5E80] =	vst v0  }
0x7d: {  	[tilespmem:$0x5F00] =	vst v0  }
0x7e: {  	[tilespmem:$0x5F80] =	vst v0  }
0x7f: {  	[tilespmem:$0x6000] =	vst v0  }
0x80: {  	[tilespmem:$0x6080] =	vst v0  }
0x81: {  	[tilespmem:$0x6100] =	vst v0  }
0x82: {  	[tilespmem:$0x6180] =	vst v0  }
0x83: {  	[tilespmem:$0x6200] =	vst v0  }
0x84: {  	[tilespmem:$0x6280] =	vst v0  }
0x85: {  	[tilespmem:$0x6300] =	vst v0  }
0x86: {  	[tilespmem:$0x6380] =	vst v0  }
0x87: {  	[tilespmem:$0x6400] =	vst v0  }
0x88: {  	[tilespmem:$0x6480] =	vst v0  }
0x89: {  	[tilespmem:$0x6500] =	vst v0  }
0x8a: {  	[tilespmem:$0x6580] =	vst v0  }
0x8b: {  	[tilespmem:$0x6600] =	vst v0  }
0x8c: {  	[tilespmem:$0x6680] =	vst v0  }
0x8d: {  	[tilespmem:$0x6700] =	vst v0  }
0x8e: {  	[tilespmem:$0x6780] =	vst v0  }
0x8f: {  	[tilespmem:$0x6800] =	vst v1  }
0x90: {  	[tilespmem:$0x6880] =	vst v1  }
0x91: {  	[tilespmem:$0x6900] =	vst v1  }
0x92: {  	[tilespmem:$0x6980] =	vst v1  }
0x93: {  	[tilespmem:$0x6A00] =	vst v1  }
0x94: {  	[tilespmem:$0x6A80] =	vst v1  }
0x95: {  	[tilespmem:$0x6B00] =	vst v1  }
0x96: {  	[tilespmem:$0x6B80] =	vst v1  }
0x97: {  	[tilespmem:$0x6C00] =	vst v1  }
0x98: {  	[tilespmem:$0x6C80] =	vst v1  }
0x99: {  	[tilespmem:$0x6D00] =	vst v1  }
0x9a: {  	[tilespmem:$0x6D80] =	vst v1  }
0x9b: {  	[tilespmem:$0x6E00] =	vst v1  }
0x9c: {  	[tilespmem:$0x6E80] =	vst v1  }
0x9d: {  	[tilespmem:$0x6F00] =	vst v1  }
0x9e: {  	[tilespmem:$0x6F80] =	vst v1;
	s15 =	sadd.s32 $0x0, s3  }
0x9f: {  	[spmem:s15] =	stream.linear.scatter [tilespmem:s9], [sflag:$0x1], $0x800, $0x38;
	[tilespmem:$0x9B10] =	vst v63  }
0xa0: {  	s15 =	simm.s32 $0x20000;
	_ =	swait.ge [sflag:s10], $0x800  }
.LBB2_2:
0xa1: {  	s16 =	sshra.s32 s15, $0x2;
	[sflag:s10] =	ssyncset.done $0x0;
	p1 =	sne.s32 s15, $0x4C0000  }
.Ltmp0:
0xa2: {  	s16 =	sadd.s32 s16, s3;
	[sflag:s10] =	ssyncadd.s32 $0xFFFFF800;
	(pc) =	sbr.rel @p1 .LBB2_2-.Ltmp0, $3  }
0xa3: {  	[spmem:s16] =	stream.linear.scatter [tilespmem:s9], [sflag:$0x1], $0x800, $0x38;
	[tilespmem:$0x9B10] =	vst v63  }
0xa4: {  	s15 =	sadd.s32 $0x20000, s15;
	_ =	sdelay $0x1  }
0xa5: {  	_ =	swait.ge [sflag:s10], $0x800  }
0xa6: {  	[sflag:s10] =	ssyncset.done $0x0  }
0xa7: {  	s15 =	simm.s32 @!p0 $0x6800;
	[sflag:s10] =	ssyncadd.s32 $0xFFFFF800  }
0xa8: {  	[spmem:s4] =	stream.linear.scatter @!p0 [tilespmem:s15], [sflag:$0x1], $0x800, $0x38;
	[tilespmem:$0x9B10] =	vst v63  }
0xa9: {  	s15 =	simm.s32 @!p0 $0x1  }
0xaa: {  	_ =	swait.ge @!p0 [sflag:s15], $0x800  }
0xab: {  	[sflag:s15] =	ssyncset.done @!p0 $0x0  }
0xac: {  	[sflag:s15] =	ssyncadd.s32 @!p0 $0xFFFFF800  }
0xad: {  	s30 =	simm.s32 $0x0;
	[bflag:$0x0] =	sbarrier.arrive $0xFFFF  }
0xae: {  	[tilespmem:s30], [sflag:$0x1] =	stream.linear.gather [hbm4b:s5+s30], $0x2800, $0x38;
	[tilespmem:$0x9B10] =	vst v63  }
0xaf: {  	_ =	swait.ge [sflag:s10], $0x2800  }
0xb0: {  	[sflag:s10] =	ssyncset.done $0x0  }
0xb1: {  	s31 =	simm.s32 $0x0;
	[sflag:s10] =	ssyncadd.s32 $0xFFFFD800  }
0xb2: {  	[spmem:s1] =	stream.indirect.scatter.add.f32 [tilespmem:s12], [sflag:$0x1], $0x10, s31, s11, $0xb8;
	[tilespmem:$0x9B10] =	vst v63  }
0xb3: {  	_ =	swait.ge [sflag:s10], $0x800  }
0xb4: {  	s15 =	simm.s32 $0x200;
	[sflag:s10] =	ssyncset.done $0x0  }
.LBB2_4:
0xb5: {  	s16 =	sshra.s32 s15, $0x2;
	[sflag:s10] =	ssyncadd.s32 $0xFFFFF800;
	p1 =	sne.s32 s15, $0x9E00  }
0xb6: {  	[spmem:s1] =	stream.indirect.scatter.add.f32 [tilespmem:s12], [sflag:$0x1], $0x10, s16, s11, $0xb8;
	[tilespmem:$0x9B10] =	vst v63  }
.Ltmp1:
0xb7: {  	_ = 	snop;
	(pc) =	sbr.rel @p1 .LBB2_4-.Ltmp1, $4  }
0xb8: {  	_ = 	snop  }
0xb9: {  	s15 =	sadd.s32 $0x200, s15  }
0xba: {  	_ =	swait.ge [sflag:s10], $0x800  }
0xbb: {  	[sflag:s10] =	ssyncset.done $0x0  }
0xbc: {  	[sflag:s10] =	ssyncadd.s32 $0xFFFFF800  }
0xbd: {  	s15 =	sadd.s32 $0x0, s8;
	s16 =	sshrl.u32 s3, $0x3;
	[bflag:$0x0] =	sbarrier.arrive $0xFFFF  }
0xbe: {  	[hbm:s15], [sflag:s13] =	dma.local [spmem:s16], $0x100  }
0xbf: {  	_ =	swait.ge [sflag:s10], $0x100  }
0xc0: {  	s15 =	simm.s32 $0x1000;
	s16 =	sadd.s32 $0x8000, s3;
	[sflag:s10] =	ssyncset.done $0x0  }
.LBB2_6:
0xc1: {  	s17 =	sadd.s32 s15, s8  }
0xc2: {  	s18 =	sshrl.u32 s16, $0x3;
	[sflag:s10] =	ssyncadd.s32 $0xFFFFFF00;
	p1 =	sne.s32 s15, $0x26000  }
0xc3: {  	[hbm:s17], [sflag:s13] =	dma.local [spmem:s18], $0x100  }
.Ltmp2:
0xc4: {  	_ = 	snop;
	(pc) =	sbr.rel @p1 .LBB2_6-.Ltmp2, $4  }
0xc5: {  	_ = 	snop  }
0xc6: {  	s15 =	sadd.s32 $0x1000, s15  }
0xc7: {  	_ =	swait.ge [sflag:s10], $0x100  }
0xc8: {  	s16 =	sadd.s32 $0x8000, s16;
	[sflag:s10] =	ssyncset.done $0x0  }
0xc9: {  	[sflag:s10] =	ssyncadd.s32 $0xFFFFFF00;
	s15 =	simm.s32 @!p0 $0x1C01;
	s2 =	sadd.s32 $0x1, s2  }
0xca: {  	[hbm:s6], [sflag:s15] =	dma.local @!p0 [spmem:s14], $0x100  }
0xcb: {  	p1 =	sne.s32 s2, s7  }
.Ltmp3:
0xcc: {  	_ = 	snop;
	(pc) =	sbr.rel @p1 .LBB2_1-.Ltmp3, $4  }
0xcd: {  	s15 =	simm.s32 @!p0 $0x1  }
0xce: {  	_ =	swait.ge @!p0 [sflag:s15], $0x100  }
0xcf: {  	[sflag:s15] =	ssyncset.done @!p0 $0x0  }
0xd0: {  	[sflag:s15] =	ssyncadd.s32 @!p0 $0xFFFFFF00  }
0xd1: {  	_ =	sfence.sel $0x180000  }
0xd2: {  	[bflag:$0x0] =	sbarrier.arrive $0xFFFF  }
0xd3: {  	_ =	strace $0x90000047  }
0xd4: {  	s0 =	sadd.s32 @!p0 $0x100000, s0;
	[bflag:$0x2] =	sbarrier.arrive $0xFFFF  }
0xd5: {  	[sflag:s0] =	ssyncadd.tile.s32 @!p0 $0x1;
	_ =	shalt  }
.Lfunc_end2:
_tile_overlayer_lowered:
.L_overlay_start_2:
0xd6: {  	(tag) =	ssettag $0x2  }
0xd7: {  	s0 =	rddreg [dreg:$0x0];
	s2 =	stileid.u32  }
0xd8: {  	s1 =	rddreg [dreg:$0x1];
	p0 =	sne.s32 s2, $0x0  }
0xd9: {  	s3 =	rddreg [dreg:$0x2];
	[bflag:$0x3] =	sbarrier.arrive $0xFFFF;
	s2 =	simm.s32 @!p0 $0x1C01  }
0xda: {  	[timem:s3], [sflag:s2] =	dma.local @!p0 [hbm:s0], s1  }
0xdb: {  	s0 =	simm.s32 @!p0 $0x1  }
0xdc: {  	_ =	swait.ge @!p0 [sflag:s0], s1  }
0xdd: {  	s1 =	ssub.s32 @!p0 $0x0, s1;
	[sflag:s0] =	ssyncset.done @!p0 $0x0  }
0xde: {  	[sflag:s0] =	ssyncadd.s32 @!p0 s1  }
0xdf: {  	[bflag:$0x3] =	sbarrier.arrive $0xFFFF  }
0xe0: {  	_ =	shalt  }

</sc_bundles>
